<compile_context>
chip_gen: v7x
topology: tpu7x:2x2x1
jax: 0.10.2.dev20260603
libtpu: 0.0.44.dev20260713+nightly
codegen_flags: <defaults>
</compile_context>

<pallas_src>
import functools

import jax
import jax.numpy as jnp
from jax import lax
from jax.experimental import pallas as pl
from jax.experimental.pallas import tpu as pltpu
from jax.experimental.pallas import tpu_sc as plsc

E = 64
OUT_W = 2 * E + 1
L_DIM = 200
CH = 80
BLK_B = 4
BROWS = BLK_B * L_DIM
NCH = BROWS // CH


def _chunk_dsts(u):
    l = CH * u
    b_off, l0 = divmod(l, L_DIM)
    if l0 + CH <= L_DIM:
        return [(b_off, l0, CH, 0)]
    s1 = L_DIM - l0
    return [(b_off, l0, s1, 0), (b_off + 1, 0, CH - s1, s1)]


def _sc_body(bs_per_w, de1_hbm, de2_hbm, f_hbm, w1_hbm, w2_hbm, out_hbm,
             idx1_v, idx2_v, f_v, g1_0, g1_1, g2_0, g2_1,
             sb_0, sb_1, fb_0, fb_1, sem1, sem2, sem_o):
    nc = 2
    wid = lax.axis_index("s") * nc + lax.axis_index("c")
    base_b = wid * bs_per_w
    lanes = lax.iota(jnp.int32, 16)
    g1s, g2s = (g1_0, g1_1), (g2_0, g2_1)
    sbs, fbs = (sb_0, sb_1), (fb_0, fb_1)
    n_blk = bs_per_w // BLK_B

    def gather(u, p):
        pltpu.async_copy(w1_hbm.at[idx1_v.at[pl.ds(CH * u, CH)]],
                         g1s[p], sem1)
        pltpu.async_copy(w2_hbm.at[idx2_v.at[pl.ds(CH * u, CH)]],
                         g2s[p], sem2)

    def gather_wait(u, p):
        pltpu.make_async_copy(w1_hbm.at[idx1_v.at[pl.ds(CH * u, CH)]],
                              g1s[p], sem1).wait()
        pltpu.make_async_copy(w2_hbm.at[idx2_v.at[pl.ds(CH * u, CH)]],
                              g2s[p], sem2).wait()

    def out_copies(b0, u, p):
        res = []
        for b_off, l0, sz, loc in _chunk_dsts(u):
            res.append(pltpu.make_async_copy(
                sbs[p].at[pl.ds(loc, sz)],
                out_hbm.at[b0 + b_off, pl.ds(l0, sz), pl.ds(0, 128)], sem_o))
            res.append(pltpu.make_async_copy(
                fbs[p].at[pl.ds(loc, sz)],
                out_hbm.at[b0 + b_off, pl.ds(l0, sz), pl.ds(128, 1)], sem_o))
        return res

    def assemble(u, p):
        g1, g2, sb, fb = g1s[p], g2s[p], sbs[p], fbs[p]

        def row_body(l, _):
            vals = ([g1[l, pl.ds(16 * k, 16)] for k in range(E // 16)] +
                    [g2[l, pl.ds(16 * k, 16)] for k in range(E // 16)])
            for k in range(2 * (E // 16)):
                sb[l, pl.ds(16 * k, 16)] = vals[k]

        lax.fori_loop(0, CH, row_body, None, unroll=2)
        zeros = lanes * 0
        for g in range(CH // 16):
            rows = lanes + 16 * g
            fv = f_v[pl.ds(CH * u + 16 * g, 16)]
            plsc.store_scatter(fb, [rows, zeros], fv)

    def blk_body(m, _):
        b0 = base_b + m * BLK_B
        r0 = pl.multiple_of(b0 * L_DIM, BROWS)
        pltpu.sync_copy(de1_hbm.at[pl.ds(r0, BROWS)], idx1_v)
        pltpu.sync_copy(de2_hbm.at[pl.ds(r0, BROWS)], idx2_v)
        pltpu.sync_copy(f_hbm.at[pl.ds(r0, BROWS)], f_v)
        gather(0, 0)
        for u in range(NCH):
            p = u % 2
            if u + 1 < NCH:
                gather(u + 1, 1 - p)
            if u >= 2:
                for c in out_copies(b0, u - 2, p):
                    c.wait()
            else:
                @pl.when(m > 0)
                def _wait_prev():
                    for c in out_copies(b0 - BLK_B, NCH - 2 + u, p):
                        c.wait()
            gather_wait(u, p)
            assemble(u, p)
            for c in out_copies(b0, u, p):
                c.start()

    lax.fori_loop(0, n_blk, blk_body, None)
    b_last = base_b + (n_blk - 1) * BLK_B
    for u in (NCH - 2, NCH - 1):
        for c in out_copies(b_last, u, u % 2):
            c.wait()


def kernel(de1, de2, f, W1, W2):
    B, L = de1.shape
    n = B * L
    info = plsc.get_sparse_core_info()
    nw = info.num_cores * info.num_subcores
    bs_per_w = B // nw
    assert bs_per_w % BLK_B == 0 and L == L_DIM

    de1f = de1.reshape(n)
    de2f = de2.reshape(n)
    ff = f.reshape(n)
    W1p = jnp.pad(W1, ((0, 0), (0, 128 - E)))
    W2p = jnp.pad(W2, ((0, 0), (0, 128 - E)))

    mesh = plsc.VectorSubcoreMesh(core_axis_name="c", subcore_axis_name="s")
    run = pl.kernel(
        functools.partial(_sc_body, bs_per_w),
        out_type=jax.ShapeDtypeStruct((B, L, OUT_W), jnp.float32),
        mesh=mesh,
        scratch_types=[
            pltpu.VMEM((BROWS,), jnp.int32),
            pltpu.VMEM((BROWS,), jnp.int32),
            pltpu.VMEM((BROWS,), jnp.float32),
            pltpu.VMEM((CH, 128), jnp.float32),
            pltpu.VMEM((CH, 128), jnp.float32),
            pltpu.VMEM((CH, 128), jnp.float32),
            pltpu.VMEM((CH, 128), jnp.float32),
            pltpu.VMEM((CH, 128), jnp.float32),
            pltpu.VMEM((CH, 128), jnp.float32),
            pltpu.VMEM((CH, 1), jnp.float32),
            pltpu.VMEM((CH, 1), jnp.float32),
            pltpu.SemaphoreType.DMA,
            pltpu.SemaphoreType.DMA,
            pltpu.SemaphoreType.DMA,
        ],
        compiler_params=pltpu.CompilerParams(needs_layout_passes=False),
    )
    return run(de1f, de2f, ff, W1p, W2p)

# --- scband reference (transcript-rebuilt; emitter-appended) ---
"""Pipeline reference for scband-dependency-distance-7206955123351 (READ-ONLY COPY).

The authoritative reference and input builder live on the scoring server;
editing this copy changes nothing except your own understanding.
"""

import jax, jax.numpy as jnp
import numpy as np

NUM_EMBEDDINGS = 1000
EMBEDDING_SIZE = 64
PADDING_IDX = NUM_EMBEDDINGS - 1
B, L = 4096, 200


def setup_inputs(seed: int = 0) -> dict:
    key = jax.random.key(seed)
    k1, k2, k3, k4, k5 = jax.random.split(key, 5)
    de1 = jax.random.randint(k1, (B, L), 0, NUM_EMBEDDINGS, dtype=jnp.int64 if jax.config.jax_enable_x64 else jnp.int32).astype(jnp.int32)
    de2 = jax.random.randint(k2, (B, L), 0, NUM_EMBEDDINGS, dtype=jnp.int64 if jax.config.jax_enable_x64 else jnp.int32).astype(jnp.int32)
    f = jax.random.uniform(k3, (B, L), dtype=jnp.float32)
    W1 = jax.random.normal(k4, (NUM_EMBEDDINGS, EMBEDDING_SIZE), dtype=jnp.float32)
    W2 = jax.random.normal(k5, (NUM_EMBEDDINGS, EMBEDDING_SIZE), dtype=jnp.float32)
    # torch nn.Embedding zero-initializes the padding_idx row
    W1 = W1.at[PADDING_IDX].set(0.0)
    W2 = W2.at[PADDING_IDX].set(0.0)
    return {"de1": de1, "de2": de2, "f": f, "W1": W1, "W2": W2}


def reference(de1, de2, f, W1, W2):
    a = jnp.take(W1, de1, axis=0)          # [B, L, E]
    b = jnp.take(W2, de2, axis=0)          # [B, L, E]
    f_us = f[:, :, None]                   # [B, L, 1]
    return jnp.concatenate((a, b, f_us), axis=2)  # [B, L, 2E+1]

if __name__ == "__main__":
    import jax
    _d = setup_inputs()
    print(jax.jit(kernel)(*tuple(_d.values())))

</pallas_src>

<mosaic_0001>
#map = affine_map<(d0, d1) -> (0)>
#map1 = affine_map<(d0, d1) -> (0, 0)>
#map2 = affine_map<(d0, d1) -> (0, 0, 0)>
module attributes {stable_mosaic.version = 14 : i64} {
  func.func @_sc_body(%arg0: i32, %arg1: i32, %arg2: memref<819200xi32, #tpu.memory_space<hbm>>, %arg3: memref<819200xi32, #tpu.memory_space<hbm>>, %arg4: memref<819200xf32, #tpu.memory_space<hbm>>, %arg5: memref<1000x128xf32, #tpu.memory_space<hbm>>, %arg6: memref<1000x128xf32, #tpu.memory_space<hbm>>, %arg7: memref<4096x200x129xf32, #tpu.memory_space<hbm>>, %arg8: memref<800xi32, #tpu.memory_space<vmem>>, %arg9: memref<800xi32, #tpu.memory_space<vmem>>, %arg10: memref<800xf32, #tpu.memory_space<vmem>>, %arg11: memref<80x128xf32, #tpu.memory_space<vmem>>, %arg12: memref<80x128xf32, #tpu.memory_space<vmem>>, %arg13: memref<80x128xf32, #tpu.memory_space<vmem>>, %arg14: memref<80x128xf32, #tpu.memory_space<vmem>>, %arg15: memref<80x128xf32, #tpu.memory_space<vmem>>, %arg16: memref<80x128xf32, #tpu.memory_space<vmem>>, %arg17: memref<80x1xf32, #tpu.memory_space<vmem>>, %arg18: memref<80x1xf32, #tpu.memory_space<vmem>>, %arg19: memref<!tpu.dma_semaphore, #tpu.memory_space<semaphore_mem>>, %arg20: memref<!tpu.dma_semaphore, #tpu.memory_space<semaphore_mem>>, %arg21: memref<!tpu.dma_semaphore, #tpu.memory_space<semaphore_mem>>) attributes {dimension_semantics = [#tpu.dimension_semantics<core_parallel>, #tpu.dimension_semantics<subcore_parallel>], iteration_bounds = array<i64: 2, 16>, scalar_prefetch = 0 : i64, scratch_operands = 14 : i64, tpu.core_type = #tpu.core_type<sc_vector_subcore>, window_params = [{transform_indices = #map}, {transform_indices = #map}, {transform_indices = #map}, {transform_indices = #map1}, {transform_indices = #map1}, {transform_indices = #map2}]} {
    %mul3A = arith.constant 2 : i32
    %mul3A_0 = arith.muli %arg1, %mul3A : i32
    %add3A = arith.addi %mul3A_0, %arg0 : i32
    %mul3A_1 = arith.constant 128 : i32
    %mul3A_2 = arith.muli %add3A, %mul3A_1 : i32
    %iota3A = tpu.iota {dimensions = array<i32: 0>} : vector<16xi32>
    %scan3A = arith.constant 0 : i32
    %scan3A_3 = arith.constant 32 : i32
    %scan3A_4 = arith.addi %scan3A, %scan3A_3 : i32
    %scan3A_5 = arith.constant 1 : i32
    scf.for %scan3A_72 = %scan3A to %scan3A_4 step %scan3A_5  : i32 {
      %mul3A_73 = arith.constant 4 : i32
      %mul3A_74 = arith.muli %scan3A_72, %mul3A_73 : i32
      %add3A_75 = arith.addi %mul3A_2, %mul3A_74 : i32
      %mul3A_76 = arith.constant 200 : i32
      %mul3A_77 = arith.muli %add3A_75, %mul3A_76 : i32
      %multiple_of3A = tpu.assume_multiple %mul3A_77, 800 : i32
      "tpu.region"() ({
        %run_scoped3A = tpu.sem_alloc : memref<!tpu.dma_semaphore, #tpu.memory_space<semaphore_mem>>
        %dma_start3A_1317 = tpu.memref_slice %arg2[%multiple_of3A] : memref<819200xi32, #tpu.memory_space<hbm>> -> memref<800xi32, #tpu.memory_space<hbm>>
        %dma_start3A_1318 = tpu.memref_slice %arg2[%multiple_of3A] : memref<819200xi32, #tpu.memory_space<hbm>> -> memref<800xi32, #tpu.memory_space<hbm>>
        tpu.enqueue_dma source(%dma_start3A_1318 : memref<800xi32, #tpu.memory_space<hbm>>) target(%arg8 : memref<800xi32, #tpu.memory_space<vmem>>) target_semaphore(%run_scoped3A : memref<!tpu.dma_semaphore, #tpu.memory_space<semaphore_mem>>)
        %dma_wait3A_1319 = tpu.memref_slice %arg2[%multiple_of3A] : memref<819200xi32, #tpu.memory_space<hbm>> -> memref<800xi32, #tpu.memory_space<hbm>>
        %dma_wait3A_1320 = tpu.memref_slice %arg2[%multiple_of3A] : memref<819200xi32, #tpu.memory_space<hbm>> -> memref<800xi32, #tpu.memory_space<hbm>>
        tpu.wait_dma2 semaphore(%run_scoped3A : memref<!tpu.dma_semaphore, #tpu.memory_space<semaphore_mem>>) src(%dma_wait3A_1320 : memref<800xi32, #tpu.memory_space<hbm>>) dst(%arg8 : memref<800xi32, #tpu.memory_space<vmem>>)
        tpu.yield
      }) : () -> ()
      "tpu.region"() ({
        %run_scoped3A = tpu.sem_alloc : memref<!tpu.dma_semaphore, #tpu.memory_space<semaphore_mem>>
        %dma_start3A_1317 = tpu.memref_slice %arg3[%multiple_of3A] : memref<819200xi32, #tpu.memory_space<hbm>> -> memref<800xi32, #tpu.memory_space<hbm>>
        %dma_start3A_1318 = tpu.memref_slice %arg3[%multiple_of3A] : memref<819200xi32, #tpu.memory_space<hbm>> -> memref<800xi32, #tpu.memory_space<hbm>>
        tpu.enqueue_dma source(%dma_start3A_1318 : memref<800xi32, #tpu.memory_space<hbm>>) target(%arg9 : memref<800xi32, #tpu.memory_space<vmem>>) target_semaphore(%run_scoped3A : memref<!tpu.dma_semaphore, #tpu.memory_space<semaphore_mem>>)
        %dma_wait3A_1319 = tpu.memref_slice %arg3[%multiple_of3A] : memref<819200xi32, #tpu.memory_space<hbm>> -> memref<800xi32, #tpu.memory_space<hbm>>
        %dma_wait3A_1320 = tpu.memref_slice %arg3[%multiple_of3A] : memref<819200xi32, #tpu.memory_space<hbm>> -> memref<800xi32, #tpu.memory_space<hbm>>
        tpu.wait_dma2 semaphore(%run_scoped3A : memref<!tpu.dma_semaphore, #tpu.memory_space<semaphore_mem>>) src(%dma_wait3A_1320 : memref<800xi32, #tpu.memory_space<hbm>>) dst(%arg9 : memref<800xi32, #tpu.memory_space<vmem>>)
        tpu.yield
      }) : () -> ()
      "tpu.region"() ({
        %run_scoped3A = tpu.sem_alloc : memref<!tpu.dma_semaphore, #tpu.memory_space<semaphore_mem>>
        %dma_start3A_1317 = tpu.memref_slice %arg4[%multiple_of3A] : memref<819200xf32, #tpu.memory_space<hbm>> -> memref<800xf32, #tpu.memory_space<hbm>>
        %dma_start3A_1318 = tpu.memref_slice %arg4[%multiple_of3A] : memref<819200xf32, #tpu.memory_space<hbm>> -> memref<800xf32, #tpu.memory_space<hbm>>
        tpu.enqueue_dma source(%dma_start3A_1318 : memref<800xf32, #tpu.memory_space<hbm>>) target(%arg10 : memref<800xf32, #tpu.memory_space<vmem>>) target_semaphore(%run_scoped3A : memref<!tpu.dma_semaphore, #tpu.memory_space<semaphore_mem>>)
        %dma_wait3A_1319 = tpu.memref_slice %arg4[%multiple_of3A] : memref<819200xf32, #tpu.memory_space<hbm>> -> memref<800xf32, #tpu.memory_space<hbm>>
        %dma_wait3A_1320 = tpu.memref_slice %arg4[%multiple_of3A] : memref<819200xf32, #tpu.memory_space<hbm>> -> memref<800xf32, #tpu.memory_space<hbm>>
        tpu.wait_dma2 semaphore(%run_scoped3A : memref<!tpu.dma_semaphore, #tpu.memory_space<semaphore_mem>>) src(%dma_wait3A_1320 : memref<800xf32, #tpu.memory_space<hbm>>) dst(%arg10 : memref<800xf32, #tpu.memory_space<vmem>>)
        tpu.yield
      }) : () -> ()
      %dma_start3A = arith.constant 0 : i32
      %dma_start3A_78 = tpu.memref_slice %arg8[%dma_start3A] : memref<800xi32, #tpu.memory_space<vmem>> -> memref<80xi32, #tpu.memory_space<vmem>>
      %dma_start3A_79 = arith.constant 0 : i32
      %dma_start3A_80 = arith.constant 0 : i32
      %dma_start3A_81 = tpu.memref_slice %arg5[%dma_start3A_79, %dma_start3A_80] : memref<1000x128xf32, #tpu.memory_space<hbm>> -> memref<1000x128xf32, #tpu.memory_space<hbm>>
      tpu.enqueue_indirect_dma source(%dma_start3A_81 : memref<1000x128xf32, #tpu.memory_space<hbm>>) target(%arg11 : memref<80x128xf32, #tpu.memory_space<vmem>>) offsets(%dma_start3A_78 : memref<80xi32, #tpu.memory_space<vmem>>) semaphore(%arg19 : memref<!tpu.dma_semaphore, #tpu.memory_space<semaphore_mem>>)
      %dma_start3A_82 = arith.constant 0 : i32
      %dma_start3A_83 = tpu.memref_slice %arg9[%dma_start3A_82] : memref<800xi32, #tpu.memory_space<vmem>> -> memref<80xi32, #tpu.memory_space<vmem>>
      %dma_start3A_84 = arith.constant 0 : i32
      %dma_start3A_85 = arith.constant 0 : i32
      %dma_start3A_86 = tpu.memref_slice %arg6[%dma_start3A_84, %dma_start3A_85] : memref<1000x128xf32, #tpu.memory_space<hbm>> -> memref<1000x128xf32, #tpu.memory_space<hbm>>
      tpu.enqueue_indirect_dma source(%dma_start3A_86 : memref<1000x128xf32, #tpu.memory_space<hbm>>) target(%arg13 : memref<80x128xf32, #tpu.memory_space<vmem>>) offsets(%dma_start3A_83 : memref<80xi32, #tpu.memory_space<vmem>>) semaphore(%arg20 : memref<!tpu.dma_semaphore, #tpu.memory_space<semaphore_mem>>)
      %dma_start3A_87 = arith.constant 80 : i32
      %dma_start3A_88 = tpu.memref_slice %arg8[%dma_start3A_87] : memref<800xi32, #tpu.memory_space<vmem>> -> memref<80xi32, #tpu.memory_space<vmem>>
      %dma_start3A_89 = arith.constant 0 : i32
      %dma_start3A_90 = arith.constant 0 : i32
      %dma_start3A_91 = tpu.memref_slice %arg5[%dma_start3A_89, %dma_start3A_90] : memref<1000x128xf32, #tpu.memory_space<hbm>> -> memref<1000x128xf32, #tpu.memory_space<hbm>>
      tpu.enqueue_indirect_dma source(%dma_start3A_91 : memref<1000x128xf32, #tpu.memory_space<hbm>>) target(%arg12 : memref<80x128xf32, #tpu.memory_space<vmem>>) offsets(%dma_start3A_88 : memref<80xi32, #tpu.memory_space<vmem>>) semaphore(%arg19 : memref<!tpu.dma_semaphore, #tpu.memory_space<semaphore_mem>>)
      %dma_start3A_92 = arith.constant 80 : i32
      %dma_start3A_93 = tpu.memref_slice %arg9[%dma_start3A_92] : memref<800xi32, #tpu.memory_space<vmem>> -> memref<80xi32, #tpu.memory_space<vmem>>
      %dma_start3A_94 = arith.constant 0 : i32
      %dma_start3A_95 = arith.constant 0 : i32
      %dma_start3A_96 = tpu.memref_slice %arg6[%dma_start3A_94, %dma_start3A_95] : memref<1000x128xf32, #tpu.memory_space<hbm>> -> memref<1000x128xf32, #tpu.memory_space<hbm>>
      tpu.enqueue_indirect_dma source(%dma_start3A_96 : memref<1000x128xf32, #tpu.memory_space<hbm>>) target(%arg14 : memref<80x128xf32, #tpu.memory_space<vmem>>) offsets(%dma_start3A_93 : memref<80xi32, #tpu.memory_space<vmem>>) semaphore(%arg20 : memref<!tpu.dma_semaphore, #tpu.memory_space<semaphore_mem>>)
      %gt3A = arith.constant 0 : i32
      %gt3A_97 = arith.cmpi sgt, %scan3A_72, %gt3A : i32
      %convert_element_type3A = arith.extui %gt3A_97 : i1 to i32
      %cond3A = arith.constant 0 : i32
      %cond3A_98 = arith.cmpi ne, %convert_element_type3A, %cond3A : i32
      scf.if %cond3A_98 {
        %sub3A = arith.constant 4 : i32
        %sub3A_1317 = arith.subi %add3A_75, %sub3A : i32
        %add3A_1318 = arith.constant 3 : i32
        %add3A_1319 = arith.addi %sub3A_1317, %add3A_1318 : i32
        %add3A_1320 = arith.constant 3 : i32
        %add3A_1321 = arith.addi %sub3A_1317, %add3A_1320 : i32
        %dma_wait3A_1322 = arith.constant 0 : i32
        %dma_wait3A_1323 = arith.constant 0 : i32
        %dma_wait3A_1324 = tpu.memref_slice %arg15[%dma_wait3A_1322, %dma_wait3A_1323] : memref<80x128xf32, #tpu.memory_space<vmem>> -> memref<80x128xf32, #tpu.memory_space<vmem>>
        %dma_wait3A_1325 = arith.constant 40 : i32
        %dma_wait3A_1326 = arith.constant 0 : i32
        %dma_wait3A_1327 = tpu.memref_slice %arg7[%add3A_1319, %dma_wait3A_1325, %dma_wait3A_1326] : memref<4096x200x129xf32, #tpu.memory_space<hbm>> -> memref<1x80x128xf32, #tpu.memory_space<hbm>>
        %dma_wait3A_1328 = tpu.memref_squeeze %dma_wait3A_1327 : memref<1x80x128xf32, #tpu.memory_space<hbm>> -> memref<80x128xf32, #tpu.memory_space<hbm>>
        %dma_wait3A_1329 = arith.constant 40 : i32
        %dma_wait3A_1330 = arith.constant 0 : i32
        %dma_wait3A_1331 = tpu.memref_slice %arg7[%add3A_1319, %dma_wait3A_1329, %dma_wait3A_1330] : memref<4096x200x129xf32, #tpu.memory_space<hbm>> -> memref<1x80x128xf32, #tpu.memory_space<hbm>>
        %dma_wait3A_1332 = tpu.memref_squeeze %dma_wait3A_1331 : memref<1x80x128xf32, #tpu.memory_space<hbm>> -> memref<80x128xf32, #tpu.memory_space<hbm>>
        %dma_wait3A_1333 = arith.constant 0 : i32
        %dma_wait3A_1334 = arith.constant 0 : i32
        %dma_wait3A_1335 = tpu.memref_slice %arg15[%dma_wait3A_1333, %dma_wait3A_1334] : memref<80x128xf32, #tpu.memory_space<vmem>> -> memref<80x128xf32, #tpu.memory_space<vmem>>
        tpu.wait_dma2 semaphore(%arg21 : memref<!tpu.dma_semaphore, #tpu.memory_space<semaphore_mem>>) src(%dma_wait3A_1335 : memref<80x128xf32, #tpu.memory_space<vmem>>) dst(%dma_wait3A_1332 : memref<80x128xf32, #tpu.memory_space<hbm>>)
        %dma_wait3A_1336 = arith.constant 0 : i32
        %dma_wait3A_1337 = arith.constant 0 : i32
        %dma_wait3A_1338 = tpu.memref_slice %arg17[%dma_wait3A_1336, %dma_wait3A_1337] : memref<80x1xf32, #tpu.memory_space<vmem>> -> memref<80x1xf32, #tpu.memory_space<vmem>>
        %dma_wait3A_1339 = arith.constant 40 : i32
        %dma_wait3A_1340 = arith.constant 128 : i32
        %dma_wait3A_1341 = tpu.memref_slice %arg7[%add3A_1321, %dma_wait3A_1339, %dma_wait3A_1340] : memref<4096x200x129xf32, #tpu.memory_space<hbm>> -> memref<1x80x1xf32, #tpu.memory_space<hbm>>
        %dma_wait3A_1342 = tpu.memref_squeeze %dma_wait3A_1341 : memref<1x80x1xf32, #tpu.memory_space<hbm>> -> memref<80x1xf32, #tpu.memory_space<hbm>>
        %dma_wait3A_1343 = arith.constant 40 : i32
        %dma_wait3A_1344 = arith.constant 128 : i32
        %dma_wait3A_1345 = tpu.memref_slice %arg7[%add3A_1321, %dma_wait3A_1343, %dma_wait3A_1344] : memref<4096x200x129xf32, #tpu.memory_space<hbm>> -> memref<1x80x1xf32, #tpu.memory_space<hbm>>
        %dma_wait3A_1346 = tpu.memref_squeeze %dma_wait3A_1345 : memref<1x80x1xf32, #tpu.memory_space<hbm>> -> memref<80x1xf32, #tpu.memory_space<hbm>>
        %dma_wait3A_1347 = arith.constant 0 : i32
        %dma_wait3A_1348 = arith.constant 0 : i32
        %dma_wait3A_1349 = tpu.memref_slice %arg17[%dma_wait3A_1347, %dma_wait3A_1348] : memref<80x1xf32, #tpu.memory_space<vmem>> -> memref<80x1xf32, #tpu.memory_space<vmem>>
        tpu.wait_dma2 semaphore(%arg21 : memref<!tpu.dma_semaphore, #tpu.memory_space<semaphore_mem>>) src(%dma_wait3A_1349 : memref<80x1xf32, #tpu.memory_space<vmem>>) dst(%dma_wait3A_1346 : memref<80x1xf32, #tpu.memory_space<hbm>>)
      } else {
      }
      %dma_wait3A_99 = arith.constant 0 : i32
      %dma_wait3A_100 = tpu.memref_slice %arg8[%dma_wait3A_99] : memref<800xi32, #tpu.memory_space<vmem>> -> memref<80xi32, #tpu.memory_space<vmem>>
      %dma_wait3A_101 = arith.constant 0 : i32
      %dma_wait3A_102 = arith.constant 0 : i32
      %dma_wait3A_103 = tpu.memref_slice %arg5[%dma_wait3A_101, %dma_wait3A_102] : memref<1000x128xf32, #tpu.memory_space<hbm>> -> memref<1000x128xf32, #tpu.memory_space<hbm>>
      tpu.wait_indirect_dma semaphore(%arg19 : memref<!tpu.dma_semaphore, #tpu.memory_space<semaphore_mem>>) src(%dma_wait3A_103 : memref<1000x128xf32, #tpu.memory_space<hbm>>) dst(%arg11 : memref<80x128xf32, #tpu.memory_space<vmem>>)
      %dma_wait3A_104 = arith.constant 0 : i32
      %dma_wait3A_105 = tpu.memref_slice %arg9[%dma_wait3A_104] : memref<800xi32, #tpu.memory_space<vmem>> -> memref<80xi32, #tpu.memory_space<vmem>>
      %dma_wait3A_106 = arith.constant 0 : i32
      %dma_wait3A_107 = arith.constant 0 : i32
      %dma_wait3A_108 = tpu.memref_slice %arg6[%dma_wait3A_106, %dma_wait3A_107] : memref<1000x128xf32, #tpu.memory_space<hbm>> -> memref<1000x128xf32, #tpu.memory_space<hbm>>
      tpu.wait_indirect_dma semaphore(%arg20 : memref<!tpu.dma_semaphore, #tpu.memory_space<semaphore_mem>>) src(%dma_wait3A_108 : memref<1000x128xf32, #tpu.memory_space<hbm>>) dst(%arg13 : memref<80x128xf32, #tpu.memory_space<vmem>>)
      %scan3A_109 = arith.constant 0 : i32
      %scan3A_110 = arith.constant 80 : i32
      %scan3A_111 = arith.addi %scan3A_109, %scan3A_110 : i32
      %scan3A_112 = arith.constant 2 : i32
      scf.for %scan3A_1317 = %scan3A_109 to %scan3A_111 step %scan3A_112  : i32 {
        %get3A_1318 = arith.index_cast %scan3A_1317 : i32 to index
        %get3A_1319 = arith.constant 0 : index
        %get3A_1320 = tpu.vector_load %arg11[%get3A_1318, %get3A_1319] {strides = array<i32>} : memref<80x128xf32, #tpu.memory_space<vmem>>, vector<16xf32>,
        %get3A_1321 = arith.index_cast %scan3A_1317 : i32 to index
        %get3A_1322 = arith.constant 16 : index
        %get3A_1323 = tpu.vector_load %arg11[%get3A_1321, %get3A_1322] {strides = array<i32>} : memref<80x128xf32, #tpu.memory_space<vmem>>, vector<16xf32>,
        %get3A_1324 = arith.index_cast %scan3A_1317 : i32 to index
        %get3A_1325 = arith.constant 32 : index
        %get3A_1326 = tpu.vector_load %arg11[%get3A_1324, %get3A_1325] {strides = array<i32>} : memref<80x128xf32, #tpu.memory_space<vmem>>, vector<16xf32>,
        %get3A_1327 = arith.index_cast %scan3A_1317 : i32 to index
        %get3A_1328 = arith.constant 48 : index
        %get3A_1329 = tpu.vector_load %arg11[%get3A_1327, %get3A_1328] {strides = array<i32>} : memref<80x128xf32, #tpu.memory_space<vmem>>, vector<16xf32>,
        %get3A_1330 = arith.index_cast %scan3A_1317 : i32 to index
        %get3A_1331 = arith.constant 0 : index
        %get3A_1332 = tpu.vector_load %arg13[%get3A_1330, %get3A_1331] {strides = array<i32>} : memref<80x128xf32, #tpu.memory_space<vmem>>, vector<16xf32>,
        %get3A_1333 = arith.index_cast %scan3A_1317 : i32 to index
        %get3A_1334 = arith.constant 16 : index
        %get3A_1335 = tpu.vector_load %arg13[%get3A_1333, %get3A_1334] {strides = array<i32>} : memref<80x128xf32, #tpu.memory_space<vmem>>, vector<16xf32>,
        %get3A_1336 = arith.index_cast %scan3A_1317 : i32 to index
        %get3A_1337 = arith.constant 32 : index
        %get3A_1338 = tpu.vector_load %arg13[%get3A_1336, %get3A_1337] {strides = array<i32>} : memref<80x128xf32, #tpu.memory_space<vmem>>, vector<16xf32>,
        %get3A_1339 = arith.index_cast %scan3A_1317 : i32 to index
        %get3A_1340 = arith.constant 48 : index
        %get3A_1341 = tpu.vector_load %arg13[%get3A_1339, %get3A_1340] {strides = array<i32>} : memref<80x128xf32, #tpu.memory_space<vmem>>, vector<16xf32>,
        %swap3A = arith.index_cast %scan3A_1317 : i32 to index
        %swap3A_1342 = arith.constant 0 : index
        %swap3A_1343 = tpu.vector_load %arg15[%swap3A, %swap3A_1342] {strides = array<i32>} : memref<80x128xf32, #tpu.memory_space<vmem>>, vector<16xf32>,
        tpu.vector_store %arg15[%swap3A, %swap3A_1342], %get3A_1320 {strides = array<i32>} : memref<80x128xf32, #tpu.memory_space<vmem>>, vector<16xf32>,
        %swap3A_1344 = arith.index_cast %scan3A_1317 : i32 to index
        %swap3A_1345 = arith.constant 16 : index
        %swap3A_1346 = tpu.vector_load %arg15[%swap3A_1344, %swap3A_1345] {strides = array<i32>} : memref<80x128xf32, #tpu.memory_space<vmem>>, vector<16xf32>,
        tpu.vector_store %arg15[%swap3A_1344, %swap3A_1345], %get3A_1323 {strides = array<i32>} : memref<80x128xf32, #tpu.memory_space<vmem>>, vector<16xf32>,
        %swap3A_1347 = arith.index_cast %scan3A_1317 : i32 to index
        %swap3A_1348 = arith.constant 32 : index
        %swap3A_1349 = tpu.vector_load %arg15[%swap3A_1347, %swap3A_1348] {strides = array<i32>} : memref<80x128xf32, #tpu.memory_space<vmem>>, vector<16xf32>,
        tpu.vector_store %arg15[%swap3A_1347, %swap3A_1348], %get3A_1326 {strides = array<i32>} : memref<80x128xf32, #tpu.memory_space<vmem>>, vector<16xf32>,
        %swap3A_1350 = arith.index_cast %scan3A_1317 : i32 to index
        %swap3A_1351 = arith.constant 48 : index
        %swap3A_1352 = tpu.vector_load %arg15[%swap3A_1350, %swap3A_1351] {strides = array<i32>} : memref<80x128xf32, #tpu.memory_space<vmem>>, vector<16xf32>,
        tpu.vector_store %arg15[%swap3A_1350, %swap3A_1351], %get3A_1329 {strides = array<i32>} : memref<80x128xf32, #tpu.memory_space<vmem>>, vector<16xf32>,
        %swap3A_1353 = arith.index_cast %scan3A_1317 : i32 to index
        %swap3A_1354 = arith.constant 64 : index
        %swap3A_1355 = tpu.vector_load %arg15[%swap3A_1353, %swap3A_1354] {strides = array<i32>} : memref<80x128xf32, #tpu.memory_space<vmem>>, vector<16xf32>,
        tpu.vector_store %arg15[%swap3A_1353, %swap3A_1354], %get3A_1332 {strides = array<i32>} : memref<80x128xf32, #tpu.memory_space<vmem>>, vector<16xf32>,
        %swap3A_1356 = arith.index_cast %scan3A_1317 : i32 to index
        %swap3A_1357 = arith.constant 80 : index
        %swap3A_1358 = tpu.vector_load %arg15[%swap3A_1356, %swap3A_1357] {strides = array<i32>} : memref<80x128xf32, #tpu.memory_space<vmem>>, vector<16xf32>,
        tpu.vector_store %arg15[%swap3A_1356, %swap3A_1357], %get3A_1335 {strides = array<i32>} : memref<80x128xf32, #tpu.memory_space<vmem>>, vector<16xf32>,
        %swap3A_1359 = arith.index_cast %scan3A_1317 : i32 to index
        %swap3A_1360 = arith.constant 96 : index
        %swap3A_1361 = tpu.vector_load %arg15[%swap3A_1359, %swap3A_1360] {strides = array<i32>} : memref<80x128xf32, #tpu.memory_space<vmem>>, vector<16xf32>,
        tpu.vector_store %arg15[%swap3A_1359, %swap3A_1360], %get3A_1338 {strides = array<i32>} : memref<80x128xf32, #tpu.memory_space<vmem>>, vector<16xf32>,
        %swap3A_1362 = arith.index_cast %scan3A_1317 : i32 to index
        %swap3A_1363 = arith.constant 112 : index
        %swap3A_1364 = tpu.vector_load %arg15[%swap3A_1362, %swap3A_1363] {strides = array<i32>} : memref<80x128xf32, #tpu.memory_space<vmem>>, vector<16xf32>,
        tpu.vector_store %arg15[%swap3A_1362, %swap3A_1363], %get3A_1341 {strides = array<i32>} : memref<80x128xf32, #tpu.memory_space<vmem>>, vector<16xf32>,
        %scan3A_1365 = arith.constant 1 : i32
        %scan3A_1366 = arith.addi %scan3A_1317, %scan3A_1365 : i32
        %get3A_1367 = arith.index_cast %scan3A_1366 : i32 to index
        %get3A_1368 = arith.constant 0 : index
        %get3A_1369 = tpu.vector_load %arg11[%get3A_1367, %get3A_1368] {strides = array<i32>} : memref<80x128xf32, #tpu.memory_space<vmem>>, vector<16xf32>,
        %get3A_1370 = arith.index_cast %scan3A_1366 : i32 to index
        %get3A_1371 = arith.constant 16 : index
        %get3A_1372 = tpu.vector_load %arg11[%get3A_1370, %get3A_1371] {strides = array<i32>} : memref<80x128xf32, #tpu.memory_space<vmem>>, vector<16xf32>,
        %get3A_1373 = arith.index_cast %scan3A_1366 : i32 to index
        %get3A_1374 = arith.constant 32 : index
        %get3A_1375 = tpu.vector_load %arg11[%get3A_1373, %get3A_1374] {strides = array<i32>} : memref<80x128xf32, #tpu.memory_space<vmem>>, vector<16xf32>,
        %get3A_1376 = arith.index_cast %scan3A_1366 : i32 to index
        %get3A_1377 = arith.constant 48 : index
        %get3A_1378 = tpu.vector_load %arg11[%get3A_1376, %get3A_1377] {strides = array<i32>} : memref<80x128xf32, #tpu.memory_space<vmem>>, vector<16xf32>,
        %get3A_1379 = arith.index_cast %scan3A_1366 : i32 to index
        %get3A_1380 = arith.constant 0 : index
        %get3A_1381 = tpu.vector_load %arg13[%get3A_1379, %get3A_1380] {strides = array<i32>} : memref<80x128xf32, #tpu.memory_space<vmem>>, vector<16xf32>,
        %get3A_1382 = arith.index_cast %scan3A_1366 : i32 to index
        %get3A_1383 = arith.constant 16 : index
        %get3A_1384 = tpu.vector_load %arg13[%get3A_1382, %get3A_1383] {strides = array<i32>} : memref<80x128xf32, #tpu.memory_space<vmem>>, vector<16xf32>,
        %get3A_1385 = arith.index_cast %scan3A_1366 : i32 to index
        %get3A_1386 = arith.constant 32 : index
        %get3A_1387 = tpu.vector_load %arg13[%get3A_1385, %get3A_1386] {strides = array<i32>} : memref<80x128xf32, #tpu.memory_space<vmem>>, vector<16xf32>,
        %get3A_1388 = arith.index_cast %scan3A_1366 : i32 to index
        %get3A_1389 = arith.constant 48 : index
        %get3A_1390 = tpu.vector_load %arg13[%get3A_1388, %get3A_1389] {strides = array<i32>} : memref<80x128xf32, #tpu.memory_space<vmem>>, vector<16xf32>,
        %swap3A_1391 = arith.index_cast %scan3A_1366 : i32 to index
        %swap3A_1392 = arith.constant 0 : index
        %swap3A_1393 = tpu.vector_load %arg15[%swap3A_1391, %swap3A_1392] {strides = array<i32>} : memref<80x128xf32, #tpu.memory_space<vmem>>, vector<16xf32>,
        tpu.vector_store %arg15[%swap3A_1391, %swap3A_1392], %get3A_1369 {strides = array<i32>} : memref<80x128xf32, #tpu.memory_space<vmem>>, vector<16xf32>,
        %swap3A_1394 = arith.index_cast %scan3A_1366 : i32 to index
        %swap3A_1395 = arith.constant 16 : index
        %swap3A_1396 = tpu.vector_load %arg15[%swap3A_1394, %swap3A_1395] {strides = array<i32>} : memref<80x128xf32, #tpu.memory_space<vmem>>, vector<16xf32>,
        tpu.vector_store %arg15[%swap3A_1394, %swap3A_1395], %get3A_1372 {strides = array<i32>} : memref<80x128xf32, #tpu.memory_space<vmem>>, vector<16xf32>,
        %swap3A_1397 = arith.index_cast %scan3A_1366 : i32 to index
        %swap3A_1398 = arith.constant 32 : index
        %swap3A_1399 = tpu.vector_load %arg15[%swap3A_1397, %swap3A_1398] {strides = array<i32>} : memref<80x128xf32, #tpu.memory_space<vmem>>, vector<16xf32>,
        tpu.vector_store %arg15[%swap3A_1397, %swap3A_1398], %get3A_1375 {strides = array<i32>} : memref<80x128xf32, #tpu.memory_space<vmem>>, vector<16xf32>,
        %swap3A_1400 = arith.index_cast %scan3A_1366 : i32 to index
        %swap3A_1401 = arith.constant 48 : index
        %swap3A_1402 = tpu.vector_load %arg15[%swap3A_1400, %swap3A_1401] {strides = array<i32>} : memref<80x128xf32, #tpu.memory_space<vmem>>, vector<16xf32>,
        tpu.vector_store %arg15[%swap3A_1400, %swap3A_1401], %get3A_1378 {strides = array<i32>} : memref<80x128xf32, #tpu.memory_space<vmem>>, vector<16xf32>,
        %swap3A_1403 = arith.index_cast %scan3A_1366 : i32 to index
        %swap3A_1404 = arith.constant 64 : index
        %swap3A_1405 = tpu.vector_load %arg15[%swap3A_1403, %swap3A_1404] {strides = array<i32>} : memref<80x128xf32, #tpu.memory_space<vmem>>, vector<16xf32>,
        tpu.vector_store %arg15[%swap3A_1403, %swap3A_1404], %get3A_1381 {strides = array<i32>} : memref<80x128xf32, #tpu.memory_space<vmem>>, vector<16xf32>,
        %swap3A_1406 = arith.index_cast %scan3A_1366 : i32 to index
        %swap3A_1407 = arith.constant 80 : index
        %swap3A_1408 = tpu.vector_load %arg15[%swap3A_1406, %swap3A_1407] {strides = array<i32>} : memref<80x128xf32, #tpu.memory_space<vmem>>, vector<16xf32>,
        tpu.vector_store %arg15[%swap3A_1406, %swap3A_1407], %get3A_1384 {strides = array<i32>} : memref<80x128xf32, #tpu.memory_space<vmem>>, vector<16xf32>,
        %swap3A_1409 = arith.index_cast %scan3A_1366 : i32 to index
        %swap3A_1410 = arith.constant 96 : index
        %swap3A_1411 = tpu.vector_load %arg15[%swap3A_1409, %swap3A_1410] {strides = array<i32>} : memref<80x128xf32, #tpu.memory_space<vmem>>, vector<16xf32>,
        tpu.vector_store %arg15[%swap3A_1409, %swap3A_1410], %get3A_1387 {strides = array<i32>} : memref<80x128xf32, #tpu.memory_space<vmem>>, vector<16xf32>,
        %swap3A_1412 = arith.index_cast %scan3A_1366 : i32 to index
        %swap3A_1413 = arith.constant 112 : index
        %swap3A_1414 = tpu.vector_load %arg15[%swap3A_1412, %swap3A_1413] {strides = array<i32>} : memref<80x128xf32, #tpu.memory_space<vmem>>, vector<16xf32>,
        tpu.vector_store %arg15[%swap3A_1412, %swap3A_1413], %get3A_1390 {strides = array<i32>} : memref<80x128xf32, #tpu.memory_space<vmem>>, vector<16xf32>,
      }
      %scan3A_113 = arith.constant 80 : i32
      %mul3A_114 = arith.constant 0 : i32
      %mul3A_115 = vector.broadcast %mul3A_114 : i32 to vector<16xi32>
      %mul3A_116 = arith.muli %iota3A, %mul3A_115 : vector<16xi32>
      %add3A_117 = arith.constant 0 : i32
      %add3A_118 = vector.broadcast %add3A_117 : i32 to vector<16xi32>
      %add3A_119 = arith.addi %iota3A, %add3A_118 : vector<16xi32>
      %get3A = arith.constant 0 : index
      %get3A_120 = tpu.vector_load %arg10[%get3A] {strides = array<i32>} : memref<800xf32, #tpu.memory_space<vmem>>, vector<16xf32>,
      tpu.vector_store_idx %arg17[%add3A_119, %mul3A_116], %get3A_120 : memref<80x1xf32, #tpu.memory_space<vmem>>[vector<16xi32>, vector<16xi32>], vector<16xf32>,
      %add3A_121 = arith.constant 16 : i32
      %add3A_122 = vector.broadcast %add3A_121 : i32 to vector<16xi32>
      %add3A_123 = arith.addi %iota3A, %add3A_122 : vector<16xi32>
      %get3A_124 = arith.constant 16 : index
      %get3A_125 = tpu.vector_load %arg10[%get3A_124] {strides = array<i32>} : memref<800xf32, #tpu.memory_space<vmem>>, vector<16xf32>,
      tpu.vector_store_idx %arg17[%add3A_123, %mul3A_116], %get3A_125 : memref<80x1xf32, #tpu.memory_space<vmem>>[vector<16xi32>, vector<16xi32>], vector<16xf32>,
      %add3A_126 = arith.constant 32 : i32
      %add3A_127 = vector.broadcast %add3A_126 : i32 to vector<16xi32>
      %add3A_128 = arith.addi %iota3A, %add3A_127 : vector<16xi32>
      %get3A_129 = arith.constant 32 : index
      %get3A_130 = tpu.vector_load %arg10[%get3A_129] {strides = array<i32>} : memref<800xf32, #tpu.memory_space<vmem>>, vector<16xf32>,
      tpu.vector_store_idx %arg17[%add3A_128, %mul3A_116], %get3A_130 : memref<80x1xf32, #tpu.memory_space<vmem>>[vector<16xi32>, vector<16xi32>], vector<16xf32>,
      %add3A_131 = arith.constant 48 : i32
      %add3A_132 = vector.broadcast %add3A_131 : i32 to vector<16xi32>
      %add3A_133 = arith.addi %iota3A, %add3A_132 : vector<16xi32>
      %get3A_134 = arith.constant 48 : index
      %get3A_135 = tpu.vector_load %arg10[%get3A_134] {strides = array<i32>} : memref<800xf32, #tpu.memory_space<vmem>>, vector<16xf32>,
      tpu.vector_store_idx %arg17[%add3A_133, %mul3A_116], %get3A_135 : memref<80x1xf32, #tpu.memory_space<vmem>>[vector<16xi32>, vector<16xi32>], vector<16xf32>,
      %add3A_136 = arith.constant 64 : i32
      %add3A_137 = vector.broadcast %add3A_136 : i32 to vector<16xi32>
      %add3A_138 = arith.addi %iota3A, %add3A_137 : vector<16xi32>
      %get3A_139 = arith.constant 64 : index
      %get3A_140 = tpu.vector_load %arg10[%get3A_139] {strides = array<i32>} : memref<800xf32, #tpu.memory_space<vmem>>, vector<16xf32>,
      tpu.vector_store_idx %arg17[%add3A_138, %mul3A_116], %get3A_140 : memref<80x1xf32, #tpu.memory_space<vmem>>[vector<16xi32>, vector<16xi32>], vector<16xf32>,
      %add3A_141 = arith.constant 0 : i32
      %add3A_142 = arith.addi %add3A_75, %add3A_141 : i32
      %add3A_143 = arith.constant 0 : i32
      %add3A_144 = arith.addi %add3A_75, %add3A_143 : i32
      %dma_start3A_145 = arith.constant 0 : i32
      %dma_start3A_146 = arith.constant 0 : i32
      %dma_start3A_147 = tpu.memref_slice %arg15[%dma_start3A_145, %dma_start3A_146] : memref<80x128xf32, #tpu.memory_space<vmem>> -> memref<80x128xf32, #tpu.memory_space<vmem>>
      %dma_start3A_148 = arith.constant 0 : i32
      %dma_start3A_149 = arith.constant 0 : i32
      %dma_start3A_150 = tpu.memref_slice %arg7[%add3A_142, %dma_start3A_148, %dma_start3A_149] : memref<4096x200x129xf32, #tpu.memory_space<hbm>> -> memref<1x80x128xf32, #tpu.memory_space<hbm>>
      %dma_start3A_151 = tpu.memref_squeeze %dma_start3A_150 : memref<1x80x128xf32, #tpu.memory_space<hbm>> -> memref<80x128xf32, #tpu.memory_space<hbm>>
      %dma_start3A_152 = arith.constant 0 : i32
      %dma_start3A_153 = arith.constant 0 : i32
      %dma_start3A_154 = tpu.memref_slice %arg7[%add3A_142, %dma_start3A_152, %dma_start3A_153] : memref<4096x200x129xf32, #tpu.memory_space<hbm>> -> memref<1x80x128xf32, #tpu.memory_space<hbm>>
      %dma_start3A_155 = tpu.memref_squeeze %dma_start3A_154 : memref<1x80x128xf32, #tpu.memory_space<hbm>> -> memref<80x128xf32, #tpu.memory_space<hbm>>
      %dma_start3A_156 = arith.constant 0 : i32
      %dma_start3A_157 = arith.constant 0 : i32
      %dma_start3A_158 = tpu.memref_slice %arg15[%dma_start3A_156, %dma_start3A_157] : memref<80x128xf32, #tpu.memory_space<vmem>> -> memref<80x128xf32, #tpu.memory_space<vmem>>
      tpu.enqueue_dma source(%dma_start3A_158 : memref<80x128xf32, #tpu.memory_space<vmem>>) target(%dma_start3A_155 : memref<80x128xf32, #tpu.memory_space<hbm>>) target_semaphore(%arg21 : memref<!tpu.dma_semaphore, #tpu.memory_space<semaphore_mem>>)
      %dma_start3A_159 = arith.constant 0 : i32
      %dma_start3A_160 = arith.constant 0 : i32
      %dma_start3A_161 = tpu.memref_slice %arg17[%dma_start3A_159, %dma_start3A_160] : memref<80x1xf32, #tpu.memory_space<vmem>> -> memref<80x1xf32, #tpu.memory_space<vmem>>
      %dma_start3A_162 = arith.constant 0 : i32
      %dma_start3A_163 = arith.constant 128 : i32
      %dma_start3A_164 = tpu.memref_slice %arg7[%add3A_144, %dma_start3A_162, %dma_start3A_163] : memref<4096x200x129xf32, #tpu.memory_space<hbm>> -> memref<1x80x1xf32, #tpu.memory_space<hbm>>
      %dma_start3A_165 = tpu.memref_squeeze %dma_start3A_164 : memref<1x80x1xf32, #tpu.memory_space<hbm>> -> memref<80x1xf32, #tpu.memory_space<hbm>>
      %dma_start3A_166 = arith.constant 0 : i32
      %dma_start3A_167 = arith.constant 128 : i32
      %dma_start3A_168 = tpu.memref_slice %arg7[%add3A_144, %dma_start3A_166, %dma_start3A_167] : memref<4096x200x129xf32, #tpu.memory_space<hbm>> -> memref<1x80x1xf32, #tpu.memory_space<hbm>>
      %dma_start3A_169 = tpu.memref_squeeze %dma_start3A_168 : memref<1x80x1xf32, #tpu.memory_space<hbm>> -> memref<80x1xf32, #tpu.memory_space<hbm>>
      %dma_start3A_170 = arith.constant 0 : i32
      %dma_start3A_171 = arith.constant 0 : i32
      %dma_start3A_172 = tpu.memref_slice %arg17[%dma_start3A_170, %dma_start3A_171] : memref<80x1xf32, #tpu.memory_space<vmem>> -> memref<80x1xf32, #tpu.memory_space<vmem>>
      tpu.enqueue_dma source(%dma_start3A_172 : memref<80x1xf32, #tpu.memory_space<vmem>>) target(%dma_start3A_169 : memref<80x1xf32, #tpu.memory_space<hbm>>) target_semaphore(%arg21 : memref<!tpu.dma_semaphore, #tpu.memory_space<semaphore_mem>>)
      %dma_start3A_173 = arith.constant 160 : i32
      %dma_start3A_174 = tpu.memref_slice %arg8[%dma_start3A_173] : memref<800xi32, #tpu.memory_space<vmem>> -> memref<80xi32, #tpu.memory_space<vmem>>
      %dma_start3A_175 = arith.constant 0 : i32
      %dma_start3A_176 = arith.constant 0 : i32
      %dma_start3A_177 = tpu.memref_slice %arg5[%dma_start3A_175, %dma_start3A_176] : memref<1000x128xf32, #tpu.memory_space<hbm>> -> memref<1000x128xf32, #tpu.memory_space<hbm>>
      tpu.enqueue_indirect_dma source(%dma_start3A_177 : memref<1000x128xf32, #tpu.memory_space<hbm>>) target(%arg11 : memref<80x128xf32, #tpu.memory_space<vmem>>) offsets(%dma_start3A_174 : memref<80xi32, #tpu.memory_space<vmem>>) semaphore(%arg19 : memref<!tpu.dma_semaphore, #tpu.memory_space<semaphore_mem>>)
      %dma_start3A_178 = arith.constant 160 : i32
      %dma_start3A_179 = tpu.memref_slice %arg9[%dma_start3A_178] : memref<800xi32, #tpu.memory_space<vmem>> -> memref<80xi32, #tpu.memory_space<vmem>>
      %dma_start3A_180 = arith.constant 0 : i32
      %dma_start3A_181 = arith.constant 0 : i32
      %dma_start3A_182 = tpu.memref_slice %arg6[%dma_start3A_180, %dma_start3A_181] : memref<1000x128xf32, #tpu.memory_space<hbm>> -> memref<1000x128xf32, #tpu.memory_space<hbm>>
      tpu.enqueue_indirect_dma source(%dma_start3A_182 : memref<1000x128xf32, #tpu.memory_space<hbm>>) target(%arg13 : memref<80x128xf32, #tpu.memory_space<vmem>>) offsets(%dma_start3A_179 : memref<80xi32, #tpu.memory_space<vmem>>) semaphore(%arg20 : memref<!tpu.dma_semaphore, #tpu.memory_space<semaphore_mem>>)
      %gt3A_183 = arith.constant 0 : i32
      %gt3A_184 = arith.cmpi sgt, %scan3A_72, %gt3A_183 : i32
      %convert_element_type3A_185 = arith.extui %gt3A_184 : i1 to i32
      %cond3A_186 = arith.constant 0 : i32
      %cond3A_187 = arith.cmpi ne, %convert_element_type3A_185, %cond3A_186 : i32
      scf.if %cond3A_187 {
        %sub3A = arith.constant 4 : i32
        %sub3A_1317 = arith.subi %add3A_75, %sub3A : i32
        %add3A_1318 = arith.constant 3 : i32
        %add3A_1319 = arith.addi %sub3A_1317, %add3A_1318 : i32
        %add3A_1320 = arith.constant 3 : i32
        %add3A_1321 = arith.addi %sub3A_1317, %add3A_1320 : i32
        %dma_wait3A_1322 = arith.constant 0 : i32
        %dma_wait3A_1323 = arith.constant 0 : i32
        %dma_wait3A_1324 = tpu.memref_slice %arg16[%dma_wait3A_1322, %dma_wait3A_1323] : memref<80x128xf32, #tpu.memory_space<vmem>> -> memref<80x128xf32, #tpu.memory_space<vmem>>
        %dma_wait3A_1325 = arith.constant 120 : i32
        %dma_wait3A_1326 = arith.constant 0 : i32
        %dma_wait3A_1327 = tpu.memref_slice %arg7[%add3A_1319, %dma_wait3A_1325, %dma_wait3A_1326] : memref<4096x200x129xf32, #tpu.memory_space<hbm>> -> memref<1x80x128xf32, #tpu.memory_space<hbm>>
        %dma_wait3A_1328 = tpu.memref_squeeze %dma_wait3A_1327 : memref<1x80x128xf32, #tpu.memory_space<hbm>> -> memref<80x128xf32, #tpu.memory_space<hbm>>
        %dma_wait3A_1329 = arith.constant 120 : i32
        %dma_wait3A_1330 = arith.constant 0 : i32
        %dma_wait3A_1331 = tpu.memref_slice %arg7[%add3A_1319, %dma_wait3A_1329, %dma_wait3A_1330] : memref<4096x200x129xf32, #tpu.memory_space<hbm>> -> memref<1x80x128xf32, #tpu.memory_space<hbm>>
        %dma_wait3A_1332 = tpu.memref_squeeze %dma_wait3A_1331 : memref<1x80x128xf32, #tpu.memory_space<hbm>> -> memref<80x128xf32, #tpu.memory_space<hbm>>
        %dma_wait3A_1333 = arith.constant 0 : i32
        %dma_wait3A_1334 = arith.constant 0 : i32
        %dma_wait3A_1335 = tpu.memref_slice %arg16[%dma_wait3A_1333, %dma_wait3A_1334] : memref<80x128xf32, #tpu.memory_space<vmem>> -> memref<80x128xf32, #tpu.memory_space<vmem>>
        tpu.wait_dma2 semaphore(%arg21 : memref<!tpu.dma_semaphore, #tpu.memory_space<semaphore_mem>>) src(%dma_wait3A_1335 : memref<80x128xf32, #tpu.memory_space<vmem>>) dst(%dma_wait3A_1332 : memref<80x128xf32, #tpu.memory_space<hbm>>)
        %dma_wait3A_1336 = arith.constant 0 : i32
        %dma_wait3A_1337 = arith.constant 0 : i32
        %dma_wait3A_1338 = tpu.memref_slice %arg18[%dma_wait3A_1336, %dma_wait3A_1337] : memref<80x1xf32, #tpu.memory_space<vmem>> -> memref<80x1xf32, #tpu.memory_space<vmem>>
        %dma_wait3A_1339 = arith.constant 120 : i32
        %dma_wait3A_1340 = arith.constant 128 : i32
        %dma_wait3A_1341 = tpu.memref_slice %arg7[%add3A_1321, %dma_wait3A_1339, %dma_wait3A_1340] : memref<4096x200x129xf32, #tpu.memory_space<hbm>> -> memref<1x80x1xf32, #tpu.memory_space<hbm>>
        %dma_wait3A_1342 = tpu.memref_squeeze %dma_wait3A_1341 : memref<1x80x1xf32, #tpu.memory_space<hbm>> -> memref<80x1xf32, #tpu.memory_space<hbm>>
        %dma_wait3A_1343 = arith.constant 120 : i32
        %dma_wait3A_1344 = arith.constant 128 : i32
        %dma_wait3A_1345 = tpu.memref_slice %arg7[%add3A_1321, %dma_wait3A_1343, %dma_wait3A_1344] : memref<4096x200x129xf32, #tpu.memory_space<hbm>> -> memref<1x80x1xf32, #tpu.memory_space<hbm>>
        %dma_wait3A_1346 = tpu.memref_squeeze %dma_wait3A_1345 : memref<1x80x1xf32, #tpu.memory_space<hbm>> -> memref<80x1xf32, #tpu.memory_space<hbm>>
        %dma_wait3A_1347 = arith.constant 0 : i32
        %dma_wait3A_1348 = arith.constant 0 : i32
        %dma_wait3A_1349 = tpu.memref_slice %arg18[%dma_wait3A_1347, %dma_wait3A_1348] : memref<80x1xf32, #tpu.memory_space<vmem>> -> memref<80x1xf32, #tpu.memory_space<vmem>>
        tpu.wait_dma2 semaphore(%arg21 : memref<!tpu.dma_semaphore, #tpu.memory_space<semaphore_mem>>) src(%dma_wait3A_1349 : memref<80x1xf32, #tpu.memory_space<vmem>>) dst(%dma_wait3A_1346 : memref<80x1xf32, #tpu.memory_space<hbm>>)
      } else {
      }
      %dma_wait3A_188 = arith.constant 80 : i32
      %dma_wait3A_189 = tpu.memref_slice %arg8[%dma_wait3A_188] : memref<800xi32, #tpu.memory_space<vmem>> -> memref<80xi32, #tpu.memory_space<vmem>>
      %dma_wait3A_190 = arith.constant 0 : i32
      %dma_wait3A_191 = arith.constant 0 : i32
      %dma_wait3A_192 = tpu.memref_slice %arg5[%dma_wait3A_190, %dma_wait3A_191] : memref<1000x128xf32, #tpu.memory_space<hbm>> -> memref<1000x128xf32, #tpu.memory_space<hbm>>
      tpu.wait_indirect_dma semaphore(%arg19 : memref<!tpu.dma_semaphore, #tpu.memory_space<semaphore_mem>>) src(%dma_wait3A_192 : memref<1000x128xf32, #tpu.memory_space<hbm>>) dst(%arg12 : memref<80x128xf32, #tpu.memory_space<vmem>>)
      %dma_wait3A_193 = arith.constant 80 : i32
      %dma_wait3A_194 = tpu.memref_slice %arg9[%dma_wait3A_193] : memref<800xi32, #tpu.memory_space<vmem>> -> memref<80xi32, #tpu.memory_space<vmem>>
      %dma_wait3A_195 = arith.constant 0 : i32
      %dma_wait3A_196 = arith.constant 0 : i32
      %dma_wait3A_197 = tpu.memref_slice %arg6[%dma_wait3A_195, %dma_wait3A_196] : memref<1000x128xf32, #tpu.memory_space<hbm>> -> memref<1000x128xf32, #tpu.memory_space<hbm>>
      tpu.wait_indirect_dma semaphore(%arg20 : memref<!tpu.dma_semaphore, #tpu.memory_space<semaphore_mem>>) src(%dma_wait3A_197 : memref<1000x128xf32, #tpu.memory_space<hbm>>) dst(%arg14 : memref<80x128xf32, #tpu.memory_space<vmem>>)
      %scan3A_198 = arith.constant 0 : i32
      %scan3A_199 = arith.constant 80 : i32
      %scan3A_200 = arith.addi %scan3A_198, %scan3A_199 : i32
      %scan3A_201 = arith.constant 2 : i32
      scf.for %scan3A_1317 = %scan3A_198 to %scan3A_200 step %scan3A_201  : i32 {
        %get3A_1318 = arith.index_cast %scan3A_1317 : i32 to index
        %get3A_1319 = arith.constant 0 : index
        %get3A_1320 = tpu.vector_load %arg12[%get3A_1318, %get3A_1319] {strides = array<i32>} : memref<80x128xf32, #tpu.memory_space<vmem>>, vector<16xf32>,
        %get3A_1321 = arith.index_cast %scan3A_1317 : i32 to index
        %get3A_1322 = arith.constant 16 : index
        %get3A_1323 = tpu.vector_load %arg12[%get3A_1321, %get3A_1322] {strides = array<i32>} : memref<80x128xf32, #tpu.memory_space<vmem>>, vector<16xf32>,
        %get3A_1324 = arith.index_cast %scan3A_1317 : i32 to index
        %get3A_1325 = arith.constant 32 : index
        %get3A_1326 = tpu.vector_load %arg12[%get3A_1324, %get3A_1325] {strides = array<i32>} : memref<80x128xf32, #tpu.memory_space<vmem>>, vector<16xf32>,
        %get3A_1327 = arith.index_cast %scan3A_1317 : i32 to index
        %get3A_1328 = arith.constant 48 : index
        %get3A_1329 = tpu.vector_load %arg12[%get3A_1327, %get3A_1328] {strides = array<i32>} : memref<80x128xf32, #tpu.memory_space<vmem>>, vector<16xf32>,
        %get3A_1330 = arith.index_cast %scan3A_1317 : i32 to index
        %get3A_1331 = arith.constant 0 : index
        %get3A_1332 = tpu.vector_load %arg14[%get3A_1330, %get3A_1331] {strides = array<i32>} : memref<80x128xf32, #tpu.memory_space<vmem>>, vector<16xf32>,
        %get3A_1333 = arith.index_cast %scan3A_1317 : i32 to index
        %get3A_1334 = arith.constant 16 : index
        %get3A_1335 = tpu.vector_load %arg14[%get3A_1333, %get3A_1334] {strides = array<i32>} : memref<80x128xf32, #tpu.memory_space<vmem>>, vector<16xf32>,
        %get3A_1336 = arith.index_cast %scan3A_1317 : i32 to index
        %get3A_1337 = arith.constant 32 : index
        %get3A_1338 = tpu.vector_load %arg14[%get3A_1336, %get3A_1337] {strides = array<i32>} : memref<80x128xf32, #tpu.memory_space<vmem>>, vector<16xf32>,
        %get3A_1339 = arith.index_cast %scan3A_1317 : i32 to index
        %get3A_1340 = arith.constant 48 : index
        %get3A_1341 = tpu.vector_load %arg14[%get3A_1339, %get3A_1340] {strides = array<i32>} : memref<80x128xf32, #tpu.memory_space<vmem>>, vector<16xf32>,
        %swap3A = arith.index_cast %scan3A_1317 : i32 to index
        %swap3A_1342 = arith.constant 0 : index
        %swap3A_1343 = tpu.vector_load %arg16[%swap3A, %swap3A_1342] {strides = array<i32>} : memref<80x128xf32, #tpu.memory_space<vmem>>, vector<16xf32>,
        tpu.vector_store %arg16[%swap3A, %swap3A_1342], %get3A_1320 {strides = array<i32>} : memref<80x128xf32, #tpu.memory_space<vmem>>, vector<16xf32>,
        %swap3A_1344 = arith.index_cast %scan3A_1317 : i32 to index
        %swap3A_1345 = arith.constant 16 : index
        %swap3A_1346 = tpu.vector_load %arg16[%swap3A_1344, %swap3A_1345] {strides = array<i32>} : memref<80x128xf32, #tpu.memory_space<vmem>>, vector<16xf32>,
        tpu.vector_store %arg16[%swap3A_1344, %swap3A_1345], %get3A_1323 {strides = array<i32>} : memref<80x128xf32, #tpu.memory_space<vmem>>, vector<16xf32>,
        %swap3A_1347 = arith.index_cast %scan3A_1317 : i32 to index
        %swap3A_1348 = arith.constant 32 : index
        %swap3A_1349 = tpu.vector_load %arg16[%swap3A_1347, %swap3A_1348] {strides = array<i32>} : memref<80x128xf32, #tpu.memory_space<vmem>>, vector<16xf32>,
        tpu.vector_store %arg16[%swap3A_1347, %swap3A_1348], %get3A_1326 {strides = array<i32>} : memref<80x128xf32, #tpu.memory_space<vmem>>, vector<16xf32>,
        %swap3A_1350 = arith.index_cast %scan3A_1317 : i32 to index
        %swap3A_1351 = arith.constant 48 : index
        %swap3A_1352 = tpu.vector_load %arg16[%swap3A_1350, %swap3A_1351] {strides = array<i32>} : memref<80x128xf32, #tpu.memory_space<vmem>>, vector<16xf32>,
        tpu.vector_store %arg16[%swap3A_1350, %swap3A_1351], %get3A_1329 {strides = array<i32>} : memref<80x128xf32, #tpu.memory_space<vmem>>, vector<16xf32>,
        %swap3A_1353 = arith.index_cast %scan3A_1317 : i32 to index
        %swap3A_1354 = arith.constant 64 : index
        %swap3A_1355 = tpu.vector_load %arg16[%swap3A_1353, %swap3A_1354] {strides = array<i32>} : memref<80x128xf32, #tpu.memory_space<vmem>>, vector<16xf32>,
        tpu.vector_store %arg16[%swap3A_1353, %swap3A_1354], %get3A_1332 {strides = array<i32>} : memref<80x128xf32, #tpu.memory_space<vmem>>, vector<16xf32>,
        %swap3A_1356 = arith.index_cast %scan3A_1317 : i32 to index
        %swap3A_1357 = arith.constant 80 : index
        %swap3A_1358 = tpu.vector_load %arg16[%swap3A_1356, %swap3A_1357] {strides = array<i32>} : memref<80x128xf32, #tpu.memory_space<vmem>>, vector<16xf32>,
        tpu.vector_store %arg16[%swap3A_1356, %swap3A_1357], %get3A_1335 {strides = array<i32>} : memref<80x128xf32, #tpu.memory_space<vmem>>, vector<16xf32>,
        %swap3A_1359 = arith.index_cast %scan3A_1317 : i32 to index
        %swap3A_1360 = arith.constant 96 : index
        %swap3A_1361 = tpu.vector_load %arg16[%swap3A_1359, %swap3A_1360] {strides = array<i32>} : memref<80x128xf32, #tpu.memory_space<vmem>>, vector<16xf32>,
        tpu.vector_store %arg16[%swap3A_1359, %swap3A_1360], %get3A_1338 {strides = array<i32>} : memref<80x128xf32, #tpu.memory_space<vmem>>, vector<16xf32>,
        %swap3A_1362 = arith.index_cast %scan3A_1317 : i32 to index
        %swap3A_1363 = arith.constant 112 : index
        %swap3A_1364 = tpu.vector_load %arg16[%swap3A_1362, %swap3A_1363] {strides = array<i32>} : memref<80x128xf32, #tpu.memory_space<vmem>>, vector<16xf32>,
        tpu.vector_store %arg16[%swap3A_1362, %swap3A_1363], %get3A_1341 {strides = array<i32>} : memref<80x128xf32, #tpu.memory_space<vmem>>, vector<16xf32>,
        %scan3A_1365 = arith.constant 1 : i32
        %scan3A_1366 = arith.addi %scan3A_1317, %scan3A_1365 : i32
        %get3A_1367 = arith.index_cast %scan3A_1366 : i32 to index
        %get3A_1368 = arith.constant 0 : index
        %get3A_1369 = tpu.vector_load %arg12[%get3A_1367, %get3A_1368] {strides = array<i32>} : memref<80x128xf32, #tpu.memory_space<vmem>>, vector<16xf32>,
        %get3A_1370 = arith.index_cast %scan3A_1366 : i32 to index
        %get3A_1371 = arith.constant 16 : index
        %get3A_1372 = tpu.vector_load %arg12[%get3A_1370, %get3A_1371] {strides = array<i32>} : memref<80x128xf32, #tpu.memory_space<vmem>>, vector<16xf32>,
        %get3A_1373 = arith.index_cast %scan3A_1366 : i32 to index
        %get3A_1374 = arith.constant 32 : index
        %get3A_1375 = tpu.vector_load %arg12[%get3A_1373, %get3A_1374] {strides = array<i32>} : memref<80x128xf32, #tpu.memory_space<vmem>>, vector<16xf32>,
        %get3A_1376 = arith.index_cast %scan3A_1366 : i32 to index
        %get3A_1377 = arith.constant 48 : index
        %get3A_1378 = tpu.vector_load %arg12[%get3A_1376, %get3A_1377] {strides = array<i32>} : memref<80x128xf32, #tpu.memory_space<vmem>>, vector<16xf32>,
        %get3A_1379 = arith.index_cast %scan3A_1366 : i32 to index
        %get3A_1380 = arith.constant 0 : index
        %get3A_1381 = tpu.vector_load %arg14[%get3A_1379, %get3A_1380] {strides = array<i32>} : memref<80x128xf32, #tpu.memory_space<vmem>>, vector<16xf32>,
        %get3A_1382 = arith.index_cast %scan3A_1366 : i32 to index
        %get3A_1383 = arith.constant 16 : index
        %get3A_1384 = tpu.vector_load %arg14[%get3A_1382, %get3A_1383] {strides = array<i32>} : memref<80x128xf32, #tpu.memory_space<vmem>>, vector<16xf32>,
        %get3A_1385 = arith.index_cast %scan3A_1366 : i32 to index
        %get3A_1386 = arith.constant 32 : index
        %get3A_1387 = tpu.vector_load %arg14[%get3A_1385, %get3A_1386] {strides = array<i32>} : memref<80x128xf32, #tpu.memory_space<vmem>>, vector<16xf32>,
        %get3A_1388 = arith.index_cast %scan3A_1366 : i32 to index
        %get3A_1389 = arith.constant 48 : index
        %get3A_1390 = tpu.vector_load %arg14[%get3A_1388, %get3A_1389] {strides = array<i32>} : memref<80x128xf32, #tpu.memory_space<vmem>>, vector<16xf32>,
        %swap3A_1391 = arith.index_cast %scan3A_1366 : i32 to index
        %swap3A_1392 = arith.constant 0 : index
        %swap3A_1393 = tpu.vector_load %arg16[%swap3A_1391, %swap3A_1392] {strides = array<i32>} : memref<80x128xf32, #tpu.memory_space<vmem>>, vector<16xf32>,
        tpu.vector_store %arg16[%swap3A_1391, %swap3A_1392], %get3A_1369 {strides = array<i32>} : memref<80x128xf32, #tpu.memory_space<vmem>>, vector<16xf32>,
        %swap3A_1394 = arith.index_cast %scan3A_1366 : i32 to index
        %swap3A_1395 = arith.constant 16 : index
        %swap3A_1396 = tpu.vector_load %arg16[%swap3A_1394, %swap3A_1395] {strides = array<i32>} : memref<80x128xf32, #tpu.memory_space<vmem>>, vector<16xf32>,
        tpu.vector_store %arg16[%swap3A_1394, %swap3A_1395], %get3A_1372 {strides = array<i32>} : memref<80x128xf32, #tpu.memory_space<vmem>>, vector<16xf32>,
        %swap3A_1397 = arith.index_cast %scan3A_1366 : i32 to index
        %swap3A_1398 = arith.constant 32 : index
        %swap3A_1399 = tpu.vector_load %arg16[%swap3A_1397, %swap3A_1398] {strides = array<i32>} : memref<80x128xf32, #tpu.memory_space<vmem>>, vector<16xf32>,
        tpu.vector_store %arg16[%swap3A_1397, %swap3A_1398], %get3A_1375 {strides = array<i32>} : memref<80x128xf32, #tpu.memory_space<vmem>>, vector<16xf32>,
        %swap3A_1400 = arith.index_cast %scan3A_1366 : i32 to index
        %swap3A_1401 = arith.constant 48 : index
        %swap3A_1402 = tpu.vector_load %arg16[%swap3A_1400, %swap3A_1401] {strides = array<i32>} : memref<80x128xf32, #tpu.memory_space<vmem>>, vector<16xf32>,
        tpu.vector_store %arg16[%swap3A_1400, %swap3A_1401], %get3A_1378 {strides = array<i32>} : memref<80x128xf32, #tpu.memory_space<vmem>>, vector<16xf32>,
        %swap3A_1403 = arith.index_cast %scan3A_1366 : i32 to index
        %swap3A_1404 = arith.constant 64 : index
        %swap3A_1405 = tpu.vector_load %arg16[%swap3A_1403, %swap3A_1404] {strides = array<i32>} : memref<80x128xf32, #tpu.memory_space<vmem>>, vector<16xf32>,
        tpu.vector_store %arg16[%swap3A_1403, %swap3A_1404], %get3A_1381 {strides = array<i32>} : memref<80x128xf32, #tpu.memory_space<vmem>>, vector<16xf32>,
        %swap3A_1406 = arith.index_cast %scan3A_1366 : i32 to index
        %swap3A_1407 = arith.constant 80 : index
        %swap3A_1408 = tpu.vector_load %arg16[%swap3A_1406, %swap3A_1407] {strides = array<i32>} : memref<80x128xf32, #tpu.memory_space<vmem>>, vector<16xf32>,
        tpu.vector_store %arg16[%swap3A_1406, %swap3A_1407], %get3A_1384 {strides = array<i32>} : memref<80x128xf32, #tpu.memory_space<vmem>>, vector<16xf32>,
        %swap3A_1409 = arith.index_cast %scan3A_1366 : i32 to index
        %swap3A_1410 = arith.constant 96 : index
        %swap3A_1411 = tpu.vector_load %arg16[%swap3A_1409, %swap3A_1410] {strides = array<i32>} : memref<80x128xf32, #tpu.memory_space<vmem>>, vector<16xf32>,
        tpu.vector_store %arg16[%swap3A_1409, %swap3A_1410], %get3A_1387 {strides = array<i32>} : memref<80x128xf32, #tpu.memory_space<vmem>>, vector<16xf32>,
        %swap3A_1412 = arith.index_cast %scan3A_1366 : i32 to index
        %swap3A_1413 = arith.constant 112 : index
        %swap3A_1414 = tpu.vector_load %arg16[%swap3A_1412, %swap3A_1413] {strides = array<i32>} : memref<80x128xf32, #tpu.memory_space<vmem>>, vector<16xf32>,
        tpu.vector_store %arg16[%swap3A_1412, %swap3A_1413], %get3A_1390 {strides = array<i32>} : memref<80x128xf32, #tpu.memory_space<vmem>>, vector<16xf32>,
      }
      %scan3A_202 = arith.constant 80 : i32
      %mul3A_203 = arith.constant 0 : i32
      %mul3A_204 = vector.broadcast %mul3A_203 : i32 to vector<16xi32>
      %mul3A_205 = arith.muli %iota3A, %mul3A_204 : vector<16xi32>
      %add3A_206 = arith.constant 0 : i32
      %add3A_207 = vector.broadcast %add3A_206 : i32 to vector<16xi32>
      %add3A_208 = arith.addi %iota3A, %add3A_207 : vector<16xi32>
      %get3A_209 = arith.constant 80 : index
      %get3A_210 = tpu.vector_load %arg10[%get3A_209] {strides = array<i32>} : memref<800xf32, #tpu.memory_space<vmem>>, vector<16xf32>,
      tpu.vector_store_idx %arg18[%add3A_208, %mul3A_205], %get3A_210 : memref<80x1xf32, #tpu.memory_space<vmem>>[vector<16xi32>, vector<16xi32>], vector<16xf32>,
      %add3A_211 = arith.constant 16 : i32
      %add3A_212 = vector.broadcast %add3A_211 : i32 to vector<16xi32>
      %add3A_213 = arith.addi %iota3A, %add3A_212 : vector<16xi32>
      %get3A_214 = arith.constant 96 : index
      %get3A_215 = tpu.vector_load %arg10[%get3A_214] {strides = array<i32>} : memref<800xf32, #tpu.memory_space<vmem>>, vector<16xf32>,
      tpu.vector_store_idx %arg18[%add3A_213, %mul3A_205], %get3A_215 : memref<80x1xf32, #tpu.memory_space<vmem>>[vector<16xi32>, vector<16xi32>], vector<16xf32>,
      %add3A_216 = arith.constant 32 : i32
      %add3A_217 = vector.broadcast %add3A_216 : i32 to vector<16xi32>
      %add3A_218 = arith.addi %iota3A, %add3A_217 : vector<16xi32>
      %get3A_219 = arith.constant 112 : index
      %get3A_220 = tpu.vector_load %arg10[%get3A_219] {strides = array<i32>} : memref<800xf32, #tpu.memory_space<vmem>>, vector<16xf32>,
      tpu.vector_store_idx %arg18[%add3A_218, %mul3A_205], %get3A_220 : memref<80x1xf32, #tpu.memory_space<vmem>>[vector<16xi32>, vector<16xi32>], vector<16xf32>,
      %add3A_221 = arith.constant 48 : i32
      %add3A_222 = vector.broadcast %add3A_221 : i32 to vector<16xi32>
      %add3A_223 = arith.addi %iota3A, %add3A_222 : vector<16xi32>
      %get3A_224 = arith.constant 128 : index
      %get3A_225 = tpu.vector_load %arg10[%get3A_224] {strides = array<i32>} : memref<800xf32, #tpu.memory_space<vmem>>, vector<16xf32>,
      tpu.vector_store_idx %arg18[%add3A_223, %mul3A_205], %get3A_225 : memref<80x1xf32, #tpu.memory_space<vmem>>[vector<16xi32>, vector<16xi32>], vector<16xf32>,
      %add3A_226 = arith.constant 64 : i32
      %add3A_227 = vector.broadcast %add3A_226 : i32 to vector<16xi32>
      %add3A_228 = arith.addi %iota3A, %add3A_227 : vector<16xi32>
      %get3A_229 = arith.constant 144 : index
      %get3A_230 = tpu.vector_load %arg10[%get3A_229] {strides = array<i32>} : memref<800xf32, #tpu.memory_space<vmem>>, vector<16xf32>,
      tpu.vector_store_idx %arg18[%add3A_228, %mul3A_205], %get3A_230 : memref<80x1xf32, #tpu.memory_space<vmem>>[vector<16xi32>, vector<16xi32>], vector<16xf32>,
      %add3A_231 = arith.constant 0 : i32
      %add3A_232 = arith.addi %add3A_75, %add3A_231 : i32
      %add3A_233 = arith.constant 0 : i32
      %add3A_234 = arith.addi %add3A_75, %add3A_233 : i32
      %dma_start3A_235 = arith.constant 0 : i32
      %dma_start3A_236 = arith.constant 0 : i32
      %dma_start3A_237 = tpu.memref_slice %arg16[%dma_start3A_235, %dma_start3A_236] : memref<80x128xf32, #tpu.memory_space<vmem>> -> memref<80x128xf32, #tpu.memory_space<vmem>>
      %dma_start3A_238 = arith.constant 80 : i32
      %dma_start3A_239 = arith.constant 0 : i32
      %dma_start3A_240 = tpu.memref_slice %arg7[%add3A_232, %dma_start3A_238, %dma_start3A_239] : memref<4096x200x129xf32, #tpu.memory_space<hbm>> -> memref<1x80x128xf32, #tpu.memory_space<hbm>>
      %dma_start3A_241 = tpu.memref_squeeze %dma_start3A_240 : memref<1x80x128xf32, #tpu.memory_space<hbm>> -> memref<80x128xf32, #tpu.memory_space<hbm>>
      %dma_start3A_242 = arith.constant 80 : i32
      %dma_start3A_243 = arith.constant 0 : i32
      %dma_start3A_244 = tpu.memref_slice %arg7[%add3A_232, %dma_start3A_242, %dma_start3A_243] : memref<4096x200x129xf32, #tpu.memory_space<hbm>> -> memref<1x80x128xf32, #tpu.memory_space<hbm>>
      %dma_start3A_245 = tpu.memref_squeeze %dma_start3A_244 : memref<1x80x128xf32, #tpu.memory_space<hbm>> -> memref<80x128xf32, #tpu.memory_space<hbm>>
      %dma_start3A_246 = arith.constant 0 : i32
      %dma_start3A_247 = arith.constant 0 : i32
      %dma_start3A_248 = tpu.memref_slice %arg16[%dma_start3A_246, %dma_start3A_247] : memref<80x128xf32, #tpu.memory_space<vmem>> -> memref<80x128xf32, #tpu.memory_space<vmem>>
      tpu.enqueue_dma source(%dma_start3A_248 : memref<80x128xf32, #tpu.memory_space<vmem>>) target(%dma_start3A_245 : memref<80x128xf32, #tpu.memory_space<hbm>>) target_semaphore(%arg21 : memref<!tpu.dma_semaphore, #tpu.memory_space<semaphore_mem>>)
      %dma_start3A_249 = arith.constant 0 : i32
      %dma_start3A_250 = arith.constant 0 : i32
      %dma_start3A_251 = tpu.memref_slice %arg18[%dma_start3A_249, %dma_start3A_250] : memref<80x1xf32, #tpu.memory_space<vmem>> -> memref<80x1xf32, #tpu.memory_space<vmem>>
      %dma_start3A_252 = arith.constant 80 : i32
      %dma_start3A_253 = arith.constant 128 : i32
      %dma_start3A_254 = tpu.memref_slice %arg7[%add3A_234, %dma_start3A_252, %dma_start3A_253] : memref<4096x200x129xf32, #tpu.memory_space<hbm>> -> memref<1x80x1xf32, #tpu.memory_space<hbm>>
      %dma_start3A_255 = tpu.memref_squeeze %dma_start3A_254 : memref<1x80x1xf32, #tpu.memory_space<hbm>> -> memref<80x1xf32, #tpu.memory_space<hbm>>
      %dma_start3A_256 = arith.constant 80 : i32
      %dma_start3A_257 = arith.constant 128 : i32
      %dma_start3A_258 = tpu.memref_slice %arg7[%add3A_234, %dma_start3A_256, %dma_start3A_257] : memref<4096x200x129xf32, #tpu.memory_space<hbm>> -> memref<1x80x1xf32, #tpu.memory_space<hbm>>
      %dma_start3A_259 = tpu.memref_squeeze %dma_start3A_258 : memref<1x80x1xf32, #tpu.memory_space<hbm>> -> memref<80x1xf32, #tpu.memory_space<hbm>>
      %dma_start3A_260 = arith.constant 0 : i32
      %dma_start3A_261 = arith.constant 0 : i32
      %dma_start3A_262 = tpu.memref_slice %arg18[%dma_start3A_260, %dma_start3A_261] : memref<80x1xf32, #tpu.memory_space<vmem>> -> memref<80x1xf32, #tpu.memory_space<vmem>>
      tpu.enqueue_dma source(%dma_start3A_262 : memref<80x1xf32, #tpu.memory_space<vmem>>) target(%dma_start3A_259 : memref<80x1xf32, #tpu.memory_space<hbm>>) target_semaphore(%arg21 : memref<!tpu.dma_semaphore, #tpu.memory_space<semaphore_mem>>)
      %dma_start3A_263 = arith.constant 240 : i32
      %dma_start3A_264 = tpu.memref_slice %arg8[%dma_start3A_263] : memref<800xi32, #tpu.memory_space<vmem>> -> memref<80xi32, #tpu.memory_space<vmem>>
      %dma_start3A_265 = arith.constant 0 : i32
      %dma_start3A_266 = arith.constant 0 : i32
      %dma_start3A_267 = tpu.memref_slice %arg5[%dma_start3A_265, %dma_start3A_266] : memref<1000x128xf32, #tpu.memory_space<hbm>> -> memref<1000x128xf32, #tpu.memory_space<hbm>>
      tpu.enqueue_indirect_dma source(%dma_start3A_267 : memref<1000x128xf32, #tpu.memory_space<hbm>>) target(%arg12 : memref<80x128xf32, #tpu.memory_space<vmem>>) offsets(%dma_start3A_264 : memref<80xi32, #tpu.memory_space<vmem>>) semaphore(%arg19 : memref<!tpu.dma_semaphore, #tpu.memory_space<semaphore_mem>>)
      %dma_start3A_268 = arith.constant 240 : i32
      %dma_start3A_269 = tpu.memref_slice %arg9[%dma_start3A_268] : memref<800xi32, #tpu.memory_space<vmem>> -> memref<80xi32, #tpu.memory_space<vmem>>
      %dma_start3A_270 = arith.constant 0 : i32
      %dma_start3A_271 = arith.constant 0 : i32
      %dma_start3A_272 = tpu.memref_slice %arg6[%dma_start3A_270, %dma_start3A_271] : memref<1000x128xf32, #tpu.memory_space<hbm>> -> memref<1000x128xf32, #tpu.memory_space<hbm>>
      tpu.enqueue_indirect_dma source(%dma_start3A_272 : memref<1000x128xf32, #tpu.memory_space<hbm>>) target(%arg14 : memref<80x128xf32, #tpu.memory_space<vmem>>) offsets(%dma_start3A_269 : memref<80xi32, #tpu.memory_space<vmem>>) semaphore(%arg20 : memref<!tpu.dma_semaphore, #tpu.memory_space<semaphore_mem>>)
      %add3A_273 = arith.constant 0 : i32
      %add3A_274 = arith.addi %add3A_75, %add3A_273 : i32
      %add3A_275 = arith.constant 0 : i32
      %add3A_276 = arith.addi %add3A_75, %add3A_275 : i32
      %dma_wait3A_277 = arith.constant 0 : i32
      %dma_wait3A_278 = arith.constant 0 : i32
      %dma_wait3A_279 = tpu.memref_slice %arg15[%dma_wait3A_277, %dma_wait3A_278] : memref<80x128xf32, #tpu.memory_space<vmem>> -> memref<80x128xf32, #tpu.memory_space<vmem>>
      %dma_wait3A_280 = arith.constant 0 : i32
      %dma_wait3A_281 = arith.constant 0 : i32
      %dma_wait3A_282 = tpu.memref_slice %arg7[%add3A_274, %dma_wait3A_280, %dma_wait3A_281] : memref<4096x200x129xf32, #tpu.memory_space<hbm>> -> memref<1x80x128xf32, #tpu.memory_space<hbm>>
      %dma_wait3A_283 = tpu.memref_squeeze %dma_wait3A_282 : memref<1x80x128xf32, #tpu.memory_space<hbm>> -> memref<80x128xf32, #tpu.memory_space<hbm>>
      %dma_wait3A_284 = arith.constant 0 : i32
      %dma_wait3A_285 = arith.constant 0 : i32
      %dma_wait3A_286 = tpu.memref_slice %arg7[%add3A_274, %dma_wait3A_284, %dma_wait3A_285] : memref<4096x200x129xf32, #tpu.memory_space<hbm>> -> memref<1x80x128xf32, #tpu.memory_space<hbm>>
      %dma_wait3A_287 = tpu.memref_squeeze %dma_wait3A_286 : memref<1x80x128xf32, #tpu.memory_space<hbm>> -> memref<80x128xf32, #tpu.memory_space<hbm>>
      %dma_wait3A_288 = arith.constant 0 : i32
      %dma_wait3A_289 = arith.constant 0 : i32
      %dma_wait3A_290 = tpu.memref_slice %arg15[%dma_wait3A_288, %dma_wait3A_289] : memref<80x128xf32, #tpu.memory_space<vmem>> -> memref<80x128xf32, #tpu.memory_space<vmem>>
      tpu.wait_dma2 semaphore(%arg21 : memref<!tpu.dma_semaphore, #tpu.memory_space<semaphore_mem>>) src(%dma_wait3A_290 : memref<80x128xf32, #tpu.memory_space<vmem>>) dst(%dma_wait3A_287 : memref<80x128xf32, #tpu.memory_space<hbm>>)
      %dma_wait3A_291 = arith.constant 0 : i32
      %dma_wait3A_292 = arith.constant 0 : i32
      %dma_wait3A_293 = tpu.memref_slice %arg17[%dma_wait3A_291, %dma_wait3A_292] : memref<80x1xf32, #tpu.memory_space<vmem>> -> memref<80x1xf32, #tpu.memory_space<vmem>>
      %dma_wait3A_294 = arith.constant 0 : i32
      %dma_wait3A_295 = arith.constant 128 : i32
      %dma_wait3A_296 = tpu.memref_slice %arg7[%add3A_276, %dma_wait3A_294, %dma_wait3A_295] : memref<4096x200x129xf32, #tpu.memory_space<hbm>> -> memref<1x80x1xf32, #tpu.memory_space<hbm>>
      %dma_wait3A_297 = tpu.memref_squeeze %dma_wait3A_296 : memref<1x80x1xf32, #tpu.memory_space<hbm>> -> memref<80x1xf32, #tpu.memory_space<hbm>>
      %dma_wait3A_298 = arith.constant 0 : i32
      %dma_wait3A_299 = arith.constant 128 : i32
      %dma_wait3A_300 = tpu.memref_slice %arg7[%add3A_276, %dma_wait3A_298, %dma_wait3A_299] : memref<4096x200x129xf32, #tpu.memory_space<hbm>> -> memref<1x80x1xf32, #tpu.memory_space<hbm>>
      %dma_wait3A_301 = tpu.memref_squeeze %dma_wait3A_300 : memref<1x80x1xf32, #tpu.memory_space<hbm>> -> memref<80x1xf32, #tpu.memory_space<hbm>>
      %dma_wait3A_302 = arith.constant 0 : i32
      %dma_wait3A_303 = arith.constant 0 : i32
      %dma_wait3A_304 = tpu.memref_slice %arg17[%dma_wait3A_302, %dma_wait3A_303] : memref<80x1xf32, #tpu.memory_space<vmem>> -> memref<80x1xf32, #tpu.memory_space<vmem>>
      tpu.wait_dma2 semaphore(%arg21 : memref<!tpu.dma_semaphore, #tpu.memory_space<semaphore_mem>>) src(%dma_wait3A_304 : memref<80x1xf32, #tpu.memory_space<vmem>>) dst(%dma_wait3A_301 : memref<80x1xf32, #tpu.memory_space<hbm>>)
      %dma_wait3A_305 = arith.constant 160 : i32
      %dma_wait3A_306 = tpu.memref_slice %arg8[%dma_wait3A_305] : memref<800xi32, #tpu.memory_space<vmem>> -> memref<80xi32, #tpu.memory_space<vmem>>
      %dma_wait3A_307 = arith.constant 0 : i32
      %dma_wait3A_308 = arith.constant 0 : i32
      %dma_wait3A_309 = tpu.memref_slice %arg5[%dma_wait3A_307, %dma_wait3A_308] : memref<1000x128xf32, #tpu.memory_space<hbm>> -> memref<1000x128xf32, #tpu.memory_space<hbm>>
      tpu.wait_indirect_dma semaphore(%arg19 : memref<!tpu.dma_semaphore, #tpu.memory_space<semaphore_mem>>) src(%dma_wait3A_309 : memref<1000x128xf32, #tpu.memory_space<hbm>>) dst(%arg11 : memref<80x128xf32, #tpu.memory_space<vmem>>)
      %dma_wait3A_310 = arith.constant 160 : i32
      %dma_wait3A_311 = tpu.memref_slice %arg9[%dma_wait3A_310] : memref<800xi32, #tpu.memory_space<vmem>> -> memref<80xi32, #tpu.memory_space<vmem>>
      %dma_wait3A_312 = arith.constant 0 : i32
      %dma_wait3A_313 = arith.constant 0 : i32
      %dma_wait3A_314 = tpu.memref_slice %arg6[%dma_wait3A_312, %dma_wait3A_313] : memref<1000x128xf32, #tpu.memory_space<hbm>> -> memref<1000x128xf32, #tpu.memory_space<hbm>>
      tpu.wait_indirect_dma semaphore(%arg20 : memref<!tpu.dma_semaphore, #tpu.memory_space<semaphore_mem>>) src(%dma_wait3A_314 : memref<1000x128xf32, #tpu.memory_space<hbm>>) dst(%arg13 : memref<80x128xf32, #tpu.memory_space<vmem>>)
      %scan3A_315 = arith.constant 0 : i32
      %scan3A_316 = arith.constant 80 : i32
      %scan3A_317 = arith.addi %scan3A_315, %scan3A_316 : i32
      %scan3A_318 = arith.constant 2 : i32
      scf.for %scan3A_1317 = %scan3A_315 to %scan3A_317 step %scan3A_318  : i32 {
        %get3A_1318 = arith.index_cast %scan3A_1317 : i32 to index
        %get3A_1319 = arith.constant 0 : index
        %get3A_1320 = tpu.vector_load %arg11[%get3A_1318, %get3A_1319] {strides = array<i32>} : memref<80x128xf32, #tpu.memory_space<vmem>>, vector<16xf32>,
        %get3A_1321 = arith.index_cast %scan3A_1317 : i32 to index
        %get3A_1322 = arith.constant 16 : index
        %get3A_1323 = tpu.vector_load %arg11[%get3A_1321, %get3A_1322] {strides = array<i32>} : memref<80x128xf32, #tpu.memory_space<vmem>>, vector<16xf32>,
        %get3A_1324 = arith.index_cast %scan3A_1317 : i32 to index
        %get3A_1325 = arith.constant 32 : index
        %get3A_1326 = tpu.vector_load %arg11[%get3A_1324, %get3A_1325] {strides = array<i32>} : memref<80x128xf32, #tpu.memory_space<vmem>>, vector<16xf32>,
        %get3A_1327 = arith.index_cast %scan3A_1317 : i32 to index
        %get3A_1328 = arith.constant 48 : index
        %get3A_1329 = tpu.vector_load %arg11[%get3A_1327, %get3A_1328] {strides = array<i32>} : memref<80x128xf32, #tpu.memory_space<vmem>>, vector<16xf32>,
        %get3A_1330 = arith.index_cast %scan3A_1317 : i32 to index
        %get3A_1331 = arith.constant 0 : index
        %get3A_1332 = tpu.vector_load %arg13[%get3A_1330, %get3A_1331] {strides = array<i32>} : memref<80x128xf32, #tpu.memory_space<vmem>>, vector<16xf32>,
        %get3A_1333 = arith.index_cast %scan3A_1317 : i32 to index
        %get3A_1334 = arith.constant 16 : index
        %get3A_1335 = tpu.vector_load %arg13[%get3A_1333, %get3A_1334] {strides = array<i32>} : memref<80x128xf32, #tpu.memory_space<vmem>>, vector<16xf32>,
        %get3A_1336 = arith.index_cast %scan3A_1317 : i32 to index
        %get3A_1337 = arith.constant 32 : index
        %get3A_1338 = tpu.vector_load %arg13[%get3A_1336, %get3A_1337] {strides = array<i32>} : memref<80x128xf32, #tpu.memory_space<vmem>>, vector<16xf32>,
        %get3A_1339 = arith.index_cast %scan3A_1317 : i32 to index
        %get3A_1340 = arith.constant 48 : index
        %get3A_1341 = tpu.vector_load %arg13[%get3A_1339, %get3A_1340] {strides = array<i32>} : memref<80x128xf32, #tpu.memory_space<vmem>>, vector<16xf32>,
        %swap3A = arith.index_cast %scan3A_1317 : i32 to index
        %swap3A_1342 = arith.constant 0 : index
        %swap3A_1343 = tpu.vector_load %arg15[%swap3A, %swap3A_1342] {strides = array<i32>} : memref<80x128xf32, #tpu.memory_space<vmem>>, vector<16xf32>,
        tpu.vector_store %arg15[%swap3A, %swap3A_1342], %get3A_1320 {strides = array<i32>} : memref<80x128xf32, #tpu.memory_space<vmem>>, vector<16xf32>,
        %swap3A_1344 = arith.index_cast %scan3A_1317 : i32 to index
        %swap3A_1345 = arith.constant 16 : index
        %swap3A_1346 = tpu.vector_load %arg15[%swap3A_1344, %swap3A_1345] {strides = array<i32>} : memref<80x128xf32, #tpu.memory_space<vmem>>, vector<16xf32>,
        tpu.vector_store %arg15[%swap3A_1344, %swap3A_1345], %get3A_1323 {strides = array<i32>} : memref<80x128xf32, #tpu.memory_space<vmem>>, vector<16xf32>,
        %swap3A_1347 = arith.index_cast %scan3A_1317 : i32 to index
        %swap3A_1348 = arith.constant 32 : index
        %swap3A_1349 = tpu.vector_load %arg15[%swap3A_1347, %swap3A_1348] {strides = array<i32>} : memref<80x128xf32, #tpu.memory_space<vmem>>, vector<16xf32>,
        tpu.vector_store %arg15[%swap3A_1347, %swap3A_1348], %get3A_1326 {strides = array<i32>} : memref<80x128xf32, #tpu.memory_space<vmem>>, vector<16xf32>,
        %swap3A_1350 = arith.index_cast %scan3A_1317 : i32 to index
        %swap3A_1351 = arith.constant 48 : index
        %swap3A_1352 = tpu.vector_load %arg15[%swap3A_1350, %swap3A_1351] {strides = array<i32>} : memref<80x128xf32, #tpu.memory_space<vmem>>, vector<16xf32>,
        tpu.vector_store %arg15[%swap3A_1350, %swap3A_1351], %get3A_1329 {strides = array<i32>} : memref<80x128xf32, #tpu.memory_space<vmem>>, vector<16xf32>,
        %swap3A_1353 = arith.index_cast %scan3A_1317 : i32 to index
        %swap3A_1354 = arith.constant 64 : index
        %swap3A_1355 = tpu.vector_load %arg15[%swap3A_1353, %swap3A_1354] {strides = array<i32>} : memref<80x128xf32, #tpu.memory_space<vmem>>, vector<16xf32>,
        tpu.vector_store %arg15[%swap3A_1353, %swap3A_1354], %get3A_1332 {strides = array<i32>} : memref<80x128xf32, #tpu.memory_space<vmem>>, vector<16xf32>,
        %swap3A_1356 = arith.index_cast %scan3A_1317 : i32 to index
        %swap3A_1357 = arith.constant 80 : index
        %swap3A_1358 = tpu.vector_load %arg15[%swap3A_1356, %swap3A_1357] {strides = array<i32>} : memref<80x128xf32, #tpu.memory_space<vmem>>, vector<16xf32>,
        tpu.vector_store %arg15[%swap3A_1356, %swap3A_1357], %get3A_1335 {strides = array<i32>} : memref<80x128xf32, #tpu.memory_space<vmem>>, vector<16xf32>,
        %swap3A_1359 = arith.index_cast %scan3A_1317 : i32 to index
        %swap3A_1360 = arith.constant 96 : index
        %swap3A_1361 = tpu.vector_load %arg15[%swap3A_1359, %swap3A_1360] {strides = array<i32>} : memref<80x128xf32, #tpu.memory_space<vmem>>, vector<16xf32>,
        tpu.vector_store %arg15[%swap3A_1359, %swap3A_1360], %get3A_1338 {strides = array<i32>} : memref<80x128xf32, #tpu.memory_space<vmem>>, vector<16xf32>,
        %swap3A_1362 = arith.index_cast %scan3A_1317 : i32 to index
        %swap3A_1363 = arith.constant 112 : index
        %swap3A_1364 = tpu.vector_load %arg15[%swap3A_1362, %swap3A_1363] {strides = array<i32>} : memref<80x128xf32, #tpu.memory_space<vmem>>, vector<16xf32>,
        tpu.vector_store %arg15[%swap3A_1362, %swap3A_1363], %get3A_1341 {strides = array<i32>} : memref<80x128xf32, #tpu.memory_space<vmem>>, vector<16xf32>,
        %scan3A_1365 = arith.constant 1 : i32
        %scan3A_1366 = arith.addi %scan3A_1317, %scan3A_1365 : i32
        %get3A_1367 = arith.index_cast %scan3A_1366 : i32 to index
        %get3A_1368 = arith.constant 0 : index
        %get3A_1369 = tpu.vector_load %arg11[%get3A_1367, %get3A_1368] {strides = array<i32>} : memref<80x128xf32, #tpu.memory_space<vmem>>, vector<16xf32>,
        %get3A_1370 = arith.index_cast %scan3A_1366 : i32 to index
        %get3A_1371 = arith.constant 16 : index
        %get3A_1372 = tpu.vector_load %arg11[%get3A_1370, %get3A_1371] {strides = array<i32>} : memref<80x128xf32, #tpu.memory_space<vmem>>, vector<16xf32>,
        %get3A_1373 = arith.index_cast %scan3A_1366 : i32 to index
        %get3A_1374 = arith.constant 32 : index
        %get3A_1375 = tpu.vector_load %arg11[%get3A_1373, %get3A_1374] {strides = array<i32>} : memref<80x128xf32, #tpu.memory_space<vmem>>, vector<16xf32>,
        %get3A_1376 = arith.index_cast %scan3A_1366 : i32 to index
        %get3A_1377 = arith.constant 48 : index
        %get3A_1378 = tpu.vector_load %arg11[%get3A_1376, %get3A_1377] {strides = array<i32>} : memref<80x128xf32, #tpu.memory_space<vmem>>, vector<16xf32>,
        %get3A_1379 = arith.index_cast %scan3A_1366 : i32 to index
        %get3A_1380 = arith.constant 0 : index
        %get3A_1381 = tpu.vector_load %arg13[%get3A_1379, %get3A_1380] {strides = array<i32>} : memref<80x128xf32, #tpu.memory_space<vmem>>, vector<16xf32>,
        %get3A_1382 = arith.index_cast %scan3A_1366 : i32 to index
        %get3A_1383 = arith.constant 16 : index
        %get3A_1384 = tpu.vector_load %arg13[%get3A_1382, %get3A_1383] {strides = array<i32>} : memref<80x128xf32, #tpu.memory_space<vmem>>, vector<16xf32>,
        %get3A_1385 = arith.index_cast %scan3A_1366 : i32 to index
        %get3A_1386 = arith.constant 32 : index
        %get3A_1387 = tpu.vector_load %arg13[%get3A_1385, %get3A_1386] {strides = array<i32>} : memref<80x128xf32, #tpu.memory_space<vmem>>, vector<16xf32>,
        %get3A_1388 = arith.index_cast %scan3A_1366 : i32 to index
        %get3A_1389 = arith.constant 48 : index
        %get3A_1390 = tpu.vector_load %arg13[%get3A_1388, %get3A_1389] {strides = array<i32>} : memref<80x128xf32, #tpu.memory_space<vmem>>, vector<16xf32>,
        %swap3A_1391 = arith.index_cast %scan3A_1366 : i32 to index
        %swap3A_1392 = arith.constant 0 : index
        %swap3A_1393 = tpu.vector_load %arg15[%swap3A_1391, %swap3A_1392] {strides = array<i32>} : memref<80x128xf32, #tpu.memory_space<vmem>>, vector<16xf32>,
        tpu.vector_store %arg15[%swap3A_1391, %swap3A_1392], %get3A_1369 {strides = array<i32>} : memref<80x128xf32, #tpu.memory_space<vmem>>, vector<16xf32>,
        %swap3A_1394 = arith.index_cast %scan3A_1366 : i32 to index
        %swap3A_1395 = arith.constant 16 : index
        %swap3A_1396 = tpu.vector_load %arg15[%swap3A_1394, %swap3A_1395] {strides = array<i32>} : memref<80x128xf32, #tpu.memory_space<vmem>>, vector<16xf32>,
        tpu.vector_store %arg15[%swap3A_1394, %swap3A_1395], %get3A_1372 {strides = array<i32>} : memref<80x128xf32, #tpu.memory_space<vmem>>, vector<16xf32>,
        %swap3A_1397 = arith.index_cast %scan3A_1366 : i32 to index
        %swap3A_1398 = arith.constant 32 : index
        %swap3A_1399 = tpu.vector_load %arg15[%swap3A_1397, %swap3A_1398] {strides = array<i32>} : memref<80x128xf32, #tpu.memory_space<vmem>>, vector<16xf32>,
        tpu.vector_store %arg15[%swap3A_1397, %swap3A_1398], %get3A_1375 {strides = array<i32>} : memref<80x128xf32, #tpu.memory_space<vmem>>, vector<16xf32>,
        %swap3A_1400 = arith.index_cast %scan3A_1366 : i32 to index
        %swap3A_1401 = arith.constant 48 : index
        %swap3A_1402 = tpu.vector_load %arg15[%swap3A_1400, %swap3A_1401] {strides = array<i32>} : memref<80x128xf32, #tpu.memory_space<vmem>>, vector<16xf32>,
        tpu.vector_store %arg15[%swap3A_1400, %swap3A_1401], %get3A_1378 {strides = array<i32>} : memref<80x128xf32, #tpu.memory_space<vmem>>, vector<16xf32>,
        %swap3A_1403 = arith.index_cast %scan3A_1366 : i32 to index
        %swap3A_1404 = arith.constant 64 : index
        %swap3A_1405 = tpu.vector_load %arg15[%swap3A_1403, %swap3A_1404] {strides = array<i32>} : memref<80x128xf32, #tpu.memory_space<vmem>>, vector<16xf32>,
        tpu.vector_store %arg15[%swap3A_1403, %swap3A_1404], %get3A_1381 {strides = array<i32>} : memref<80x128xf32, #tpu.memory_space<vmem>>, vector<16xf32>,
        %swap3A_1406 = arith.index_cast %scan3A_1366 : i32 to index
        %swap3A_1407 = arith.constant 80 : index
        %swap3A_1408 = tpu.vector_load %arg15[%swap3A_1406, %swap3A_1407] {strides = array<i32>} : memref<80x128xf32, #tpu.memory_space<vmem>>, vector<16xf32>,
        tpu.vector_store %arg15[%swap3A_1406, %swap3A_1407], %get3A_1384 {strides = array<i32>} : memref<80x128xf32, #tpu.memory_space<vmem>>, vector<16xf32>,
        %swap3A_1409 = arith.index_cast %scan3A_1366 : i32 to index
        %swap3A_1410 = arith.constant 96 : index
        %swap3A_1411 = tpu.vector_load %arg15[%swap3A_1409, %swap3A_1410] {strides = array<i32>} : memref<80x128xf32, #tpu.memory_space<vmem>>, vector<16xf32>,
        tpu.vector_store %arg15[%swap3A_1409, %swap3A_1410], %get3A_1387 {strides = array<i32>} : memref<80x128xf32, #tpu.memory_space<vmem>>, vector<16xf32>,
        %swap3A_1412 = arith.index_cast %scan3A_1366 : i32 to index
        %swap3A_1413 = arith.constant 112 : index
        %swap3A_1414 = tpu.vector_load %arg15[%swap3A_1412, %swap3A_1413] {strides = array<i32>} : memref<80x128xf32, #tpu.memory_space<vmem>>, vector<16xf32>,
        tpu.vector_store %arg15[%swap3A_1412, %swap3A_1413], %get3A_1390 {strides = array<i32>} : memref<80x128xf32, #tpu.memory_space<vmem>>, vector<16xf32>,
      }
      %scan3A_319 = arith.constant 80 : i32
      %mul3A_320 = arith.constant 0 : i32
      %mul3A_321 = vector.broadcast %mul3A_320 : i32 to vector<16xi32>
      %mul3A_322 = arith.muli %iota3A, %mul3A_321 : vector<16xi32>
      %add3A_323 = arith.constant 0 : i32
      %add3A_324 = vector.broadcast %add3A_323 : i32 to vector<16xi32>
      %add3A_325 = arith.addi %iota3A, %add3A_324 : vector<16xi32>
      %get3A_326 = arith.constant 160 : index
      %get3A_327 = tpu.vector_load %arg10[%get3A_326] {strides = array<i32>} : memref<800xf32, #tpu.memory_space<vmem>>, vector<16xf32>,
      tpu.vector_store_idx %arg17[%add3A_325, %mul3A_322], %get3A_327 : memref<80x1xf32, #tpu.memory_space<vmem>>[vector<16xi32>, vector<16xi32>], vector<16xf32>,
      %add3A_328 = arith.constant 16 : i32
      %add3A_329 = vector.broadcast %add3A_328 : i32 to vector<16xi32>
      %add3A_330 = arith.addi %iota3A, %add3A_329 : vector<16xi32>
      %get3A_331 = arith.constant 176 : index
      %get3A_332 = tpu.vector_load %arg10[%get3A_331] {strides = array<i32>} : memref<800xf32, #tpu.memory_space<vmem>>, vector<16xf32>,
      tpu.vector_store_idx %arg17[%add3A_330, %mul3A_322], %get3A_332 : memref<80x1xf32, #tpu.memory_space<vmem>>[vector<16xi32>, vector<16xi32>], vector<16xf32>,
      %add3A_333 = arith.constant 32 : i32
      %add3A_334 = vector.broadcast %add3A_333 : i32 to vector<16xi32>
      %add3A_335 = arith.addi %iota3A, %add3A_334 : vector<16xi32>
      %get3A_336 = arith.constant 192 : index
      %get3A_337 = tpu.vector_load %arg10[%get3A_336] {strides = array<i32>} : memref<800xf32, #tpu.memory_space<vmem>>, vector<16xf32>,
      tpu.vector_store_idx %arg17[%add3A_335, %mul3A_322], %get3A_337 : memref<80x1xf32, #tpu.memory_space<vmem>>[vector<16xi32>, vector<16xi32>], vector<16xf32>,
      %add3A_338 = arith.constant 48 : i32
      %add3A_339 = vector.broadcast %add3A_338 : i32 to vector<16xi32>
      %add3A_340 = arith.addi %iota3A, %add3A_339 : vector<16xi32>
      %get3A_341 = arith.constant 208 : index
      %get3A_342 = tpu.vector_load %arg10[%get3A_341] {strides = array<i32>} : memref<800xf32, #tpu.memory_space<vmem>>, vector<16xf32>,
      tpu.vector_store_idx %arg17[%add3A_340, %mul3A_322], %get3A_342 : memref<80x1xf32, #tpu.memory_space<vmem>>[vector<16xi32>, vector<16xi32>], vector<16xf32>,
      %add3A_343 = arith.constant 64 : i32
      %add3A_344 = vector.broadcast %add3A_343 : i32 to vector<16xi32>
      %add3A_345 = arith.addi %iota3A, %add3A_344 : vector<16xi32>
      %get3A_346 = arith.constant 224 : index
      %get3A_347 = tpu.vector_load %arg10[%get3A_346] {strides = array<i32>} : memref<800xf32, #tpu.memory_space<vmem>>, vector<16xf32>,
      tpu.vector_store_idx %arg17[%add3A_345, %mul3A_322], %get3A_347 : memref<80x1xf32, #tpu.memory_space<vmem>>[vector<16xi32>, vector<16xi32>], vector<16xf32>,
      %add3A_348 = arith.constant 0 : i32
      %add3A_349 = arith.addi %add3A_75, %add3A_348 : i32
      %add3A_350 = arith.constant 0 : i32
      %add3A_351 = arith.addi %add3A_75, %add3A_350 : i32
      %add3A_352 = arith.constant 1 : i32
      %add3A_353 = arith.addi %add3A_75, %add3A_352 : i32
      %add3A_354 = arith.constant 1 : i32
      %add3A_355 = arith.addi %add3A_75, %add3A_354 : i32
      %dma_start3A_356 = arith.constant 0 : i32
      %dma_start3A_357 = arith.constant 0 : i32
      %dma_start3A_358 = tpu.memref_slice %arg15[%dma_start3A_356, %dma_start3A_357] : memref<80x128xf32, #tpu.memory_space<vmem>> -> memref<40x128xf32, #tpu.memory_space<vmem>>
      %dma_start3A_359 = arith.constant 160 : i32
      %dma_start3A_360 = arith.constant 0 : i32
      %dma_start3A_361 = tpu.memref_slice %arg7[%add3A_349, %dma_start3A_359, %dma_start3A_360] : memref<4096x200x129xf32, #tpu.memory_space<hbm>> -> memref<1x40x128xf32, #tpu.memory_space<hbm>>
      %dma_start3A_362 = tpu.memref_squeeze %dma_start3A_361 : memref<1x40x128xf32, #tpu.memory_space<hbm>> -> memref<40x128xf32, #tpu.memory_space<hbm>>
      %dma_start3A_363 = arith.constant 160 : i32
      %dma_start3A_364 = arith.constant 0 : i32
      %dma_start3A_365 = tpu.memref_slice %arg7[%add3A_349, %dma_start3A_363, %dma_start3A_364] : memref<4096x200x129xf32, #tpu.memory_space<hbm>> -> memref<1x40x128xf32, #tpu.memory_space<hbm>>
      %dma_start3A_366 = tpu.memref_squeeze %dma_start3A_365 : memref<1x40x128xf32, #tpu.memory_space<hbm>> -> memref<40x128xf32, #tpu.memory_space<hbm>>
      %dma_start3A_367 = arith.constant 0 : i32
      %dma_start3A_368 = arith.constant 0 : i32
      %dma_start3A_369 = tpu.memref_slice %arg15[%dma_start3A_367, %dma_start3A_368] : memref<80x128xf32, #tpu.memory_space<vmem>> -> memref<40x128xf32, #tpu.memory_space<vmem>>
      tpu.enqueue_dma source(%dma_start3A_369 : memref<40x128xf32, #tpu.memory_space<vmem>>) target(%dma_start3A_366 : memref<40x128xf32, #tpu.memory_space<hbm>>) target_semaphore(%arg21 : memref<!tpu.dma_semaphore, #tpu.memory_space<semaphore_mem>>)
      %dma_start3A_370 = arith.constant 0 : i32
      %dma_start3A_371 = arith.constant 0 : i32
      %dma_start3A_372 = tpu.memref_slice %arg17[%dma_start3A_370, %dma_start3A_371] : memref<80x1xf32, #tpu.memory_space<vmem>> -> memref<40x1xf32, #tpu.memory_space<vmem>>
      %dma_start3A_373 = arith.constant 160 : i32
      %dma_start3A_374 = arith.constant 128 : i32
      %dma_start3A_375 = tpu.memref_slice %arg7[%add3A_351, %dma_start3A_373, %dma_start3A_374] : memref<4096x200x129xf32, #tpu.memory_space<hbm>> -> memref<1x40x1xf32, #tpu.memory_space<hbm>>
      %dma_start3A_376 = tpu.memref_squeeze %dma_start3A_375 : memref<1x40x1xf32, #tpu.memory_space<hbm>> -> memref<40x1xf32, #tpu.memory_space<hbm>>
      %dma_start3A_377 = arith.constant 160 : i32
      %dma_start3A_378 = arith.constant 128 : i32
      %dma_start3A_379 = tpu.memref_slice %arg7[%add3A_351, %dma_start3A_377, %dma_start3A_378] : memref<4096x200x129xf32, #tpu.memory_space<hbm>> -> memref<1x40x1xf32, #tpu.memory_space<hbm>>
      %dma_start3A_380 = tpu.memref_squeeze %dma_start3A_379 : memref<1x40x1xf32, #tpu.memory_space<hbm>> -> memref<40x1xf32, #tpu.memory_space<hbm>>
      %dma_start3A_381 = arith.constant 0 : i32
      %dma_start3A_382 = arith.constant 0 : i32
      %dma_start3A_383 = tpu.memref_slice %arg17[%dma_start3A_381, %dma_start3A_382] : memref<80x1xf32, #tpu.memory_space<vmem>> -> memref<40x1xf32, #tpu.memory_space<vmem>>
      tpu.enqueue_dma source(%dma_start3A_383 : memref<40x1xf32, #tpu.memory_space<vmem>>) target(%dma_start3A_380 : memref<40x1xf32, #tpu.memory_space<hbm>>) target_semaphore(%arg21 : memref<!tpu.dma_semaphore, #tpu.memory_space<semaphore_mem>>)
      %dma_start3A_384 = arith.constant 40 : i32
      %dma_start3A_385 = arith.constant 0 : i32
      %dma_start3A_386 = tpu.memref_slice %arg15[%dma_start3A_384, %dma_start3A_385] : memref<80x128xf32, #tpu.memory_space<vmem>> -> memref<40x128xf32, #tpu.memory_space<vmem>>
      %dma_start3A_387 = arith.constant 0 : i32
      %dma_start3A_388 = arith.constant 0 : i32
      %dma_start3A_389 = tpu.memref_slice %arg7[%add3A_353, %dma_start3A_387, %dma_start3A_388] : memref<4096x200x129xf32, #tpu.memory_space<hbm>> -> memref<1x40x128xf32, #tpu.memory_space<hbm>>
      %dma_start3A_390 = tpu.memref_squeeze %dma_start3A_389 : memref<1x40x128xf32, #tpu.memory_space<hbm>> -> memref<40x128xf32, #tpu.memory_space<hbm>>
      %dma_start3A_391 = arith.constant 0 : i32
      %dma_start3A_392 = arith.constant 0 : i32
      %dma_start3A_393 = tpu.memref_slice %arg7[%add3A_353, %dma_start3A_391, %dma_start3A_392] : memref<4096x200x129xf32, #tpu.memory_space<hbm>> -> memref<1x40x128xf32, #tpu.memory_space<hbm>>
      %dma_start3A_394 = tpu.memref_squeeze %dma_start3A_393 : memref<1x40x128xf32, #tpu.memory_space<hbm>> -> memref<40x128xf32, #tpu.memory_space<hbm>>
      %dma_start3A_395 = arith.constant 40 : i32
      %dma_start3A_396 = arith.constant 0 : i32
      %dma_start3A_397 = tpu.memref_slice %arg15[%dma_start3A_395, %dma_start3A_396] : memref<80x128xf32, #tpu.memory_space<vmem>> -> memref<40x128xf32, #tpu.memory_space<vmem>>
      tpu.enqueue_dma source(%dma_start3A_397 : memref<40x128xf32, #tpu.memory_space<vmem>>) target(%dma_start3A_394 : memref<40x128xf32, #tpu.memory_space<hbm>>) target_semaphore(%arg21 : memref<!tpu.dma_semaphore, #tpu.memory_space<semaphore_mem>>)
      %dma_start3A_398 = arith.constant 40 : i32
      %dma_start3A_399 = arith.constant 0 : i32
      %dma_start3A_400 = tpu.memref_slice %arg17[%dma_start3A_398, %dma_start3A_399] : memref<80x1xf32, #tpu.memory_space<vmem>> -> memref<40x1xf32, #tpu.memory_space<vmem>>
      %dma_start3A_401 = arith.constant 0 : i32
      %dma_start3A_402 = arith.constant 128 : i32
      %dma_start3A_403 = tpu.memref_slice %arg7[%add3A_355, %dma_start3A_401, %dma_start3A_402] : memref<4096x200x129xf32, #tpu.memory_space<hbm>> -> memref<1x40x1xf32, #tpu.memory_space<hbm>>
      %dma_start3A_404 = tpu.memref_squeeze %dma_start3A_403 : memref<1x40x1xf32, #tpu.memory_space<hbm>> -> memref<40x1xf32, #tpu.memory_space<hbm>>
      %dma_start3A_405 = arith.constant 0 : i32
      %dma_start3A_406 = arith.constant 128 : i32
      %dma_start3A_407 = tpu.memref_slice %arg7[%add3A_355, %dma_start3A_405, %dma_start3A_406] : memref<4096x200x129xf32, #tpu.memory_space<hbm>> -> memref<1x40x1xf32, #tpu.memory_space<hbm>>
      %dma_start3A_408 = tpu.memref_squeeze %dma_start3A_407 : memref<1x40x1xf32, #tpu.memory_space<hbm>> -> memref<40x1xf32, #tpu.memory_space<hbm>>
      %dma_start3A_409 = arith.constant 40 : i32
      %dma_start3A_410 = arith.constant 0 : i32
      %dma_start3A_411 = tpu.memref_slice %arg17[%dma_start3A_409, %dma_start3A_410] : memref<80x1xf32, #tpu.memory_space<vmem>> -> memref<40x1xf32, #tpu.memory_space<vmem>>
      tpu.enqueue_dma source(%dma_start3A_411 : memref<40x1xf32, #tpu.memory_space<vmem>>) target(%dma_start3A_408 : memref<40x1xf32, #tpu.memory_space<hbm>>) target_semaphore(%arg21 : memref<!tpu.dma_semaphore, #tpu.memory_space<semaphore_mem>>)
      %dma_start3A_412 = arith.constant 320 : i32
      %dma_start3A_413 = tpu.memref_slice %arg8[%dma_start3A_412] : memref<800xi32, #tpu.memory_space<vmem>> -> memref<80xi32, #tpu.memory_space<vmem>>
      %dma_start3A_414 = arith.constant 0 : i32
      %dma_start3A_415 = arith.constant 0 : i32
      %dma_start3A_416 = tpu.memref_slice %arg5[%dma_start3A_414, %dma_start3A_415] : memref<1000x128xf32, #tpu.memory_space<hbm>> -> memref<1000x128xf32, #tpu.memory_space<hbm>>
      tpu.enqueue_indirect_dma source(%dma_start3A_416 : memref<1000x128xf32, #tpu.memory_space<hbm>>) target(%arg11 : memref<80x128xf32, #tpu.memory_space<vmem>>) offsets(%dma_start3A_413 : memref<80xi32, #tpu.memory_space<vmem>>) semaphore(%arg19 : memref<!tpu.dma_semaphore, #tpu.memory_space<semaphore_mem>>)
      %dma_start3A_417 = arith.constant 320 : i32
      %dma_start3A_418 = tpu.memref_slice %arg9[%dma_start3A_417] : memref<800xi32, #tpu.memory_space<vmem>> -> memref<80xi32, #tpu.memory_space<vmem>>
      %dma_start3A_419 = arith.constant 0 : i32
      %dma_start3A_420 = arith.constant 0 : i32
      %dma_start3A_421 = tpu.memref_slice %arg6[%dma_start3A_419, %dma_start3A_420] : memref<1000x128xf32, #tpu.memory_space<hbm>> -> memref<1000x128xf32, #tpu.memory_space<hbm>>
      tpu.enqueue_indirect_dma source(%dma_start3A_421 : memref<1000x128xf32, #tpu.memory_space<hbm>>) target(%arg13 : memref<80x128xf32, #tpu.memory_space<vmem>>) offsets(%dma_start3A_418 : memref<80xi32, #tpu.memory_space<vmem>>) semaphore(%arg20 : memref<!tpu.dma_semaphore, #tpu.memory_space<semaphore_mem>>)
      %add3A_422 = arith.constant 0 : i32
      %add3A_423 = arith.addi %add3A_75, %add3A_422 : i32
      %add3A_424 = arith.constant 0 : i32
      %add3A_425 = arith.addi %add3A_75, %add3A_424 : i32
      %dma_wait3A_426 = arith.constant 0 : i32
      %dma_wait3A_427 = arith.constant 0 : i32
      %dma_wait3A_428 = tpu.memref_slice %arg16[%dma_wait3A_426, %dma_wait3A_427] : memref<80x128xf32, #tpu.memory_space<vmem>> -> memref<80x128xf32, #tpu.memory_space<vmem>>
      %dma_wait3A_429 = arith.constant 80 : i32
      %dma_wait3A_430 = arith.constant 0 : i32
      %dma_wait3A_431 = tpu.memref_slice %arg7[%add3A_423, %dma_wait3A_429, %dma_wait3A_430] : memref<4096x200x129xf32, #tpu.memory_space<hbm>> -> memref<1x80x128xf32, #tpu.memory_space<hbm>>
      %dma_wait3A_432 = tpu.memref_squeeze %dma_wait3A_431 : memref<1x80x128xf32, #tpu.memory_space<hbm>> -> memref<80x128xf32, #tpu.memory_space<hbm>>
      %dma_wait3A_433 = arith.constant 80 : i32
      %dma_wait3A_434 = arith.constant 0 : i32
      %dma_wait3A_435 = tpu.memref_slice %arg7[%add3A_423, %dma_wait3A_433, %dma_wait3A_434] : memref<4096x200x129xf32, #tpu.memory_space<hbm>> -> memref<1x80x128xf32, #tpu.memory_space<hbm>>
      %dma_wait3A_436 = tpu.memref_squeeze %dma_wait3A_435 : memref<1x80x128xf32, #tpu.memory_space<hbm>> -> memref<80x128xf32, #tpu.memory_space<hbm>>
      %dma_wait3A_437 = arith.constant 0 : i32
      %dma_wait3A_438 = arith.constant 0 : i32
      %dma_wait3A_439 = tpu.memref_slice %arg16[%dma_wait3A_437, %dma_wait3A_438] : memref<80x128xf32, #tpu.memory_space<vmem>> -> memref<80x128xf32, #tpu.memory_space<vmem>>
      tpu.wait_dma2 semaphore(%arg21 : memref<!tpu.dma_semaphore, #tpu.memory_space<semaphore_mem>>) src(%dma_wait3A_439 : memref<80x128xf32, #tpu.memory_space<vmem>>) dst(%dma_wait3A_436 : memref<80x128xf32, #tpu.memory_space<hbm>>)
      %dma_wait3A_440 = arith.constant 0 : i32
      %dma_wait3A_441 = arith.constant 0 : i32
      %dma_wait3A_442 = tpu.memref_slice %arg18[%dma_wait3A_440, %dma_wait3A_441] : memref<80x1xf32, #tpu.memory_space<vmem>> -> memref<80x1xf32, #tpu.memory_space<vmem>>
      %dma_wait3A_443 = arith.constant 80 : i32
      %dma_wait3A_444 = arith.constant 128 : i32
      %dma_wait3A_445 = tpu.memref_slice %arg7[%add3A_425, %dma_wait3A_443, %dma_wait3A_444] : memref<4096x200x129xf32, #tpu.memory_space<hbm>> -> memref<1x80x1xf32, #tpu.memory_space<hbm>>
      %dma_wait3A_446 = tpu.memref_squeeze %dma_wait3A_445 : memref<1x80x1xf32, #tpu.memory_space<hbm>> -> memref<80x1xf32, #tpu.memory_space<hbm>>
      %dma_wait3A_447 = arith.constant 80 : i32
      %dma_wait3A_448 = arith.constant 128 : i32
      %dma_wait3A_449 = tpu.memref_slice %arg7[%add3A_425, %dma_wait3A_447, %dma_wait3A_448] : memref<4096x200x129xf32, #tpu.memory_space<hbm>> -> memref<1x80x1xf32, #tpu.memory_space<hbm>>
      %dma_wait3A_450 = tpu.memref_squeeze %dma_wait3A_449 : memref<1x80x1xf32, #tpu.memory_space<hbm>> -> memref<80x1xf32, #tpu.memory_space<hbm>>
      %dma_wait3A_451 = arith.constant 0 : i32
      %dma_wait3A_452 = arith.constant 0 : i32
      %dma_wait3A_453 = tpu.memref_slice %arg18[%dma_wait3A_451, %dma_wait3A_452] : memref<80x1xf32, #tpu.memory_space<vmem>> -> memref<80x1xf32, #tpu.memory_space<vmem>>
      tpu.wait_dma2 semaphore(%arg21 : memref<!tpu.dma_semaphore, #tpu.memory_space<semaphore_mem>>) src(%dma_wait3A_453 : memref<80x1xf32, #tpu.memory_space<vmem>>) dst(%dma_wait3A_450 : memref<80x1xf32, #tpu.memory_space<hbm>>)
      %dma_wait3A_454 = arith.constant 240 : i32
      %dma_wait3A_455 = tpu.memref_slice %arg8[%dma_wait3A_454] : memref<800xi32, #tpu.memory_space<vmem>> -> memref<80xi32, #tpu.memory_space<vmem>>
      %dma_wait3A_456 = arith.constant 0 : i32
      %dma_wait3A_457 = arith.constant 0 : i32
      %dma_wait3A_458 = tpu.memref_slice %arg5[%dma_wait3A_456, %dma_wait3A_457] : memref<1000x128xf32, #tpu.memory_space<hbm>> -> memref<1000x128xf32, #tpu.memory_space<hbm>>
      tpu.wait_indirect_dma semaphore(%arg19 : memref<!tpu.dma_semaphore, #tpu.memory_space<semaphore_mem>>) src(%dma_wait3A_458 : memref<1000x128xf32, #tpu.memory_space<hbm>>) dst(%arg12 : memref<80x128xf32, #tpu.memory_space<vmem>>)
      %dma_wait3A_459 = arith.constant 240 : i32
      %dma_wait3A_460 = tpu.memref_slice %arg9[%dma_wait3A_459] : memref<800xi32, #tpu.memory_space<vmem>> -> memref<80xi32, #tpu.memory_space<vmem>>
      %dma_wait3A_461 = arith.constant 0 : i32
      %dma_wait3A_462 = arith.constant 0 : i32
      %dma_wait3A_463 = tpu.memref_slice %arg6[%dma_wait3A_461, %dma_wait3A_462] : memref<1000x128xf32, #tpu.memory_space<hbm>> -> memref<1000x128xf32, #tpu.memory_space<hbm>>
      tpu.wait_indirect_dma semaphore(%arg20 : memref<!tpu.dma_semaphore, #tpu.memory_space<semaphore_mem>>) src(%dma_wait3A_463 : memref<1000x128xf32, #tpu.memory_space<hbm>>) dst(%arg14 : memref<80x128xf32, #tpu.memory_space<vmem>>)
      %scan3A_464 = arith.constant 0 : i32
      %scan3A_465 = arith.constant 80 : i32
      %scan3A_466 = arith.addi %scan3A_464, %scan3A_465 : i32
      %scan3A_467 = arith.constant 2 : i32
      scf.for %scan3A_1317 = %scan3A_464 to %scan3A_466 step %scan3A_467  : i32 {
        %get3A_1318 = arith.index_cast %scan3A_1317 : i32 to index
        %get3A_1319 = arith.constant 0 : index
        %get3A_1320 = tpu.vector_load %arg12[%get3A_1318, %get3A_1319] {strides = array<i32>} : memref<80x128xf32, #tpu.memory_space<vmem>>, vector<16xf32>,
        %get3A_1321 = arith.index_cast %scan3A_1317 : i32 to index
        %get3A_1322 = arith.constant 16 : index
        %get3A_1323 = tpu.vector_load %arg12[%get3A_1321, %get3A_1322] {strides = array<i32>} : memref<80x128xf32, #tpu.memory_space<vmem>>, vector<16xf32>,
        %get3A_1324 = arith.index_cast %scan3A_1317 : i32 to index
        %get3A_1325 = arith.constant 32 : index
        %get3A_1326 = tpu.vector_load %arg12[%get3A_1324, %get3A_1325] {strides = array<i32>} : memref<80x128xf32, #tpu.memory_space<vmem>>, vector<16xf32>,
        %get3A_1327 = arith.index_cast %scan3A_1317 : i32 to index
        %get3A_1328 = arith.constant 48 : index
        %get3A_1329 = tpu.vector_load %arg12[%get3A_1327, %get3A_1328] {strides = array<i32>} : memref<80x128xf32, #tpu.memory_space<vmem>>, vector<16xf32>,
        %get3A_1330 = arith.index_cast %scan3A_1317 : i32 to index
        %get3A_1331 = arith.constant 0 : index
        %get3A_1332 = tpu.vector_load %arg14[%get3A_1330, %get3A_1331] {strides = array<i32>} : memref<80x128xf32, #tpu.memory_space<vmem>>, vector<16xf32>,
        %get3A_1333 = arith.index_cast %scan3A_1317 : i32 to index
        %get3A_1334 = arith.constant 16 : index
        %get3A_1335 = tpu.vector_load %arg14[%get3A_1333, %get3A_1334] {strides = array<i32>} : memref<80x128xf32, #tpu.memory_space<vmem>>, vector<16xf32>,
        %get3A_1336 = arith.index_cast %scan3A_1317 : i32 to index
        %get3A_1337 = arith.constant 32 : index
        %get3A_1338 = tpu.vector_load %arg14[%get3A_1336, %get3A_1337] {strides = array<i32>} : memref<80x128xf32, #tpu.memory_space<vmem>>, vector<16xf32>,
        %get3A_1339 = arith.index_cast %scan3A_1317 : i32 to index
        %get3A_1340 = arith.constant 48 : index
        %get3A_1341 = tpu.vector_load %arg14[%get3A_1339, %get3A_1340] {strides = array<i32>} : memref<80x128xf32, #tpu.memory_space<vmem>>, vector<16xf32>,
        %swap3A = arith.index_cast %scan3A_1317 : i32 to index
        %swap3A_1342 = arith.constant 0 : index
        %swap3A_1343 = tpu.vector_load %arg16[%swap3A, %swap3A_1342] {strides = array<i32>} : memref<80x128xf32, #tpu.memory_space<vmem>>, vector<16xf32>,
        tpu.vector_store %arg16[%swap3A, %swap3A_1342], %get3A_1320 {strides = array<i32>} : memref<80x128xf32, #tpu.memory_space<vmem>>, vector<16xf32>,
        %swap3A_1344 = arith.index_cast %scan3A_1317 : i32 to index
        %swap3A_1345 = arith.constant 16 : index
        %swap3A_1346 = tpu.vector_load %arg16[%swap3A_1344, %swap3A_1345] {strides = array<i32>} : memref<80x128xf32, #tpu.memory_space<vmem>>, vector<16xf32>,
        tpu.vector_store %arg16[%swap3A_1344, %swap3A_1345], %get3A_1323 {strides = array<i32>} : memref<80x128xf32, #tpu.memory_space<vmem>>, vector<16xf32>,
        %swap3A_1347 = arith.index_cast %scan3A_1317 : i32 to index
        %swap3A_1348 = arith.constant 32 : index
        %swap3A_1349 = tpu.vector_load %arg16[%swap3A_1347, %swap3A_1348] {strides = array<i32>} : memref<80x128xf32, #tpu.memory_space<vmem>>, vector<16xf32>,
        tpu.vector_store %arg16[%swap3A_1347, %swap3A_1348], %get3A_1326 {strides = array<i32>} : memref<80x128xf32, #tpu.memory_space<vmem>>, vector<16xf32>,
        %swap3A_1350 = arith.index_cast %scan3A_1317 : i32 to index
        %swap3A_1351 = arith.constant 48 : index
        %swap3A_1352 = tpu.vector_load %arg16[%swap3A_1350, %swap3A_1351] {strides = array<i32>} : memref<80x128xf32, #tpu.memory_space<vmem>>, vector<16xf32>,
        tpu.vector_store %arg16[%swap3A_1350, %swap3A_1351], %get3A_1329 {strides = array<i32>} : memref<80x128xf32, #tpu.memory_space<vmem>>, vector<16xf32>,
        %swap3A_1353 = arith.index_cast %scan3A_1317 : i32 to index
        %swap3A_1354 = arith.constant 64 : index
        %swap3A_1355 = tpu.vector_load %arg16[%swap3A_1353, %swap3A_1354] {strides = array<i32>} : memref<80x128xf32, #tpu.memory_space<vmem>>, vector<16xf32>,
        tpu.vector_store %arg16[%swap3A_1353, %swap3A_1354], %get3A_1332 {strides = array<i32>} : memref<80x128xf32, #tpu.memory_space<vmem>>, vector<16xf32>,
        %swap3A_1356 = arith.index_cast %scan3A_1317 : i32 to index
        %swap3A_1357 = arith.constant 80 : index
        %swap3A_1358 = tpu.vector_load %arg16[%swap3A_1356, %swap3A_1357] {strides = array<i32>} : memref<80x128xf32, #tpu.memory_space<vmem>>, vector<16xf32>,
        tpu.vector_store %arg16[%swap3A_1356, %swap3A_1357], %get3A_1335 {strides = array<i32>} : memref<80x128xf32, #tpu.memory_space<vmem>>, vector<16xf32>,
        %swap3A_1359 = arith.index_cast %scan3A_1317 : i32 to index
        %swap3A_1360 = arith.constant 96 : index
        %swap3A_1361 = tpu.vector_load %arg16[%swap3A_1359, %swap3A_1360] {strides = array<i32>} : memref<80x128xf32, #tpu.memory_space<vmem>>, vector<16xf32>,
        tpu.vector_store %arg16[%swap3A_1359, %swap3A_1360], %get3A_1338 {strides = array<i32>} : memref<80x128xf32, #tpu.memory_space<vmem>>, vector<16xf32>,
        %swap3A_1362 = arith.index_cast %scan3A_1317 : i32 to index
        %swap3A_1363 = arith.constant 112 : index
        %swap3A_1364 = tpu.vector_load %arg16[%swap3A_1362, %swap3A_1363] {strides = array<i32>} : memref<80x128xf32, #tpu.memory_space<vmem>>, vector<16xf32>,
        tpu.vector_store %arg16[%swap3A_1362, %swap3A_1363], %get3A_1341 {strides = array<i32>} : memref<80x128xf32, #tpu.memory_space<vmem>>, vector<16xf32>,
        %scan3A_1365 = arith.constant 1 : i32
        %scan3A_1366 = arith.addi %scan3A_1317, %scan3A_1365 : i32
        %get3A_1367 = arith.index_cast %scan3A_1366 : i32 to index
        %get3A_1368 = arith.constant 0 : index
        %get3A_1369 = tpu.vector_load %arg12[%get3A_1367, %get3A_1368] {strides = array<i32>} : memref<80x128xf32, #tpu.memory_space<vmem>>, vector<16xf32>,
        %get3A_1370 = arith.index_cast %scan3A_1366 : i32 to index
        %get3A_1371 = arith.constant 16 : index
        %get3A_1372 = tpu.vector_load %arg12[%get3A_1370, %get3A_1371] {strides = array<i32>} : memref<80x128xf32, #tpu.memory_space<vmem>>, vector<16xf32>,
        %get3A_1373 = arith.index_cast %scan3A_1366 : i32 to index
        %get3A_1374 = arith.constant 32 : index
        %get3A_1375 = tpu.vector_load %arg12[%get3A_1373, %get3A_1374] {strides = array<i32>} : memref<80x128xf32, #tpu.memory_space<vmem>>, vector<16xf32>,
        %get3A_1376 = arith.index_cast %scan3A_1366 : i32 to index
        %get3A_1377 = arith.constant 48 : index
        %get3A_1378 = tpu.vector_load %arg12[%get3A_1376, %get3A_1377] {strides = array<i32>} : memref<80x128xf32, #tpu.memory_space<vmem>>, vector<16xf32>,
        %get3A_1379 = arith.index_cast %scan3A_1366 : i32 to index
        %get3A_1380 = arith.constant 0 : index
        %get3A_1381 = tpu.vector_load %arg14[%get3A_1379, %get3A_1380] {strides = array<i32>} : memref<80x128xf32, #tpu.memory_space<vmem>>, vector<16xf32>,
        %get3A_1382 = arith.index_cast %scan3A_1366 : i32 to index
        %get3A_1383 = arith.constant 16 : index
        %get3A_1384 = tpu.vector_load %arg14[%get3A_1382, %get3A_1383] {strides = array<i32>} : memref<80x128xf32, #tpu.memory_space<vmem>>, vector<16xf32>,
        %get3A_1385 = arith.index_cast %scan3A_1366 : i32 to index
        %get3A_1386 = arith.constant 32 : index
        %get3A_1387 = tpu.vector_load %arg14[%get3A_1385, %get3A_1386] {strides = array<i32>} : memref<80x128xf32, #tpu.memory_space<vmem>>, vector<16xf32>,
        %get3A_1388 = arith.index_cast %scan3A_1366 : i32 to index
        %get3A_1389 = arith.constant 48 : index
        %get3A_1390 = tpu.vector_load %arg14[%get3A_1388, %get3A_1389] {strides = array<i32>} : memref<80x128xf32, #tpu.memory_space<vmem>>, vector<16xf32>,
        %swap3A_1391 = arith.index_cast %scan3A_1366 : i32 to index
        %swap3A_1392 = arith.constant 0 : index
        %swap3A_1393 = tpu.vector_load %arg16[%swap3A_1391, %swap3A_1392] {strides = array<i32>} : memref<80x128xf32, #tpu.memory_space<vmem>>, vector<16xf32>,
        tpu.vector_store %arg16[%swap3A_1391, %swap3A_1392], %get3A_1369 {strides = array<i32>} : memref<80x128xf32, #tpu.memory_space<vmem>>, vector<16xf32>,
        %swap3A_1394 = arith.index_cast %scan3A_1366 : i32 to index
        %swap3A_1395 = arith.constant 16 : index
        %swap3A_1396 = tpu.vector_load %arg16[%swap3A_1394, %swap3A_1395] {strides = array<i32>} : memref<80x128xf32, #tpu.memory_space<vmem>>, vector<16xf32>,
        tpu.vector_store %arg16[%swap3A_1394, %swap3A_1395], %get3A_1372 {strides = array<i32>} : memref<80x128xf32, #tpu.memory_space<vmem>>, vector<16xf32>,
        %swap3A_1397 = arith.index_cast %scan3A_1366 : i32 to index
        %swap3A_1398 = arith.constant 32 : index
        %swap3A_1399 = tpu.vector_load %arg16[%swap3A_1397, %swap3A_1398] {strides = array<i32>} : memref<80x128xf32, #tpu.memory_space<vmem>>, vector<16xf32>,
        tpu.vector_store %arg16[%swap3A_1397, %swap3A_1398], %get3A_1375 {strides = array<i32>} : memref<80x128xf32, #tpu.memory_space<vmem>>, vector<16xf32>,
        %swap3A_1400 = arith.index_cast %scan3A_1366 : i32 to index
        %swap3A_1401 = arith.constant 48 : index
        %swap3A_1402 = tpu.vector_load %arg16[%swap3A_1400, %swap3A_1401] {strides = array<i32>} : memref<80x128xf32, #tpu.memory_space<vmem>>, vector<16xf32>,
        tpu.vector_store %arg16[%swap3A_1400, %swap3A_1401], %get3A_1378 {strides = array<i32>} : memref<80x128xf32, #tpu.memory_space<vmem>>, vector<16xf32>,
        %swap3A_1403 = arith.index_cast %scan3A_1366 : i32 to index
        %swap3A_1404 = arith.constant 64 : index
        %swap3A_1405 = tpu.vector_load %arg16[%swap3A_1403, %swap3A_1404] {strides = array<i32>} : memref<80x128xf32, #tpu.memory_space<vmem>>, vector<16xf32>,
        tpu.vector_store %arg16[%swap3A_1403, %swap3A_1404], %get3A_1381 {strides = array<i32>} : memref<80x128xf32, #tpu.memory_space<vmem>>, vector<16xf32>,
        %swap3A_1406 = arith.index_cast %scan3A_1366 : i32 to index
        %swap3A_1407 = arith.constant 80 : index
        %swap3A_1408 = tpu.vector_load %arg16[%swap3A_1406, %swap3A_1407] {strides = array<i32>} : memref<80x128xf32, #tpu.memory_space<vmem>>, vector<16xf32>,
        tpu.vector_store %arg16[%swap3A_1406, %swap3A_1407], %get3A_1384 {strides = array<i32>} : memref<80x128xf32, #tpu.memory_space<vmem>>, vector<16xf32>,
        %swap3A_1409 = arith.index_cast %scan3A_1366 : i32 to index
        %swap3A_1410 = arith.constant 96 : index
        %swap3A_1411 = tpu.vector_load %arg16[%swap3A_1409, %swap3A_1410] {strides = array<i32>} : memref<80x128xf32, #tpu.memory_space<vmem>>, vector<16xf32>,
        tpu.vector_store %arg16[%swap3A_1409, %swap3A_1410], %get3A_1387 {strides = array<i32>} : memref<80x128xf32, #tpu.memory_space<vmem>>, vector<16xf32>,
        %swap3A_1412 = arith.index_cast %scan3A_1366 : i32 to index
        %swap3A_1413 = arith.constant 112 : index
        %swap3A_1414 = tpu.vector_load %arg16[%swap3A_1412, %swap3A_1413] {strides = array<i32>} : memref<80x128xf32, #tpu.memory_space<vmem>>, vector<16xf32>,
        tpu.vector_store %arg16[%swap3A_1412, %swap3A_1413], %get3A_1390 {strides = array<i32>} : memref<80x128xf32, #tpu.memory_space<vmem>>, vector<16xf32>,
      }
      %scan3A_468 = arith.constant 80 : i32
      %mul3A_469 = arith.constant 0 : i32
      %mul3A_470 = vector.broadcast %mul3A_469 : i32 to vector<16xi32>
      %mul3A_471 = arith.muli %iota3A, %mul3A_470 : vector<16xi32>
      %add3A_472 = arith.constant 0 : i32
      %add3A_473 = vector.broadcast %add3A_472 : i32 to vector<16xi32>
      %add3A_474 = arith.addi %iota3A, %add3A_473 : vector<16xi32>
      %get3A_475 = arith.constant 240 : index
      %get3A_476 = tpu.vector_load %arg10[%get3A_475] {strides = array<i32>} : memref<800xf32, #tpu.memory_space<vmem>>, vector<16xf32>,
      tpu.vector_store_idx %arg18[%add3A_474, %mul3A_471], %get3A_476 : memref<80x1xf32, #tpu.memory_space<vmem>>[vector<16xi32>, vector<16xi32>], vector<16xf32>,
      %add3A_477 = arith.constant 16 : i32
      %add3A_478 = vector.broadcast %add3A_477 : i32 to vector<16xi32>
      %add3A_479 = arith.addi %iota3A, %add3A_478 : vector<16xi32>
      %get3A_480 = arith.constant 256 : index
      %get3A_481 = tpu.vector_load %arg10[%get3A_480] {strides = array<i32>} : memref<800xf32, #tpu.memory_space<vmem>>, vector<16xf32>,
      tpu.vector_store_idx %arg18[%add3A_479, %mul3A_471], %get3A_481 : memref<80x1xf32, #tpu.memory_space<vmem>>[vector<16xi32>, vector<16xi32>], vector<16xf32>,
      %add3A_482 = arith.constant 32 : i32
      %add3A_483 = vector.broadcast %add3A_482 : i32 to vector<16xi32>
      %add3A_484 = arith.addi %iota3A, %add3A_483 : vector<16xi32>
      %get3A_485 = arith.constant 272 : index
      %get3A_486 = tpu.vector_load %arg10[%get3A_485] {strides = array<i32>} : memref<800xf32, #tpu.memory_space<vmem>>, vector<16xf32>,
      tpu.vector_store_idx %arg18[%add3A_484, %mul3A_471], %get3A_486 : memref<80x1xf32, #tpu.memory_space<vmem>>[vector<16xi32>, vector<16xi32>], vector<16xf32>,
      %add3A_487 = arith.constant 48 : i32
      %add3A_488 = vector.broadcast %add3A_487 : i32 to vector<16xi32>
      %add3A_489 = arith.addi %iota3A, %add3A_488 : vector<16xi32>
      %get3A_490 = arith.constant 288 : index
      %get3A_491 = tpu.vector_load %arg10[%get3A_490] {strides = array<i32>} : memref<800xf32, #tpu.memory_space<vmem>>, vector<16xf32>,
      tpu.vector_store_idx %arg18[%add3A_489, %mul3A_471], %get3A_491 : memref<80x1xf32, #tpu.memory_space<vmem>>[vector<16xi32>, vector<16xi32>], vector<16xf32>,
      %add3A_492 = arith.constant 64 : i32
      %add3A_493 = vector.broadcast %add3A_492 : i32 to vector<16xi32>
      %add3A_494 = arith.addi %iota3A, %add3A_493 : vector<16xi32>
      %get3A_495 = arith.constant 304 : index
      %get3A_496 = tpu.vector_load %arg10[%get3A_495] {strides = array<i32>} : memref<800xf32, #tpu.memory_space<vmem>>, vector<16xf32>,
      tpu.vector_store_idx %arg18[%add3A_494, %mul3A_471], %get3A_496 : memref<80x1xf32, #tpu.memory_space<vmem>>[vector<16xi32>, vector<16xi32>], vector<16xf32>,
      %add3A_497 = arith.constant 1 : i32
      %add3A_498 = arith.addi %add3A_75, %add3A_497 : i32
      %add3A_499 = arith.constant 1 : i32
      %add3A_500 = arith.addi %add3A_75, %add3A_499 : i32
      %dma_start3A_501 = arith.constant 0 : i32
      %dma_start3A_502 = arith.constant 0 : i32
      %dma_start3A_503 = tpu.memref_slice %arg16[%dma_start3A_501, %dma_start3A_502] : memref<80x128xf32, #tpu.memory_space<vmem>> -> memref<80x128xf32, #tpu.memory_space<vmem>>
      %dma_start3A_504 = arith.constant 40 : i32
      %dma_start3A_505 = arith.constant 0 : i32
      %dma_start3A_506 = tpu.memref_slice %arg7[%add3A_498, %dma_start3A_504, %dma_start3A_505] : memref<4096x200x129xf32, #tpu.memory_space<hbm>> -> memref<1x80x128xf32, #tpu.memory_space<hbm>>
      %dma_start3A_507 = tpu.memref_squeeze %dma_start3A_506 : memref<1x80x128xf32, #tpu.memory_space<hbm>> -> memref<80x128xf32, #tpu.memory_space<hbm>>
      %dma_start3A_508 = arith.constant 40 : i32
      %dma_start3A_509 = arith.constant 0 : i32
      %dma_start3A_510 = tpu.memref_slice %arg7[%add3A_498, %dma_start3A_508, %dma_start3A_509] : memref<4096x200x129xf32, #tpu.memory_space<hbm>> -> memref<1x80x128xf32, #tpu.memory_space<hbm>>
      %dma_start3A_511 = tpu.memref_squeeze %dma_start3A_510 : memref<1x80x128xf32, #tpu.memory_space<hbm>> -> memref<80x128xf32, #tpu.memory_space<hbm>>
      %dma_start3A_512 = arith.constant 0 : i32
      %dma_start3A_513 = arith.constant 0 : i32
      %dma_start3A_514 = tpu.memref_slice %arg16[%dma_start3A_512, %dma_start3A_513] : memref<80x128xf32, #tpu.memory_space<vmem>> -> memref<80x128xf32, #tpu.memory_space<vmem>>
      tpu.enqueue_dma source(%dma_start3A_514 : memref<80x128xf32, #tpu.memory_space<vmem>>) target(%dma_start3A_511 : memref<80x128xf32, #tpu.memory_space<hbm>>) target_semaphore(%arg21 : memref<!tpu.dma_semaphore, #tpu.memory_space<semaphore_mem>>)
      %dma_start3A_515 = arith.constant 0 : i32
      %dma_start3A_516 = arith.constant 0 : i32
      %dma_start3A_517 = tpu.memref_slice %arg18[%dma_start3A_515, %dma_start3A_516] : memref<80x1xf32, #tpu.memory_space<vmem>> -> memref<80x1xf32, #tpu.memory_space<vmem>>
      %dma_start3A_518 = arith.constant 40 : i32
      %dma_start3A_519 = arith.constant 128 : i32
      %dma_start3A_520 = tpu.memref_slice %arg7[%add3A_500, %dma_start3A_518, %dma_start3A_519] : memref<4096x200x129xf32, #tpu.memory_space<hbm>> -> memref<1x80x1xf32, #tpu.memory_space<hbm>>
      %dma_start3A_521 = tpu.memref_squeeze %dma_start3A_520 : memref<1x80x1xf32, #tpu.memory_space<hbm>> -> memref<80x1xf32, #tpu.memory_space<hbm>>
      %dma_start3A_522 = arith.constant 40 : i32
      %dma_start3A_523 = arith.constant 128 : i32
      %dma_start3A_524 = tpu.memref_slice %arg7[%add3A_500, %dma_start3A_522, %dma_start3A_523] : memref<4096x200x129xf32, #tpu.memory_space<hbm>> -> memref<1x80x1xf32, #tpu.memory_space<hbm>>
      %dma_start3A_525 = tpu.memref_squeeze %dma_start3A_524 : memref<1x80x1xf32, #tpu.memory_space<hbm>> -> memref<80x1xf32, #tpu.memory_space<hbm>>
      %dma_start3A_526 = arith.constant 0 : i32
      %dma_start3A_527 = arith.constant 0 : i32
      %dma_start3A_528 = tpu.memref_slice %arg18[%dma_start3A_526, %dma_start3A_527] : memref<80x1xf32, #tpu.memory_space<vmem>> -> memref<80x1xf32, #tpu.memory_space<vmem>>
      tpu.enqueue_dma source(%dma_start3A_528 : memref<80x1xf32, #tpu.memory_space<vmem>>) target(%dma_start3A_525 : memref<80x1xf32, #tpu.memory_space<hbm>>) target_semaphore(%arg21 : memref<!tpu.dma_semaphore, #tpu.memory_space<semaphore_mem>>)
      %dma_start3A_529 = arith.constant 400 : i32
      %dma_start3A_530 = tpu.memref_slice %arg8[%dma_start3A_529] : memref<800xi32, #tpu.memory_space<vmem>> -> memref<80xi32, #tpu.memory_space<vmem>>
      %dma_start3A_531 = arith.constant 0 : i32
      %dma_start3A_532 = arith.constant 0 : i32
      %dma_start3A_533 = tpu.memref_slice %arg5[%dma_start3A_531, %dma_start3A_532] : memref<1000x128xf32, #tpu.memory_space<hbm>> -> memref<1000x128xf32, #tpu.memory_space<hbm>>
      tpu.enqueue_indirect_dma source(%dma_start3A_533 : memref<1000x128xf32, #tpu.memory_space<hbm>>) target(%arg12 : memref<80x128xf32, #tpu.memory_space<vmem>>) offsets(%dma_start3A_530 : memref<80xi32, #tpu.memory_space<vmem>>) semaphore(%arg19 : memref<!tpu.dma_semaphore, #tpu.memory_space<semaphore_mem>>)
      %dma_start3A_534 = arith.constant 400 : i32
      %dma_start3A_535 = tpu.memref_slice %arg9[%dma_start3A_534] : memref<800xi32, #tpu.memory_space<vmem>> -> memref<80xi32, #tpu.memory_space<vmem>>
      %dma_start3A_536 = arith.constant 0 : i32
      %dma_start3A_537 = arith.constant 0 : i32
      %dma_start3A_538 = tpu.memref_slice %arg6[%dma_start3A_536, %dma_start3A_537] : memref<1000x128xf32, #tpu.memory_space<hbm>> -> memref<1000x128xf32, #tpu.memory_space<hbm>>
      tpu.enqueue_indirect_dma source(%dma_start3A_538 : memref<1000x128xf32, #tpu.memory_space<hbm>>) target(%arg14 : memref<80x128xf32, #tpu.memory_space<vmem>>) offsets(%dma_start3A_535 : memref<80xi32, #tpu.memory_space<vmem>>) semaphore(%arg20 : memref<!tpu.dma_semaphore, #tpu.memory_space<semaphore_mem>>)
      %add3A_539 = arith.constant 0 : i32
      %add3A_540 = arith.addi %add3A_75, %add3A_539 : i32
      %add3A_541 = arith.constant 0 : i32
      %add3A_542 = arith.addi %add3A_75, %add3A_541 : i32
      %add3A_543 = arith.constant 1 : i32
      %add3A_544 = arith.addi %add3A_75, %add3A_543 : i32
      %add3A_545 = arith.constant 1 : i32
      %add3A_546 = arith.addi %add3A_75, %add3A_545 : i32
      %dma_wait3A_547 = arith.constant 0 : i32
      %dma_wait3A_548 = arith.constant 0 : i32
      %dma_wait3A_549 = tpu.memref_slice %arg15[%dma_wait3A_547, %dma_wait3A_548] : memref<80x128xf32, #tpu.memory_space<vmem>> -> memref<40x128xf32, #tpu.memory_space<vmem>>
      %dma_wait3A_550 = arith.constant 160 : i32
      %dma_wait3A_551 = arith.constant 0 : i32
      %dma_wait3A_552 = tpu.memref_slice %arg7[%add3A_540, %dma_wait3A_550, %dma_wait3A_551] : memref<4096x200x129xf32, #tpu.memory_space<hbm>> -> memref<1x40x128xf32, #tpu.memory_space<hbm>>
      %dma_wait3A_553 = tpu.memref_squeeze %dma_wait3A_552 : memref<1x40x128xf32, #tpu.memory_space<hbm>> -> memref<40x128xf32, #tpu.memory_space<hbm>>
      %dma_wait3A_554 = arith.constant 160 : i32
      %dma_wait3A_555 = arith.constant 0 : i32
      %dma_wait3A_556 = tpu.memref_slice %arg7[%add3A_540, %dma_wait3A_554, %dma_wait3A_555] : memref<4096x200x129xf32, #tpu.memory_space<hbm>> -> memref<1x40x128xf32, #tpu.memory_space<hbm>>
      %dma_wait3A_557 = tpu.memref_squeeze %dma_wait3A_556 : memref<1x40x128xf32, #tpu.memory_space<hbm>> -> memref<40x128xf32, #tpu.memory_space<hbm>>
      %dma_wait3A_558 = arith.constant 0 : i32
      %dma_wait3A_559 = arith.constant 0 : i32
      %dma_wait3A_560 = tpu.memref_slice %arg15[%dma_wait3A_558, %dma_wait3A_559] : memref<80x128xf32, #tpu.memory_space<vmem>> -> memref<40x128xf32, #tpu.memory_space<vmem>>
      tpu.wait_dma2 semaphore(%arg21 : memref<!tpu.dma_semaphore, #tpu.memory_space<semaphore_mem>>) src(%dma_wait3A_560 : memref<40x128xf32, #tpu.memory_space<vmem>>) dst(%dma_wait3A_557 : memref<40x128xf32, #tpu.memory_space<hbm>>)
      %dma_wait3A_561 = arith.constant 0 : i32
      %dma_wait3A_562 = arith.constant 0 : i32
      %dma_wait3A_563 = tpu.memref_slice %arg17[%dma_wait3A_561, %dma_wait3A_562] : memref<80x1xf32, #tpu.memory_space<vmem>> -> memref<40x1xf32, #tpu.memory_space<vmem>>
      %dma_wait3A_564 = arith.constant 160 : i32
      %dma_wait3A_565 = arith.constant 128 : i32
      %dma_wait3A_566 = tpu.memref_slice %arg7[%add3A_542, %dma_wait3A_564, %dma_wait3A_565] : memref<4096x200x129xf32, #tpu.memory_space<hbm>> -> memref<1x40x1xf32, #tpu.memory_space<hbm>>
      %dma_wait3A_567 = tpu.memref_squeeze %dma_wait3A_566 : memref<1x40x1xf32, #tpu.memory_space<hbm>> -> memref<40x1xf32, #tpu.memory_space<hbm>>
      %dma_wait3A_568 = arith.constant 160 : i32
      %dma_wait3A_569 = arith.constant 128 : i32
      %dma_wait3A_570 = tpu.memref_slice %arg7[%add3A_542, %dma_wait3A_568, %dma_wait3A_569] : memref<4096x200x129xf32, #tpu.memory_space<hbm>> -> memref<1x40x1xf32, #tpu.memory_space<hbm>>
      %dma_wait3A_571 = tpu.memref_squeeze %dma_wait3A_570 : memref<1x40x1xf32, #tpu.memory_space<hbm>> -> memref<40x1xf32, #tpu.memory_space<hbm>>
      %dma_wait3A_572 = arith.constant 0 : i32
      %dma_wait3A_573 = arith.constant 0 : i32
      %dma_wait3A_574 = tpu.memref_slice %arg17[%dma_wait3A_572, %dma_wait3A_573] : memref<80x1xf32, #tpu.memory_space<vmem>> -> memref<40x1xf32, #tpu.memory_space<vmem>>
      tpu.wait_dma2 semaphore(%arg21 : memref<!tpu.dma_semaphore, #tpu.memory_space<semaphore_mem>>) src(%dma_wait3A_574 : memref<40x1xf32, #tpu.memory_space<vmem>>) dst(%dma_wait3A_571 : memref<40x1xf32, #tpu.memory_space<hbm>>)
      %dma_wait3A_575 = arith.constant 40 : i32
      %dma_wait3A_576 = arith.constant 0 : i32
      %dma_wait3A_577 = tpu.memref_slice %arg15[%dma_wait3A_575, %dma_wait3A_576] : memref<80x128xf32, #tpu.memory_space<vmem>> -> memref<40x128xf32, #tpu.memory_space<vmem>>
      %dma_wait3A_578 = arith.constant 0 : i32
      %dma_wait3A_579 = arith.constant 0 : i32
      %dma_wait3A_580 = tpu.memref_slice %arg7[%add3A_544, %dma_wait3A_578, %dma_wait3A_579] : memref<4096x200x129xf32, #tpu.memory_space<hbm>> -> memref<1x40x128xf32, #tpu.memory_space<hbm>>
      %dma_wait3A_581 = tpu.memref_squeeze %dma_wait3A_580 : memref<1x40x128xf32, #tpu.memory_space<hbm>> -> memref<40x128xf32, #tpu.memory_space<hbm>>
      %dma_wait3A_582 = arith.constant 0 : i32
      %dma_wait3A_583 = arith.constant 0 : i32
      %dma_wait3A_584 = tpu.memref_slice %arg7[%add3A_544, %dma_wait3A_582, %dma_wait3A_583] : memref<4096x200x129xf32, #tpu.memory_space<hbm>> -> memref<1x40x128xf32, #tpu.memory_space<hbm>>
      %dma_wait3A_585 = tpu.memref_squeeze %dma_wait3A_584 : memref<1x40x128xf32, #tpu.memory_space<hbm>> -> memref<40x128xf32, #tpu.memory_space<hbm>>
      %dma_wait3A_586 = arith.constant 40 : i32
      %dma_wait3A_587 = arith.constant 0 : i32
      %dma_wait3A_588 = tpu.memref_slice %arg15[%dma_wait3A_586, %dma_wait3A_587] : memref<80x128xf32, #tpu.memory_space<vmem>> -> memref<40x128xf32, #tpu.memory_space<vmem>>
      tpu.wait_dma2 semaphore(%arg21 : memref<!tpu.dma_semaphore, #tpu.memory_space<semaphore_mem>>) src(%dma_wait3A_588 : memref<40x128xf32, #tpu.memory_space<vmem>>) dst(%dma_wait3A_585 : memref<40x128xf32, #tpu.memory_space<hbm>>)
      %dma_wait3A_589 = arith.constant 40 : i32
      %dma_wait3A_590 = arith.constant 0 : i32
      %dma_wait3A_591 = tpu.memref_slice %arg17[%dma_wait3A_589, %dma_wait3A_590] : memref<80x1xf32, #tpu.memory_space<vmem>> -> memref<40x1xf32, #tpu.memory_space<vmem>>
      %dma_wait3A_592 = arith.constant 0 : i32
      %dma_wait3A_593 = arith.constant 128 : i32
      %dma_wait3A_594 = tpu.memref_slice %arg7[%add3A_546, %dma_wait3A_592, %dma_wait3A_593] : memref<4096x200x129xf32, #tpu.memory_space<hbm>> -> memref<1x40x1xf32, #tpu.memory_space<hbm>>
      %dma_wait3A_595 = tpu.memref_squeeze %dma_wait3A_594 : memref<1x40x1xf32, #tpu.memory_space<hbm>> -> memref<40x1xf32, #tpu.memory_space<hbm>>
      %dma_wait3A_596 = arith.constant 0 : i32
      %dma_wait3A_597 = arith.constant 128 : i32
      %dma_wait3A_598 = tpu.memref_slice %arg7[%add3A_546, %dma_wait3A_596, %dma_wait3A_597] : memref<4096x200x129xf32, #tpu.memory_space<hbm>> -> memref<1x40x1xf32, #tpu.memory_space<hbm>>
      %dma_wait3A_599 = tpu.memref_squeeze %dma_wait3A_598 : memref<1x40x1xf32, #tpu.memory_space<hbm>> -> memref<40x1xf32, #tpu.memory_space<hbm>>
      %dma_wait3A_600 = arith.constant 40 : i32
      %dma_wait3A_601 = arith.constant 0 : i32
      %dma_wait3A_602 = tpu.memref_slice %arg17[%dma_wait3A_600, %dma_wait3A_601] : memref<80x1xf32, #tpu.memory_space<vmem>> -> memref<40x1xf32, #tpu.memory_space<vmem>>
      tpu.wait_dma2 semaphore(%arg21 : memref<!tpu.dma_semaphore, #tpu.memory_space<semaphore_mem>>) src(%dma_wait3A_602 : memref<40x1xf32, #tpu.memory_space<vmem>>) dst(%dma_wait3A_599 : memref<40x1xf32, #tpu.memory_space<hbm>>)
      %dma_wait3A_603 = arith.constant 320 : i32
      %dma_wait3A_604 = tpu.memref_slice %arg8[%dma_wait3A_603] : memref<800xi32, #tpu.memory_space<vmem>> -> memref<80xi32, #tpu.memory_space<vmem>>
      %dma_wait3A_605 = arith.constant 0 : i32
      %dma_wait3A_606 = arith.constant 0 : i32
      %dma_wait3A_607 = tpu.memref_slice %arg5[%dma_wait3A_605, %dma_wait3A_606] : memref<1000x128xf32, #tpu.memory_space<hbm>> -> memref<1000x128xf32, #tpu.memory_space<hbm>>
      tpu.wait_indirect_dma semaphore(%arg19 : memref<!tpu.dma_semaphore, #tpu.memory_space<semaphore_mem>>) src(%dma_wait3A_607 : memref<1000x128xf32, #tpu.memory_space<hbm>>) dst(%arg11 : memref<80x128xf32, #tpu.memory_space<vmem>>)
      %dma_wait3A_608 = arith.constant 320 : i32
      %dma_wait3A_609 = tpu.memref_slice %arg9[%dma_wait3A_608] : memref<800xi32, #tpu.memory_space<vmem>> -> memref<80xi32, #tpu.memory_space<vmem>>
      %dma_wait3A_610 = arith.constant 0 : i32
      %dma_wait3A_611 = arith.constant 0 : i32
      %dma_wait3A_612 = tpu.memref_slice %arg6[%dma_wait3A_610, %dma_wait3A_611] : memref<1000x128xf32, #tpu.memory_space<hbm>> -> memref<1000x128xf32, #tpu.memory_space<hbm>>
      tpu.wait_indirect_dma semaphore(%arg20 : memref<!tpu.dma_semaphore, #tpu.memory_space<semaphore_mem>>) src(%dma_wait3A_612 : memref<1000x128xf32, #tpu.memory_space<hbm>>) dst(%arg13 : memref<80x128xf32, #tpu.memory_space<vmem>>)
      %scan3A_613 = arith.constant 0 : i32
      %scan3A_614 = arith.constant 80 : i32
      %scan3A_615 = arith.addi %scan3A_613, %scan3A_614 : i32
      %scan3A_616 = arith.constant 2 : i32
      scf.for %scan3A_1317 = %scan3A_613 to %scan3A_615 step %scan3A_616  : i32 {
        %get3A_1318 = arith.index_cast %scan3A_1317 : i32 to index
        %get3A_1319 = arith.constant 0 : index
        %get3A_1320 = tpu.vector_load %arg11[%get3A_1318, %get3A_1319] {strides = array<i32>} : memref<80x128xf32, #tpu.memory_space<vmem>>, vector<16xf32>,
        %get3A_1321 = arith.index_cast %scan3A_1317 : i32 to index
        %get3A_1322 = arith.constant 16 : index
        %get3A_1323 = tpu.vector_load %arg11[%get3A_1321, %get3A_1322] {strides = array<i32>} : memref<80x128xf32, #tpu.memory_space<vmem>>, vector<16xf32>,
        %get3A_1324 = arith.index_cast %scan3A_1317 : i32 to index
        %get3A_1325 = arith.constant 32 : index
        %get3A_1326 = tpu.vector_load %arg11[%get3A_1324, %get3A_1325] {strides = array<i32>} : memref<80x128xf32, #tpu.memory_space<vmem>>, vector<16xf32>,
        %get3A_1327 = arith.index_cast %scan3A_1317 : i32 to index
        %get3A_1328 = arith.constant 48 : index
        %get3A_1329 = tpu.vector_load %arg11[%get3A_1327, %get3A_1328] {strides = array<i32>} : memref<80x128xf32, #tpu.memory_space<vmem>>, vector<16xf32>,
        %get3A_1330 = arith.index_cast %scan3A_1317 : i32 to index
        %get3A_1331 = arith.constant 0 : index
        %get3A_1332 = tpu.vector_load %arg13[%get3A_1330, %get3A_1331] {strides = array<i32>} : memref<80x128xf32, #tpu.memory_space<vmem>>, vector<16xf32>,
        %get3A_1333 = arith.index_cast %scan3A_1317 : i32 to index
        %get3A_1334 = arith.constant 16 : index
        %get3A_1335 = tpu.vector_load %arg13[%get3A_1333, %get3A_1334] {strides = array<i32>} : memref<80x128xf32, #tpu.memory_space<vmem>>, vector<16xf32>,
        %get3A_1336 = arith.index_cast %scan3A_1317 : i32 to index
        %get3A_1337 = arith.constant 32 : index
        %get3A_1338 = tpu.vector_load %arg13[%get3A_1336, %get3A_1337] {strides = array<i32>} : memref<80x128xf32, #tpu.memory_space<vmem>>, vector<16xf32>,
        %get3A_1339 = arith.index_cast %scan3A_1317 : i32 to index
        %get3A_1340 = arith.constant 48 : index
        %get3A_1341 = tpu.vector_load %arg13[%get3A_1339, %get3A_1340] {strides = array<i32>} : memref<80x128xf32, #tpu.memory_space<vmem>>, vector<16xf32>,
        %swap3A = arith.index_cast %scan3A_1317 : i32 to index
        %swap3A_1342 = arith.constant 0 : index
        %swap3A_1343 = tpu.vector_load %arg15[%swap3A, %swap3A_1342] {strides = array<i32>} : memref<80x128xf32, #tpu.memory_space<vmem>>, vector<16xf32>,
        tpu.vector_store %arg15[%swap3A, %swap3A_1342], %get3A_1320 {strides = array<i32>} : memref<80x128xf32, #tpu.memory_space<vmem>>, vector<16xf32>,
        %swap3A_1344 = arith.index_cast %scan3A_1317 : i32 to index
        %swap3A_1345 = arith.constant 16 : index
        %swap3A_1346 = tpu.vector_load %arg15[%swap3A_1344, %swap3A_1345] {strides = array<i32>} : memref<80x128xf32, #tpu.memory_space<vmem>>, vector<16xf32>,
        tpu.vector_store %arg15[%swap3A_1344, %swap3A_1345], %get3A_1323 {strides = array<i32>} : memref<80x128xf32, #tpu.memory_space<vmem>>, vector<16xf32>,
        %swap3A_1347 = arith.index_cast %scan3A_1317 : i32 to index
        %swap3A_1348 = arith.constant 32 : index
        %swap3A_1349 = tpu.vector_load %arg15[%swap3A_1347, %swap3A_1348] {strides = array<i32>} : memref<80x128xf32, #tpu.memory_space<vmem>>, vector<16xf32>,
        tpu.vector_store %arg15[%swap3A_1347, %swap3A_1348], %get3A_1326 {strides = array<i32>} : memref<80x128xf32, #tpu.memory_space<vmem>>, vector<16xf32>,
        %swap3A_1350 = arith.index_cast %scan3A_1317 : i32 to index
        %swap3A_1351 = arith.constant 48 : index
        %swap3A_1352 = tpu.vector_load %arg15[%swap3A_1350, %swap3A_1351] {strides = array<i32>} : memref<80x128xf32, #tpu.memory_space<vmem>>, vector<16xf32>,
        tpu.vector_store %arg15[%swap3A_1350, %swap3A_1351], %get3A_1329 {strides = array<i32>} : memref<80x128xf32, #tpu.memory_space<vmem>>, vector<16xf32>,
        %swap3A_1353 = arith.index_cast %scan3A_1317 : i32 to index
        %swap3A_1354 = arith.constant 64 : index
        %swap3A_1355 = tpu.vector_load %arg15[%swap3A_1353, %swap3A_1354] {strides = array<i32>} : memref<80x128xf32, #tpu.memory_space<vmem>>, vector<16xf32>,
        tpu.vector_store %arg15[%swap3A_1353, %swap3A_1354], %get3A_1332 {strides = array<i32>} : memref<80x128xf32, #tpu.memory_space<vmem>>, vector<16xf32>,
        %swap3A_1356 = arith.index_cast %scan3A_1317 : i32 to index
        %swap3A_1357 = arith.constant 80 : index
        %swap3A_1358 = tpu.vector_load %arg15[%swap3A_1356, %swap3A_1357] {strides = array<i32>} : memref<80x128xf32, #tpu.memory_space<vmem>>, vector<16xf32>,
        tpu.vector_store %arg15[%swap3A_1356, %swap3A_1357], %get3A_1335 {strides = array<i32>} : memref<80x128xf32, #tpu.memory_space<vmem>>, vector<16xf32>,
        %swap3A_1359 = arith.index_cast %scan3A_1317 : i32 to index
        %swap3A_1360 = arith.constant 96 : index
        %swap3A_1361 = tpu.vector_load %arg15[%swap3A_1359, %swap3A_1360] {strides = array<i32>} : memref<80x128xf32, #tpu.memory_space<vmem>>, vector<16xf32>,
        tpu.vector_store %arg15[%swap3A_1359, %swap3A_1360], %get3A_1338 {strides = array<i32>} : memref<80x128xf32, #tpu.memory_space<vmem>>, vector<16xf32>,
        %swap3A_1362 = arith.index_cast %scan3A_1317 : i32 to index
        %swap3A_1363 = arith.constant 112 : index
        %swap3A_1364 = tpu.vector_load %arg15[%swap3A_1362, %swap3A_1363] {strides = array<i32>} : memref<80x128xf32, #tpu.memory_space<vmem>>, vector<16xf32>,
        tpu.vector_store %arg15[%swap3A_1362, %swap3A_1363], %get3A_1341 {strides = array<i32>} : memref<80x128xf32, #tpu.memory_space<vmem>>, vector<16xf32>,
        %scan3A_1365 = arith.constant 1 : i32
        %scan3A_1366 = arith.addi %scan3A_1317, %scan3A_1365 : i32
        %get3A_1367 = arith.index_cast %scan3A_1366 : i32 to index
        %get3A_1368 = arith.constant 0 : index
        %get3A_1369 = tpu.vector_load %arg11[%get3A_1367, %get3A_1368] {strides = array<i32>} : memref<80x128xf32, #tpu.memory_space<vmem>>, vector<16xf32>,
        %get3A_1370 = arith.index_cast %scan3A_1366 : i32 to index
        %get3A_1371 = arith.constant 16 : index
        %get3A_1372 = tpu.vector_load %arg11[%get3A_1370, %get3A_1371] {strides = array<i32>} : memref<80x128xf32, #tpu.memory_space<vmem>>, vector<16xf32>,
        %get3A_1373 = arith.index_cast %scan3A_1366 : i32 to index
        %get3A_1374 = arith.constant 32 : index
        %get3A_1375 = tpu.vector_load %arg11[%get3A_1373, %get3A_1374] {strides = array<i32>} : memref<80x128xf32, #tpu.memory_space<vmem>>, vector<16xf32>,
        %get3A_1376 = arith.index_cast %scan3A_1366 : i32 to index
        %get3A_1377 = arith.constant 48 : index
        %get3A_1378 = tpu.vector_load %arg11[%get3A_1376, %get3A_1377] {strides = array<i32>} : memref<80x128xf32, #tpu.memory_space<vmem>>, vector<16xf32>,
        %get3A_1379 = arith.index_cast %scan3A_1366 : i32 to index
        %get3A_1380 = arith.constant 0 : index
        %get3A_1381 = tpu.vector_load %arg13[%get3A_1379, %get3A_1380] {strides = array<i32>} : memref<80x128xf32, #tpu.memory_space<vmem>>, vector<16xf32>,
        %get3A_1382 = arith.index_cast %scan3A_1366 : i32 to index
        %get3A_1383 = arith.constant 16 : index
        %get3A_1384 = tpu.vector_load %arg13[%get3A_1382, %get3A_1383] {strides = array<i32>} : memref<80x128xf32, #tpu.memory_space<vmem>>, vector<16xf32>,
        %get3A_1385 = arith.index_cast %scan3A_1366 : i32 to index
        %get3A_1386 = arith.constant 32 : index
        %get3A_1387 = tpu.vector_load %arg13[%get3A_1385, %get3A_1386] {strides = array<i32>} : memref<80x128xf32, #tpu.memory_space<vmem>>, vector<16xf32>,
        %get3A_1388 = arith.index_cast %scan3A_1366 : i32 to index
        %get3A_1389 = arith.constant 48 : index
        %get3A_1390 = tpu.vector_load %arg13[%get3A_1388, %get3A_1389] {strides = array<i32>} : memref<80x128xf32, #tpu.memory_space<vmem>>, vector<16xf32>,
        %swap3A_1391 = arith.index_cast %scan3A_1366 : i32 to index
        %swap3A_1392 = arith.constant 0 : index
        %swap3A_1393 = tpu.vector_load %arg15[%swap3A_1391, %swap3A_1392] {strides = array<i32>} : memref<80x128xf32, #tpu.memory_space<vmem>>, vector<16xf32>,
        tpu.vector_store %arg15[%swap3A_1391, %swap3A_1392], %get3A_1369 {strides = array<i32>} : memref<80x128xf32, #tpu.memory_space<vmem>>, vector<16xf32>,
        %swap3A_1394 = arith.index_cast %scan3A_1366 : i32 to index
        %swap3A_1395 = arith.constant 16 : index
        %swap3A_1396 = tpu.vector_load %arg15[%swap3A_1394, %swap3A_1395] {strides = array<i32>} : memref<80x128xf32, #tpu.memory_space<vmem>>, vector<16xf32>,
        tpu.vector_store %arg15[%swap3A_1394, %swap3A_1395], %get3A_1372 {strides = array<i32>} : memref<80x128xf32, #tpu.memory_space<vmem>>, vector<16xf32>,
        %swap3A_1397 = arith.index_cast %scan3A_1366 : i32 to index
        %swap3A_1398 = arith.constant 32 : index
        %swap3A_1399 = tpu.vector_load %arg15[%swap3A_1397, %swap3A_1398] {strides = array<i32>} : memref<80x128xf32, #tpu.memory_space<vmem>>, vector<16xf32>,
        tpu.vector_store %arg15[%swap3A_1397, %swap3A_1398], %get3A_1375 {strides = array<i32>} : memref<80x128xf32, #tpu.memory_space<vmem>>, vector<16xf32>,
        %swap3A_1400 = arith.index_cast %scan3A_1366 : i32 to index
        %swap3A_1401 = arith.constant 48 : index
        %swap3A_1402 = tpu.vector_load %arg15[%swap3A_1400, %swap3A_1401] {strides = array<i32>} : memref<80x128xf32, #tpu.memory_space<vmem>>, vector<16xf32>,
        tpu.vector_store %arg15[%swap3A_1400, %swap3A_1401], %get3A_1378 {strides = array<i32>} : memref<80x128xf32, #tpu.memory_space<vmem>>, vector<16xf32>,
        %swap3A_1403 = arith.index_cast %scan3A_1366 : i32 to index
        %swap3A_1404 = arith.constant 64 : index
        %swap3A_1405 = tpu.vector_load %arg15[%swap3A_1403, %swap3A_1404] {strides = array<i32>} : memref<80x128xf32, #tpu.memory_space<vmem>>, vector<16xf32>,
        tpu.vector_store %arg15[%swap3A_1403, %swap3A_1404], %get3A_1381 {strides = array<i32>} : memref<80x128xf32, #tpu.memory_space<vmem>>, vector<16xf32>,
        %swap3A_1406 = arith.index_cast %scan3A_1366 : i32 to index
        %swap3A_1407 = arith.constant 80 : index
        %swap3A_1408 = tpu.vector_load %arg15[%swap3A_1406, %swap3A_1407] {strides = array<i32>} : memref<80x128xf32, #tpu.memory_space<vmem>>, vector<16xf32>,
        tpu.vector_store %arg15[%swap3A_1406, %swap3A_1407], %get3A_1384 {strides = array<i32>} : memref<80x128xf32, #tpu.memory_space<vmem>>, vector<16xf32>,
        %swap3A_1409 = arith.index_cast %scan3A_1366 : i32 to index
        %swap3A_1410 = arith.constant 96 : index
        %swap3A_1411 = tpu.vector_load %arg15[%swap3A_1409, %swap3A_1410] {strides = array<i32>} : memref<80x128xf32, #tpu.memory_space<vmem>>, vector<16xf32>,
        tpu.vector_store %arg15[%swap3A_1409, %swap3A_1410], %get3A_1387 {strides = array<i32>} : memref<80x128xf32, #tpu.memory_space<vmem>>, vector<16xf32>,
        %swap3A_1412 = arith.index_cast %scan3A_1366 : i32 to index
        %swap3A_1413 = arith.constant 112 : index
        %swap3A_1414 = tpu.vector_load %arg15[%swap3A_1412, %swap3A_1413] {strides = array<i32>} : memref<80x128xf32, #tpu.memory_space<vmem>>, vector<16xf32>,
        tpu.vector_store %arg15[%swap3A_1412, %swap3A_1413], %get3A_1390 {strides = array<i32>} : memref<80x128xf32, #tpu.memory_space<vmem>>, vector<16xf32>,
      }
      %scan3A_617 = arith.constant 80 : i32
      %mul3A_618 = arith.constant 0 : i32
      %mul3A_619 = vector.broadcast %mul3A_618 : i32 to vector<16xi32>
      %mul3A_620 = arith.muli %iota3A, %mul3A_619 : vector<16xi32>
      %add3A_621 = arith.constant 0 : i32
      %add3A_622 = vector.broadcast %add3A_621 : i32 to vector<16xi32>
      %add3A_623 = arith.addi %iota3A, %add3A_622 : vector<16xi32>
      %get3A_624 = arith.constant 320 : index
      %get3A_625 = tpu.vector_load %arg10[%get3A_624] {strides = array<i32>} : memref<800xf32, #tpu.memory_space<vmem>>, vector<16xf32>,
      tpu.vector_store_idx %arg17[%add3A_623, %mul3A_620], %get3A_625 : memref<80x1xf32, #tpu.memory_space<vmem>>[vector<16xi32>, vector<16xi32>], vector<16xf32>,
      %add3A_626 = arith.constant 16 : i32
      %add3A_627 = vector.broadcast %add3A_626 : i32 to vector<16xi32>
      %add3A_628 = arith.addi %iota3A, %add3A_627 : vector<16xi32>
      %get3A_629 = arith.constant 336 : index
      %get3A_630 = tpu.vector_load %arg10[%get3A_629] {strides = array<i32>} : memref<800xf32, #tpu.memory_space<vmem>>, vector<16xf32>,
      tpu.vector_store_idx %arg17[%add3A_628, %mul3A_620], %get3A_630 : memref<80x1xf32, #tpu.memory_space<vmem>>[vector<16xi32>, vector<16xi32>], vector<16xf32>,
      %add3A_631 = arith.constant 32 : i32
      %add3A_632 = vector.broadcast %add3A_631 : i32 to vector<16xi32>
      %add3A_633 = arith.addi %iota3A, %add3A_632 : vector<16xi32>
      %get3A_634 = arith.constant 352 : index
      %get3A_635 = tpu.vector_load %arg10[%get3A_634] {strides = array<i32>} : memref<800xf32, #tpu.memory_space<vmem>>, vector<16xf32>,
      tpu.vector_store_idx %arg17[%add3A_633, %mul3A_620], %get3A_635 : memref<80x1xf32, #tpu.memory_space<vmem>>[vector<16xi32>, vector<16xi32>], vector<16xf32>,
      %add3A_636 = arith.constant 48 : i32
      %add3A_637 = vector.broadcast %add3A_636 : i32 to vector<16xi32>
      %add3A_638 = arith.addi %iota3A, %add3A_637 : vector<16xi32>
      %get3A_639 = arith.constant 368 : index
      %get3A_640 = tpu.vector_load %arg10[%get3A_639] {strides = array<i32>} : memref<800xf32, #tpu.memory_space<vmem>>, vector<16xf32>,
      tpu.vector_store_idx %arg17[%add3A_638, %mul3A_620], %get3A_640 : memref<80x1xf32, #tpu.memory_space<vmem>>[vector<16xi32>, vector<16xi32>], vector<16xf32>,
      %add3A_641 = arith.constant 64 : i32
      %add3A_642 = vector.broadcast %add3A_641 : i32 to vector<16xi32>
      %add3A_643 = arith.addi %iota3A, %add3A_642 : vector<16xi32>
      %get3A_644 = arith.constant 384 : index
      %get3A_645 = tpu.vector_load %arg10[%get3A_644] {strides = array<i32>} : memref<800xf32, #tpu.memory_space<vmem>>, vector<16xf32>,
      tpu.vector_store_idx %arg17[%add3A_643, %mul3A_620], %get3A_645 : memref<80x1xf32, #tpu.memory_space<vmem>>[vector<16xi32>, vector<16xi32>], vector<16xf32>,
      %add3A_646 = arith.constant 1 : i32
      %add3A_647 = arith.addi %add3A_75, %add3A_646 : i32
      %add3A_648 = arith.constant 1 : i32
      %add3A_649 = arith.addi %add3A_75, %add3A_648 : i32
      %dma_start3A_650 = arith.constant 0 : i32
      %dma_start3A_651 = arith.constant 0 : i32
      %dma_start3A_652 = tpu.memref_slice %arg15[%dma_start3A_650, %dma_start3A_651] : memref<80x128xf32, #tpu.memory_space<vmem>> -> memref<80x128xf32, #tpu.memory_space<vmem>>
      %dma_start3A_653 = arith.constant 120 : i32
      %dma_start3A_654 = arith.constant 0 : i32
      %dma_start3A_655 = tpu.memref_slice %arg7[%add3A_647, %dma_start3A_653, %dma_start3A_654] : memref<4096x200x129xf32, #tpu.memory_space<hbm>> -> memref<1x80x128xf32, #tpu.memory_space<hbm>>
      %dma_start3A_656 = tpu.memref_squeeze %dma_start3A_655 : memref<1x80x128xf32, #tpu.memory_space<hbm>> -> memref<80x128xf32, #tpu.memory_space<hbm>>
      %dma_start3A_657 = arith.constant 120 : i32
      %dma_start3A_658 = arith.constant 0 : i32
      %dma_start3A_659 = tpu.memref_slice %arg7[%add3A_647, %dma_start3A_657, %dma_start3A_658] : memref<4096x200x129xf32, #tpu.memory_space<hbm>> -> memref<1x80x128xf32, #tpu.memory_space<hbm>>
      %dma_start3A_660 = tpu.memref_squeeze %dma_start3A_659 : memref<1x80x128xf32, #tpu.memory_space<hbm>> -> memref<80x128xf32, #tpu.memory_space<hbm>>
      %dma_start3A_661 = arith.constant 0 : i32
      %dma_start3A_662 = arith.constant 0 : i32
      %dma_start3A_663 = tpu.memref_slice %arg15[%dma_start3A_661, %dma_start3A_662] : memref<80x128xf32, #tpu.memory_space<vmem>> -> memref<80x128xf32, #tpu.memory_space<vmem>>
      tpu.enqueue_dma source(%dma_start3A_663 : memref<80x128xf32, #tpu.memory_space<vmem>>) target(%dma_start3A_660 : memref<80x128xf32, #tpu.memory_space<hbm>>) target_semaphore(%arg21 : memref<!tpu.dma_semaphore, #tpu.memory_space<semaphore_mem>>)
      %dma_start3A_664 = arith.constant 0 : i32
      %dma_start3A_665 = arith.constant 0 : i32
      %dma_start3A_666 = tpu.memref_slice %arg17[%dma_start3A_664, %dma_start3A_665] : memref<80x1xf32, #tpu.memory_space<vmem>> -> memref<80x1xf32, #tpu.memory_space<vmem>>
      %dma_start3A_667 = arith.constant 120 : i32
      %dma_start3A_668 = arith.constant 128 : i32
      %dma_start3A_669 = tpu.memref_slice %arg7[%add3A_649, %dma_start3A_667, %dma_start3A_668] : memref<4096x200x129xf32, #tpu.memory_space<hbm>> -> memref<1x80x1xf32, #tpu.memory_space<hbm>>
      %dma_start3A_670 = tpu.memref_squeeze %dma_start3A_669 : memref<1x80x1xf32, #tpu.memory_space<hbm>> -> memref<80x1xf32, #tpu.memory_space<hbm>>
      %dma_start3A_671 = arith.constant 120 : i32
      %dma_start3A_672 = arith.constant 128 : i32
      %dma_start3A_673 = tpu.memref_slice %arg7[%add3A_649, %dma_start3A_671, %dma_start3A_672] : memref<4096x200x129xf32, #tpu.memory_space<hbm>> -> memref<1x80x1xf32, #tpu.memory_space<hbm>>
      %dma_start3A_674 = tpu.memref_squeeze %dma_start3A_673 : memref<1x80x1xf32, #tpu.memory_space<hbm>> -> memref<80x1xf32, #tpu.memory_space<hbm>>
      %dma_start3A_675 = arith.constant 0 : i32
      %dma_start3A_676 = arith.constant 0 : i32
      %dma_start3A_677 = tpu.memref_slice %arg17[%dma_start3A_675, %dma_start3A_676] : memref<80x1xf32, #tpu.memory_space<vmem>> -> memref<80x1xf32, #tpu.memory_space<vmem>>
      tpu.enqueue_dma source(%dma_start3A_677 : memref<80x1xf32, #tpu.memory_space<vmem>>) target(%dma_start3A_674 : memref<80x1xf32, #tpu.memory_space<hbm>>) target_semaphore(%arg21 : memref<!tpu.dma_semaphore, #tpu.memory_space<semaphore_mem>>)
      %dma_start3A_678 = arith.constant 480 : i32
      %dma_start3A_679 = tpu.memref_slice %arg8[%dma_start3A_678] : memref<800xi32, #tpu.memory_space<vmem>> -> memref<80xi32, #tpu.memory_space<vmem>>
      %dma_start3A_680 = arith.constant 0 : i32
      %dma_start3A_681 = arith.constant 0 : i32
      %dma_start3A_682 = tpu.memref_slice %arg5[%dma_start3A_680, %dma_start3A_681] : memref<1000x128xf32, #tpu.memory_space<hbm>> -> memref<1000x128xf32, #tpu.memory_space<hbm>>
      tpu.enqueue_indirect_dma source(%dma_start3A_682 : memref<1000x128xf32, #tpu.memory_space<hbm>>) target(%arg11 : memref<80x128xf32, #tpu.memory_space<vmem>>) offsets(%dma_start3A_679 : memref<80xi32, #tpu.memory_space<vmem>>) semaphore(%arg19 : memref<!tpu.dma_semaphore, #tpu.memory_space<semaphore_mem>>)
      %dma_start3A_683 = arith.constant 480 : i32
      %dma_start3A_684 = tpu.memref_slice %arg9[%dma_start3A_683] : memref<800xi32, #tpu.memory_space<vmem>> -> memref<80xi32, #tpu.memory_space<vmem>>
      %dma_start3A_685 = arith.constant 0 : i32
      %dma_start3A_686 = arith.constant 0 : i32
      %dma_start3A_687 = tpu.memref_slice %arg6[%dma_start3A_685, %dma_start3A_686] : memref<1000x128xf32, #tpu.memory_space<hbm>> -> memref<1000x128xf32, #tpu.memory_space<hbm>>
      tpu.enqueue_indirect_dma source(%dma_start3A_687 : memref<1000x128xf32, #tpu.memory_space<hbm>>) target(%arg13 : memref<80x128xf32, #tpu.memory_space<vmem>>) offsets(%dma_start3A_684 : memref<80xi32, #tpu.memory_space<vmem>>) semaphore(%arg20 : memref<!tpu.dma_semaphore, #tpu.memory_space<semaphore_mem>>)
      %add3A_688 = arith.constant 1 : i32
      %add3A_689 = arith.addi %add3A_75, %add3A_688 : i32
      %add3A_690 = arith.constant 1 : i32
      %add3A_691 = arith.addi %add3A_75, %add3A_690 : i32
      %dma_wait3A_692 = arith.constant 0 : i32
      %dma_wait3A_693 = arith.constant 0 : i32
      %dma_wait3A_694 = tpu.memref_slice %arg16[%dma_wait3A_692, %dma_wait3A_693] : memref<80x128xf32, #tpu.memory_space<vmem>> -> memref<80x128xf32, #tpu.memory_space<vmem>>
      %dma_wait3A_695 = arith.constant 40 : i32
      %dma_wait3A_696 = arith.constant 0 : i32
      %dma_wait3A_697 = tpu.memref_slice %arg7[%add3A_689, %dma_wait3A_695, %dma_wait3A_696] : memref<4096x200x129xf32, #tpu.memory_space<hbm>> -> memref<1x80x128xf32, #tpu.memory_space<hbm>>
      %dma_wait3A_698 = tpu.memref_squeeze %dma_wait3A_697 : memref<1x80x128xf32, #tpu.memory_space<hbm>> -> memref<80x128xf32, #tpu.memory_space<hbm>>
      %dma_wait3A_699 = arith.constant 40 : i32
      %dma_wait3A_700 = arith.constant 0 : i32
      %dma_wait3A_701 = tpu.memref_slice %arg7[%add3A_689, %dma_wait3A_699, %dma_wait3A_700] : memref<4096x200x129xf32, #tpu.memory_space<hbm>> -> memref<1x80x128xf32, #tpu.memory_space<hbm>>
      %dma_wait3A_702 = tpu.memref_squeeze %dma_wait3A_701 : memref<1x80x128xf32, #tpu.memory_space<hbm>> -> memref<80x128xf32, #tpu.memory_space<hbm>>
      %dma_wait3A_703 = arith.constant 0 : i32
      %dma_wait3A_704 = arith.constant 0 : i32
      %dma_wait3A_705 = tpu.memref_slice %arg16[%dma_wait3A_703, %dma_wait3A_704] : memref<80x128xf32, #tpu.memory_space<vmem>> -> memref<80x128xf32, #tpu.memory_space<vmem>>
      tpu.wait_dma2 semaphore(%arg21 : memref<!tpu.dma_semaphore, #tpu.memory_space<semaphore_mem>>) src(%dma_wait3A_705 : memref<80x128xf32, #tpu.memory_space<vmem>>) dst(%dma_wait3A_702 : memref<80x128xf32, #tpu.memory_space<hbm>>)
      %dma_wait3A_706 = arith.constant 0 : i32
      %dma_wait3A_707 = arith.constant 0 : i32
      %dma_wait3A_708 = tpu.memref_slice %arg18[%dma_wait3A_706, %dma_wait3A_707] : memref<80x1xf32, #tpu.memory_space<vmem>> -> memref<80x1xf32, #tpu.memory_space<vmem>>
      %dma_wait3A_709 = arith.constant 40 : i32
      %dma_wait3A_710 = arith.constant 128 : i32
      %dma_wait3A_711 = tpu.memref_slice %arg7[%add3A_691, %dma_wait3A_709, %dma_wait3A_710] : memref<4096x200x129xf32, #tpu.memory_space<hbm>> -> memref<1x80x1xf32, #tpu.memory_space<hbm>>
      %dma_wait3A_712 = tpu.memref_squeeze %dma_wait3A_711 : memref<1x80x1xf32, #tpu.memory_space<hbm>> -> memref<80x1xf32, #tpu.memory_space<hbm>>
      %dma_wait3A_713 = arith.constant 40 : i32
      %dma_wait3A_714 = arith.constant 128 : i32
      %dma_wait3A_715 = tpu.memref_slice %arg7[%add3A_691, %dma_wait3A_713, %dma_wait3A_714] : memref<4096x200x129xf32, #tpu.memory_space<hbm>> -> memref<1x80x1xf32, #tpu.memory_space<hbm>>
      %dma_wait3A_716 = tpu.memref_squeeze %dma_wait3A_715 : memref<1x80x1xf32, #tpu.memory_space<hbm>> -> memref<80x1xf32, #tpu.memory_space<hbm>>
      %dma_wait3A_717 = arith.constant 0 : i32
      %dma_wait3A_718 = arith.constant 0 : i32
      %dma_wait3A_719 = tpu.memref_slice %arg18[%dma_wait3A_717, %dma_wait3A_718] : memref<80x1xf32, #tpu.memory_space<vmem>> -> memref<80x1xf32, #tpu.memory_space<vmem>>
      tpu.wait_dma2 semaphore(%arg21 : memref<!tpu.dma_semaphore, #tpu.memory_space<semaphore_mem>>) src(%dma_wait3A_719 : memref<80x1xf32, #tpu.memory_space<vmem>>) dst(%dma_wait3A_716 : memref<80x1xf32, #tpu.memory_space<hbm>>)
      %dma_wait3A_720 = arith.constant 400 : i32
      %dma_wait3A_721 = tpu.memref_slice %arg8[%dma_wait3A_720] : memref<800xi32, #tpu.memory_space<vmem>> -> memref<80xi32, #tpu.memory_space<vmem>>
      %dma_wait3A_722 = arith.constant 0 : i32
      %dma_wait3A_723 = arith.constant 0 : i32
      %dma_wait3A_724 = tpu.memref_slice %arg5[%dma_wait3A_722, %dma_wait3A_723] : memref<1000x128xf32, #tpu.memory_space<hbm>> -> memref<1000x128xf32, #tpu.memory_space<hbm>>
      tpu.wait_indirect_dma semaphore(%arg19 : memref<!tpu.dma_semaphore, #tpu.memory_space<semaphore_mem>>) src(%dma_wait3A_724 : memref<1000x128xf32, #tpu.memory_space<hbm>>) dst(%arg12 : memref<80x128xf32, #tpu.memory_space<vmem>>)
      %dma_wait3A_725 = arith.constant 400 : i32
      %dma_wait3A_726 = tpu.memref_slice %arg9[%dma_wait3A_725] : memref<800xi32, #tpu.memory_space<vmem>> -> memref<80xi32, #tpu.memory_space<vmem>>
      %dma_wait3A_727 = arith.constant 0 : i32
      %dma_wait3A_728 = arith.constant 0 : i32
      %dma_wait3A_729 = tpu.memref_slice %arg6[%dma_wait3A_727, %dma_wait3A_728] : memref<1000x128xf32, #tpu.memory_space<hbm>> -> memref<1000x128xf32, #tpu.memory_space<hbm>>
      tpu.wait_indirect_dma semaphore(%arg20 : memref<!tpu.dma_semaphore, #tpu.memory_space<semaphore_mem>>) src(%dma_wait3A_729 : memref<1000x128xf32, #tpu.memory_space<hbm>>) dst(%arg14 : memref<80x128xf32, #tpu.memory_space<vmem>>)
      %scan3A_730 = arith.constant 0 : i32
      %scan3A_731 = arith.constant 80 : i32
      %scan3A_732 = arith.addi %scan3A_730, %scan3A_731 : i32
      %scan3A_733 = arith.constant 2 : i32
      scf.for %scan3A_1317 = %scan3A_730 to %scan3A_732 step %scan3A_733  : i32 {
        %get3A_1318 = arith.index_cast %scan3A_1317 : i32 to index
        %get3A_1319 = arith.constant 0 : index
        %get3A_1320 = tpu.vector_load %arg12[%get3A_1318, %get3A_1319] {strides = array<i32>} : memref<80x128xf32, #tpu.memory_space<vmem>>, vector<16xf32>,
        %get3A_1321 = arith.index_cast %scan3A_1317 : i32 to index
        %get3A_1322 = arith.constant 16 : index
        %get3A_1323 = tpu.vector_load %arg12[%get3A_1321, %get3A_1322] {strides = array<i32>} : memref<80x128xf32, #tpu.memory_space<vmem>>, vector<16xf32>,
        %get3A_1324 = arith.index_cast %scan3A_1317 : i32 to index
        %get3A_1325 = arith.constant 32 : index
        %get3A_1326 = tpu.vector_load %arg12[%get3A_1324, %get3A_1325] {strides = array<i32>} : memref<80x128xf32, #tpu.memory_space<vmem>>, vector<16xf32>,
        %get3A_1327 = arith.index_cast %scan3A_1317 : i32 to index
        %get3A_1328 = arith.constant 48 : index
        %get3A_1329 = tpu.vector_load %arg12[%get3A_1327, %get3A_1328] {strides = array<i32>} : memref<80x128xf32, #tpu.memory_space<vmem>>, vector<16xf32>,
        %get3A_1330 = arith.index_cast %scan3A_1317 : i32 to index
        %get3A_1331 = arith.constant 0 : index
        %get3A_1332 = tpu.vector_load %arg14[%get3A_1330, %get3A_1331] {strides = array<i32>} : memref<80x128xf32, #tpu.memory_space<vmem>>, vector<16xf32>,
        %get3A_1333 = arith.index_cast %scan3A_1317 : i32 to index
        %get3A_1334 = arith.constant 16 : index
        %get3A_1335 = tpu.vector_load %arg14[%get3A_1333, %get3A_1334] {strides = array<i32>} : memref<80x128xf32, #tpu.memory_space<vmem>>, vector<16xf32>,
        %get3A_1336 = arith.index_cast %scan3A_1317 : i32 to index
        %get3A_1337 = arith.constant 32 : index
        %get3A_1338 = tpu.vector_load %arg14[%get3A_1336, %get3A_1337] {strides = array<i32>} : memref<80x128xf32, #tpu.memory_space<vmem>>, vector<16xf32>,
        %get3A_1339 = arith.index_cast %scan3A_1317 : i32 to index
        %get3A_1340 = arith.constant 48 : index
        %get3A_1341 = tpu.vector_load %arg14[%get3A_1339, %get3A_1340] {strides = array<i32>} : memref<80x128xf32, #tpu.memory_space<vmem>>, vector<16xf32>,
        %swap3A = arith.index_cast %scan3A_1317 : i32 to index
        %swap3A_1342 = arith.constant 0 : index
        %swap3A_1343 = tpu.vector_load %arg16[%swap3A, %swap3A_1342] {strides = array<i32>} : memref<80x128xf32, #tpu.memory_space<vmem>>, vector<16xf32>,
        tpu.vector_store %arg16[%swap3A, %swap3A_1342], %get3A_1320 {strides = array<i32>} : memref<80x128xf32, #tpu.memory_space<vmem>>, vector<16xf32>,
        %swap3A_1344 = arith.index_cast %scan3A_1317 : i32 to index
        %swap3A_1345 = arith.constant 16 : index
        %swap3A_1346 = tpu.vector_load %arg16[%swap3A_1344, %swap3A_1345] {strides = array<i32>} : memref<80x128xf32, #tpu.memory_space<vmem>>, vector<16xf32>,
        tpu.vector_store %arg16[%swap3A_1344, %swap3A_1345], %get3A_1323 {strides = array<i32>} : memref<80x128xf32, #tpu.memory_space<vmem>>, vector<16xf32>,
        %swap3A_1347 = arith.index_cast %scan3A_1317 : i32 to index
        %swap3A_1348 = arith.constant 32 : index
        %swap3A_1349 = tpu.vector_load %arg16[%swap3A_1347, %swap3A_1348] {strides = array<i32>} : memref<80x128xf32, #tpu.memory_space<vmem>>, vector<16xf32>,
        tpu.vector_store %arg16[%swap3A_1347, %swap3A_1348], %get3A_1326 {strides = array<i32>} : memref<80x128xf32, #tpu.memory_space<vmem>>, vector<16xf32>,
        %swap3A_1350 = arith.index_cast %scan3A_1317 : i32 to index
        %swap3A_1351 = arith.constant 48 : index
        %swap3A_1352 = tpu.vector_load %arg16[%swap3A_1350, %swap3A_1351] {strides = array<i32>} : memref<80x128xf32, #tpu.memory_space<vmem>>, vector<16xf32>,
        tpu.vector_store %arg16[%swap3A_1350, %swap3A_1351], %get3A_1329 {strides = array<i32>} : memref<80x128xf32, #tpu.memory_space<vmem>>, vector<16xf32>,
        %swap3A_1353 = arith.index_cast %scan3A_1317 : i32 to index
        %swap3A_1354 = arith.constant 64 : index
        %swap3A_1355 = tpu.vector_load %arg16[%swap3A_1353, %swap3A_1354] {strides = array<i32>} : memref<80x128xf32, #tpu.memory_space<vmem>>, vector<16xf32>,
        tpu.vector_store %arg16[%swap3A_1353, %swap3A_1354], %get3A_1332 {strides = array<i32>} : memref<80x128xf32, #tpu.memory_space<vmem>>, vector<16xf32>,
        %swap3A_1356 = arith.index_cast %scan3A_1317 : i32 to index
        %swap3A_1357 = arith.constant 80 : index
        %swap3A_1358 = tpu.vector_load %arg16[%swap3A_1356, %swap3A_1357] {strides = array<i32>} : memref<80x128xf32, #tpu.memory_space<vmem>>, vector<16xf32>,
        tpu.vector_store %arg16[%swap3A_1356, %swap3A_1357], %get3A_1335 {strides = array<i32>} : memref<80x128xf32, #tpu.memory_space<vmem>>, vector<16xf32>,
        %swap3A_1359 = arith.index_cast %scan3A_1317 : i32 to index
        %swap3A_1360 = arith.constant 96 : index
        %swap3A_1361 = tpu.vector_load %arg16[%swap3A_1359, %swap3A_1360] {strides = array<i32>} : memref<80x128xf32, #tpu.memory_space<vmem>>, vector<16xf32>,
        tpu.vector_store %arg16[%swap3A_1359, %swap3A_1360], %get3A_1338 {strides = array<i32>} : memref<80x128xf32, #tpu.memory_space<vmem>>, vector<16xf32>,
        %swap3A_1362 = arith.index_cast %scan3A_1317 : i32 to index
        %swap3A_1363 = arith.constant 112 : index
        %swap3A_1364 = tpu.vector_load %arg16[%swap3A_1362, %swap3A_1363] {strides = array<i32>} : memref<80x128xf32, #tpu.memory_space<vmem>>, vector<16xf32>,
        tpu.vector_store %arg16[%swap3A_1362, %swap3A_1363], %get3A_1341 {strides = array<i32>} : memref<80x128xf32, #tpu.memory_space<vmem>>, vector<16xf32>,
        %scan3A_1365 = arith.constant 1 : i32
        %scan3A_1366 = arith.addi %scan3A_1317, %scan3A_1365 : i32
        %get3A_1367 = arith.index_cast %scan3A_1366 : i32 to index
        %get3A_1368 = arith.constant 0 : index
        %get3A_1369 = tpu.vector_load %arg12[%get3A_1367, %get3A_1368] {strides = array<i32>} : memref<80x128xf32, #tpu.memory_space<vmem>>, vector<16xf32>,
        %get3A_1370 = arith.index_cast %scan3A_1366 : i32 to index
        %get3A_1371 = arith.constant 16 : index
        %get3A_1372 = tpu.vector_load %arg12[%get3A_1370, %get3A_1371] {strides = array<i32>} : memref<80x128xf32, #tpu.memory_space<vmem>>, vector<16xf32>,
        %get3A_1373 = arith.index_cast %scan3A_1366 : i32 to index
        %get3A_1374 = arith.constant 32 : index
        %get3A_1375 = tpu.vector_load %arg12[%get3A_1373, %get3A_1374] {strides = array<i32>} : memref<80x128xf32, #tpu.memory_space<vmem>>, vector<16xf32>,
        %get3A_1376 = arith.index_cast %scan3A_1366 : i32 to index
        %get3A_1377 = arith.constant 48 : index
        %get3A_1378 = tpu.vector_load %arg12[%get3A_1376, %get3A_1377] {strides = array<i32>} : memref<80x128xf32, #tpu.memory_space<vmem>>, vector<16xf32>,
        %get3A_1379 = arith.index_cast %scan3A_1366 : i32 to index
        %get3A_1380 = arith.constant 0 : index
        %get3A_1381 = tpu.vector_load %arg14[%get3A_1379, %get3A_1380] {strides = array<i32>} : memref<80x128xf32, #tpu.memory_space<vmem>>, vector<16xf32>,
        %get3A_1382 = arith.index_cast %scan3A_1366 : i32 to index
        %get3A_1383 = arith.constant 16 : index
        %get3A_1384 = tpu.vector_load %arg14[%get3A_1382, %get3A_1383] {strides = array<i32>} : memref<80x128xf32, #tpu.memory_space<vmem>>, vector<16xf32>,
        %get3A_1385 = arith.index_cast %scan3A_1366 : i32 to index
        %get3A_1386 = arith.constant 32 : index
        %get3A_1387 = tpu.vector_load %arg14[%get3A_1385, %get3A_1386] {strides = array<i32>} : memref<80x128xf32, #tpu.memory_space<vmem>>, vector<16xf32>,
        %get3A_1388 = arith.index_cast %scan3A_1366 : i32 to index
        %get3A_1389 = arith.constant 48 : index
        %get3A_1390 = tpu.vector_load %arg14[%get3A_1388, %get3A_1389] {strides = array<i32>} : memref<80x128xf32, #tpu.memory_space<vmem>>, vector<16xf32>,
        %swap3A_1391 = arith.index_cast %scan3A_1366 : i32 to index
        %swap3A_1392 = arith.constant 0 : index
        %swap3A_1393 = tpu.vector_load %arg16[%swap3A_1391, %swap3A_1392] {strides = array<i32>} : memref<80x128xf32, #tpu.memory_space<vmem>>, vector<16xf32>,
        tpu.vector_store %arg16[%swap3A_1391, %swap3A_1392], %get3A_1369 {strides = array<i32>} : memref<80x128xf32, #tpu.memory_space<vmem>>, vector<16xf32>,
        %swap3A_1394 = arith.index_cast %scan3A_1366 : i32 to index
        %swap3A_1395 = arith.constant 16 : index
        %swap3A_1396 = tpu.vector_load %arg16[%swap3A_1394, %swap3A_1395] {strides = array<i32>} : memref<80x128xf32, #tpu.memory_space<vmem>>, vector<16xf32>,
        tpu.vector_store %arg16[%swap3A_1394, %swap3A_1395], %get3A_1372 {strides = array<i32>} : memref<80x128xf32, #tpu.memory_space<vmem>>, vector<16xf32>,
        %swap3A_1397 = arith.index_cast %scan3A_1366 : i32 to index
        %swap3A_1398 = arith.constant 32 : index
        %swap3A_1399 = tpu.vector_load %arg16[%swap3A_1397, %swap3A_1398] {strides = array<i32>} : memref<80x128xf32, #tpu.memory_space<vmem>>, vector<16xf32>,
        tpu.vector_store %arg16[%swap3A_1397, %swap3A_1398], %get3A_1375 {strides = array<i32>} : memref<80x128xf32, #tpu.memory_space<vmem>>, vector<16xf32>,
        %swap3A_1400 = arith.index_cast %scan3A_1366 : i32 to index
        %swap3A_1401 = arith.constant 48 : index
        %swap3A_1402 = tpu.vector_load %arg16[%swap3A_1400, %swap3A_1401] {strides = array<i32>} : memref<80x128xf32, #tpu.memory_space<vmem>>, vector<16xf32>,
        tpu.vector_store %arg16[%swap3A_1400, %swap3A_1401], %get3A_1378 {strides = array<i32>} : memref<80x128xf32, #tpu.memory_space<vmem>>, vector<16xf32>,
        %swap3A_1403 = arith.index_cast %scan3A_1366 : i32 to index
        %swap3A_1404 = arith.constant 64 : index
        %swap3A_1405 = tpu.vector_load %arg16[%swap3A_1403, %swap3A_1404] {strides = array<i32>} : memref<80x128xf32, #tpu.memory_space<vmem>>, vector<16xf32>,
        tpu.vector_store %arg16[%swap3A_1403, %swap3A_1404], %get3A_1381 {strides = array<i32>} : memref<80x128xf32, #tpu.memory_space<vmem>>, vector<16xf32>,
        %swap3A_1406 = arith.index_cast %scan3A_1366 : i32 to index
        %swap3A_1407 = arith.constant 80 : index
        %swap3A_1408 = tpu.vector_load %arg16[%swap3A_1406, %swap3A_1407] {strides = array<i32>} : memref<80x128xf32, #tpu.memory_space<vmem>>, vector<16xf32>,
        tpu.vector_store %arg16[%swap3A_1406, %swap3A_1407], %get3A_1384 {strides = array<i32>} : memref<80x128xf32, #tpu.memory_space<vmem>>, vector<16xf32>,
        %swap3A_1409 = arith.index_cast %scan3A_1366 : i32 to index
        %swap3A_1410 = arith.constant 96 : index
        %swap3A_1411 = tpu.vector_load %arg16[%swap3A_1409, %swap3A_1410] {strides = array<i32>} : memref<80x128xf32, #tpu.memory_space<vmem>>, vector<16xf32>,
        tpu.vector_store %arg16[%swap3A_1409, %swap3A_1410], %get3A_1387 {strides = array<i32>} : memref<80x128xf32, #tpu.memory_space<vmem>>, vector<16xf32>,
        %swap3A_1412 = arith.index_cast %scan3A_1366 : i32 to index
        %swap3A_1413 = arith.constant 112 : index
        %swap3A_1414 = tpu.vector_load %arg16[%swap3A_1412, %swap3A_1413] {strides = array<i32>} : memref<80x128xf32, #tpu.memory_space<vmem>>, vector<16xf32>,
        tpu.vector_store %arg16[%swap3A_1412, %swap3A_1413], %get3A_1390 {strides = array<i32>} : memref<80x128xf32, #tpu.memory_space<vmem>>, vector<16xf32>,
      }
      %scan3A_734 = arith.constant 80 : i32
      %mul3A_735 = arith.constant 0 : i32
      %mul3A_736 = vector.broadcast %mul3A_735 : i32 to vector<16xi32>
      %mul3A_737 = arith.muli %iota3A, %mul3A_736 : vector<16xi32>
      %add3A_738 = arith.constant 0 : i32
      %add3A_739 = vector.broadcast %add3A_738 : i32 to vector<16xi32>
      %add3A_740 = arith.addi %iota3A, %add3A_739 : vector<16xi32>
      %get3A_741 = arith.constant 400 : index
      %get3A_742 = tpu.vector_load %arg10[%get3A_741] {strides = array<i32>} : memref<800xf32, #tpu.memory_space<vmem>>, vector<16xf32>,
      tpu.vector_store_idx %arg18[%add3A_740, %mul3A_737], %get3A_742 : memref<80x1xf32, #tpu.memory_space<vmem>>[vector<16xi32>, vector<16xi32>], vector<16xf32>,
      %add3A_743 = arith.constant 16 : i32
      %add3A_744 = vector.broadcast %add3A_743 : i32 to vector<16xi32>
      %add3A_745 = arith.addi %iota3A, %add3A_744 : vector<16xi32>
      %get3A_746 = arith.constant 416 : index
      %get3A_747 = tpu.vector_load %arg10[%get3A_746] {strides = array<i32>} : memref<800xf32, #tpu.memory_space<vmem>>, vector<16xf32>,
      tpu.vector_store_idx %arg18[%add3A_745, %mul3A_737], %get3A_747 : memref<80x1xf32, #tpu.memory_space<vmem>>[vector<16xi32>, vector<16xi32>], vector<16xf32>,
      %add3A_748 = arith.constant 32 : i32
      %add3A_749 = vector.broadcast %add3A_748 : i32 to vector<16xi32>
      %add3A_750 = arith.addi %iota3A, %add3A_749 : vector<16xi32>
      %get3A_751 = arith.constant 432 : index
      %get3A_752 = tpu.vector_load %arg10[%get3A_751] {strides = array<i32>} : memref<800xf32, #tpu.memory_space<vmem>>, vector<16xf32>,
      tpu.vector_store_idx %arg18[%add3A_750, %mul3A_737], %get3A_752 : memref<80x1xf32, #tpu.memory_space<vmem>>[vector<16xi32>, vector<16xi32>], vector<16xf32>,
      %add3A_753 = arith.constant 48 : i32
      %add3A_754 = vector.broadcast %add3A_753 : i32 to vector<16xi32>
      %add3A_755 = arith.addi %iota3A, %add3A_754 : vector<16xi32>
      %get3A_756 = arith.constant 448 : index
      %get3A_757 = tpu.vector_load %arg10[%get3A_756] {strides = array<i32>} : memref<800xf32, #tpu.memory_space<vmem>>, vector<16xf32>,
      tpu.vector_store_idx %arg18[%add3A_755, %mul3A_737], %get3A_757 : memref<80x1xf32, #tpu.memory_space<vmem>>[vector<16xi32>, vector<16xi32>], vector<16xf32>,
      %add3A_758 = arith.constant 64 : i32
      %add3A_759 = vector.broadcast %add3A_758 : i32 to vector<16xi32>
      %add3A_760 = arith.addi %iota3A, %add3A_759 : vector<16xi32>
      %get3A_761 = arith.constant 464 : index
      %get3A_762 = tpu.vector_load %arg10[%get3A_761] {strides = array<i32>} : memref<800xf32, #tpu.memory_space<vmem>>, vector<16xf32>,
      tpu.vector_store_idx %arg18[%add3A_760, %mul3A_737], %get3A_762 : memref<80x1xf32, #tpu.memory_space<vmem>>[vector<16xi32>, vector<16xi32>], vector<16xf32>,
      %add3A_763 = arith.constant 2 : i32
      %add3A_764 = arith.addi %add3A_75, %add3A_763 : i32
      %add3A_765 = arith.constant 2 : i32
      %add3A_766 = arith.addi %add3A_75, %add3A_765 : i32
      %dma_start3A_767 = arith.constant 0 : i32
      %dma_start3A_768 = arith.constant 0 : i32
      %dma_start3A_769 = tpu.memref_slice %arg16[%dma_start3A_767, %dma_start3A_768] : memref<80x128xf32, #tpu.memory_space<vmem>> -> memref<80x128xf32, #tpu.memory_space<vmem>>
      %dma_start3A_770 = arith.constant 0 : i32
      %dma_start3A_771 = arith.constant 0 : i32
      %dma_start3A_772 = tpu.memref_slice %arg7[%add3A_764, %dma_start3A_770, %dma_start3A_771] : memref<4096x200x129xf32, #tpu.memory_space<hbm>> -> memref<1x80x128xf32, #tpu.memory_space<hbm>>
      %dma_start3A_773 = tpu.memref_squeeze %dma_start3A_772 : memref<1x80x128xf32, #tpu.memory_space<hbm>> -> memref<80x128xf32, #tpu.memory_space<hbm>>
      %dma_start3A_774 = arith.constant 0 : i32
      %dma_start3A_775 = arith.constant 0 : i32
      %dma_start3A_776 = tpu.memref_slice %arg7[%add3A_764, %dma_start3A_774, %dma_start3A_775] : memref<4096x200x129xf32, #tpu.memory_space<hbm>> -> memref<1x80x128xf32, #tpu.memory_space<hbm>>
      %dma_start3A_777 = tpu.memref_squeeze %dma_start3A_776 : memref<1x80x128xf32, #tpu.memory_space<hbm>> -> memref<80x128xf32, #tpu.memory_space<hbm>>
      %dma_start3A_778 = arith.constant 0 : i32
      %dma_start3A_779 = arith.constant 0 : i32
      %dma_start3A_780 = tpu.memref_slice %arg16[%dma_start3A_778, %dma_start3A_779] : memref<80x128xf32, #tpu.memory_space<vmem>> -> memref<80x128xf32, #tpu.memory_space<vmem>>
      tpu.enqueue_dma source(%dma_start3A_780 : memref<80x128xf32, #tpu.memory_space<vmem>>) target(%dma_start3A_777 : memref<80x128xf32, #tpu.memory_space<hbm>>) target_semaphore(%arg21 : memref<!tpu.dma_semaphore, #tpu.memory_space<semaphore_mem>>)
      %dma_start3A_781 = arith.constant 0 : i32
      %dma_start3A_782 = arith.constant 0 : i32
      %dma_start3A_783 = tpu.memref_slice %arg18[%dma_start3A_781, %dma_start3A_782] : memref<80x1xf32, #tpu.memory_space<vmem>> -> memref<80x1xf32, #tpu.memory_space<vmem>>
      %dma_start3A_784 = arith.constant 0 : i32
      %dma_start3A_785 = arith.constant 128 : i32
      %dma_start3A_786 = tpu.memref_slice %arg7[%add3A_766, %dma_start3A_784, %dma_start3A_785] : memref<4096x200x129xf32, #tpu.memory_space<hbm>> -> memref<1x80x1xf32, #tpu.memory_space<hbm>>
      %dma_start3A_787 = tpu.memref_squeeze %dma_start3A_786 : memref<1x80x1xf32, #tpu.memory_space<hbm>> -> memref<80x1xf32, #tpu.memory_space<hbm>>
      %dma_start3A_788 = arith.constant 0 : i32
      %dma_start3A_789 = arith.constant 128 : i32
      %dma_start3A_790 = tpu.memref_slice %arg7[%add3A_766, %dma_start3A_788, %dma_start3A_789] : memref<4096x200x129xf32, #tpu.memory_space<hbm>> -> memref<1x80x1xf32, #tpu.memory_space<hbm>>
      %dma_start3A_791 = tpu.memref_squeeze %dma_start3A_790 : memref<1x80x1xf32, #tpu.memory_space<hbm>> -> memref<80x1xf32, #tpu.memory_space<hbm>>
      %dma_start3A_792 = arith.constant 0 : i32
      %dma_start3A_793 = arith.constant 0 : i32
      %dma_start3A_794 = tpu.memref_slice %arg18[%dma_start3A_792, %dma_start3A_793] : memref<80x1xf32, #tpu.memory_space<vmem>> -> memref<80x1xf32, #tpu.memory_space<vmem>>
      tpu.enqueue_dma source(%dma_start3A_794 : memref<80x1xf32, #tpu.memory_space<vmem>>) target(%dma_start3A_791 : memref<80x1xf32, #tpu.memory_space<hbm>>) target_semaphore(%arg21 : memref<!tpu.dma_semaphore, #tpu.memory_space<semaphore_mem>>)
      %dma_start3A_795 = arith.constant 560 : i32
      %dma_start3A_796 = tpu.memref_slice %arg8[%dma_start3A_795] : memref<800xi32, #tpu.memory_space<vmem>> -> memref<80xi32, #tpu.memory_space<vmem>>
      %dma_start3A_797 = arith.constant 0 : i32
      %dma_start3A_798 = arith.constant 0 : i32
      %dma_start3A_799 = tpu.memref_slice %arg5[%dma_start3A_797, %dma_start3A_798] : memref<1000x128xf32, #tpu.memory_space<hbm>> -> memref<1000x128xf32, #tpu.memory_space<hbm>>
      tpu.enqueue_indirect_dma source(%dma_start3A_799 : memref<1000x128xf32, #tpu.memory_space<hbm>>) target(%arg12 : memref<80x128xf32, #tpu.memory_space<vmem>>) offsets(%dma_start3A_796 : memref<80xi32, #tpu.memory_space<vmem>>) semaphore(%arg19 : memref<!tpu.dma_semaphore, #tpu.memory_space<semaphore_mem>>)
      %dma_start3A_800 = arith.constant 560 : i32
      %dma_start3A_801 = tpu.memref_slice %arg9[%dma_start3A_800] : memref<800xi32, #tpu.memory_space<vmem>> -> memref<80xi32, #tpu.memory_space<vmem>>
      %dma_start3A_802 = arith.constant 0 : i32
      %dma_start3A_803 = arith.constant 0 : i32
      %dma_start3A_804 = tpu.memref_slice %arg6[%dma_start3A_802, %dma_start3A_803] : memref<1000x128xf32, #tpu.memory_space<hbm>> -> memref<1000x128xf32, #tpu.memory_space<hbm>>
      tpu.enqueue_indirect_dma source(%dma_start3A_804 : memref<1000x128xf32, #tpu.memory_space<hbm>>) target(%arg14 : memref<80x128xf32, #tpu.memory_space<vmem>>) offsets(%dma_start3A_801 : memref<80xi32, #tpu.memory_space<vmem>>) semaphore(%arg20 : memref<!tpu.dma_semaphore, #tpu.memory_space<semaphore_mem>>)
      %add3A_805 = arith.constant 1 : i32
      %add3A_806 = arith.addi %add3A_75, %add3A_805 : i32
      %add3A_807 = arith.constant 1 : i32
      %add3A_808 = arith.addi %add3A_75, %add3A_807 : i32
      %dma_wait3A_809 = arith.constant 0 : i32
      %dma_wait3A_810 = arith.constant 0 : i32
      %dma_wait3A_811 = tpu.memref_slice %arg15[%dma_wait3A_809, %dma_wait3A_810] : memref<80x128xf32, #tpu.memory_space<vmem>> -> memref<80x128xf32, #tpu.memory_space<vmem>>
      %dma_wait3A_812 = arith.constant 120 : i32
      %dma_wait3A_813 = arith.constant 0 : i32
      %dma_wait3A_814 = tpu.memref_slice %arg7[%add3A_806, %dma_wait3A_812, %dma_wait3A_813] : memref<4096x200x129xf32, #tpu.memory_space<hbm>> -> memref<1x80x128xf32, #tpu.memory_space<hbm>>
      %dma_wait3A_815 = tpu.memref_squeeze %dma_wait3A_814 : memref<1x80x128xf32, #tpu.memory_space<hbm>> -> memref<80x128xf32, #tpu.memory_space<hbm>>
      %dma_wait3A_816 = arith.constant 120 : i32
      %dma_wait3A_817 = arith.constant 0 : i32
      %dma_wait3A_818 = tpu.memref_slice %arg7[%add3A_806, %dma_wait3A_816, %dma_wait3A_817] : memref<4096x200x129xf32, #tpu.memory_space<hbm>> -> memref<1x80x128xf32, #tpu.memory_space<hbm>>
      %dma_wait3A_819 = tpu.memref_squeeze %dma_wait3A_818 : memref<1x80x128xf32, #tpu.memory_space<hbm>> -> memref<80x128xf32, #tpu.memory_space<hbm>>
      %dma_wait3A_820 = arith.constant 0 : i32
      %dma_wait3A_821 = arith.constant 0 : i32
      %dma_wait3A_822 = tpu.memref_slice %arg15[%dma_wait3A_820, %dma_wait3A_821] : memref<80x128xf32, #tpu.memory_space<vmem>> -> memref<80x128xf32, #tpu.memory_space<vmem>>
      tpu.wait_dma2 semaphore(%arg21 : memref<!tpu.dma_semaphore, #tpu.memory_space<semaphore_mem>>) src(%dma_wait3A_822 : memref<80x128xf32, #tpu.memory_space<vmem>>) dst(%dma_wait3A_819 : memref<80x128xf32, #tpu.memory_space<hbm>>)
      %dma_wait3A_823 = arith.constant 0 : i32
      %dma_wait3A_824 = arith.constant 0 : i32
      %dma_wait3A_825 = tpu.memref_slice %arg17[%dma_wait3A_823, %dma_wait3A_824] : memref<80x1xf32, #tpu.memory_space<vmem>> -> memref<80x1xf32, #tpu.memory_space<vmem>>
      %dma_wait3A_826 = arith.constant 120 : i32
      %dma_wait3A_827 = arith.constant 128 : i32
      %dma_wait3A_828 = tpu.memref_slice %arg7[%add3A_808, %dma_wait3A_826, %dma_wait3A_827] : memref<4096x200x129xf32, #tpu.memory_space<hbm>> -> memref<1x80x1xf32, #tpu.memory_space<hbm>>
      %dma_wait3A_829 = tpu.memref_squeeze %dma_wait3A_828 : memref<1x80x1xf32, #tpu.memory_space<hbm>> -> memref<80x1xf32, #tpu.memory_space<hbm>>
      %dma_wait3A_830 = arith.constant 120 : i32
      %dma_wait3A_831 = arith.constant 128 : i32
      %dma_wait3A_832 = tpu.memref_slice %arg7[%add3A_808, %dma_wait3A_830, %dma_wait3A_831] : memref<4096x200x129xf32, #tpu.memory_space<hbm>> -> memref<1x80x1xf32, #tpu.memory_space<hbm>>
      %dma_wait3A_833 = tpu.memref_squeeze %dma_wait3A_832 : memref<1x80x1xf32, #tpu.memory_space<hbm>> -> memref<80x1xf32, #tpu.memory_space<hbm>>
      %dma_wait3A_834 = arith.constant 0 : i32
      %dma_wait3A_835 = arith.constant 0 : i32
      %dma_wait3A_836 = tpu.memref_slice %arg17[%dma_wait3A_834, %dma_wait3A_835] : memref<80x1xf32, #tpu.memory_space<vmem>> -> memref<80x1xf32, #tpu.memory_space<vmem>>
      tpu.wait_dma2 semaphore(%arg21 : memref<!tpu.dma_semaphore, #tpu.memory_space<semaphore_mem>>) src(%dma_wait3A_836 : memref<80x1xf32, #tpu.memory_space<vmem>>) dst(%dma_wait3A_833 : memref<80x1xf32, #tpu.memory_space<hbm>>)
      %dma_wait3A_837 = arith.constant 480 : i32
      %dma_wait3A_838 = tpu.memref_slice %arg8[%dma_wait3A_837] : memref<800xi32, #tpu.memory_space<vmem>> -> memref<80xi32, #tpu.memory_space<vmem>>
      %dma_wait3A_839 = arith.constant 0 : i32
      %dma_wait3A_840 = arith.constant 0 : i32
      %dma_wait3A_841 = tpu.memref_slice %arg5[%dma_wait3A_839, %dma_wait3A_840] : memref<1000x128xf32, #tpu.memory_space<hbm>> -> memref<1000x128xf32, #tpu.memory_space<hbm>>
      tpu.wait_indirect_dma semaphore(%arg19 : memref<!tpu.dma_semaphore, #tpu.memory_space<semaphore_mem>>) src(%dma_wait3A_841 : memref<1000x128xf32, #tpu.memory_space<hbm>>) dst(%arg11 : memref<80x128xf32, #tpu.memory_space<vmem>>)
      %dma_wait3A_842 = arith.constant 480 : i32
      %dma_wait3A_843 = tpu.memref_slice %arg9[%dma_wait3A_842] : memref<800xi32, #tpu.memory_space<vmem>> -> memref<80xi32, #tpu.memory_space<vmem>>
      %dma_wait3A_844 = arith.constant 0 : i32
      %dma_wait3A_845 = arith.constant 0 : i32
      %dma_wait3A_846 = tpu.memref_slice %arg6[%dma_wait3A_844, %dma_wait3A_845] : memref<1000x128xf32, #tpu.memory_space<hbm>> -> memref<1000x128xf32, #tpu.memory_space<hbm>>
      tpu.wait_indirect_dma semaphore(%arg20 : memref<!tpu.dma_semaphore, #tpu.memory_space<semaphore_mem>>) src(%dma_wait3A_846 : memref<1000x128xf32, #tpu.memory_space<hbm>>) dst(%arg13 : memref<80x128xf32, #tpu.memory_space<vmem>>)
      %scan3A_847 = arith.constant 0 : i32
      %scan3A_848 = arith.constant 80 : i32
      %scan3A_849 = arith.addi %scan3A_847, %scan3A_848 : i32
      %scan3A_850 = arith.constant 2 : i32
      scf.for %scan3A_1317 = %scan3A_847 to %scan3A_849 step %scan3A_850  : i32 {
        %get3A_1318 = arith.index_cast %scan3A_1317 : i32 to index
        %get3A_1319 = arith.constant 0 : index
        %get3A_1320 = tpu.vector_load %arg11[%get3A_1318, %get3A_1319] {strides = array<i32>} : memref<80x128xf32, #tpu.memory_space<vmem>>, vector<16xf32>,
        %get3A_1321 = arith.index_cast %scan3A_1317 : i32 to index
        %get3A_1322 = arith.constant 16 : index
        %get3A_1323 = tpu.vector_load %arg11[%get3A_1321, %get3A_1322] {strides = array<i32>} : memref<80x128xf32, #tpu.memory_space<vmem>>, vector<16xf32>,
        %get3A_1324 = arith.index_cast %scan3A_1317 : i32 to index
        %get3A_1325 = arith.constant 32 : index
        %get3A_1326 = tpu.vector_load %arg11[%get3A_1324, %get3A_1325] {strides = array<i32>} : memref<80x128xf32, #tpu.memory_space<vmem>>, vector<16xf32>,
        %get3A_1327 = arith.index_cast %scan3A_1317 : i32 to index
        %get3A_1328 = arith.constant 48 : index
        %get3A_1329 = tpu.vector_load %arg11[%get3A_1327, %get3A_1328] {strides = array<i32>} : memref<80x128xf32, #tpu.memory_space<vmem>>, vector<16xf32>,
        %get3A_1330 = arith.index_cast %scan3A_1317 : i32 to index
        %get3A_1331 = arith.constant 0 : index
        %get3A_1332 = tpu.vector_load %arg13[%get3A_1330, %get3A_1331] {strides = array<i32>} : memref<80x128xf32, #tpu.memory_space<vmem>>, vector<16xf32>,
        %get3A_1333 = arith.index_cast %scan3A_1317 : i32 to index
        %get3A_1334 = arith.constant 16 : index
        %get3A_1335 = tpu.vector_load %arg13[%get3A_1333, %get3A_1334] {strides = array<i32>} : memref<80x128xf32, #tpu.memory_space<vmem>>, vector<16xf32>,
        %get3A_1336 = arith.index_cast %scan3A_1317 : i32 to index
        %get3A_1337 = arith.constant 32 : index
        %get3A_1338 = tpu.vector_load %arg13[%get3A_1336, %get3A_1337] {strides = array<i32>} : memref<80x128xf32, #tpu.memory_space<vmem>>, vector<16xf32>,
        %get3A_1339 = arith.index_cast %scan3A_1317 : i32 to index
        %get3A_1340 = arith.constant 48 : index
        %get3A_1341 = tpu.vector_load %arg13[%get3A_1339, %get3A_1340] {strides = array<i32>} : memref<80x128xf32, #tpu.memory_space<vmem>>, vector<16xf32>,
        %swap3A = arith.index_cast %scan3A_1317 : i32 to index
        %swap3A_1342 = arith.constant 0 : index
        %swap3A_1343 = tpu.vector_load %arg15[%swap3A, %swap3A_1342] {strides = array<i32>} : memref<80x128xf32, #tpu.memory_space<vmem>>, vector<16xf32>,
        tpu.vector_store %arg15[%swap3A, %swap3A_1342], %get3A_1320 {strides = array<i32>} : memref<80x128xf32, #tpu.memory_space<vmem>>, vector<16xf32>,
        %swap3A_1344 = arith.index_cast %scan3A_1317 : i32 to index
        %swap3A_1345 = arith.constant 16 : index
        %swap3A_1346 = tpu.vector_load %arg15[%swap3A_1344, %swap3A_1345] {strides = array<i32>} : memref<80x128xf32, #tpu.memory_space<vmem>>, vector<16xf32>,
        tpu.vector_store %arg15[%swap3A_1344, %swap3A_1345], %get3A_1323 {strides = array<i32>} : memref<80x128xf32, #tpu.memory_space<vmem>>, vector<16xf32>,
        %swap3A_1347 = arith.index_cast %scan3A_1317 : i32 to index
        %swap3A_1348 = arith.constant 32 : index
        %swap3A_1349 = tpu.vector_load %arg15[%swap3A_1347, %swap3A_1348] {strides = array<i32>} : memref<80x128xf32, #tpu.memory_space<vmem>>, vector<16xf32>,
        tpu.vector_store %arg15[%swap3A_1347, %swap3A_1348], %get3A_1326 {strides = array<i32>} : memref<80x128xf32, #tpu.memory_space<vmem>>, vector<16xf32>,
        %swap3A_1350 = arith.index_cast %scan3A_1317 : i32 to index
        %swap3A_1351 = arith.constant 48 : index
        %swap3A_1352 = tpu.vector_load %arg15[%swap3A_1350, %swap3A_1351] {strides = array<i32>} : memref<80x128xf32, #tpu.memory_space<vmem>>, vector<16xf32>,
        tpu.vector_store %arg15[%swap3A_1350, %swap3A_1351], %get3A_1329 {strides = array<i32>} : memref<80x128xf32, #tpu.memory_space<vmem>>, vector<16xf32>,
        %swap3A_1353 = arith.index_cast %scan3A_1317 : i32 to index
        %swap3A_1354 = arith.constant 64 : index
        %swap3A_1355 = tpu.vector_load %arg15[%swap3A_1353, %swap3A_1354] {strides = array<i32>} : memref<80x128xf32, #tpu.memory_space<vmem>>, vector<16xf32>,
        tpu.vector_store %arg15[%swap3A_1353, %swap3A_1354], %get3A_1332 {strides = array<i32>} : memref<80x128xf32, #tpu.memory_space<vmem>>, vector<16xf32>,
        %swap3A_1356 = arith.index_cast %scan3A_1317 : i32 to index
        %swap3A_1357 = arith.constant 80 : index
        %swap3A_1358 = tpu.vector_load %arg15[%swap3A_1356, %swap3A_1357] {strides = array<i32>} : memref<80x128xf32, #tpu.memory_space<vmem>>, vector<16xf32>,
        tpu.vector_store %arg15[%swap3A_1356, %swap3A_1357], %get3A_1335 {strides = array<i32>} : memref<80x128xf32, #tpu.memory_space<vmem>>, vector<16xf32>,
        %swap3A_1359 = arith.index_cast %scan3A_1317 : i32 to index
        %swap3A_1360 = arith.constant 96 : index
        %swap3A_1361 = tpu.vector_load %arg15[%swap3A_1359, %swap3A_1360] {strides = array<i32>} : memref<80x128xf32, #tpu.memory_space<vmem>>, vector<16xf32>,
        tpu.vector_store %arg15[%swap3A_1359, %swap3A_1360], %get3A_1338 {strides = array<i32>} : memref<80x128xf32, #tpu.memory_space<vmem>>, vector<16xf32>,
        %swap3A_1362 = arith.index_cast %scan3A_1317 : i32 to index
        %swap3A_1363 = arith.constant 112 : index
        %swap3A_1364 = tpu.vector_load %arg15[%swap3A_1362, %swap3A_1363] {strides = array<i32>} : memref<80x128xf32, #tpu.memory_space<vmem>>, vector<16xf32>,
        tpu.vector_store %arg15[%swap3A_1362, %swap3A_1363], %get3A_1341 {strides = array<i32>} : memref<80x128xf32, #tpu.memory_space<vmem>>, vector<16xf32>,
        %scan3A_1365 = arith.constant 1 : i32
        %scan3A_1366 = arith.addi %scan3A_1317, %scan3A_1365 : i32
        %get3A_1367 = arith.index_cast %scan3A_1366 : i32 to index
        %get3A_1368 = arith.constant 0 : index
        %get3A_1369 = tpu.vector_load %arg11[%get3A_1367, %get3A_1368] {strides = array<i32>} : memref<80x128xf32, #tpu.memory_space<vmem>>, vector<16xf32>,
        %get3A_1370 = arith.index_cast %scan3A_1366 : i32 to index
        %get3A_1371 = arith.constant 16 : index
        %get3A_1372 = tpu.vector_load %arg11[%get3A_1370, %get3A_1371] {strides = array<i32>} : memref<80x128xf32, #tpu.memory_space<vmem>>, vector<16xf32>,
        %get3A_1373 = arith.index_cast %scan3A_1366 : i32 to index
        %get3A_1374 = arith.constant 32 : index
        %get3A_1375 = tpu.vector_load %arg11[%get3A_1373, %get3A_1374] {strides = array<i32>} : memref<80x128xf32, #tpu.memory_space<vmem>>, vector<16xf32>,
        %get3A_1376 = arith.index_cast %scan3A_1366 : i32 to index
        %get3A_1377 = arith.constant 48 : index
        %get3A_1378 = tpu.vector_load %arg11[%get3A_1376, %get3A_1377] {strides = array<i32>} : memref<80x128xf32, #tpu.memory_space<vmem>>, vector<16xf32>,
        %get3A_1379 = arith.index_cast %scan3A_1366 : i32 to index
        %get3A_1380 = arith.constant 0 : index
        %get3A_1381 = tpu.vector_load %arg13[%get3A_1379, %get3A_1380] {strides = array<i32>} : memref<80x128xf32, #tpu.memory_space<vmem>>, vector<16xf32>,
        %get3A_1382 = arith.index_cast %scan3A_1366 : i32 to index
        %get3A_1383 = arith.constant 16 : index
        %get3A_1384 = tpu.vector_load %arg13[%get3A_1382, %get3A_1383] {strides = array<i32>} : memref<80x128xf32, #tpu.memory_space<vmem>>, vector<16xf32>,
        %get3A_1385 = arith.index_cast %scan3A_1366 : i32 to index
        %get3A_1386 = arith.constant 32 : index
        %get3A_1387 = tpu.vector_load %arg13[%get3A_1385, %get3A_1386] {strides = array<i32>} : memref<80x128xf32, #tpu.memory_space<vmem>>, vector<16xf32>,
        %get3A_1388 = arith.index_cast %scan3A_1366 : i32 to index
        %get3A_1389 = arith.constant 48 : index
        %get3A_1390 = tpu.vector_load %arg13[%get3A_1388, %get3A_1389] {strides = array<i32>} : memref<80x128xf32, #tpu.memory_space<vmem>>, vector<16xf32>,
        %swap3A_1391 = arith.index_cast %scan3A_1366 : i32 to index
        %swap3A_1392 = arith.constant 0 : index
        %swap3A_1393 = tpu.vector_load %arg15[%swap3A_1391, %swap3A_1392] {strides = array<i32>} : memref<80x128xf32, #tpu.memory_space<vmem>>, vector<16xf32>,
        tpu.vector_store %arg15[%swap3A_1391, %swap3A_1392], %get3A_1369 {strides = array<i32>} : memref<80x128xf32, #tpu.memory_space<vmem>>, vector<16xf32>,
        %swap3A_1394 = arith.index_cast %scan3A_1366 : i32 to index
        %swap3A_1395 = arith.constant 16 : index
        %swap3A_1396 = tpu.vector_load %arg15[%swap3A_1394, %swap3A_1395] {strides = array<i32>} : memref<80x128xf32, #tpu.memory_space<vmem>>, vector<16xf32>,
        tpu.vector_store %arg15[%swap3A_1394, %swap3A_1395], %get3A_1372 {strides = array<i32>} : memref<80x128xf32, #tpu.memory_space<vmem>>, vector<16xf32>,
        %swap3A_1397 = arith.index_cast %scan3A_1366 : i32 to index
        %swap3A_1398 = arith.constant 32 : index
        %swap3A_1399 = tpu.vector_load %arg15[%swap3A_1397, %swap3A_1398] {strides = array<i32>} : memref<80x128xf32, #tpu.memory_space<vmem>>, vector<16xf32>,
        tpu.vector_store %arg15[%swap3A_1397, %swap3A_1398], %get3A_1375 {strides = array<i32>} : memref<80x128xf32, #tpu.memory_space<vmem>>, vector<16xf32>,
        %swap3A_1400 = arith.index_cast %scan3A_1366 : i32 to index
        %swap3A_1401 = arith.constant 48 : index
        %swap3A_1402 = tpu.vector_load %arg15[%swap3A_1400, %swap3A_1401] {strides = array<i32>} : memref<80x128xf32, #tpu.memory_space<vmem>>, vector<16xf32>,
        tpu.vector_store %arg15[%swap3A_1400, %swap3A_1401], %get3A_1378 {strides = array<i32>} : memref<80x128xf32, #tpu.memory_space<vmem>>, vector<16xf32>,
        %swap3A_1403 = arith.index_cast %scan3A_1366 : i32 to index
        %swap3A_1404 = arith.constant 64 : index
        %swap3A_1405 = tpu.vector_load %arg15[%swap3A_1403, %swap3A_1404] {strides = array<i32>} : memref<80x128xf32, #tpu.memory_space<vmem>>, vector<16xf32>,
        tpu.vector_store %arg15[%swap3A_1403, %swap3A_1404], %get3A_1381 {strides = array<i32>} : memref<80x128xf32, #tpu.memory_space<vmem>>, vector<16xf32>,
        %swap3A_1406 = arith.index_cast %scan3A_1366 : i32 to index
        %swap3A_1407 = arith.constant 80 : index
        %swap3A_1408 = tpu.vector_load %arg15[%swap3A_1406, %swap3A_1407] {strides = array<i32>} : memref<80x128xf32, #tpu.memory_space<vmem>>, vector<16xf32>,
        tpu.vector_store %arg15[%swap3A_1406, %swap3A_1407], %get3A_1384 {strides = array<i32>} : memref<80x128xf32, #tpu.memory_space<vmem>>, vector<16xf32>,
        %swap3A_1409 = arith.index_cast %scan3A_1366 : i32 to index
        %swap3A_1410 = arith.constant 96 : index
        %swap3A_1411 = tpu.vector_load %arg15[%swap3A_1409, %swap3A_1410] {strides = array<i32>} : memref<80x128xf32, #tpu.memory_space<vmem>>, vector<16xf32>,
        tpu.vector_store %arg15[%swap3A_1409, %swap3A_1410], %get3A_1387 {strides = array<i32>} : memref<80x128xf32, #tpu.memory_space<vmem>>, vector<16xf32>,
        %swap3A_1412 = arith.index_cast %scan3A_1366 : i32 to index
        %swap3A_1413 = arith.constant 112 : index
        %swap3A_1414 = tpu.vector_load %arg15[%swap3A_1412, %swap3A_1413] {strides = array<i32>} : memref<80x128xf32, #tpu.memory_space<vmem>>, vector<16xf32>,
        tpu.vector_store %arg15[%swap3A_1412, %swap3A_1413], %get3A_1390 {strides = array<i32>} : memref<80x128xf32, #tpu.memory_space<vmem>>, vector<16xf32>,
      }
      %scan3A_851 = arith.constant 80 : i32
      %mul3A_852 = arith.constant 0 : i32
      %mul3A_853 = vector.broadcast %mul3A_852 : i32 to vector<16xi32>
      %mul3A_854 = arith.muli %iota3A, %mul3A_853 : vector<16xi32>
      %add3A_855 = arith.constant 0 : i32
      %add3A_856 = vector.broadcast %add3A_855 : i32 to vector<16xi32>
      %add3A_857 = arith.addi %iota3A, %add3A_856 : vector<16xi32>
      %get3A_858 = arith.constant 480 : index
      %get3A_859 = tpu.vector_load %arg10[%get3A_858] {strides = array<i32>} : memref<800xf32, #tpu.memory_space<vmem>>, vector<16xf32>,
      tpu.vector_store_idx %arg17[%add3A_857, %mul3A_854], %get3A_859 : memref<80x1xf32, #tpu.memory_space<vmem>>[vector<16xi32>, vector<16xi32>], vector<16xf32>,
      %add3A_860 = arith.constant 16 : i32
      %add3A_861 = vector.broadcast %add3A_860 : i32 to vector<16xi32>
      %add3A_862 = arith.addi %iota3A, %add3A_861 : vector<16xi32>
      %get3A_863 = arith.constant 496 : index
      %get3A_864 = tpu.vector_load %arg10[%get3A_863] {strides = array<i32>} : memref<800xf32, #tpu.memory_space<vmem>>, vector<16xf32>,
      tpu.vector_store_idx %arg17[%add3A_862, %mul3A_854], %get3A_864 : memref<80x1xf32, #tpu.memory_space<vmem>>[vector<16xi32>, vector<16xi32>], vector<16xf32>,
      %add3A_865 = arith.constant 32 : i32
      %add3A_866 = vector.broadcast %add3A_865 : i32 to vector<16xi32>
      %add3A_867 = arith.addi %iota3A, %add3A_866 : vector<16xi32>
      %get3A_868 = arith.constant 512 : index
      %get3A_869 = tpu.vector_load %arg10[%get3A_868] {strides = array<i32>} : memref<800xf32, #tpu.memory_space<vmem>>, vector<16xf32>,
      tpu.vector_store_idx %arg17[%add3A_867, %mul3A_854], %get3A_869 : memref<80x1xf32, #tpu.memory_space<vmem>>[vector<16xi32>, vector<16xi32>], vector<16xf32>,
      %add3A_870 = arith.constant 48 : i32
      %add3A_871 = vector.broadcast %add3A_870 : i32 to vector<16xi32>
      %add3A_872 = arith.addi %iota3A, %add3A_871 : vector<16xi32>
      %get3A_873 = arith.constant 528 : index
      %get3A_874 = tpu.vector_load %arg10[%get3A_873] {strides = array<i32>} : memref<800xf32, #tpu.memory_space<vmem>>, vector<16xf32>,
      tpu.vector_store_idx %arg17[%add3A_872, %mul3A_854], %get3A_874 : memref<80x1xf32, #tpu.memory_space<vmem>>[vector<16xi32>, vector<16xi32>], vector<16xf32>,
      %add3A_875 = arith.constant 64 : i32
      %add3A_876 = vector.broadcast %add3A_875 : i32 to vector<16xi32>
      %add3A_877 = arith.addi %iota3A, %add3A_876 : vector<16xi32>
      %get3A_878 = arith.constant 544 : index
      %get3A_879 = tpu.vector_load %arg10[%get3A_878] {strides = array<i32>} : memref<800xf32, #tpu.memory_space<vmem>>, vector<16xf32>,
      tpu.vector_store_idx %arg17[%add3A_877, %mul3A_854], %get3A_879 : memref<80x1xf32, #tpu.memory_space<vmem>>[vector<16xi32>, vector<16xi32>], vector<16xf32>,
      %add3A_880 = arith.constant 2 : i32
      %add3A_881 = arith.addi %add3A_75, %add3A_880 : i32
      %add3A_882 = arith.constant 2 : i32
      %add3A_883 = arith.addi %add3A_75, %add3A_882 : i32
      %dma_start3A_884 = arith.constant 0 : i32
      %dma_start3A_885 = arith.constant 0 : i32
      %dma_start3A_886 = tpu.memref_slice %arg15[%dma_start3A_884, %dma_start3A_885] : memref<80x128xf32, #tpu.memory_space<vmem>> -> memref<80x128xf32, #tpu.memory_space<vmem>>
      %dma_start3A_887 = arith.constant 80 : i32
      %dma_start3A_888 = arith.constant 0 : i32
      %dma_start3A_889 = tpu.memref_slice %arg7[%add3A_881, %dma_start3A_887, %dma_start3A_888] : memref<4096x200x129xf32, #tpu.memory_space<hbm>> -> memref<1x80x128xf32, #tpu.memory_space<hbm>>
      %dma_start3A_890 = tpu.memref_squeeze %dma_start3A_889 : memref<1x80x128xf32, #tpu.memory_space<hbm>> -> memref<80x128xf32, #tpu.memory_space<hbm>>
      %dma_start3A_891 = arith.constant 80 : i32
      %dma_start3A_892 = arith.constant 0 : i32
      %dma_start3A_893 = tpu.memref_slice %arg7[%add3A_881, %dma_start3A_891, %dma_start3A_892] : memref<4096x200x129xf32, #tpu.memory_space<hbm>> -> memref<1x80x128xf32, #tpu.memory_space<hbm>>
      %dma_start3A_894 = tpu.memref_squeeze %dma_start3A_893 : memref<1x80x128xf32, #tpu.memory_space<hbm>> -> memref<80x128xf32, #tpu.memory_space<hbm>>
      %dma_start3A_895 = arith.constant 0 : i32
      %dma_start3A_896 = arith.constant 0 : i32
      %dma_start3A_897 = tpu.memref_slice %arg15[%dma_start3A_895, %dma_start3A_896] : memref<80x128xf32, #tpu.memory_space<vmem>> -> memref<80x128xf32, #tpu.memory_space<vmem>>
      tpu.enqueue_dma source(%dma_start3A_897 : memref<80x128xf32, #tpu.memory_space<vmem>>) target(%dma_start3A_894 : memref<80x128xf32, #tpu.memory_space<hbm>>) target_semaphore(%arg21 : memref<!tpu.dma_semaphore, #tpu.memory_space<semaphore_mem>>)
      %dma_start3A_898 = arith.constant 0 : i32
      %dma_start3A_899 = arith.constant 0 : i32
      %dma_start3A_900 = tpu.memref_slice %arg17[%dma_start3A_898, %dma_start3A_899] : memref<80x1xf32, #tpu.memory_space<vmem>> -> memref<80x1xf32, #tpu.memory_space<vmem>>
      %dma_start3A_901 = arith.constant 80 : i32
      %dma_start3A_902 = arith.constant 128 : i32
      %dma_start3A_903 = tpu.memref_slice %arg7[%add3A_883, %dma_start3A_901, %dma_start3A_902] : memref<4096x200x129xf32, #tpu.memory_space<hbm>> -> memref<1x80x1xf32, #tpu.memory_space<hbm>>
      %dma_start3A_904 = tpu.memref_squeeze %dma_start3A_903 : memref<1x80x1xf32, #tpu.memory_space<hbm>> -> memref<80x1xf32, #tpu.memory_space<hbm>>
      %dma_start3A_905 = arith.constant 80 : i32
      %dma_start3A_906 = arith.constant 128 : i32
      %dma_start3A_907 = tpu.memref_slice %arg7[%add3A_883, %dma_start3A_905, %dma_start3A_906] : memref<4096x200x129xf32, #tpu.memory_space<hbm>> -> memref<1x80x1xf32, #tpu.memory_space<hbm>>
      %dma_start3A_908 = tpu.memref_squeeze %dma_start3A_907 : memref<1x80x1xf32, #tpu.memory_space<hbm>> -> memref<80x1xf32, #tpu.memory_space<hbm>>
      %dma_start3A_909 = arith.constant 0 : i32
      %dma_start3A_910 = arith.constant 0 : i32
      %dma_start3A_911 = tpu.memref_slice %arg17[%dma_start3A_909, %dma_start3A_910] : memref<80x1xf32, #tpu.memory_space<vmem>> -> memref<80x1xf32, #tpu.memory_space<vmem>>
      tpu.enqueue_dma source(%dma_start3A_911 : memref<80x1xf32, #tpu.memory_space<vmem>>) target(%dma_start3A_908 : memref<80x1xf32, #tpu.memory_space<hbm>>) target_semaphore(%arg21 : memref<!tpu.dma_semaphore, #tpu.memory_space<semaphore_mem>>)
      %dma_start3A_912 = arith.constant 640 : i32
      %dma_start3A_913 = tpu.memref_slice %arg8[%dma_start3A_912] : memref<800xi32, #tpu.memory_space<vmem>> -> memref<80xi32, #tpu.memory_space<vmem>>
      %dma_start3A_914 = arith.constant 0 : i32
      %dma_start3A_915 = arith.constant 0 : i32
      %dma_start3A_916 = tpu.memref_slice %arg5[%dma_start3A_914, %dma_start3A_915] : memref<1000x128xf32, #tpu.memory_space<hbm>> -> memref<1000x128xf32, #tpu.memory_space<hbm>>
      tpu.enqueue_indirect_dma source(%dma_start3A_916 : memref<1000x128xf32, #tpu.memory_space<hbm>>) target(%arg11 : memref<80x128xf32, #tpu.memory_space<vmem>>) offsets(%dma_start3A_913 : memref<80xi32, #tpu.memory_space<vmem>>) semaphore(%arg19 : memref<!tpu.dma_semaphore, #tpu.memory_space<semaphore_mem>>)
      %dma_start3A_917 = arith.constant 640 : i32
      %dma_start3A_918 = tpu.memref_slice %arg9[%dma_start3A_917] : memref<800xi32, #tpu.memory_space<vmem>> -> memref<80xi32, #tpu.memory_space<vmem>>
      %dma_start3A_919 = arith.constant 0 : i32
      %dma_start3A_920 = arith.constant 0 : i32
      %dma_start3A_921 = tpu.memref_slice %arg6[%dma_start3A_919, %dma_start3A_920] : memref<1000x128xf32, #tpu.memory_space<hbm>> -> memref<1000x128xf32, #tpu.memory_space<hbm>>
      tpu.enqueue_indirect_dma source(%dma_start3A_921 : memref<1000x128xf32, #tpu.memory_space<hbm>>) target(%arg13 : memref<80x128xf32, #tpu.memory_space<vmem>>) offsets(%dma_start3A_918 : memref<80xi32, #tpu.memory_space<vmem>>) semaphore(%arg20 : memref<!tpu.dma_semaphore, #tpu.memory_space<semaphore_mem>>)
      %add3A_922 = arith.constant 2 : i32
      %add3A_923 = arith.addi %add3A_75, %add3A_922 : i32
      %add3A_924 = arith.constant 2 : i32
      %add3A_925 = arith.addi %add3A_75, %add3A_924 : i32
      %dma_wait3A_926 = arith.constant 0 : i32
      %dma_wait3A_927 = arith.constant 0 : i32
      %dma_wait3A_928 = tpu.memref_slice %arg16[%dma_wait3A_926, %dma_wait3A_927] : memref<80x128xf32, #tpu.memory_space<vmem>> -> memref<80x128xf32, #tpu.memory_space<vmem>>
      %dma_wait3A_929 = arith.constant 0 : i32
      %dma_wait3A_930 = arith.constant 0 : i32
      %dma_wait3A_931 = tpu.memref_slice %arg7[%add3A_923, %dma_wait3A_929, %dma_wait3A_930] : memref<4096x200x129xf32, #tpu.memory_space<hbm>> -> memref<1x80x128xf32, #tpu.memory_space<hbm>>
      %dma_wait3A_932 = tpu.memref_squeeze %dma_wait3A_931 : memref<1x80x128xf32, #tpu.memory_space<hbm>> -> memref<80x128xf32, #tpu.memory_space<hbm>>
      %dma_wait3A_933 = arith.constant 0 : i32
      %dma_wait3A_934 = arith.constant 0 : i32
      %dma_wait3A_935 = tpu.memref_slice %arg7[%add3A_923, %dma_wait3A_933, %dma_wait3A_934] : memref<4096x200x129xf32, #tpu.memory_space<hbm>> -> memref<1x80x128xf32, #tpu.memory_space<hbm>>
      %dma_wait3A_936 = tpu.memref_squeeze %dma_wait3A_935 : memref<1x80x128xf32, #tpu.memory_space<hbm>> -> memref<80x128xf32, #tpu.memory_space<hbm>>
      %dma_wait3A_937 = arith.constant 0 : i32
      %dma_wait3A_938 = arith.constant 0 : i32
      %dma_wait3A_939 = tpu.memref_slice %arg16[%dma_wait3A_937, %dma_wait3A_938] : memref<80x128xf32, #tpu.memory_space<vmem>> -> memref<80x128xf32, #tpu.memory_space<vmem>>
      tpu.wait_dma2 semaphore(%arg21 : memref<!tpu.dma_semaphore, #tpu.memory_space<semaphore_mem>>) src(%dma_wait3A_939 : memref<80x128xf32, #tpu.memory_space<vmem>>) dst(%dma_wait3A_936 : memref<80x128xf32, #tpu.memory_space<hbm>>)
      %dma_wait3A_940 = arith.constant 0 : i32
      %dma_wait3A_941 = arith.constant 0 : i32
      %dma_wait3A_942 = tpu.memref_slice %arg18[%dma_wait3A_940, %dma_wait3A_941] : memref<80x1xf32, #tpu.memory_space<vmem>> -> memref<80x1xf32, #tpu.memory_space<vmem>>
      %dma_wait3A_943 = arith.constant 0 : i32
      %dma_wait3A_944 = arith.constant 128 : i32
      %dma_wait3A_945 = tpu.memref_slice %arg7[%add3A_925, %dma_wait3A_943, %dma_wait3A_944] : memref<4096x200x129xf32, #tpu.memory_space<hbm>> -> memref<1x80x1xf32, #tpu.memory_space<hbm>>
      %dma_wait3A_946 = tpu.memref_squeeze %dma_wait3A_945 : memref<1x80x1xf32, #tpu.memory_space<hbm>> -> memref<80x1xf32, #tpu.memory_space<hbm>>
      %dma_wait3A_947 = arith.constant 0 : i32
      %dma_wait3A_948 = arith.constant 128 : i32
      %dma_wait3A_949 = tpu.memref_slice %arg7[%add3A_925, %dma_wait3A_947, %dma_wait3A_948] : memref<4096x200x129xf32, #tpu.memory_space<hbm>> -> memref<1x80x1xf32, #tpu.memory_space<hbm>>
      %dma_wait3A_950 = tpu.memref_squeeze %dma_wait3A_949 : memref<1x80x1xf32, #tpu.memory_space<hbm>> -> memref<80x1xf32, #tpu.memory_space<hbm>>
      %dma_wait3A_951 = arith.constant 0 : i32
      %dma_wait3A_952 = arith.constant 0 : i32
      %dma_wait3A_953 = tpu.memref_slice %arg18[%dma_wait3A_951, %dma_wait3A_952] : memref<80x1xf32, #tpu.memory_space<vmem>> -> memref<80x1xf32, #tpu.memory_space<vmem>>
      tpu.wait_dma2 semaphore(%arg21 : memref<!tpu.dma_semaphore, #tpu.memory_space<semaphore_mem>>) src(%dma_wait3A_953 : memref<80x1xf32, #tpu.memory_space<vmem>>) dst(%dma_wait3A_950 : memref<80x1xf32, #tpu.memory_space<hbm>>)
      %dma_wait3A_954 = arith.constant 560 : i32
      %dma_wait3A_955 = tpu.memref_slice %arg8[%dma_wait3A_954] : memref<800xi32, #tpu.memory_space<vmem>> -> memref<80xi32, #tpu.memory_space<vmem>>
      %dma_wait3A_956 = arith.constant 0 : i32
      %dma_wait3A_957 = arith.constant 0 : i32
      %dma_wait3A_958 = tpu.memref_slice %arg5[%dma_wait3A_956, %dma_wait3A_957] : memref<1000x128xf32, #tpu.memory_space<hbm>> -> memref<1000x128xf32, #tpu.memory_space<hbm>>
      tpu.wait_indirect_dma semaphore(%arg19 : memref<!tpu.dma_semaphore, #tpu.memory_space<semaphore_mem>>) src(%dma_wait3A_958 : memref<1000x128xf32, #tpu.memory_space<hbm>>) dst(%arg12 : memref<80x128xf32, #tpu.memory_space<vmem>>)
      %dma_wait3A_959 = arith.constant 560 : i32
      %dma_wait3A_960 = tpu.memref_slice %arg9[%dma_wait3A_959] : memref<800xi32, #tpu.memory_space<vmem>> -> memref<80xi32, #tpu.memory_space<vmem>>
      %dma_wait3A_961 = arith.constant 0 : i32
      %dma_wait3A_962 = arith.constant 0 : i32
      %dma_wait3A_963 = tpu.memref_slice %arg6[%dma_wait3A_961, %dma_wait3A_962] : memref<1000x128xf32, #tpu.memory_space<hbm>> -> memref<1000x128xf32, #tpu.memory_space<hbm>>
      tpu.wait_indirect_dma semaphore(%arg20 : memref<!tpu.dma_semaphore, #tpu.memory_space<semaphore_mem>>) src(%dma_wait3A_963 : memref<1000x128xf32, #tpu.memory_space<hbm>>) dst(%arg14 : memref<80x128xf32, #tpu.memory_space<vmem>>)
      %scan3A_964 = arith.constant 0 : i32
      %scan3A_965 = arith.constant 80 : i32
      %scan3A_966 = arith.addi %scan3A_964, %scan3A_965 : i32
      %scan3A_967 = arith.constant 2 : i32
      scf.for %scan3A_1317 = %scan3A_964 to %scan3A_966 step %scan3A_967  : i32 {
        %get3A_1318 = arith.index_cast %scan3A_1317 : i32 to index
        %get3A_1319 = arith.constant 0 : index
        %get3A_1320 = tpu.vector_load %arg12[%get3A_1318, %get3A_1319] {strides = array<i32>} : memref<80x128xf32, #tpu.memory_space<vmem>>, vector<16xf32>,
        %get3A_1321 = arith.index_cast %scan3A_1317 : i32 to index
        %get3A_1322 = arith.constant 16 : index
        %get3A_1323 = tpu.vector_load %arg12[%get3A_1321, %get3A_1322] {strides = array<i32>} : memref<80x128xf32, #tpu.memory_space<vmem>>, vector<16xf32>,
        %get3A_1324 = arith.index_cast %scan3A_1317 : i32 to index
        %get3A_1325 = arith.constant 32 : index
        %get3A_1326 = tpu.vector_load %arg12[%get3A_1324, %get3A_1325] {strides = array<i32>} : memref<80x128xf32, #tpu.memory_space<vmem>>, vector<16xf32>,
        %get3A_1327 = arith.index_cast %scan3A_1317 : i32 to index
        %get3A_1328 = arith.constant 48 : index
        %get3A_1329 = tpu.vector_load %arg12[%get3A_1327, %get3A_1328] {strides = array<i32>} : memref<80x128xf32, #tpu.memory_space<vmem>>, vector<16xf32>,
        %get3A_1330 = arith.index_cast %scan3A_1317 : i32 to index
        %get3A_1331 = arith.constant 0 : index
        %get3A_1332 = tpu.vector_load %arg14[%get3A_1330, %get3A_1331] {strides = array<i32>} : memref<80x128xf32, #tpu.memory_space<vmem>>, vector<16xf32>,
        %get3A_1333 = arith.index_cast %scan3A_1317 : i32 to index
        %get3A_1334 = arith.constant 16 : index
        %get3A_1335 = tpu.vector_load %arg14[%get3A_1333, %get3A_1334] {strides = array<i32>} : memref<80x128xf32, #tpu.memory_space<vmem>>, vector<16xf32>,
        %get3A_1336 = arith.index_cast %scan3A_1317 : i32 to index
        %get3A_1337 = arith.constant 32 : index
        %get3A_1338 = tpu.vector_load %arg14[%get3A_1336, %get3A_1337] {strides = array<i32>} : memref<80x128xf32, #tpu.memory_space<vmem>>, vector<16xf32>,
        %get3A_1339 = arith.index_cast %scan3A_1317 : i32 to index
        %get3A_1340 = arith.constant 48 : index
        %get3A_1341 = tpu.vector_load %arg14[%get3A_1339, %get3A_1340] {strides = array<i32>} : memref<80x128xf32, #tpu.memory_space<vmem>>, vector<16xf32>,
        %swap3A = arith.index_cast %scan3A_1317 : i32 to index
        %swap3A_1342 = arith.constant 0 : index
        %swap3A_1343 = tpu.vector_load %arg16[%swap3A, %swap3A_1342] {strides = array<i32>} : memref<80x128xf32, #tpu.memory_space<vmem>>, vector<16xf32>,
        tpu.vector_store %arg16[%swap3A, %swap3A_1342], %get3A_1320 {strides = array<i32>} : memref<80x128xf32, #tpu.memory_space<vmem>>, vector<16xf32>,
        %swap3A_1344 = arith.index_cast %scan3A_1317 : i32 to index
        %swap3A_1345 = arith.constant 16 : index
        %swap3A_1346 = tpu.vector_load %arg16[%swap3A_1344, %swap3A_1345] {strides = array<i32>} : memref<80x128xf32, #tpu.memory_space<vmem>>, vector<16xf32>,
        tpu.vector_store %arg16[%swap3A_1344, %swap3A_1345], %get3A_1323 {strides = array<i32>} : memref<80x128xf32, #tpu.memory_space<vmem>>, vector<16xf32>,
        %swap3A_1347 = arith.index_cast %scan3A_1317 : i32 to index
        %swap3A_1348 = arith.constant 32 : index
        %swap3A_1349 = tpu.vector_load %arg16[%swap3A_1347, %swap3A_1348] {strides = array<i32>} : memref<80x128xf32, #tpu.memory_space<vmem>>, vector<16xf32>,
        tpu.vector_store %arg16[%swap3A_1347, %swap3A_1348], %get3A_1326 {strides = array<i32>} : memref<80x128xf32, #tpu.memory_space<vmem>>, vector<16xf32>,
        %swap3A_1350 = arith.index_cast %scan3A_1317 : i32 to index
        %swap3A_1351 = arith.constant 48 : index
        %swap3A_1352 = tpu.vector_load %arg16[%swap3A_1350, %swap3A_1351] {strides = array<i32>} : memref<80x128xf32, #tpu.memory_space<vmem>>, vector<16xf32>,
        tpu.vector_store %arg16[%swap3A_1350, %swap3A_1351], %get3A_1329 {strides = array<i32>} : memref<80x128xf32, #tpu.memory_space<vmem>>, vector<16xf32>,
        %swap3A_1353 = arith.index_cast %scan3A_1317 : i32 to index
        %swap3A_1354 = arith.constant 64 : index
        %swap3A_1355 = tpu.vector_load %arg16[%swap3A_1353, %swap3A_1354] {strides = array<i32>} : memref<80x128xf32, #tpu.memory_space<vmem>>, vector<16xf32>,
        tpu.vector_store %arg16[%swap3A_1353, %swap3A_1354], %get3A_1332 {strides = array<i32>} : memref<80x128xf32, #tpu.memory_space<vmem>>, vector<16xf32>,
        %swap3A_1356 = arith.index_cast %scan3A_1317 : i32 to index
        %swap3A_1357 = arith.constant 80 : index
        %swap3A_1358 = tpu.vector_load %arg16[%swap3A_1356, %swap3A_1357] {strides = array<i32>} : memref<80x128xf32, #tpu.memory_space<vmem>>, vector<16xf32>,
        tpu.vector_store %arg16[%swap3A_1356, %swap3A_1357], %get3A_1335 {strides = array<i32>} : memref<80x128xf32, #tpu.memory_space<vmem>>, vector<16xf32>,
        %swap3A_1359 = arith.index_cast %scan3A_1317 : i32 to index
        %swap3A_1360 = arith.constant 96 : index
        %swap3A_1361 = tpu.vector_load %arg16[%swap3A_1359, %swap3A_1360] {strides = array<i32>} : memref<80x128xf32, #tpu.memory_space<vmem>>, vector<16xf32>,
        tpu.vector_store %arg16[%swap3A_1359, %swap3A_1360], %get3A_1338 {strides = array<i32>} : memref<80x128xf32, #tpu.memory_space<vmem>>, vector<16xf32>,
        %swap3A_1362 = arith.index_cast %scan3A_1317 : i32 to index
        %swap3A_1363 = arith.constant 112 : index
        %swap3A_1364 = tpu.vector_load %arg16[%swap3A_1362, %swap3A_1363] {strides = array<i32>} : memref<80x128xf32, #tpu.memory_space<vmem>>, vector<16xf32>,
        tpu.vector_store %arg16[%swap3A_1362, %swap3A_1363], %get3A_1341 {strides = array<i32>} : memref<80x128xf32, #tpu.memory_space<vmem>>, vector<16xf32>,
        %scan3A_1365 = arith.constant 1 : i32
        %scan3A_1366 = arith.addi %scan3A_1317, %scan3A_1365 : i32
        %get3A_1367 = arith.index_cast %scan3A_1366 : i32 to index
        %get3A_1368 = arith.constant 0 : index
        %get3A_1369 = tpu.vector_load %arg12[%get3A_1367, %get3A_1368] {strides = array<i32>} : memref<80x128xf32, #tpu.memory_space<vmem>>, vector<16xf32>,
        %get3A_1370 = arith.index_cast %scan3A_1366 : i32 to index
        %get3A_1371 = arith.constant 16 : index
        %get3A_1372 = tpu.vector_load %arg12[%get3A_1370, %get3A_1371] {strides = array<i32>} : memref<80x128xf32, #tpu.memory_space<vmem>>, vector<16xf32>,
        %get3A_1373 = arith.index_cast %scan3A_1366 : i32 to index
        %get3A_1374 = arith.constant 32 : index
        %get3A_1375 = tpu.vector_load %arg12[%get3A_1373, %get3A_1374] {strides = array<i32>} : memref<80x128xf32, #tpu.memory_space<vmem>>, vector<16xf32>,
        %get3A_1376 = arith.index_cast %scan3A_1366 : i32 to index
        %get3A_1377 = arith.constant 48 : index
        %get3A_1378 = tpu.vector_load %arg12[%get3A_1376, %get3A_1377] {strides = array<i32>} : memref<80x128xf32, #tpu.memory_space<vmem>>, vector<16xf32>,
        %get3A_1379 = arith.index_cast %scan3A_1366 : i32 to index
        %get3A_1380 = arith.constant 0 : index
        %get3A_1381 = tpu.vector_load %arg14[%get3A_1379, %get3A_1380] {strides = array<i32>} : memref<80x128xf32, #tpu.memory_space<vmem>>, vector<16xf32>,
        %get3A_1382 = arith.index_cast %scan3A_1366 : i32 to index
        %get3A_1383 = arith.constant 16 : index
        %get3A_1384 = tpu.vector_load %arg14[%get3A_1382, %get3A_1383] {strides = array<i32>} : memref<80x128xf32, #tpu.memory_space<vmem>>, vector<16xf32>,
        %get3A_1385 = arith.index_cast %scan3A_1366 : i32 to index
        %get3A_1386 = arith.constant 32 : index
        %get3A_1387 = tpu.vector_load %arg14[%get3A_1385, %get3A_1386] {strides = array<i32>} : memref<80x128xf32, #tpu.memory_space<vmem>>, vector<16xf32>,
        %get3A_1388 = arith.index_cast %scan3A_1366 : i32 to index
        %get3A_1389 = arith.constant 48 : index
        %get3A_1390 = tpu.vector_load %arg14[%get3A_1388, %get3A_1389] {strides = array<i32>} : memref<80x128xf32, #tpu.memory_space<vmem>>, vector<16xf32>,
        %swap3A_1391 = arith.index_cast %scan3A_1366 : i32 to index
        %swap3A_1392 = arith.constant 0 : index
        %swap3A_1393 = tpu.vector_load %arg16[%swap3A_1391, %swap3A_1392] {strides = array<i32>} : memref<80x128xf32, #tpu.memory_space<vmem>>, vector<16xf32>,
        tpu.vector_store %arg16[%swap3A_1391, %swap3A_1392], %get3A_1369 {strides = array<i32>} : memref<80x128xf32, #tpu.memory_space<vmem>>, vector<16xf32>,
        %swap3A_1394 = arith.index_cast %scan3A_1366 : i32 to index
        %swap3A_1395 = arith.constant 16 : index
        %swap3A_1396 = tpu.vector_load %arg16[%swap3A_1394, %swap3A_1395] {strides = array<i32>} : memref<80x128xf32, #tpu.memory_space<vmem>>, vector<16xf32>,
        tpu.vector_store %arg16[%swap3A_1394, %swap3A_1395], %get3A_1372 {strides = array<i32>} : memref<80x128xf32, #tpu.memory_space<vmem>>, vector<16xf32>,
        %swap3A_1397 = arith.index_cast %scan3A_1366 : i32 to index
        %swap3A_1398 = arith.constant 32 : index
        %swap3A_1399 = tpu.vector_load %arg16[%swap3A_1397, %swap3A_1398] {strides = array<i32>} : memref<80x128xf32, #tpu.memory_space<vmem>>, vector<16xf32>,
        tpu.vector_store %arg16[%swap3A_1397, %swap3A_1398], %get3A_1375 {strides = array<i32>} : memref<80x128xf32, #tpu.memory_space<vmem>>, vector<16xf32>,
        %swap3A_1400 = arith.index_cast %scan3A_1366 : i32 to index
        %swap3A_1401 = arith.constant 48 : index
        %swap3A_1402 = tpu.vector_load %arg16[%swap3A_1400, %swap3A_1401] {strides = array<i32>} : memref<80x128xf32, #tpu.memory_space<vmem>>, vector<16xf32>,
        tpu.vector_store %arg16[%swap3A_1400, %swap3A_1401], %get3A_1378 {strides = array<i32>} : memref<80x128xf32, #tpu.memory_space<vmem>>, vector<16xf32>,
        %swap3A_1403 = arith.index_cast %scan3A_1366 : i32 to index
        %swap3A_1404 = arith.constant 64 : index
        %swap3A_1405 = tpu.vector_load %arg16[%swap3A_1403, %swap3A_1404] {strides = array<i32>} : memref<80x128xf32, #tpu.memory_space<vmem>>, vector<16xf32>,
        tpu.vector_store %arg16[%swap3A_1403, %swap3A_1404], %get3A_1381 {strides = array<i32>} : memref<80x128xf32, #tpu.memory_space<vmem>>, vector<16xf32>,
        %swap3A_1406 = arith.index_cast %scan3A_1366 : i32 to index
        %swap3A_1407 = arith.constant 80 : index
        %swap3A_1408 = tpu.vector_load %arg16[%swap3A_1406, %swap3A_1407] {strides = array<i32>} : memref<80x128xf32, #tpu.memory_space<vmem>>, vector<16xf32>,
        tpu.vector_store %arg16[%swap3A_1406, %swap3A_1407], %get3A_1384 {strides = array<i32>} : memref<80x128xf32, #tpu.memory_space<vmem>>, vector<16xf32>,
        %swap3A_1409 = arith.index_cast %scan3A_1366 : i32 to index
        %swap3A_1410 = arith.constant 96 : index
        %swap3A_1411 = tpu.vector_load %arg16[%swap3A_1409, %swap3A_1410] {strides = array<i32>} : memref<80x128xf32, #tpu.memory_space<vmem>>, vector<16xf32>,
        tpu.vector_store %arg16[%swap3A_1409, %swap3A_1410], %get3A_1387 {strides = array<i32>} : memref<80x128xf32, #tpu.memory_space<vmem>>, vector<16xf32>,
        %swap3A_1412 = arith.index_cast %scan3A_1366 : i32 to index
        %swap3A_1413 = arith.constant 112 : index
        %swap3A_1414 = tpu.vector_load %arg16[%swap3A_1412, %swap3A_1413] {strides = array<i32>} : memref<80x128xf32, #tpu.memory_space<vmem>>, vector<16xf32>,
        tpu.vector_store %arg16[%swap3A_1412, %swap3A_1413], %get3A_1390 {strides = array<i32>} : memref<80x128xf32, #tpu.memory_space<vmem>>, vector<16xf32>,
      }
      %scan3A_968 = arith.constant 80 : i32
      %mul3A_969 = arith.constant 0 : i32
      %mul3A_970 = vector.broadcast %mul3A_969 : i32 to vector<16xi32>
      %mul3A_971 = arith.muli %iota3A, %mul3A_970 : vector<16xi32>
      %add3A_972 = arith.constant 0 : i32
      %add3A_973 = vector.broadcast %add3A_972 : i32 to vector<16xi32>
      %add3A_974 = arith.addi %iota3A, %add3A_973 : vector<16xi32>
      %get3A_975 = arith.constant 560 : index
      %get3A_976 = tpu.vector_load %arg10[%get3A_975] {strides = array<i32>} : memref<800xf32, #tpu.memory_space<vmem>>, vector<16xf32>,
      tpu.vector_store_idx %arg18[%add3A_974, %mul3A_971], %get3A_976 : memref<80x1xf32, #tpu.memory_space<vmem>>[vector<16xi32>, vector<16xi32>], vector<16xf32>,
      %add3A_977 = arith.constant 16 : i32
      %add3A_978 = vector.broadcast %add3A_977 : i32 to vector<16xi32>
      %add3A_979 = arith.addi %iota3A, %add3A_978 : vector<16xi32>
      %get3A_980 = arith.constant 576 : index
      %get3A_981 = tpu.vector_load %arg10[%get3A_980] {strides = array<i32>} : memref<800xf32, #tpu.memory_space<vmem>>, vector<16xf32>,
      tpu.vector_store_idx %arg18[%add3A_979, %mul3A_971], %get3A_981 : memref<80x1xf32, #tpu.memory_space<vmem>>[vector<16xi32>, vector<16xi32>], vector<16xf32>,
      %add3A_982 = arith.constant 32 : i32
      %add3A_983 = vector.broadcast %add3A_982 : i32 to vector<16xi32>
      %add3A_984 = arith.addi %iota3A, %add3A_983 : vector<16xi32>
      %get3A_985 = arith.constant 592 : index
      %get3A_986 = tpu.vector_load %arg10[%get3A_985] {strides = array<i32>} : memref<800xf32, #tpu.memory_space<vmem>>, vector<16xf32>,
      tpu.vector_store_idx %arg18[%add3A_984, %mul3A_971], %get3A_986 : memref<80x1xf32, #tpu.memory_space<vmem>>[vector<16xi32>, vector<16xi32>], vector<16xf32>,
      %add3A_987 = arith.constant 48 : i32
      %add3A_988 = vector.broadcast %add3A_987 : i32 to vector<16xi32>
      %add3A_989 = arith.addi %iota3A, %add3A_988 : vector<16xi32>
      %get3A_990 = arith.constant 608 : index
      %get3A_991 = tpu.vector_load %arg10[%get3A_990] {strides = array<i32>} : memref<800xf32, #tpu.memory_space<vmem>>, vector<16xf32>,
      tpu.vector_store_idx %arg18[%add3A_989, %mul3A_971], %get3A_991 : memref<80x1xf32, #tpu.memory_space<vmem>>[vector<16xi32>, vector<16xi32>], vector<16xf32>,
      %add3A_992 = arith.constant 64 : i32
      %add3A_993 = vector.broadcast %add3A_992 : i32 to vector<16xi32>
      %add3A_994 = arith.addi %iota3A, %add3A_993 : vector<16xi32>
      %get3A_995 = arith.constant 624 : index
      %get3A_996 = tpu.vector_load %arg10[%get3A_995] {strides = array<i32>} : memref<800xf32, #tpu.memory_space<vmem>>, vector<16xf32>,
      tpu.vector_store_idx %arg18[%add3A_994, %mul3A_971], %get3A_996 : memref<80x1xf32, #tpu.memory_space<vmem>>[vector<16xi32>, vector<16xi32>], vector<16xf32>,
      %add3A_997 = arith.constant 2 : i32
      %add3A_998 = arith.addi %add3A_75, %add3A_997 : i32
      %add3A_999 = arith.constant 2 : i32
      %add3A_1000 = arith.addi %add3A_75, %add3A_999 : i32
      %add3A_1001 = arith.constant 3 : i32
      %add3A_1002 = arith.addi %add3A_75, %add3A_1001 : i32
      %add3A_1003 = arith.constant 3 : i32
      %add3A_1004 = arith.addi %add3A_75, %add3A_1003 : i32
      %dma_start3A_1005 = arith.constant 0 : i32
      %dma_start3A_1006 = arith.constant 0 : i32
      %dma_start3A_1007 = tpu.memref_slice %arg16[%dma_start3A_1005, %dma_start3A_1006] : memref<80x128xf32, #tpu.memory_space<vmem>> -> memref<40x128xf32, #tpu.memory_space<vmem>>
      %dma_start3A_1008 = arith.constant 160 : i32
      %dma_start3A_1009 = arith.constant 0 : i32
      %dma_start3A_1010 = tpu.memref_slice %arg7[%add3A_998, %dma_start3A_1008, %dma_start3A_1009] : memref<4096x200x129xf32, #tpu.memory_space<hbm>> -> memref<1x40x128xf32, #tpu.memory_space<hbm>>
      %dma_start3A_1011 = tpu.memref_squeeze %dma_start3A_1010 : memref<1x40x128xf32, #tpu.memory_space<hbm>> -> memref<40x128xf32, #tpu.memory_space<hbm>>
      %dma_start3A_1012 = arith.constant 160 : i32
      %dma_start3A_1013 = arith.constant 0 : i32
      %dma_start3A_1014 = tpu.memref_slice %arg7[%add3A_998, %dma_start3A_1012, %dma_start3A_1013] : memref<4096x200x129xf32, #tpu.memory_space<hbm>> -> memref<1x40x128xf32, #tpu.memory_space<hbm>>
      %dma_start3A_1015 = tpu.memref_squeeze %dma_start3A_1014 : memref<1x40x128xf32, #tpu.memory_space<hbm>> -> memref<40x128xf32, #tpu.memory_space<hbm>>
      %dma_start3A_1016 = arith.constant 0 : i32
      %dma_start3A_1017 = arith.constant 0 : i32
      %dma_start3A_1018 = tpu.memref_slice %arg16[%dma_start3A_1016, %dma_start3A_1017] : memref<80x128xf32, #tpu.memory_space<vmem>> -> memref<40x128xf32, #tpu.memory_space<vmem>>
      tpu.enqueue_dma source(%dma_start3A_1018 : memref<40x128xf32, #tpu.memory_space<vmem>>) target(%dma_start3A_1015 : memref<40x128xf32, #tpu.memory_space<hbm>>) target_semaphore(%arg21 : memref<!tpu.dma_semaphore, #tpu.memory_space<semaphore_mem>>)
      %dma_start3A_1019 = arith.constant 0 : i32
      %dma_start3A_1020 = arith.constant 0 : i32
      %dma_start3A_1021 = tpu.memref_slice %arg18[%dma_start3A_1019, %dma_start3A_1020] : memref<80x1xf32, #tpu.memory_space<vmem>> -> memref<40x1xf32, #tpu.memory_space<vmem>>
      %dma_start3A_1022 = arith.constant 160 : i32
      %dma_start3A_1023 = arith.constant 128 : i32
      %dma_start3A_1024 = tpu.memref_slice %arg7[%add3A_1000, %dma_start3A_1022, %dma_start3A_1023] : memref<4096x200x129xf32, #tpu.memory_space<hbm>> -> memref<1x40x1xf32, #tpu.memory_space<hbm>>
      %dma_start3A_1025 = tpu.memref_squeeze %dma_start3A_1024 : memref<1x40x1xf32, #tpu.memory_space<hbm>> -> memref<40x1xf32, #tpu.memory_space<hbm>>
      %dma_start3A_1026 = arith.constant 160 : i32
      %dma_start3A_1027 = arith.constant 128 : i32
      %dma_start3A_1028 = tpu.memref_slice %arg7[%add3A_1000, %dma_start3A_1026, %dma_start3A_1027] : memref<4096x200x129xf32, #tpu.memory_space<hbm>> -> memref<1x40x1xf32, #tpu.memory_space<hbm>>
      %dma_start3A_1029 = tpu.memref_squeeze %dma_start3A_1028 : memref<1x40x1xf32, #tpu.memory_space<hbm>> -> memref<40x1xf32, #tpu.memory_space<hbm>>
      %dma_start3A_1030 = arith.constant 0 : i32
      %dma_start3A_1031 = arith.constant 0 : i32
      %dma_start3A_1032 = tpu.memref_slice %arg18[%dma_start3A_1030, %dma_start3A_1031] : memref<80x1xf32, #tpu.memory_space<vmem>> -> memref<40x1xf32, #tpu.memory_space<vmem>>
      tpu.enqueue_dma source(%dma_start3A_1032 : memref<40x1xf32, #tpu.memory_space<vmem>>) target(%dma_start3A_1029 : memref<40x1xf32, #tpu.memory_space<hbm>>) target_semaphore(%arg21 : memref<!tpu.dma_semaphore, #tpu.memory_space<semaphore_mem>>)
      %dma_start3A_1033 = arith.constant 40 : i32
      %dma_start3A_1034 = arith.constant 0 : i32
      %dma_start3A_1035 = tpu.memref_slice %arg16[%dma_start3A_1033, %dma_start3A_1034] : memref<80x128xf32, #tpu.memory_space<vmem>> -> memref<40x128xf32, #tpu.memory_space<vmem>>
      %dma_start3A_1036 = arith.constant 0 : i32
      %dma_start3A_1037 = arith.constant 0 : i32
      %dma_start3A_1038 = tpu.memref_slice %arg7[%add3A_1002, %dma_start3A_1036, %dma_start3A_1037] : memref<4096x200x129xf32, #tpu.memory_space<hbm>> -> memref<1x40x128xf32, #tpu.memory_space<hbm>>
      %dma_start3A_1039 = tpu.memref_squeeze %dma_start3A_1038 : memref<1x40x128xf32, #tpu.memory_space<hbm>> -> memref<40x128xf32, #tpu.memory_space<hbm>>
      %dma_start3A_1040 = arith.constant 0 : i32
      %dma_start3A_1041 = arith.constant 0 : i32
      %dma_start3A_1042 = tpu.memref_slice %arg7[%add3A_1002, %dma_start3A_1040, %dma_start3A_1041] : memref<4096x200x129xf32, #tpu.memory_space<hbm>> -> memref<1x40x128xf32, #tpu.memory_space<hbm>>
      %dma_start3A_1043 = tpu.memref_squeeze %dma_start3A_1042 : memref<1x40x128xf32, #tpu.memory_space<hbm>> -> memref<40x128xf32, #tpu.memory_space<hbm>>
      %dma_start3A_1044 = arith.constant 40 : i32
      %dma_start3A_1045 = arith.constant 0 : i32
      %dma_start3A_1046 = tpu.memref_slice %arg16[%dma_start3A_1044, %dma_start3A_1045] : memref<80x128xf32, #tpu.memory_space<vmem>> -> memref<40x128xf32, #tpu.memory_space<vmem>>
      tpu.enqueue_dma source(%dma_start3A_1046 : memref<40x128xf32, #tpu.memory_space<vmem>>) target(%dma_start3A_1043 : memref<40x128xf32, #tpu.memory_space<hbm>>) target_semaphore(%arg21 : memref<!tpu.dma_semaphore, #tpu.memory_space<semaphore_mem>>)
      %dma_start3A_1047 = arith.constant 40 : i32
      %dma_start3A_1048 = arith.constant 0 : i32
      %dma_start3A_1049 = tpu.memref_slice %arg18[%dma_start3A_1047, %dma_start3A_1048] : memref<80x1xf32, #tpu.memory_space<vmem>> -> memref<40x1xf32, #tpu.memory_space<vmem>>
      %dma_start3A_1050 = arith.constant 0 : i32
      %dma_start3A_1051 = arith.constant 128 : i32
      %dma_start3A_1052 = tpu.memref_slice %arg7[%add3A_1004, %dma_start3A_1050, %dma_start3A_1051] : memref<4096x200x129xf32, #tpu.memory_space<hbm>> -> memref<1x40x1xf32, #tpu.memory_space<hbm>>
      %dma_start3A_1053 = tpu.memref_squeeze %dma_start3A_1052 : memref<1x40x1xf32, #tpu.memory_space<hbm>> -> memref<40x1xf32, #tpu.memory_space<hbm>>
      %dma_start3A_1054 = arith.constant 0 : i32
      %dma_start3A_1055 = arith.constant 128 : i32
      %dma_start3A_1056 = tpu.memref_slice %arg7[%add3A_1004, %dma_start3A_1054, %dma_start3A_1055] : memref<4096x200x129xf32, #tpu.memory_space<hbm>> -> memref<1x40x1xf32, #tpu.memory_space<hbm>>
      %dma_start3A_1057 = tpu.memref_squeeze %dma_start3A_1056 : memref<1x40x1xf32, #tpu.memory_space<hbm>> -> memref<40x1xf32, #tpu.memory_space<hbm>>
      %dma_start3A_1058 = arith.constant 40 : i32
      %dma_start3A_1059 = arith.constant 0 : i32
      %dma_start3A_1060 = tpu.memref_slice %arg18[%dma_start3A_1058, %dma_start3A_1059] : memref<80x1xf32, #tpu.memory_space<vmem>> -> memref<40x1xf32, #tpu.memory_space<vmem>>
      tpu.enqueue_dma source(%dma_start3A_1060 : memref<40x1xf32, #tpu.memory_space<vmem>>) target(%dma_start3A_1057 : memref<40x1xf32, #tpu.memory_space<hbm>>) target_semaphore(%arg21 : memref<!tpu.dma_semaphore, #tpu.memory_space<semaphore_mem>>)
      %dma_start3A_1061 = arith.constant 720 : i32
      %dma_start3A_1062 = tpu.memref_slice %arg8[%dma_start3A_1061] : memref<800xi32, #tpu.memory_space<vmem>> -> memref<80xi32, #tpu.memory_space<vmem>>
      %dma_start3A_1063 = arith.constant 0 : i32
      %dma_start3A_1064 = arith.constant 0 : i32
      %dma_start3A_1065 = tpu.memref_slice %arg5[%dma_start3A_1063, %dma_start3A_1064] : memref<1000x128xf32, #tpu.memory_space<hbm>> -> memref<1000x128xf32, #tpu.memory_space<hbm>>
      tpu.enqueue_indirect_dma source(%dma_start3A_1065 : memref<1000x128xf32, #tpu.memory_space<hbm>>) target(%arg12 : memref<80x128xf32, #tpu.memory_space<vmem>>) offsets(%dma_start3A_1062 : memref<80xi32, #tpu.memory_space<vmem>>) semaphore(%arg19 : memref<!tpu.dma_semaphore, #tpu.memory_space<semaphore_mem>>)
      %dma_start3A_1066 = arith.constant 720 : i32
      %dma_start3A_1067 = tpu.memref_slice %arg9[%dma_start3A_1066] : memref<800xi32, #tpu.memory_space<vmem>> -> memref<80xi32, #tpu.memory_space<vmem>>
      %dma_start3A_1068 = arith.constant 0 : i32
      %dma_start3A_1069 = arith.constant 0 : i32
      %dma_start3A_1070 = tpu.memref_slice %arg6[%dma_start3A_1068, %dma_start3A_1069] : memref<1000x128xf32, #tpu.memory_space<hbm>> -> memref<1000x128xf32, #tpu.memory_space<hbm>>
      tpu.enqueue_indirect_dma source(%dma_start3A_1070 : memref<1000x128xf32, #tpu.memory_space<hbm>>) target(%arg14 : memref<80x128xf32, #tpu.memory_space<vmem>>) offsets(%dma_start3A_1067 : memref<80xi32, #tpu.memory_space<vmem>>) semaphore(%arg20 : memref<!tpu.dma_semaphore, #tpu.memory_space<semaphore_mem>>)
      %add3A_1071 = arith.constant 2 : i32
      %add3A_1072 = arith.addi %add3A_75, %add3A_1071 : i32
      %add3A_1073 = arith.constant 2 : i32
      %add3A_1074 = arith.addi %add3A_75, %add3A_1073 : i32
      %dma_wait3A_1075 = arith.constant 0 : i32
      %dma_wait3A_1076 = arith.constant 0 : i32
      %dma_wait3A_1077 = tpu.memref_slice %arg15[%dma_wait3A_1075, %dma_wait3A_1076] : memref<80x128xf32, #tpu.memory_space<vmem>> -> memref<80x128xf32, #tpu.memory_space<vmem>>
      %dma_wait3A_1078 = arith.constant 80 : i32
      %dma_wait3A_1079 = arith.constant 0 : i32
      %dma_wait3A_1080 = tpu.memref_slice %arg7[%add3A_1072, %dma_wait3A_1078, %dma_wait3A_1079] : memref<4096x200x129xf32, #tpu.memory_space<hbm>> -> memref<1x80x128xf32, #tpu.memory_space<hbm>>
      %dma_wait3A_1081 = tpu.memref_squeeze %dma_wait3A_1080 : memref<1x80x128xf32, #tpu.memory_space<hbm>> -> memref<80x128xf32, #tpu.memory_space<hbm>>
      %dma_wait3A_1082 = arith.constant 80 : i32
      %dma_wait3A_1083 = arith.constant 0 : i32
      %dma_wait3A_1084 = tpu.memref_slice %arg7[%add3A_1072, %dma_wait3A_1082, %dma_wait3A_1083] : memref<4096x200x129xf32, #tpu.memory_space<hbm>> -> memref<1x80x128xf32, #tpu.memory_space<hbm>>
      %dma_wait3A_1085 = tpu.memref_squeeze %dma_wait3A_1084 : memref<1x80x128xf32, #tpu.memory_space<hbm>> -> memref<80x128xf32, #tpu.memory_space<hbm>>
      %dma_wait3A_1086 = arith.constant 0 : i32
      %dma_wait3A_1087 = arith.constant 0 : i32
      %dma_wait3A_1088 = tpu.memref_slice %arg15[%dma_wait3A_1086, %dma_wait3A_1087] : memref<80x128xf32, #tpu.memory_space<vmem>> -> memref<80x128xf32, #tpu.memory_space<vmem>>
      tpu.wait_dma2 semaphore(%arg21 : memref<!tpu.dma_semaphore, #tpu.memory_space<semaphore_mem>>) src(%dma_wait3A_1088 : memref<80x128xf32, #tpu.memory_space<vmem>>) dst(%dma_wait3A_1085 : memref<80x128xf32, #tpu.memory_space<hbm>>)
      %dma_wait3A_1089 = arith.constant 0 : i32
      %dma_wait3A_1090 = arith.constant 0 : i32
      %dma_wait3A_1091 = tpu.memref_slice %arg17[%dma_wait3A_1089, %dma_wait3A_1090] : memref<80x1xf32, #tpu.memory_space<vmem>> -> memref<80x1xf32, #tpu.memory_space<vmem>>
      %dma_wait3A_1092 = arith.constant 80 : i32
      %dma_wait3A_1093 = arith.constant 128 : i32
      %dma_wait3A_1094 = tpu.memref_slice %arg7[%add3A_1074, %dma_wait3A_1092, %dma_wait3A_1093] : memref<4096x200x129xf32, #tpu.memory_space<hbm>> -> memref<1x80x1xf32, #tpu.memory_space<hbm>>
      %dma_wait3A_1095 = tpu.memref_squeeze %dma_wait3A_1094 : memref<1x80x1xf32, #tpu.memory_space<hbm>> -> memref<80x1xf32, #tpu.memory_space<hbm>>
      %dma_wait3A_1096 = arith.constant 80 : i32
      %dma_wait3A_1097 = arith.constant 128 : i32
      %dma_wait3A_1098 = tpu.memref_slice %arg7[%add3A_1074, %dma_wait3A_1096, %dma_wait3A_1097] : memref<4096x200x129xf32, #tpu.memory_space<hbm>> -> memref<1x80x1xf32, #tpu.memory_space<hbm>>
      %dma_wait3A_1099 = tpu.memref_squeeze %dma_wait3A_1098 : memref<1x80x1xf32, #tpu.memory_space<hbm>> -> memref<80x1xf32, #tpu.memory_space<hbm>>
      %dma_wait3A_1100 = arith.constant 0 : i32
      %dma_wait3A_1101 = arith.constant 0 : i32
      %dma_wait3A_1102 = tpu.memref_slice %arg17[%dma_wait3A_1100, %dma_wait3A_1101] : memref<80x1xf32, #tpu.memory_space<vmem>> -> memref<80x1xf32, #tpu.memory_space<vmem>>
      tpu.wait_dma2 semaphore(%arg21 : memref<!tpu.dma_semaphore, #tpu.memory_space<semaphore_mem>>) src(%dma_wait3A_1102 : memref<80x1xf32, #tpu.memory_space<vmem>>) dst(%dma_wait3A_1099 : memref<80x1xf32, #tpu.memory_space<hbm>>)
      %dma_wait3A_1103 = arith.constant 640 : i32
      %dma_wait3A_1104 = tpu.memref_slice %arg8[%dma_wait3A_1103] : memref<800xi32, #tpu.memory_space<vmem>> -> memref<80xi32, #tpu.memory_space<vmem>>
      %dma_wait3A_1105 = arith.constant 0 : i32
      %dma_wait3A_1106 = arith.constant 0 : i32
      %dma_wait3A_1107 = tpu.memref_slice %arg5[%dma_wait3A_1105, %dma_wait3A_1106] : memref<1000x128xf32, #tpu.memory_space<hbm>> -> memref<1000x128xf32, #tpu.memory_space<hbm>>
      tpu.wait_indirect_dma semaphore(%arg19 : memref<!tpu.dma_semaphore, #tpu.memory_space<semaphore_mem>>) src(%dma_wait3A_1107 : memref<1000x128xf32, #tpu.memory_space<hbm>>) dst(%arg11 : memref<80x128xf32, #tpu.memory_space<vmem>>)
      %dma_wait3A_1108 = arith.constant 640 : i32
      %dma_wait3A_1109 = tpu.memref_slice %arg9[%dma_wait3A_1108] : memref<800xi32, #tpu.memory_space<vmem>> -> memref<80xi32, #tpu.memory_space<vmem>>
      %dma_wait3A_1110 = arith.constant 0 : i32
      %dma_wait3A_1111 = arith.constant 0 : i32
      %dma_wait3A_1112 = tpu.memref_slice %arg6[%dma_wait3A_1110, %dma_wait3A_1111] : memref<1000x128xf32, #tpu.memory_space<hbm>> -> memref<1000x128xf32, #tpu.memory_space<hbm>>
      tpu.wait_indirect_dma semaphore(%arg20 : memref<!tpu.dma_semaphore, #tpu.memory_space<semaphore_mem>>) src(%dma_wait3A_1112 : memref<1000x128xf32, #tpu.memory_space<hbm>>) dst(%arg13 : memref<80x128xf32, #tpu.memory_space<vmem>>)
      %scan3A_1113 = arith.constant 0 : i32
      %scan3A_1114 = arith.constant 80 : i32
      %scan3A_1115 = arith.addi %scan3A_1113, %scan3A_1114 : i32
      %scan3A_1116 = arith.constant 2 : i32
      scf.for %scan3A_1317 = %scan3A_1113 to %scan3A_1115 step %scan3A_1116  : i32 {
        %get3A_1318 = arith.index_cast %scan3A_1317 : i32 to index
        %get3A_1319 = arith.constant 0 : index
        %get3A_1320 = tpu.vector_load %arg11[%get3A_1318, %get3A_1319] {strides = array<i32>} : memref<80x128xf32, #tpu.memory_space<vmem>>, vector<16xf32>,
        %get3A_1321 = arith.index_cast %scan3A_1317 : i32 to index
        %get3A_1322 = arith.constant 16 : index
        %get3A_1323 = tpu.vector_load %arg11[%get3A_1321, %get3A_1322] {strides = array<i32>} : memref<80x128xf32, #tpu.memory_space<vmem>>, vector<16xf32>,
        %get3A_1324 = arith.index_cast %scan3A_1317 : i32 to index
        %get3A_1325 = arith.constant 32 : index
        %get3A_1326 = tpu.vector_load %arg11[%get3A_1324, %get3A_1325] {strides = array<i32>} : memref<80x128xf32, #tpu.memory_space<vmem>>, vector<16xf32>,
        %get3A_1327 = arith.index_cast %scan3A_1317 : i32 to index
        %get3A_1328 = arith.constant 48 : index
        %get3A_1329 = tpu.vector_load %arg11[%get3A_1327, %get3A_1328] {strides = array<i32>} : memref<80x128xf32, #tpu.memory_space<vmem>>, vector<16xf32>,
        %get3A_1330 = arith.index_cast %scan3A_1317 : i32 to index
        %get3A_1331 = arith.constant 0 : index
        %get3A_1332 = tpu.vector_load %arg13[%get3A_1330, %get3A_1331] {strides = array<i32>} : memref<80x128xf32, #tpu.memory_space<vmem>>, vector<16xf32>,
        %get3A_1333 = arith.index_cast %scan3A_1317 : i32 to index
        %get3A_1334 = arith.constant 16 : index
        %get3A_1335 = tpu.vector_load %arg13[%get3A_1333, %get3A_1334] {strides = array<i32>} : memref<80x128xf32, #tpu.memory_space<vmem>>, vector<16xf32>,
        %get3A_1336 = arith.index_cast %scan3A_1317 : i32 to index
        %get3A_1337 = arith.constant 32 : index
        %get3A_1338 = tpu.vector_load %arg13[%get3A_1336, %get3A_1337] {strides = array<i32>} : memref<80x128xf32, #tpu.memory_space<vmem>>, vector<16xf32>,
        %get3A_1339 = arith.index_cast %scan3A_1317 : i32 to index
        %get3A_1340 = arith.constant 48 : index
        %get3A_1341 = tpu.vector_load %arg13[%get3A_1339, %get3A_1340] {strides = array<i32>} : memref<80x128xf32, #tpu.memory_space<vmem>>, vector<16xf32>,
        %swap3A = arith.index_cast %scan3A_1317 : i32 to index
        %swap3A_1342 = arith.constant 0 : index
        %swap3A_1343 = tpu.vector_load %arg15[%swap3A, %swap3A_1342] {strides = array<i32>} : memref<80x128xf32, #tpu.memory_space<vmem>>, vector<16xf32>,
        tpu.vector_store %arg15[%swap3A, %swap3A_1342], %get3A_1320 {strides = array<i32>} : memref<80x128xf32, #tpu.memory_space<vmem>>, vector<16xf32>,
        %swap3A_1344 = arith.index_cast %scan3A_1317 : i32 to index
        %swap3A_1345 = arith.constant 16 : index
        %swap3A_1346 = tpu.vector_load %arg15[%swap3A_1344, %swap3A_1345] {strides = array<i32>} : memref<80x128xf32, #tpu.memory_space<vmem>>, vector<16xf32>,
        tpu.vector_store %arg15[%swap3A_1344, %swap3A_1345], %get3A_1323 {strides = array<i32>} : memref<80x128xf32, #tpu.memory_space<vmem>>, vector<16xf32>,
        %swap3A_1347 = arith.index_cast %scan3A_1317 : i32 to index
        %swap3A_1348 = arith.constant 32 : index
        %swap3A_1349 = tpu.vector_load %arg15[%swap3A_1347, %swap3A_1348] {strides = array<i32>} : memref<80x128xf32, #tpu.memory_space<vmem>>, vector<16xf32>,
        tpu.vector_store %arg15[%swap3A_1347, %swap3A_1348], %get3A_1326 {strides = array<i32>} : memref<80x128xf32, #tpu.memory_space<vmem>>, vector<16xf32>,
        %swap3A_1350 = arith.index_cast %scan3A_1317 : i32 to index
        %swap3A_1351 = arith.constant 48 : index
        %swap3A_1352 = tpu.vector_load %arg15[%swap3A_1350, %swap3A_1351] {strides = array<i32>} : memref<80x128xf32, #tpu.memory_space<vmem>>, vector<16xf32>,
        tpu.vector_store %arg15[%swap3A_1350, %swap3A_1351], %get3A_1329 {strides = array<i32>} : memref<80x128xf32, #tpu.memory_space<vmem>>, vector<16xf32>,
        %swap3A_1353 = arith.index_cast %scan3A_1317 : i32 to index
        %swap3A_1354 = arith.constant 64 : index
        %swap3A_1355 = tpu.vector_load %arg15[%swap3A_1353, %swap3A_1354] {strides = array<i32>} : memref<80x128xf32, #tpu.memory_space<vmem>>, vector<16xf32>,
        tpu.vector_store %arg15[%swap3A_1353, %swap3A_1354], %get3A_1332 {strides = array<i32>} : memref<80x128xf32, #tpu.memory_space<vmem>>, vector<16xf32>,
        %swap3A_1356 = arith.index_cast %scan3A_1317 : i32 to index
        %swap3A_1357 = arith.constant 80 : index
        %swap3A_1358 = tpu.vector_load %arg15[%swap3A_1356, %swap3A_1357] {strides = array<i32>} : memref<80x128xf32, #tpu.memory_space<vmem>>, vector<16xf32>,
        tpu.vector_store %arg15[%swap3A_1356, %swap3A_1357], %get3A_1335 {strides = array<i32>} : memref<80x128xf32, #tpu.memory_space<vmem>>, vector<16xf32>,
        %swap3A_1359 = arith.index_cast %scan3A_1317 : i32 to index
        %swap3A_1360 = arith.constant 96 : index
        %swap3A_1361 = tpu.vector_load %arg15[%swap3A_1359, %swap3A_1360] {strides = array<i32>} : memref<80x128xf32, #tpu.memory_space<vmem>>, vector<16xf32>,
        tpu.vector_store %arg15[%swap3A_1359, %swap3A_1360], %get3A_1338 {strides = array<i32>} : memref<80x128xf32, #tpu.memory_space<vmem>>, vector<16xf32>,
        %swap3A_1362 = arith.index_cast %scan3A_1317 : i32 to index
        %swap3A_1363 = arith.constant 112 : index
        %swap3A_1364 = tpu.vector_load %arg15[%swap3A_1362, %swap3A_1363] {strides = array<i32>} : memref<80x128xf32, #tpu.memory_space<vmem>>, vector<16xf32>,
        tpu.vector_store %arg15[%swap3A_1362, %swap3A_1363], %get3A_1341 {strides = array<i32>} : memref<80x128xf32, #tpu.memory_space<vmem>>, vector<16xf32>,
        %scan3A_1365 = arith.constant 1 : i32
        %scan3A_1366 = arith.addi %scan3A_1317, %scan3A_1365 : i32
        %get3A_1367 = arith.index_cast %scan3A_1366 : i32 to index
        %get3A_1368 = arith.constant 0 : index
        %get3A_1369 = tpu.vector_load %arg11[%get3A_1367, %get3A_1368] {strides = array<i32>} : memref<80x128xf32, #tpu.memory_space<vmem>>, vector<16xf32>,
        %get3A_1370 = arith.index_cast %scan3A_1366 : i32 to index
        %get3A_1371 = arith.constant 16 : index
        %get3A_1372 = tpu.vector_load %arg11[%get3A_1370, %get3A_1371] {strides = array<i32>} : memref<80x128xf32, #tpu.memory_space<vmem>>, vector<16xf32>,
        %get3A_1373 = arith.index_cast %scan3A_1366 : i32 to index
        %get3A_1374 = arith.constant 32 : index
        %get3A_1375 = tpu.vector_load %arg11[%get3A_1373, %get3A_1374] {strides = array<i32>} : memref<80x128xf32, #tpu.memory_space<vmem>>, vector<16xf32>,
        %get3A_1376 = arith.index_cast %scan3A_1366 : i32 to index
        %get3A_1377 = arith.constant 48 : index
        %get3A_1378 = tpu.vector_load %arg11[%get3A_1376, %get3A_1377] {strides = array<i32>} : memref<80x128xf32, #tpu.memory_space<vmem>>, vector<16xf32>,
        %get3A_1379 = arith.index_cast %scan3A_1366 : i32 to index
        %get3A_1380 = arith.constant 0 : index
        %get3A_1381 = tpu.vector_load %arg13[%get3A_1379, %get3A_1380] {strides = array<i32>} : memref<80x128xf32, #tpu.memory_space<vmem>>, vector<16xf32>,
        %get3A_1382 = arith.index_cast %scan3A_1366 : i32 to index
        %get3A_1383 = arith.constant 16 : index
        %get3A_1384 = tpu.vector_load %arg13[%get3A_1382, %get3A_1383] {strides = array<i32>} : memref<80x128xf32, #tpu.memory_space<vmem>>, vector<16xf32>,
        %get3A_1385 = arith.index_cast %scan3A_1366 : i32 to index
        %get3A_1386 = arith.constant 32 : index
        %get3A_1387 = tpu.vector_load %arg13[%get3A_1385, %get3A_1386] {strides = array<i32>} : memref<80x128xf32, #tpu.memory_space<vmem>>, vector<16xf32>,
        %get3A_1388 = arith.index_cast %scan3A_1366 : i32 to index
        %get3A_1389 = arith.constant 48 : index
        %get3A_1390 = tpu.vector_load %arg13[%get3A_1388, %get3A_1389] {strides = array<i32>} : memref<80x128xf32, #tpu.memory_space<vmem>>, vector<16xf32>,
        %swap3A_1391 = arith.index_cast %scan3A_1366 : i32 to index
        %swap3A_1392 = arith.constant 0 : index
        %swap3A_1393 = tpu.vector_load %arg15[%swap3A_1391, %swap3A_1392] {strides = array<i32>} : memref<80x128xf32, #tpu.memory_space<vmem>>, vector<16xf32>,
        tpu.vector_store %arg15[%swap3A_1391, %swap3A_1392], %get3A_1369 {strides = array<i32>} : memref<80x128xf32, #tpu.memory_space<vmem>>, vector<16xf32>,
        %swap3A_1394 = arith.index_cast %scan3A_1366 : i32 to index
        %swap3A_1395 = arith.constant 16 : index
        %swap3A_1396 = tpu.vector_load %arg15[%swap3A_1394, %swap3A_1395] {strides = array<i32>} : memref<80x128xf32, #tpu.memory_space<vmem>>, vector<16xf32>,
        tpu.vector_store %arg15[%swap3A_1394, %swap3A_1395], %get3A_1372 {strides = array<i32>} : memref<80x128xf32, #tpu.memory_space<vmem>>, vector<16xf32>,
        %swap3A_1397 = arith.index_cast %scan3A_1366 : i32 to index
        %swap3A_1398 = arith.constant 32 : index
        %swap3A_1399 = tpu.vector_load %arg15[%swap3A_1397, %swap3A_1398] {strides = array<i32>} : memref<80x128xf32, #tpu.memory_space<vmem>>, vector<16xf32>,
        tpu.vector_store %arg15[%swap3A_1397, %swap3A_1398], %get3A_1375 {strides = array<i32>} : memref<80x128xf32, #tpu.memory_space<vmem>>, vector<16xf32>,
        %swap3A_1400 = arith.index_cast %scan3A_1366 : i32 to index
        %swap3A_1401 = arith.constant 48 : index
        %swap3A_1402 = tpu.vector_load %arg15[%swap3A_1400, %swap3A_1401] {strides = array<i32>} : memref<80x128xf32, #tpu.memory_space<vmem>>, vector<16xf32>,
        tpu.vector_store %arg15[%swap3A_1400, %swap3A_1401], %get3A_1378 {strides = array<i32>} : memref<80x128xf32, #tpu.memory_space<vmem>>, vector<16xf32>,
        %swap3A_1403 = arith.index_cast %scan3A_1366 : i32 to index
        %swap3A_1404 = arith.constant 64 : index
        %swap3A_1405 = tpu.vector_load %arg15[%swap3A_1403, %swap3A_1404] {strides = array<i32>} : memref<80x128xf32, #tpu.memory_space<vmem>>, vector<16xf32>,
        tpu.vector_store %arg15[%swap3A_1403, %swap3A_1404], %get3A_1381 {strides = array<i32>} : memref<80x128xf32, #tpu.memory_space<vmem>>, vector<16xf32>,
        %swap3A_1406 = arith.index_cast %scan3A_1366 : i32 to index
        %swap3A_1407 = arith.constant 80 : index
        %swap3A_1408 = tpu.vector_load %arg15[%swap3A_1406, %swap3A_1407] {strides = array<i32>} : memref<80x128xf32, #tpu.memory_space<vmem>>, vector<16xf32>,
        tpu.vector_store %arg15[%swap3A_1406, %swap3A_1407], %get3A_1384 {strides = array<i32>} : memref<80x128xf32, #tpu.memory_space<vmem>>, vector<16xf32>,
        %swap3A_1409 = arith.index_cast %scan3A_1366 : i32 to index
        %swap3A_1410 = arith.constant 96 : index
        %swap3A_1411 = tpu.vector_load %arg15[%swap3A_1409, %swap3A_1410] {strides = array<i32>} : memref<80x128xf32, #tpu.memory_space<vmem>>, vector<16xf32>,
        tpu.vector_store %arg15[%swap3A_1409, %swap3A_1410], %get3A_1387 {strides = array<i32>} : memref<80x128xf32, #tpu.memory_space<vmem>>, vector<16xf32>,
        %swap3A_1412 = arith.index_cast %scan3A_1366 : i32 to index
        %swap3A_1413 = arith.constant 112 : index
        %swap3A_1414 = tpu.vector_load %arg15[%swap3A_1412, %swap3A_1413] {strides = array<i32>} : memref<80x128xf32, #tpu.memory_space<vmem>>, vector<16xf32>,
        tpu.vector_store %arg15[%swap3A_1412, %swap3A_1413], %get3A_1390 {strides = array<i32>} : memref<80x128xf32, #tpu.memory_space<vmem>>, vector<16xf32>,
      }
      %scan3A_1117 = arith.constant 80 : i32
      %mul3A_1118 = arith.constant 0 : i32
      %mul3A_1119 = vector.broadcast %mul3A_1118 : i32 to vector<16xi32>
      %mul3A_1120 = arith.muli %iota3A, %mul3A_1119 : vector<16xi32>
      %add3A_1121 = arith.constant 0 : i32
      %add3A_1122 = vector.broadcast %add3A_1121 : i32 to vector<16xi32>
      %add3A_1123 = arith.addi %iota3A, %add3A_1122 : vector<16xi32>
      %get3A_1124 = arith.constant 640 : index
      %get3A_1125 = tpu.vector_load %arg10[%get3A_1124] {strides = array<i32>} : memref<800xf32, #tpu.memory_space<vmem>>, vector<16xf32>,
      tpu.vector_store_idx %arg17[%add3A_1123, %mul3A_1120], %get3A_1125 : memref<80x1xf32, #tpu.memory_space<vmem>>[vector<16xi32>, vector<16xi32>], vector<16xf32>,
      %add3A_1126 = arith.constant 16 : i32
      %add3A_1127 = vector.broadcast %add3A_1126 : i32 to vector<16xi32>
      %add3A_1128 = arith.addi %iota3A, %add3A_1127 : vector<16xi32>
      %get3A_1129 = arith.constant 656 : index
      %get3A_1130 = tpu.vector_load %arg10[%get3A_1129] {strides = array<i32>} : memref<800xf32, #tpu.memory_space<vmem>>, vector<16xf32>,
      tpu.vector_store_idx %arg17[%add3A_1128, %mul3A_1120], %get3A_1130 : memref<80x1xf32, #tpu.memory_space<vmem>>[vector<16xi32>, vector<16xi32>], vector<16xf32>,
      %add3A_1131 = arith.constant 32 : i32
      %add3A_1132 = vector.broadcast %add3A_1131 : i32 to vector<16xi32>
      %add3A_1133 = arith.addi %iota3A, %add3A_1132 : vector<16xi32>
      %get3A_1134 = arith.constant 672 : index
      %get3A_1135 = tpu.vector_load %arg10[%get3A_1134] {strides = array<i32>} : memref<800xf32, #tpu.memory_space<vmem>>, vector<16xf32>,
      tpu.vector_store_idx %arg17[%add3A_1133, %mul3A_1120], %get3A_1135 : memref<80x1xf32, #tpu.memory_space<vmem>>[vector<16xi32>, vector<16xi32>], vector<16xf32>,
      %add3A_1136 = arith.constant 48 : i32
      %add3A_1137 = vector.broadcast %add3A_1136 : i32 to vector<16xi32>
      %add3A_1138 = arith.addi %iota3A, %add3A_1137 : vector<16xi32>
      %get3A_1139 = arith.constant 688 : index
      %get3A_1140 = tpu.vector_load %arg10[%get3A_1139] {strides = array<i32>} : memref<800xf32, #tpu.memory_space<vmem>>, vector<16xf32>,
      tpu.vector_store_idx %arg17[%add3A_1138, %mul3A_1120], %get3A_1140 : memref<80x1xf32, #tpu.memory_space<vmem>>[vector<16xi32>, vector<16xi32>], vector<16xf32>,
      %add3A_1141 = arith.constant 64 : i32
      %add3A_1142 = vector.broadcast %add3A_1141 : i32 to vector<16xi32>
      %add3A_1143 = arith.addi %iota3A, %add3A_1142 : vector<16xi32>
      %get3A_1144 = arith.constant 704 : index
      %get3A_1145 = tpu.vector_load %arg10[%get3A_1144] {strides = array<i32>} : memref<800xf32, #tpu.memory_space<vmem>>, vector<16xf32>,
      tpu.vector_store_idx %arg17[%add3A_1143, %mul3A_1120], %get3A_1145 : memref<80x1xf32, #tpu.memory_space<vmem>>[vector<16xi32>, vector<16xi32>], vector<16xf32>,
      %add3A_1146 = arith.constant 3 : i32
      %add3A_1147 = arith.addi %add3A_75, %add3A_1146 : i32
      %add3A_1148 = arith.constant 3 : i32
      %add3A_1149 = arith.addi %add3A_75, %add3A_1148 : i32
      %dma_start3A_1150 = arith.constant 0 : i32
      %dma_start3A_1151 = arith.constant 0 : i32
      %dma_start3A_1152 = tpu.memref_slice %arg15[%dma_start3A_1150, %dma_start3A_1151] : memref<80x128xf32, #tpu.memory_space<vmem>> -> memref<80x128xf32, #tpu.memory_space<vmem>>
      %dma_start3A_1153 = arith.constant 40 : i32
      %dma_start3A_1154 = arith.constant 0 : i32
      %dma_start3A_1155 = tpu.memref_slice %arg7[%add3A_1147, %dma_start3A_1153, %dma_start3A_1154] : memref<4096x200x129xf32, #tpu.memory_space<hbm>> -> memref<1x80x128xf32, #tpu.memory_space<hbm>>
      %dma_start3A_1156 = tpu.memref_squeeze %dma_start3A_1155 : memref<1x80x128xf32, #tpu.memory_space<hbm>> -> memref<80x128xf32, #tpu.memory_space<hbm>>
      %dma_start3A_1157 = arith.constant 40 : i32
      %dma_start3A_1158 = arith.constant 0 : i32
      %dma_start3A_1159 = tpu.memref_slice %arg7[%add3A_1147, %dma_start3A_1157, %dma_start3A_1158] : memref<4096x200x129xf32, #tpu.memory_space<hbm>> -> memref<1x80x128xf32, #tpu.memory_space<hbm>>
      %dma_start3A_1160 = tpu.memref_squeeze %dma_start3A_1159 : memref<1x80x128xf32, #tpu.memory_space<hbm>> -> memref<80x128xf32, #tpu.memory_space<hbm>>
      %dma_start3A_1161 = arith.constant 0 : i32
      %dma_start3A_1162 = arith.constant 0 : i32
      %dma_start3A_1163 = tpu.memref_slice %arg15[%dma_start3A_1161, %dma_start3A_1162] : memref<80x128xf32, #tpu.memory_space<vmem>> -> memref<80x128xf32, #tpu.memory_space<vmem>>
      tpu.enqueue_dma source(%dma_start3A_1163 : memref<80x128xf32, #tpu.memory_space<vmem>>) target(%dma_start3A_1160 : memref<80x128xf32, #tpu.memory_space<hbm>>) target_semaphore(%arg21 : memref<!tpu.dma_semaphore, #tpu.memory_space<semaphore_mem>>)
      %dma_start3A_1164 = arith.constant 0 : i32
      %dma_start3A_1165 = arith.constant 0 : i32
      %dma_start3A_1166 = tpu.memref_slice %arg17[%dma_start3A_1164, %dma_start3A_1165] : memref<80x1xf32, #tpu.memory_space<vmem>> -> memref<80x1xf32, #tpu.memory_space<vmem>>
      %dma_start3A_1167 = arith.constant 40 : i32
      %dma_start3A_1168 = arith.constant 128 : i32
      %dma_start3A_1169 = tpu.memref_slice %arg7[%add3A_1149, %dma_start3A_1167, %dma_start3A_1168] : memref<4096x200x129xf32, #tpu.memory_space<hbm>> -> memref<1x80x1xf32, #tpu.memory_space<hbm>>
      %dma_start3A_1170 = tpu.memref_squeeze %dma_start3A_1169 : memref<1x80x1xf32, #tpu.memory_space<hbm>> -> memref<80x1xf32, #tpu.memory_space<hbm>>
      %dma_start3A_1171 = arith.constant 40 : i32
      %dma_start3A_1172 = arith.constant 128 : i32
      %dma_start3A_1173 = tpu.memref_slice %arg7[%add3A_1149, %dma_start3A_1171, %dma_start3A_1172] : memref<4096x200x129xf32, #tpu.memory_space<hbm>> -> memref<1x80x1xf32, #tpu.memory_space<hbm>>
      %dma_start3A_1174 = tpu.memref_squeeze %dma_start3A_1173 : memref<1x80x1xf32, #tpu.memory_space<hbm>> -> memref<80x1xf32, #tpu.memory_space<hbm>>
      %dma_start3A_1175 = arith.constant 0 : i32
      %dma_start3A_1176 = arith.constant 0 : i32
      %dma_start3A_1177 = tpu.memref_slice %arg17[%dma_start3A_1175, %dma_start3A_1176] : memref<80x1xf32, #tpu.memory_space<vmem>> -> memref<80x1xf32, #tpu.memory_space<vmem>>
      tpu.enqueue_dma source(%dma_start3A_1177 : memref<80x1xf32, #tpu.memory_space<vmem>>) target(%dma_start3A_1174 : memref<80x1xf32, #tpu.memory_space<hbm>>) target_semaphore(%arg21 : memref<!tpu.dma_semaphore, #tpu.memory_space<semaphore_mem>>)
      %add3A_1178 = arith.constant 2 : i32
      %add3A_1179 = arith.addi %add3A_75, %add3A_1178 : i32
      %add3A_1180 = arith.constant 2 : i32
      %add3A_1181 = arith.addi %add3A_75, %add3A_1180 : i32
      %add3A_1182 = arith.constant 3 : i32
      %add3A_1183 = arith.addi %add3A_75, %add3A_1182 : i32
      %add3A_1184 = arith.constant 3 : i32
      %add3A_1185 = arith.addi %add3A_75, %add3A_1184 : i32
      %dma_wait3A_1186 = arith.constant 0 : i32
      %dma_wait3A_1187 = arith.constant 0 : i32
      %dma_wait3A_1188 = tpu.memref_slice %arg16[%dma_wait3A_1186, %dma_wait3A_1187] : memref<80x128xf32, #tpu.memory_space<vmem>> -> memref<40x128xf32, #tpu.memory_space<vmem>>
      %dma_wait3A_1189 = arith.constant 160 : i32
      %dma_wait3A_1190 = arith.constant 0 : i32
      %dma_wait3A_1191 = tpu.memref_slice %arg7[%add3A_1179, %dma_wait3A_1189, %dma_wait3A_1190] : memref<4096x200x129xf32, #tpu.memory_space<hbm>> -> memref<1x40x128xf32, #tpu.memory_space<hbm>>
      %dma_wait3A_1192 = tpu.memref_squeeze %dma_wait3A_1191 : memref<1x40x128xf32, #tpu.memory_space<hbm>> -> memref<40x128xf32, #tpu.memory_space<hbm>>
      %dma_wait3A_1193 = arith.constant 160 : i32
      %dma_wait3A_1194 = arith.constant 0 : i32
      %dma_wait3A_1195 = tpu.memref_slice %arg7[%add3A_1179, %dma_wait3A_1193, %dma_wait3A_1194] : memref<4096x200x129xf32, #tpu.memory_space<hbm>> -> memref<1x40x128xf32, #tpu.memory_space<hbm>>
      %dma_wait3A_1196 = tpu.memref_squeeze %dma_wait3A_1195 : memref<1x40x128xf32, #tpu.memory_space<hbm>> -> memref<40x128xf32, #tpu.memory_space<hbm>>
      %dma_wait3A_1197 = arith.constant 0 : i32
      %dma_wait3A_1198 = arith.constant 0 : i32
      %dma_wait3A_1199 = tpu.memref_slice %arg16[%dma_wait3A_1197, %dma_wait3A_1198] : memref<80x128xf32, #tpu.memory_space<vmem>> -> memref<40x128xf32, #tpu.memory_space<vmem>>
      tpu.wait_dma2 semaphore(%arg21 : memref<!tpu.dma_semaphore, #tpu.memory_space<semaphore_mem>>) src(%dma_wait3A_1199 : memref<40x128xf32, #tpu.memory_space<vmem>>) dst(%dma_wait3A_1196 : memref<40x128xf32, #tpu.memory_space<hbm>>)
      %dma_wait3A_1200 = arith.constant 0 : i32
      %dma_wait3A_1201 = arith.constant 0 : i32
      %dma_wait3A_1202 = tpu.memref_slice %arg18[%dma_wait3A_1200, %dma_wait3A_1201] : memref<80x1xf32, #tpu.memory_space<vmem>> -> memref<40x1xf32, #tpu.memory_space<vmem>>
      %dma_wait3A_1203 = arith.constant 160 : i32
      %dma_wait3A_1204 = arith.constant 128 : i32
      %dma_wait3A_1205 = tpu.memref_slice %arg7[%add3A_1181, %dma_wait3A_1203, %dma_wait3A_1204] : memref<4096x200x129xf32, #tpu.memory_space<hbm>> -> memref<1x40x1xf32, #tpu.memory_space<hbm>>
      %dma_wait3A_1206 = tpu.memref_squeeze %dma_wait3A_1205 : memref<1x40x1xf32, #tpu.memory_space<hbm>> -> memref<40x1xf32, #tpu.memory_space<hbm>>
      %dma_wait3A_1207 = arith.constant 160 : i32
      %dma_wait3A_1208 = arith.constant 128 : i32
      %dma_wait3A_1209 = tpu.memref_slice %arg7[%add3A_1181, %dma_wait3A_1207, %dma_wait3A_1208] : memref<4096x200x129xf32, #tpu.memory_space<hbm>> -> memref<1x40x1xf32, #tpu.memory_space<hbm>>
      %dma_wait3A_1210 = tpu.memref_squeeze %dma_wait3A_1209 : memref<1x40x1xf32, #tpu.memory_space<hbm>> -> memref<40x1xf32, #tpu.memory_space<hbm>>
      %dma_wait3A_1211 = arith.constant 0 : i32
      %dma_wait3A_1212 = arith.constant 0 : i32
      %dma_wait3A_1213 = tpu.memref_slice %arg18[%dma_wait3A_1211, %dma_wait3A_1212] : memref<80x1xf32, #tpu.memory_space<vmem>> -> memref<40x1xf32, #tpu.memory_space<vmem>>
      tpu.wait_dma2 semaphore(%arg21 : memref<!tpu.dma_semaphore, #tpu.memory_space<semaphore_mem>>) src(%dma_wait3A_1213 : memref<40x1xf32, #tpu.memory_space<vmem>>) dst(%dma_wait3A_1210 : memref<40x1xf32, #tpu.memory_space<hbm>>)
      %dma_wait3A_1214 = arith.constant 40 : i32
      %dma_wait3A_1215 = arith.constant 0 : i32
      %dma_wait3A_1216 = tpu.memref_slice %arg16[%dma_wait3A_1214, %dma_wait3A_1215] : memref<80x128xf32, #tpu.memory_space<vmem>> -> memref<40x128xf32, #tpu.memory_space<vmem>>
      %dma_wait3A_1217 = arith.constant 0 : i32
      %dma_wait3A_1218 = arith.constant 0 : i32
      %dma_wait3A_1219 = tpu.memref_slice %arg7[%add3A_1183, %dma_wait3A_1217, %dma_wait3A_1218] : memref<4096x200x129xf32, #tpu.memory_space<hbm>> -> memref<1x40x128xf32, #tpu.memory_space<hbm>>
      %dma_wait3A_1220 = tpu.memref_squeeze %dma_wait3A_1219 : memref<1x40x128xf32, #tpu.memory_space<hbm>> -> memref<40x128xf32, #tpu.memory_space<hbm>>
      %dma_wait3A_1221 = arith.constant 0 : i32
      %dma_wait3A_1222 = arith.constant 0 : i32
      %dma_wait3A_1223 = tpu.memref_slice %arg7[%add3A_1183, %dma_wait3A_1221, %dma_wait3A_1222] : memref<4096x200x129xf32, #tpu.memory_space<hbm>> -> memref<1x40x128xf32, #tpu.memory_space<hbm>>
      %dma_wait3A_1224 = tpu.memref_squeeze %dma_wait3A_1223 : memref<1x40x128xf32, #tpu.memory_space<hbm>> -> memref<40x128xf32, #tpu.memory_space<hbm>>
      %dma_wait3A_1225 = arith.constant 40 : i32
      %dma_wait3A_1226 = arith.constant 0 : i32
      %dma_wait3A_1227 = tpu.memref_slice %arg16[%dma_wait3A_1225, %dma_wait3A_1226] : memref<80x128xf32, #tpu.memory_space<vmem>> -> memref<40x128xf32, #tpu.memory_space<vmem>>
      tpu.wait_dma2 semaphore(%arg21 : memref<!tpu.dma_semaphore, #tpu.memory_space<semaphore_mem>>) src(%dma_wait3A_1227 : memref<40x128xf32, #tpu.memory_space<vmem>>) dst(%dma_wait3A_1224 : memref<40x128xf32, #tpu.memory_space<hbm>>)
      %dma_wait3A_1228 = arith.constant 40 : i32
      %dma_wait3A_1229 = arith.constant 0 : i32
      %dma_wait3A_1230 = tpu.memref_slice %arg18[%dma_wait3A_1228, %dma_wait3A_1229] : memref<80x1xf32, #tpu.memory_space<vmem>> -> memref<40x1xf32, #tpu.memory_space<vmem>>
      %dma_wait3A_1231 = arith.constant 0 : i32
      %dma_wait3A_1232 = arith.constant 128 : i32
      %dma_wait3A_1233 = tpu.memref_slice %arg7[%add3A_1185, %dma_wait3A_1231, %dma_wait3A_1232] : memref<4096x200x129xf32, #tpu.memory_space<hbm>> -> memref<1x40x1xf32, #tpu.memory_space<hbm>>
      %dma_wait3A_1234 = tpu.memref_squeeze %dma_wait3A_1233 : memref<1x40x1xf32, #tpu.memory_space<hbm>> -> memref<40x1xf32, #tpu.memory_space<hbm>>
      %dma_wait3A_1235 = arith.constant 0 : i32
      %dma_wait3A_1236 = arith.constant 128 : i32
      %dma_wait3A_1237 = tpu.memref_slice %arg7[%add3A_1185, %dma_wait3A_1235, %dma_wait3A_1236] : memref<4096x200x129xf32, #tpu.memory_space<hbm>> -> memref<1x40x1xf32, #tpu.memory_space<hbm>>
      %dma_wait3A_1238 = tpu.memref_squeeze %dma_wait3A_1237 : memref<1x40x1xf32, #tpu.memory_space<hbm>> -> memref<40x1xf32, #tpu.memory_space<hbm>>
      %dma_wait3A_1239 = arith.constant 40 : i32
      %dma_wait3A_1240 = arith.constant 0 : i32
      %dma_wait3A_1241 = tpu.memref_slice %arg18[%dma_wait3A_1239, %dma_wait3A_1240] : memref<80x1xf32, #tpu.memory_space<vmem>> -> memref<40x1xf32, #tpu.memory_space<vmem>>
      tpu.wait_dma2 semaphore(%arg21 : memref<!tpu.dma_semaphore, #tpu.memory_space<semaphore_mem>>) src(%dma_wait3A_1241 : memref<40x1xf32, #tpu.memory_space<vmem>>) dst(%dma_wait3A_1238 : memref<40x1xf32, #tpu.memory_space<hbm>>)
      %dma_wait3A_1242 = arith.constant 720 : i32
      %dma_wait3A_1243 = tpu.memref_slice %arg8[%dma_wait3A_1242] : memref<800xi32, #tpu.memory_space<vmem>> -> memref<80xi32, #tpu.memory_space<vmem>>
      %dma_wait3A_1244 = arith.constant 0 : i32
      %dma_wait3A_1245 = arith.constant 0 : i32
      %dma_wait3A_1246 = tpu.memref_slice %arg5[%dma_wait3A_1244, %dma_wait3A_1245] : memref<1000x128xf32, #tpu.memory_space<hbm>> -> memref<1000x128xf32, #tpu.memory_space<hbm>>
      tpu.wait_indirect_dma semaphore(%arg19 : memref<!tpu.dma_semaphore, #tpu.memory_space<semaphore_mem>>) src(%dma_wait3A_1246 : memref<1000x128xf32, #tpu.memory_space<hbm>>) dst(%arg12 : memref<80x128xf32, #tpu.memory_space<vmem>>)
      %dma_wait3A_1247 = arith.constant 720 : i32
      %dma_wait3A_1248 = tpu.memref_slice %arg9[%dma_wait3A_1247] : memref<800xi32, #tpu.memory_space<vmem>> -> memref<80xi32, #tpu.memory_space<vmem>>
      %dma_wait3A_1249 = arith.constant 0 : i32
      %dma_wait3A_1250 = arith.constant 0 : i32
      %dma_wait3A_1251 = tpu.memref_slice %arg6[%dma_wait3A_1249, %dma_wait3A_1250] : memref<1000x128xf32, #tpu.memory_space<hbm>> -> memref<1000x128xf32, #tpu.memory_space<hbm>>
      tpu.wait_indirect_dma semaphore(%arg20 : memref<!tpu.dma_semaphore, #tpu.memory_space<semaphore_mem>>) src(%dma_wait3A_1251 : memref<1000x128xf32, #tpu.memory_space<hbm>>) dst(%arg14 : memref<80x128xf32, #tpu.memory_space<vmem>>)
      %scan3A_1252 = arith.constant 0 : i32
      %scan3A_1253 = arith.constant 80 : i32
      %scan3A_1254 = arith.addi %scan3A_1252, %scan3A_1253 : i32
      %scan3A_1255 = arith.constant 2 : i32
      scf.for %scan3A_1317 = %scan3A_1252 to %scan3A_1254 step %scan3A_1255  : i32 {
        %get3A_1318 = arith.index_cast %scan3A_1317 : i32 to index
        %get3A_1319 = arith.constant 0 : index
        %get3A_1320 = tpu.vector_load %arg12[%get3A_1318, %get3A_1319] {strides = array<i32>} : memref<80x128xf32, #tpu.memory_space<vmem>>, vector<16xf32>,
        %get3A_1321 = arith.index_cast %scan3A_1317 : i32 to index
        %get3A_1322 = arith.constant 16 : index
        %get3A_1323 = tpu.vector_load %arg12[%get3A_1321, %get3A_1322] {strides = array<i32>} : memref<80x128xf32, #tpu.memory_space<vmem>>, vector<16xf32>,
        %get3A_1324 = arith.index_cast %scan3A_1317 : i32 to index
        %get3A_1325 = arith.constant 32 : index
        %get3A_1326 = tpu.vector_load %arg12[%get3A_1324, %get3A_1325] {strides = array<i32>} : memref<80x128xf32, #tpu.memory_space<vmem>>, vector<16xf32>,
        %get3A_1327 = arith.index_cast %scan3A_1317 : i32 to index
        %get3A_1328 = arith.constant 48 : index
        %get3A_1329 = tpu.vector_load %arg12[%get3A_1327, %get3A_1328] {strides = array<i32>} : memref<80x128xf32, #tpu.memory_space<vmem>>, vector<16xf32>,
        %get3A_1330 = arith.index_cast %scan3A_1317 : i32 to index
        %get3A_1331 = arith.constant 0 : index
        %get3A_1332 = tpu.vector_load %arg14[%get3A_1330, %get3A_1331] {strides = array<i32>} : memref<80x128xf32, #tpu.memory_space<vmem>>, vector<16xf32>,
        %get3A_1333 = arith.index_cast %scan3A_1317 : i32 to index
        %get3A_1334 = arith.constant 16 : index
        %get3A_1335 = tpu.vector_load %arg14[%get3A_1333, %get3A_1334] {strides = array<i32>} : memref<80x128xf32, #tpu.memory_space<vmem>>, vector<16xf32>,
        %get3A_1336 = arith.index_cast %scan3A_1317 : i32 to index
        %get3A_1337 = arith.constant 32 : index
        %get3A_1338 = tpu.vector_load %arg14[%get3A_1336, %get3A_1337] {strides = array<i32>} : memref<80x128xf32, #tpu.memory_space<vmem>>, vector<16xf32>,
        %get3A_1339 = arith.index_cast %scan3A_1317 : i32 to index
        %get3A_1340 = arith.constant 48 : index
        %get3A_1341 = tpu.vector_load %arg14[%get3A_1339, %get3A_1340] {strides = array<i32>} : memref<80x128xf32, #tpu.memory_space<vmem>>, vector<16xf32>,
        %swap3A = arith.index_cast %scan3A_1317 : i32 to index
        %swap3A_1342 = arith.constant 0 : index
        %swap3A_1343 = tpu.vector_load %arg16[%swap3A, %swap3A_1342] {strides = array<i32>} : memref<80x128xf32, #tpu.memory_space<vmem>>, vector<16xf32>,
        tpu.vector_store %arg16[%swap3A, %swap3A_1342], %get3A_1320 {strides = array<i32>} : memref<80x128xf32, #tpu.memory_space<vmem>>, vector<16xf32>,
        %swap3A_1344 = arith.index_cast %scan3A_1317 : i32 to index
        %swap3A_1345 = arith.constant 16 : index
        %swap3A_1346 = tpu.vector_load %arg16[%swap3A_1344, %swap3A_1345] {strides = array<i32>} : memref<80x128xf32, #tpu.memory_space<vmem>>, vector<16xf32>,
        tpu.vector_store %arg16[%swap3A_1344, %swap3A_1345], %get3A_1323 {strides = array<i32>} : memref<80x128xf32, #tpu.memory_space<vmem>>, vector<16xf32>,
        %swap3A_1347 = arith.index_cast %scan3A_1317 : i32 to index
        %swap3A_1348 = arith.constant 32 : index
        %swap3A_1349 = tpu.vector_load %arg16[%swap3A_1347, %swap3A_1348] {strides = array<i32>} : memref<80x128xf32, #tpu.memory_space<vmem>>, vector<16xf32>,
        tpu.vector_store %arg16[%swap3A_1347, %swap3A_1348], %get3A_1326 {strides = array<i32>} : memref<80x128xf32, #tpu.memory_space<vmem>>, vector<16xf32>,
        %swap3A_1350 = arith.index_cast %scan3A_1317 : i32 to index
        %swap3A_1351 = arith.constant 48 : index
        %swap3A_1352 = tpu.vector_load %arg16[%swap3A_1350, %swap3A_1351] {strides = array<i32>} : memref<80x128xf32, #tpu.memory_space<vmem>>, vector<16xf32>,
        tpu.vector_store %arg16[%swap3A_1350, %swap3A_1351], %get3A_1329 {strides = array<i32>} : memref<80x128xf32, #tpu.memory_space<vmem>>, vector<16xf32>,
        %swap3A_1353 = arith.index_cast %scan3A_1317 : i32 to index
        %swap3A_1354 = arith.constant 64 : index
        %swap3A_1355 = tpu.vector_load %arg16[%swap3A_1353, %swap3A_1354] {strides = array<i32>} : memref<80x128xf32, #tpu.memory_space<vmem>>, vector<16xf32>,
        tpu.vector_store %arg16[%swap3A_1353, %swap3A_1354], %get3A_1332 {strides = array<i32>} : memref<80x128xf32, #tpu.memory_space<vmem>>, vector<16xf32>,
        %swap3A_1356 = arith.index_cast %scan3A_1317 : i32 to index
        %swap3A_1357 = arith.constant 80 : index
        %swap3A_1358 = tpu.vector_load %arg16[%swap3A_1356, %swap3A_1357] {strides = array<i32>} : memref<80x128xf32, #tpu.memory_space<vmem>>, vector<16xf32>,
        tpu.vector_store %arg16[%swap3A_1356, %swap3A_1357], %get3A_1335 {strides = array<i32>} : memref<80x128xf32, #tpu.memory_space<vmem>>, vector<16xf32>,
        %swap3A_1359 = arith.index_cast %scan3A_1317 : i32 to index
        %swap3A_1360 = arith.constant 96 : index
        %swap3A_1361 = tpu.vector_load %arg16[%swap3A_1359, %swap3A_1360] {strides = array<i32>} : memref<80x128xf32, #tpu.memory_space<vmem>>, vector<16xf32>,
        tpu.vector_store %arg16[%swap3A_1359, %swap3A_1360], %get3A_1338 {strides = array<i32>} : memref<80x128xf32, #tpu.memory_space<vmem>>, vector<16xf32>,
        %swap3A_1362 = arith.index_cast %scan3A_1317 : i32 to index
        %swap3A_1363 = arith.constant 112 : index
        %swap3A_1364 = tpu.vector_load %arg16[%swap3A_1362, %swap3A_1363] {strides = array<i32>} : memref<80x128xf32, #tpu.memory_space<vmem>>, vector<16xf32>,
        tpu.vector_store %arg16[%swap3A_1362, %swap3A_1363], %get3A_1341 {strides = array<i32>} : memref<80x128xf32, #tpu.memory_space<vmem>>, vector<16xf32>,
        %scan3A_1365 = arith.constant 1 : i32
        %scan3A_1366 = arith.addi %scan3A_1317, %scan3A_1365 : i32
        %get3A_1367 = arith.index_cast %scan3A_1366 : i32 to index
        %get3A_1368 = arith.constant 0 : index
        %get3A_1369 = tpu.vector_load %arg12[%get3A_1367, %get3A_1368] {strides = array<i32>} : memref<80x128xf32, #tpu.memory_space<vmem>>, vector<16xf32>,
        %get3A_1370 = arith.index_cast %scan3A_1366 : i32 to index
        %get3A_1371 = arith.constant 16 : index
        %get3A_1372 = tpu.vector_load %arg12[%get3A_1370, %get3A_1371] {strides = array<i32>} : memref<80x128xf32, #tpu.memory_space<vmem>>, vector<16xf32>,
        %get3A_1373 = arith.index_cast %scan3A_1366 : i32 to index
        %get3A_1374 = arith.constant 32 : index
        %get3A_1375 = tpu.vector_load %arg12[%get3A_1373, %get3A_1374] {strides = array<i32>} : memref<80x128xf32, #tpu.memory_space<vmem>>, vector<16xf32>,
        %get3A_1376 = arith.index_cast %scan3A_1366 : i32 to index
        %get3A_1377 = arith.constant 48 : index
        %get3A_1378 = tpu.vector_load %arg12[%get3A_1376, %get3A_1377] {strides = array<i32>} : memref<80x128xf32, #tpu.memory_space<vmem>>, vector<16xf32>,
        %get3A_1379 = arith.index_cast %scan3A_1366 : i32 to index
        %get3A_1380 = arith.constant 0 : index
        %get3A_1381 = tpu.vector_load %arg14[%get3A_1379, %get3A_1380] {strides = array<i32>} : memref<80x128xf32, #tpu.memory_space<vmem>>, vector<16xf32>,
        %get3A_1382 = arith.index_cast %scan3A_1366 : i32 to index
        %get3A_1383 = arith.constant 16 : index
        %get3A_1384 = tpu.vector_load %arg14[%get3A_1382, %get3A_1383] {strides = array<i32>} : memref<80x128xf32, #tpu.memory_space<vmem>>, vector<16xf32>,
        %get3A_1385 = arith.index_cast %scan3A_1366 : i32 to index
        %get3A_1386 = arith.constant 32 : index
        %get3A_1387 = tpu.vector_load %arg14[%get3A_1385, %get3A_1386] {strides = array<i32>} : memref<80x128xf32, #tpu.memory_space<vmem>>, vector<16xf32>,
        %get3A_1388 = arith.index_cast %scan3A_1366 : i32 to index
        %get3A_1389 = arith.constant 48 : index
        %get3A_1390 = tpu.vector_load %arg14[%get3A_1388, %get3A_1389] {strides = array<i32>} : memref<80x128xf32, #tpu.memory_space<vmem>>, vector<16xf32>,
        %swap3A_1391 = arith.index_cast %scan3A_1366 : i32 to index
        %swap3A_1392 = arith.constant 0 : index
        %swap3A_1393 = tpu.vector_load %arg16[%swap3A_1391, %swap3A_1392] {strides = array<i32>} : memref<80x128xf32, #tpu.memory_space<vmem>>, vector<16xf32>,
        tpu.vector_store %arg16[%swap3A_1391, %swap3A_1392], %get3A_1369 {strides = array<i32>} : memref<80x128xf32, #tpu.memory_space<vmem>>, vector<16xf32>,
        %swap3A_1394 = arith.index_cast %scan3A_1366 : i32 to index
        %swap3A_1395 = arith.constant 16 : index
        %swap3A_1396 = tpu.vector_load %arg16[%swap3A_1394, %swap3A_1395] {strides = array<i32>} : memref<80x128xf32, #tpu.memory_space<vmem>>, vector<16xf32>,
        tpu.vector_store %arg16[%swap3A_1394, %swap3A_1395], %get3A_1372 {strides = array<i32>} : memref<80x128xf32, #tpu.memory_space<vmem>>, vector<16xf32>,
        %swap3A_1397 = arith.index_cast %scan3A_1366 : i32 to index
        %swap3A_1398 = arith.constant 32 : index
        %swap3A_1399 = tpu.vector_load %arg16[%swap3A_1397, %swap3A_1398] {strides = array<i32>} : memref<80x128xf32, #tpu.memory_space<vmem>>, vector<16xf32>,
        tpu.vector_store %arg16[%swap3A_1397, %swap3A_1398], %get3A_1375 {strides = array<i32>} : memref<80x128xf32, #tpu.memory_space<vmem>>, vector<16xf32>,
        %swap3A_1400 = arith.index_cast %scan3A_1366 : i32 to index
        %swap3A_1401 = arith.constant 48 : index
        %swap3A_1402 = tpu.vector_load %arg16[%swap3A_1400, %swap3A_1401] {strides = array<i32>} : memref<80x128xf32, #tpu.memory_space<vmem>>, vector<16xf32>,
        tpu.vector_store %arg16[%swap3A_1400, %swap3A_1401], %get3A_1378 {strides = array<i32>} : memref<80x128xf32, #tpu.memory_space<vmem>>, vector<16xf32>,
        %swap3A_1403 = arith.index_cast %scan3A_1366 : i32 to index
        %swap3A_1404 = arith.constant 64 : index
        %swap3A_1405 = tpu.vector_load %arg16[%swap3A_1403, %swap3A_1404] {strides = array<i32>} : memref<80x128xf32, #tpu.memory_space<vmem>>, vector<16xf32>,
        tpu.vector_store %arg16[%swap3A_1403, %swap3A_1404], %get3A_1381 {strides = array<i32>} : memref<80x128xf32, #tpu.memory_space<vmem>>, vector<16xf32>,
        %swap3A_1406 = arith.index_cast %scan3A_1366 : i32 to index
        %swap3A_1407 = arith.constant 80 : index
        %swap3A_1408 = tpu.vector_load %arg16[%swap3A_1406, %swap3A_1407] {strides = array<i32>} : memref<80x128xf32, #tpu.memory_space<vmem>>, vector<16xf32>,
        tpu.vector_store %arg16[%swap3A_1406, %swap3A_1407], %get3A_1384 {strides = array<i32>} : memref<80x128xf32, #tpu.memory_space<vmem>>, vector<16xf32>,
        %swap3A_1409 = arith.index_cast %scan3A_1366 : i32 to index
        %swap3A_1410 = arith.constant 96 : index
        %swap3A_1411 = tpu.vector_load %arg16[%swap3A_1409, %swap3A_1410] {strides = array<i32>} : memref<80x128xf32, #tpu.memory_space<vmem>>, vector<16xf32>,
        tpu.vector_store %arg16[%swap3A_1409, %swap3A_1410], %get3A_1387 {strides = array<i32>} : memref<80x128xf32, #tpu.memory_space<vmem>>, vector<16xf32>,
        %swap3A_1412 = arith.index_cast %scan3A_1366 : i32 to index
        %swap3A_1413 = arith.constant 112 : index
        %swap3A_1414 = tpu.vector_load %arg16[%swap3A_1412, %swap3A_1413] {strides = array<i32>} : memref<80x128xf32, #tpu.memory_space<vmem>>, vector<16xf32>,
        tpu.vector_store %arg16[%swap3A_1412, %swap3A_1413], %get3A_1390 {strides = array<i32>} : memref<80x128xf32, #tpu.memory_space<vmem>>, vector<16xf32>,
      }
      %scan3A_1256 = arith.constant 80 : i32
      %mul3A_1257 = arith.constant 0 : i32
      %mul3A_1258 = vector.broadcast %mul3A_1257 : i32 to vector<16xi32>
      %mul3A_1259 = arith.muli %iota3A, %mul3A_1258 : vector<16xi32>
      %add3A_1260 = arith.constant 0 : i32
      %add3A_1261 = vector.broadcast %add3A_1260 : i32 to vector<16xi32>
      %add3A_1262 = arith.addi %iota3A, %add3A_1261 : vector<16xi32>
      %get3A_1263 = arith.constant 720 : index
      %get3A_1264 = tpu.vector_load %arg10[%get3A_1263] {strides = array<i32>} : memref<800xf32, #tpu.memory_space<vmem>>, vector<16xf32>,
      tpu.vector_store_idx %arg18[%add3A_1262, %mul3A_1259], %get3A_1264 : memref<80x1xf32, #tpu.memory_space<vmem>>[vector<16xi32>, vector<16xi32>], vector<16xf32>,
      %add3A_1265 = arith.constant 16 : i32
      %add3A_1266 = vector.broadcast %add3A_1265 : i32 to vector<16xi32>
      %add3A_1267 = arith.addi %iota3A, %add3A_1266 : vector<16xi32>
      %get3A_1268 = arith.constant 736 : index
      %get3A_1269 = tpu.vector_load %arg10[%get3A_1268] {strides = array<i32>} : memref<800xf32, #tpu.memory_space<vmem>>, vector<16xf32>,
      tpu.vector_store_idx %arg18[%add3A_1267, %mul3A_1259], %get3A_1269 : memref<80x1xf32, #tpu.memory_space<vmem>>[vector<16xi32>, vector<16xi32>], vector<16xf32>,
      %add3A_1270 = arith.constant 32 : i32
      %add3A_1271 = vector.broadcast %add3A_1270 : i32 to vector<16xi32>
      %add3A_1272 = arith.addi %iota3A, %add3A_1271 : vector<16xi32>
      %get3A_1273 = arith.constant 752 : index
      %get3A_1274 = tpu.vector_load %arg10[%get3A_1273] {strides = array<i32>} : memref<800xf32, #tpu.memory_space<vmem>>, vector<16xf32>,
      tpu.vector_store_idx %arg18[%add3A_1272, %mul3A_1259], %get3A_1274 : memref<80x1xf32, #tpu.memory_space<vmem>>[vector<16xi32>, vector<16xi32>], vector<16xf32>,
      %add3A_1275 = arith.constant 48 : i32
      %add3A_1276 = vector.broadcast %add3A_1275 : i32 to vector<16xi32>
      %add3A_1277 = arith.addi %iota3A, %add3A_1276 : vector<16xi32>
      %get3A_1278 = arith.constant 768 : index
      %get3A_1279 = tpu.vector_load %arg10[%get3A_1278] {strides = array<i32>} : memref<800xf32, #tpu.memory_space<vmem>>, vector<16xf32>,
      tpu.vector_store_idx %arg18[%add3A_1277, %mul3A_1259], %get3A_1279 : memref<80x1xf32, #tpu.memory_space<vmem>>[vector<16xi32>, vector<16xi32>], vector<16xf32>,
      %add3A_1280 = arith.constant 64 : i32
      %add3A_1281 = vector.broadcast %add3A_1280 : i32 to vector<16xi32>
      %add3A_1282 = arith.addi %iota3A, %add3A_1281 : vector<16xi32>
      %get3A_1283 = arith.constant 784 : index
      %get3A_1284 = tpu.vector_load %arg10[%get3A_1283] {strides = array<i32>} : memref<800xf32, #tpu.memory_space<vmem>>, vector<16xf32>,
      tpu.vector_store_idx %arg18[%add3A_1282, %mul3A_1259], %get3A_1284 : memref<80x1xf32, #tpu.memory_space<vmem>>[vector<16xi32>, vector<16xi32>], vector<16xf32>,
      %add3A_1285 = arith.constant 3 : i32
      %add3A_1286 = arith.addi %add3A_75, %add3A_1285 : i32
      %add3A_1287 = arith.constant 3 : i32
      %add3A_1288 = arith.addi %add3A_75, %add3A_1287 : i32
      %dma_start3A_1289 = arith.constant 0 : i32
      %dma_start3A_1290 = arith.constant 0 : i32
      %dma_start3A_1291 = tpu.memref_slice %arg16[%dma_start3A_1289, %dma_start3A_1290] : memref<80x128xf32, #tpu.memory_space<vmem>> -> memref<80x128xf32, #tpu.memory_space<vmem>>
      %dma_start3A_1292 = arith.constant 120 : i32
      %dma_start3A_1293 = arith.constant 0 : i32
      %dma_start3A_1294 = tpu.memref_slice %arg7[%add3A_1286, %dma_start3A_1292, %dma_start3A_1293] : memref<4096x200x129xf32, #tpu.memory_space<hbm>> -> memref<1x80x128xf32, #tpu.memory_space<hbm>>
      %dma_start3A_1295 = tpu.memref_squeeze %dma_start3A_1294 : memref<1x80x128xf32, #tpu.memory_space<hbm>> -> memref<80x128xf32, #tpu.memory_space<hbm>>
      %dma_start3A_1296 = arith.constant 120 : i32
      %dma_start3A_1297 = arith.constant 0 : i32
      %dma_start3A_1298 = tpu.memref_slice %arg7[%add3A_1286, %dma_start3A_1296, %dma_start3A_1297] : memref<4096x200x129xf32, #tpu.memory_space<hbm>> -> memref<1x80x128xf32, #tpu.memory_space<hbm>>
      %dma_start3A_1299 = tpu.memref_squeeze %dma_start3A_1298 : memref<1x80x128xf32, #tpu.memory_space<hbm>> -> memref<80x128xf32, #tpu.memory_space<hbm>>
      %dma_start3A_1300 = arith.constant 0 : i32
      %dma_start3A_1301 = arith.constant 0 : i32
      %dma_start3A_1302 = tpu.memref_slice %arg16[%dma_start3A_1300, %dma_start3A_1301] : memref<80x128xf32, #tpu.memory_space<vmem>> -> memref<80x128xf32, #tpu.memory_space<vmem>>
      tpu.enqueue_dma source(%dma_start3A_1302 : memref<80x128xf32, #tpu.memory_space<vmem>>) target(%dma_start3A_1299 : memref<80x128xf32, #tpu.memory_space<hbm>>) target_semaphore(%arg21 : memref<!tpu.dma_semaphore, #tpu.memory_space<semaphore_mem>>)
      %dma_start3A_1303 = arith.constant 0 : i32
      %dma_start3A_1304 = arith.constant 0 : i32
      %dma_start3A_1305 = tpu.memref_slice %arg18[%dma_start3A_1303, %dma_start3A_1304] : memref<80x1xf32, #tpu.memory_space<vmem>> -> memref<80x1xf32, #tpu.memory_space<vmem>>
      %dma_start3A_1306 = arith.constant 120 : i32
      %dma_start3A_1307 = arith.constant 128 : i32
      %dma_start3A_1308 = tpu.memref_slice %arg7[%add3A_1288, %dma_start3A_1306, %dma_start3A_1307] : memref<4096x200x129xf32, #tpu.memory_space<hbm>> -> memref<1x80x1xf32, #tpu.memory_space<hbm>>
      %dma_start3A_1309 = tpu.memref_squeeze %dma_start3A_1308 : memref<1x80x1xf32, #tpu.memory_space<hbm>> -> memref<80x1xf32, #tpu.memory_space<hbm>>
      %dma_start3A_1310 = arith.constant 120 : i32
      %dma_start3A_1311 = arith.constant 128 : i32
      %dma_start3A_1312 = tpu.memref_slice %arg7[%add3A_1288, %dma_start3A_1310, %dma_start3A_1311] : memref<4096x200x129xf32, #tpu.memory_space<hbm>> -> memref<1x80x1xf32, #tpu.memory_space<hbm>>
      %dma_start3A_1313 = tpu.memref_squeeze %dma_start3A_1312 : memref<1x80x1xf32, #tpu.memory_space<hbm>> -> memref<80x1xf32, #tpu.memory_space<hbm>>
      %dma_start3A_1314 = arith.constant 0 : i32
      %dma_start3A_1315 = arith.constant 0 : i32
      %dma_start3A_1316 = tpu.memref_slice %arg18[%dma_start3A_1314, %dma_start3A_1315] : memref<80x1xf32, #tpu.memory_space<vmem>> -> memref<80x1xf32, #tpu.memory_space<vmem>>
      tpu.enqueue_dma source(%dma_start3A_1316 : memref<80x1xf32, #tpu.memory_space<vmem>>) target(%dma_start3A_1313 : memref<80x1xf32, #tpu.memory_space<hbm>>) target_semaphore(%arg21 : memref<!tpu.dma_semaphore, #tpu.memory_space<semaphore_mem>>)
    }
    %scan3A_6 = arith.constant 32 : i32
    %add3A_7 = arith.constant 124 : i32
    %add3A_8 = arith.addi %mul3A_2, %add3A_7 : i32
    %add3A_9 = arith.constant 3 : i32
    %add3A_10 = arith.addi %add3A_8, %add3A_9 : i32
    %add3A_11 = arith.constant 3 : i32
    %add3A_12 = arith.addi %add3A_8, %add3A_11 : i32
    %dma_wait3A = arith.constant 0 : i32
    %dma_wait3A_13 = arith.constant 0 : i32
    %dma_wait3A_14 = tpu.memref_slice %arg15[%dma_wait3A, %dma_wait3A_13] : memref<80x128xf32, #tpu.memory_space<vmem>> -> memref<80x128xf32, #tpu.memory_space<vmem>>
    %dma_wait3A_15 = arith.constant 40 : i32
    %dma_wait3A_16 = arith.constant 0 : i32
    %dma_wait3A_17 = tpu.memref_slice %arg7[%add3A_10, %dma_wait3A_15, %dma_wait3A_16] : memref<4096x200x129xf32, #tpu.memory_space<hbm>> -> memref<1x80x128xf32, #tpu.memory_space<hbm>>
    %dma_wait3A_18 = tpu.memref_squeeze %dma_wait3A_17 : memref<1x80x128xf32, #tpu.memory_space<hbm>> -> memref<80x128xf32, #tpu.memory_space<hbm>>
    %dma_wait3A_19 = arith.constant 40 : i32
    %dma_wait3A_20 = arith.constant 0 : i32
    %dma_wait3A_21 = tpu.memref_slice %arg7[%add3A_10, %dma_wait3A_19, %dma_wait3A_20] : memref<4096x200x129xf32, #tpu.memory_space<hbm>> -> memref<1x80x128xf32, #tpu.memory_space<hbm>>
    %dma_wait3A_22 = tpu.memref_squeeze %dma_wait3A_21 : memref<1x80x128xf32, #tpu.memory_space<hbm>> -> memref<80x128xf32, #tpu.memory_space<hbm>>
    %dma_wait3A_23 = arith.constant 0 : i32
    %dma_wait3A_24 = arith.constant 0 : i32
    %dma_wait3A_25 = tpu.memref_slice %arg15[%dma_wait3A_23, %dma_wait3A_24] : memref<80x128xf32, #tpu.memory_space<vmem>> -> memref<80x128xf32, #tpu.memory_space<vmem>>
    tpu.wait_dma2 semaphore(%arg21 : memref<!tpu.dma_semaphore, #tpu.memory_space<semaphore_mem>>) src(%dma_wait3A_25 : memref<80x128xf32, #tpu.memory_space<vmem>>) dst(%dma_wait3A_22 : memref<80x128xf32, #tpu.memory_space<hbm>>)
    %dma_wait3A_26 = arith.constant 0 : i32
    %dma_wait3A_27 = arith.constant 0 : i32
    %dma_wait3A_28 = tpu.memref_slice %arg17[%dma_wait3A_26, %dma_wait3A_27] : memref<80x1xf32, #tpu.memory_space<vmem>> -> memref<80x1xf32, #tpu.memory_space<vmem>>
    %dma_wait3A_29 = arith.constant 40 : i32
    %dma_wait3A_30 = arith.constant 128 : i32
    %dma_wait3A_31 = tpu.memref_slice %arg7[%add3A_12, %dma_wait3A_29, %dma_wait3A_30] : memref<4096x200x129xf32, #tpu.memory_space<hbm>> -> memref<1x80x1xf32, #tpu.memory_space<hbm>>
    %dma_wait3A_32 = tpu.memref_squeeze %dma_wait3A_31 : memref<1x80x1xf32, #tpu.memory_space<hbm>> -> memref<80x1xf32, #tpu.memory_space<hbm>>
    %dma_wait3A_33 = arith.constant 40 : i32
    %dma_wait3A_34 = arith.constant 128 : i32
    %dma_wait3A_35 = tpu.memref_slice %arg7[%add3A_12, %dma_wait3A_33, %dma_wait3A_34] : memref<4096x200x129xf32, #tpu.memory_space<hbm>> -> memref<1x80x1xf32, #tpu.memory_space<hbm>>
    %dma_wait3A_36 = tpu.memref_squeeze %dma_wait3A_35 : memref<1x80x1xf32, #tpu.memory_space<hbm>> -> memref<80x1xf32, #tpu.memory_space<hbm>>
    %dma_wait3A_37 = arith.constant 0 : i32
    %dma_wait3A_38 = arith.constant 0 : i32
    %dma_wait3A_39 = tpu.memref_slice %arg17[%dma_wait3A_37, %dma_wait3A_38] : memref<80x1xf32, #tpu.memory_space<vmem>> -> memref<80x1xf32, #tpu.memory_space<vmem>>
    tpu.wait_dma2 semaphore(%arg21 : memref<!tpu.dma_semaphore, #tpu.memory_space<semaphore_mem>>) src(%dma_wait3A_39 : memref<80x1xf32, #tpu.memory_space<vmem>>) dst(%dma_wait3A_36 : memref<80x1xf32, #tpu.memory_space<hbm>>)
    %add3A_40 = arith.constant 3 : i32
    %add3A_41 = arith.addi %add3A_8, %add3A_40 : i32
    %add3A_42 = arith.constant 3 : i32
    %add3A_43 = arith.addi %add3A_8, %add3A_42 : i32
    %dma_wait3A_44 = arith.constant 0 : i32
    %dma_wait3A_45 = arith.constant 0 : i32
    %dma_wait3A_46 = tpu.memref_slice %arg16[%dma_wait3A_44, %dma_wait3A_45] : memref<80x128xf32, #tpu.memory_space<vmem>> -> memref<80x128xf32, #tpu.memory_space<vmem>>
    %dma_wait3A_47 = arith.constant 120 : i32
    %dma_wait3A_48 = arith.constant 0 : i32
    %dma_wait3A_49 = tpu.memref_slice %arg7[%add3A_41, %dma_wait3A_47, %dma_wait3A_48] : memref<4096x200x129xf32, #tpu.memory_space<hbm>> -> memref<1x80x128xf32, #tpu.memory_space<hbm>>
    %dma_wait3A_50 = tpu.memref_squeeze %dma_wait3A_49 : memref<1x80x128xf32, #tpu.memory_space<hbm>> -> memref<80x128xf32, #tpu.memory_space<hbm>>
    %dma_wait3A_51 = arith.constant 120 : i32
    %dma_wait3A_52 = arith.constant 0 : i32
    %dma_wait3A_53 = tpu.memref_slice %arg7[%add3A_41, %dma_wait3A_51, %dma_wait3A_52] : memref<4096x200x129xf32, #tpu.memory_space<hbm>> -> memref<1x80x128xf32, #tpu.memory_space<hbm>>
    %dma_wait3A_54 = tpu.memref_squeeze %dma_wait3A_53 : memref<1x80x128xf32, #tpu.memory_space<hbm>> -> memref<80x128xf32, #tpu.memory_space<hbm>>
    %dma_wait3A_55 = arith.constant 0 : i32
    %dma_wait3A_56 = arith.constant 0 : i32
    %dma_wait3A_57 = tpu.memref_slice %arg16[%dma_wait3A_55, %dma_wait3A_56] : memref<80x128xf32, #tpu.memory_space<vmem>> -> memref<80x128xf32, #tpu.memory_space<vmem>>
    tpu.wait_dma2 semaphore(%arg21 : memref<!tpu.dma_semaphore, #tpu.memory_space<semaphore_mem>>) src(%dma_wait3A_57 : memref<80x128xf32, #tpu.memory_space<vmem>>) dst(%dma_wait3A_54 : memref<80x128xf32, #tpu.memory_space<hbm>>)
    %dma_wait3A_58 = arith.constant 0 : i32
    %dma_wait3A_59 = arith.constant 0 : i32
    %dma_wait3A_60 = tpu.memref_slice %arg18[%dma_wait3A_58, %dma_wait3A_59] : memref<80x1xf32, #tpu.memory_space<vmem>> -> memref<80x1xf32, #tpu.memory_space<vmem>>
    %dma_wait3A_61 = arith.constant 120 : i32
    %dma_wait3A_62 = arith.constant 128 : i32
    %dma_wait3A_63 = tpu.memref_slice %arg7[%add3A_43, %dma_wait3A_61, %dma_wait3A_62] : memref<4096x200x129xf32, #tpu.memory_space<hbm>> -> memref<1x80x1xf32, #tpu.memory_space<hbm>>
    %dma_wait3A_64 = tpu.memref_squeeze %dma_wait3A_63 : memref<1x80x1xf32, #tpu.memory_space<hbm>> -> memref<80x1xf32, #tpu.memory_space<hbm>>
    %dma_wait3A_65 = arith.constant 120 : i32
    %dma_wait3A_66 = arith.constant 128 : i32
    %dma_wait3A_67 = tpu.memref_slice %arg7[%add3A_43, %dma_wait3A_65, %dma_wait3A_66] : memref<4096x200x129xf32, #tpu.memory_space<hbm>> -> memref<1x80x1xf32, #tpu.memory_space<hbm>>
    %dma_wait3A_68 = tpu.memref_squeeze %dma_wait3A_67 : memref<1x80x1xf32, #tpu.memory_space<hbm>> -> memref<80x1xf32, #tpu.memory_space<hbm>>
    %dma_wait3A_69 = arith.constant 0 : i32
    %dma_wait3A_70 = arith.constant 0 : i32
    %dma_wait3A_71 = tpu.memref_slice %arg18[%dma_wait3A_69, %dma_wait3A_70] : memref<80x1xf32, #tpu.memory_space<vmem>> -> memref<80x1xf32, #tpu.memory_space<vmem>>
    tpu.wait_dma2 semaphore(%arg21 : memref<!tpu.dma_semaphore, #tpu.memory_space<semaphore_mem>>) src(%dma_wait3A_71 : memref<80x1xf32, #tpu.memory_space<vmem>>) dst(%dma_wait3A_68 : memref<80x1xf32, #tpu.memory_space<hbm>>)
    return
  }
}

</mosaic_0001>

<sc_bundles>
// kernel: kernel.3.cloned.1.call-start
scs
__scs_entry_jumppad:
0x0: {  	(pc) =	sbr.rel $0x88, $3  }
0x1: {  	(tag) =	ssettag $0x0;
	lr =	simm.s32 $0x1  }
0x2: {  	[smem:$0x3F9C] =	sst lr;
	_ =	strace $0xD0000000  }
0x3: {  	_ = 	snop  }
0x4: {  	_ = 	snop  }
0x5: {  	_ = 	snop  }
0x6: {  	_ = 	snop  }
0x7: {  	_ = 	snop  }
__scs_overlays_trampoline_lowered:
0x8: {  	[smem:$0x3FAB] =	sst s0  }
0x9: {  	[smem:$0x3FAC] =	sst s1  }
0xa: {  	[smem:$0x3FAD] =	sst s2  }
0xb: {  	[smem:$0x3FAE] =	sst s3  }
0xc: {  	[smem:$0x3FAF] =	sst s4  }
0xd: {  	[smem:$0x3FB0] =	sst s5  }
0xe: {  	[smem:$0x3FB1] =	sst s6  }
0xf: {  	[smem:$0x3FB2] =	sst s7  }
0x10: {  	[smem:$0x3FB3] =	sst s8  }
0x11: {  	[smem:$0x3FB4] =	sst s9;
	s0 =	simm.s32 @!p0 $0x0  }
0x12: {  	s1 =	sld [smem:$0x3F9A];
	s0 =	simm.s32 @p0 $0x1  }
0x13: {  	[smem:$0x3FB5] =	sst s0;
	s0 =	simm.s32 @!p1 $0x0  }
0x14: {  	s2 =	sld [smem:$0x3F99];
	s0 =	simm.s32 @p1 $0x1  }
0x15: {  	[smem:$0x3FB6] =	sst s0;
	s0 =	simm.s32 @!p2 $0x0  }
0x16: {  	s3 =	sld [smem:$0x3FDB];
	s0 =	simm.s32 @p2 $0x1  }
0x17: {  	s4 =	simm.s32 $0x1BF5;
	[smem:$0x3FB8] =	sst s0  }
0x18: {  	s0 =	sld [smem:$0x3F9B];
	_ =	swait.ge [sflag:s4], $0x0  }
0x19: {  	s7 =	sld [smem:$0x3F9C]  }
0x1a: {  	s8 =	sadd.s32 $0xFFFFE003, lr  }
0x1b: {  	s9 =	sadd.s32 $0xFFFFFEF7, lr;
	s5 =	simm.s32 $0xFFFFFFFF;
	p2 =	slt.u32 s8, $0xFFFFF086  }
0x1c: {  	p1 =	slt.u32 s9, $0xF7A;
	s5 =	simm.s32 @!p2 $0x0  }
0x1d: {  	s5 =	simm.s32 @p1 $0x1;
	p0 =	seq.s32 s7, s2  }
0x1e: {  	s7 =	smul.u32 @!p0 $0xF7A, s2;
	p2 =	seq.s32 @!p0 s5, $0x0  }
0x1f: {  	s9 =	smul.u32 $0xF7A, s1;
	s8 =	simm.s32 @!p0 $0x1BF5;
	p2 =	por !p2, p0  }
0x20: {  	[sflag:s8] =	ssyncset.s32 @!p0 $0xFFFFF086;
	s6 =	sadd.s32 @!p0 s3, s7;
	s7 =	simm.s32 @!p0 $0x108  }
0x21: {  	s3 =	sadd.s32 s3, s9;
	s6 =	sadd.s32 @!p0 $0x88, s6;
	s7 =	simm.s32 @p2 $0x1082  }
0x22: {  	[simem:s7], [sflag:s8] =	dma.local @!p0 [hbm:s6], $0xF7A  }
0x23: {  	s9 =	sor.u32 $0xD0000000, s2;
	s6 =	simm.s32 $0x108;
	_ =	swait.ge @!p0 [sflag:s8], $0x0  }
0x24: {  	s3 =	sadd.s32 $0x88, s3;
	s6 =	simm.s32 @!p1 $0x1082;
	[sflag:s4] =	ssyncset.s32 $0xFFFFF086  }
0x25: {  	[simem:s6], [sflag:s4] =	dma.local [hbm:s3], $0xF7A  }
0x26: {  	[smem:$0x3F9C] =	sst s1;
	(tag) =	ssettag s2;
	_ =	strace s9  }
0x27: {  	s1 =	sld [smem:$0x3FAC]  }
0x28: {  	s2 =	sld [smem:$0x3FAD]  }
0x29: {  	s4 =	sld [smem:$0x3FAF]  }
0x2a: {  	p0 =	seq.s32 s5, $0x0;
	s5 =	sld [smem:$0x3FB0]  }
0x2b: {  	s6 =	sld [smem:$0x3FB1]  }
0x2c: {  	s7 =	sld [smem:$0x3FB2]  }
0x2d: {  	s3 =	simm.s32 $0x108;
	s8 =	sld [smem:$0x3FB3]  }
0x2e: {  	s3 =	simm.s32 @!p0 $0x1082;
	s9 =	sld [smem:$0x3FB4]  }
0x2f: {  	lr =	sadd.s32 s0, s3;
	s0 =	sld [smem:$0x3FAB]  }
0x30: {  	s3 =	sld [smem:$0x3FAE]  }
0x31: {  	[smem:$0x3FB7] =	sst s10  }
0x32: {  	s10 =	sld [smem:$0x3FB5];
	_ =	sdelay $0x3  }
0x33: {  	p0 =	seq.s32 s10, $0x1;
	s10 =	sld [smem:$0x3FB7];
	_ =	sdelay $0x3  }
0x34: {  	[smem:$0x3FB7] =	sst s10  }
0x35: {  	s10 =	sld [smem:$0x3FB6];
	_ =	sdelay $0x3  }
0x36: {  	p1 =	seq.s32 s10, $0x1;
	s10 =	sld [smem:$0x3FB7];
	_ =	sdelay $0x3  }
0x37: {  	[smem:$0x3FB7] =	sst s10  }
0x38: {  	s10 =	sld [smem:$0x3FB8]  }
0x39: {  	_ = 	snop;
	(pc) =	sbr.ind lr, $3  }
0x3a: {  	_ = 	snop  }
0x3b: {  	_ = 	snop  }
0x3c: {  	p2 =	seq.s32 s10, $0x1;
	s10 =	sld [smem:$0x3FB7]  }
0x3d: {  	_ =	shalt  }
0x3e: {  	_ =	shalt  }
0x3f: {  	_ =	shalt  }
0x40: {  	_ =	shalt  }
0x41: {  	_ =	shalt  }
0x42: {  	_ =	shalt  }
0x43: {  	_ =	shalt  }
0x44: {  	_ =	shalt  }
0x45: {  	_ =	shalt  }
0x46: {  	_ =	shalt  }
0x47: {  	_ =	shalt  }
0x48: {  	_ =	shalt  }
0x49: {  	_ =	shalt  }
0x4a: {  	_ =	shalt  }
0x4b: {  	_ =	shalt  }
0x4c: {  	_ =	shalt  }
0x4d: {  	_ =	shalt  }
0x4e: {  	_ =	shalt  }
0x4f: {  	_ =	shalt  }
0x50: {  	_ =	shalt  }
0x51: {  	_ =	shalt  }
0x52: {  	_ =	shalt  }
0x53: {  	_ =	shalt  }
0x54: {  	_ =	shalt  }
0x55: {  	_ =	shalt  }
0x56: {  	_ =	shalt  }
0x57: {  	_ =	shalt  }
0x58: {  	_ =	shalt  }
0x59: {  	_ =	shalt  }
0x5a: {  	_ =	shalt  }
0x5b: {  	_ =	shalt  }
0x5c: {  	_ =	shalt  }
0x5d: {  	_ =	shalt  }
0x5e: {  	_ =	shalt  }
0x5f: {  	_ =	shalt  }
0x60: {  	_ =	shalt  }
0x61: {  	_ =	shalt  }
0x62: {  	_ =	shalt  }
0x63: {  	_ =	shalt  }
0x64: {  	_ =	shalt  }
0x65: {  	_ =	shalt  }
0x66: {  	_ =	shalt  }
0x67: {  	_ =	shalt  }
0x68: {  	_ =	shalt  }
0x69: {  	_ =	shalt  }
0x6a: {  	_ =	shalt  }
0x6b: {  	_ =	shalt  }
0x6c: {  	_ =	shalt  }
0x6d: {  	_ =	shalt  }
0x6e: {  	_ =	shalt  }
0x6f: {  	_ =	shalt  }
0x70: {  	_ =	shalt  }
0x71: {  	_ =	shalt  }
0x72: {  	_ =	shalt  }
0x73: {  	_ =	shalt  }
0x74: {  	_ =	shalt  }
0x75: {  	_ =	shalt  }
0x76: {  	_ =	shalt  }
0x77: {  	_ =	shalt  }
0x78: {  	_ =	shalt  }
0x79: {  	_ =	shalt  }
0x7a: {  	_ =	shalt  }
0x7b: {  	_ =	shalt  }
0x7c: {  	_ =	shalt  }
0x7d: {  	_ =	shalt  }
0x7e: {  	_ =	shalt  }
0x7f: {  	_ =	shalt  }
0x80: {  	_ =	shalt  }
0x81: {  	_ =	shalt  }
0x82: {  	_ =	shalt  }
0x83: {  	_ =	shalt  }
0x84: {  	_ =	shalt  }
0x85: {  	_ =	shalt  }
0x86: {  	_ =	shalt  }
0x87: {  	_ =	shalt  }
.Lfunc_end0:
.L_simem_size_0:
called_computation_lowered:
.L_overlay_start_0:
0x88: {  	s2 =	sld [smem:$0x3FD9]  }
0x89: {  	s3 =	sld [smem:$0x3FFE];
	_ =	sdelay $0x1  }
0x8a: {  	s1 =	srdreg.scid  }
0x8b: {  	s0 =	sand.u32 $0x1, s1  }
0x8c: {  	s17 =	sshll.u32 s0, $0xA;
	s2 =	sadd.s32 s3, s2  }
0x8d: {  	s2 =	sadd.s32 s2, s17  }
0x8e: {  	[smem:$0x3FC3] =	sst s2  }
0x8f: {  	_ = 	snop  }
0x90: {  	s2 =	sld [smem:$0x3FD0];
	(tm) =	ssettm $0x1  }
0x91: {  	s18 =	sld [smem:$0x3FFB];
	_ =	sdelay $0x3  }
0x92: {  	_ =	strace s18  }
0x93: {  	s3 =	sld [smem:$0x3FFC];
	_ =	sdelay $0x3  }
0x94: {  	_ =	strace s3  }
0x95: {  	s3 =	sld [smem:$0x3FFD];
	_ =	sdelay $0x3  }
0x96: {  	_ =	strace s3  }
0x97: {  	_ =	strace $0x8FFFFFFF  }
0x98: {  	s19 =	sld [smem:$0x3FDB];
	_ =	sdelay $0x1  }
0x99: {  	s4 =	simm.s32 $_scs_section_size  }
0x9a: {  	s5 =	simm.s32 $_size__tile_overlayer_lowered;
	s6 =	simm.s32 $_tile_overlayer_lowered  }
0x9b: {  	s22 =	simm.s32 $0x1BFF;
	s21 =	sshll.u32 s6, $0x1;
	s3 =	sadd.s32 s4, s19  }
0x9c: {  	s7 =	simm.s32 $0x0;
	s20 =	sshll.u32 s5, $0x1;
	s5 =	sadd.s32 s21, s3  }
0x9d: {  	[timem:s7], [sflag:s22] =	dma.local [hbm:s5], s20  }
0x9e: {  	_ =	swait.ge [sflag:s22], s20  }
0x9f: {  	s4 =	ssub.s32 $0x0, s20;
	[sflag:s22] =	ssyncset.done $0x0  }
0xa0: {  	[sflag:s22] =	ssyncadd.s32 s4;
	_ =	sdelay $0x1  }
0xa1: {  	s23 =	simm.s32 $0x1B8B  }
0xa2: {  	_ =	swait.ge [sflag:s23], $0x1  }
0xa3: {  	[sflag:s23] =	ssyncset.done $0x0  }
0xa4: {  	s25 =	simm.s32 $0x1B8E;
	s24 =	sld [smem:$0x3FFE];
	[sflag:s23] =	ssyncadd.s32 $0xFFFFFFFF  }
0xa5: {  	s26 =	simm.s32 $execute0_lowered;
	[smem:$0x3FD2] =	sst s25  }
0xa6: {  	s5 =	sshll.u32 s26, $0x1;
	_ =	strace $0x80000046;
	[dreg:$0x1] =	wrdreg $0xFFFFFFFF  }
0xa7: {  	s28 =	simm.s32 $_size_execute0_lowered;
	s3 =	sadd.s32 s3, s5;
	[dreg:$0x0] =	wrdreg $0x0  }
0xa8: {  	s5 =	sshll.u32 s28, $0x1;
	[dreg:$0x2] =	wrdreg s3  }
0xa9: {  	[dreg:$0x3] =	wrdreg s5  }
0xaa: {  	[dreg:$0x4] =	wrdreg $0xC0  }
0xab: {  	_ =	task [dreg:s7], $0x5FFFF  }
0xac: {  	[dreg:$0x1] =	wrdreg $0xFFFFFFFF  }
0xad: {  	[dreg:$0x0] =	wrdreg $0x60  }
0xae: {  	[dreg:$0x2] =	wrdreg s2  }
0xaf: {  	[dreg:$0x3] =	wrdreg s24  }
0xb0: {  	[dreg:$0x4] =	wrdreg $0x9  }
0xb1: {  	_ =	task.clear_ibuf [dreg:s7], $0x5FFFF;
	_ =	strace $0x90000046  }
0xb2: {  	s29 =	simm.s32 $0x9;
	_ =	strace $0x80000048  }
0xb3: {  	_ =	swait.ge [sflag:s29], $0x1  }
0xb4: {  	[sflag:s29] =	ssyncadd.s32 $0xFFFFFFFF  }
0xb5: {  	_ =	strace $0x90000048  }
0xb6: {  	_ =	sfence  }
0xb7: {  	s30 =	sld [smem:$0x0];
	_ =	sdelay $0x2  }
0xb8: {  	s31 =	sshll.u32 s1, $0xD;
	s1 =	sshrl.u32 s1, $0x2  }
0xb9: {  	s3 =	sand.u32 $0x4000, s31;
	s1 =	sadd.s32 s1, s30  }
0xba: {  	s0 =	sor.u32 s3, s0;
	s1 =	sshll.u32 s1, $0x11  }
0xbb: {  	s0 =	sor.u32 s1, s0  }
0xbc: {  	s0 =	sadd.s32 $0x8F2B, s0  }
0xbd: {  	[sflag:s0] =	ssyncadd.remote.s32 $0x1  }
0xbe: {  	_ =	sfence.sel $0xFFFF  }
0xbf: {  	[dreg:$0x0] =	wrdreg $0xFFFFFFFF;
	(pc) =	sbr.abs _section_cstart, $3  }
0xc0: {  	[dreg:$0x1] =	wrdreg $0xFFFFFFFF  }
0xc1: {  	_ =	task.clear_ibuf [dreg:s7], $0x2FFFF;
	_ =	strace $0x9FFFFFFF  }
0xc2: {  	(tm) =	ssettm $0x7FFFFFFF  }
0xc3: {  	_ =	shalt  }
tec
execute0_lowered:
.L_overlay_start_1:
0x0: {  	(tag) =	ssettag $0x1  }
0x1: {  	s0 =	rddreg [dreg:$0x1]  }
0x2: {  	s2 =	simm.s32 $0x0;
	s1 =	srdreg.scid;
	s5 =	stileid.u32  }
0x3: {  	s12 =	simm.s32 $0x4;
	s13 =	simm.s32 $0x380;
	s15 =	simm.s32 $0x50  }
0x4: {  	s16 =	simm.s32 $0xA80;
	s17 =	simm.s32 $0x5A80;
	s18 =	simm.s32 $0x3280  }
0x5: {  	s20 =	simm.s32 $0x8280;
	s21 =	simm.s32 $0x1;
	s22 =	simm.s32 $0x2  }
0x6: {  	s23 =	simm.s32 $0xFA80;
	s24 =	simm.s32 $0x400;
	s30 =	simm.s32 $0x12280  }
0x7: {  	s31 =	simm.s32 $0xD280;
	s11 =	simm.s32 $0x3;
	[smem:$0x7FF] =	sst s2  }
0x8: {  	s3 =	sadd.s32 $0x8A00, s0;
	s25 =	sadd.s32 $0x21A00, s0;
	s1 =	sand.u32 $0x1, s1  }
0x9: {  	s6 =	sadd.s32 $0xA00, s0;
	s7 =	sadd.s32 $0x4A00, s0;
	s8 =	sadd.s32 $0x3AA00, s0  }
0xa: {  	v0 =	vlaneseq.u32;
	s28 =	sshll.u32 s5, $0x8;
	s10 =	sadd.s32 $0x3AA80, s0;
	s26 =	ssub.s32 $0x2, s1  }
0xb: {  	v0 =	vmul.u32 $0x80, v0;
	_ =	strace $0x80000047;
	[dreg:$0x3] =	wrdreg s3;
	s4 =	sshrl.u32 s26, $0x1  }
0xc: {  	[dreg:$0x4] =	wrdreg s25;
	s1 =	sshll.u32 s1, $0x7;
	s3 =	ssub.s32 s26, s4  }
0xd: {  	s25 =	simm.s32 $0x800;
	s9 =	sor.u32 s1, s28;
	v1 =	vor.u32 $0x800, v0;
	s29 =	smax.u32 s3, $0x1  }
0xe: {  	v2 =	vor.u32 $0x1000, v0;
	v3 =	vor.u32 $0x1800, v0;
	v4 =	vor.u32 $0x2000, v0;
	s1 =	simm.s32 $0x0;
	s26 =	simm.s32 $0xAA80;
	[dreg:$0x5] =	wrdreg s29  }
.LBB2_1:
0xf: {  	[dreg:$0x6] =	wrdreg s1;
	s19 =	simm.s32 $0x0  }
.LBB2_2:
0x10: {  	s0 =	sshll.u32 s19, $0x2  }
0x11: {  	s28 =	sadd.s32 s9, s0  }
0x12: {  	s0 =	smul.u32 $0x19, s28  }
0x13: {  	s1 =	rddreg [dreg:$0x0]  }
0x14: {  	s1 =	sadd.s32 s1, s0  }
0x15: {  	[tilespmem:s2], [sflag:$0x4] =	stream.linear.gather [hbm4b:s1+s2], $0x320, $0x38;
	[tilespmem:$0x14A80] =	vst v63  }
0x16: {  	_ =	swait.ge [sflag:s12], $0x320  }
0x17: {  	[sflag:s12] =	ssyncset.done $0x0;
	s3 =	rddreg [dreg:$0x3]  }
0x18: {  	[sflag:s12] =	ssyncadd.s32 $0xFFFFFCE0;
	s1 =	sadd.s32 s3, s0  }
0x19: {  	[tilespmem:s13], [sflag:$0x4] =	stream.linear.gather [hbm4b:s1+s2], $0x320, $0x38;
	[tilespmem:$0x14A80] =	vst v63  }
0x1a: {  	_ =	swait.ge [sflag:s12], $0x320  }
0x1b: {  	[sflag:s12] =	ssyncset.done $0x0;
	s4 =	rddreg [dreg:$0x4]  }
0x1c: {  	s5 =	simm.s32 $0x700;
	[sflag:s12] =	ssyncadd.s32 $0xFFFFFCE0;
	s0 =	sadd.s32 s4, s0  }
0x1d: {  	[tilespmem:s5], [sflag:$0x4] =	stream.linear.gather [hbm4b:s0+s2], $0x320, $0x38;
	[tilespmem:$0x14A80] =	vst v63  }
0x1e: {  	_ =	swait.ge [sflag:s12], $0x320  }
0x1f: {  	[sflag:s12] =	ssyncset.done $0x0  }
0x20: {  	[sflag:s12] =	ssyncadd.s32 $0xFFFFFCE0  }
0x21: {  	[tilespmem:s16], [sflag:$0x1] =	stream.indirect.gather [hbm4b:s6+s15], $0x80, s2, s15, $0xb8;
	[tilespmem:$0x14A80] =	vst v63  }
0x22: {  	_ = 	snop  }
0x23: {  	[tilespmem:s17], [sflag:$0x2] =	stream.indirect.gather [hbm4b:s7+s15], $0x80, s13, s15, $0xb8;
	[tilespmem:$0x14A80] =	vst v63  }
0x24: {  	p0 =	seq.s32 s19, $0x0  }
0x25: {  	[tilespmem:s18], [sflag:$0x1] =	stream.indirect.gather [hbm4b:s6+s15], $0x80, s15, s15, $0xb8;
	[tilespmem:$0x14A80] =	vst v63  }
0x26: {  	s14 =	simm.s32 $0x3D0;
	s0 =	simm.s32 @!p0 $0x3  }
0x27: {  	[tilespmem:s20], [sflag:$0x2] =	stream.indirect.gather [hbm4b:s7+s15], $0x80, s14, s15, $0xb8;
	[tilespmem:$0x14A80] =	vst v63  }
0x28: {  	_ =	swait.ge @!p0 [sflag:s0], $0x2800  }
0x29: {  	[sflag:s0] =	ssyncset.done @!p0 $0x0  }
0x2a: {  	[sflag:s0] =	ssyncadd.s32 @!p0 $0xFFFFD800  }
0x2b: {  	_ =	swait.ge @!p0 [sflag:s0], $0x2800  }
0x2c: {  	[sflag:s0] =	ssyncset.done @!p0 $0x0  }
0x2d: {  	[sflag:s0] =	ssyncadd.s32 @!p0 $0xFFFFD800  }
0x2e: {  	_ =	swait.ge [sflag:s21], $0x2800  }
0x2f: {  	[sflag:s21] =	ssyncset.done $0x0  }
0x30: {  	[sflag:s21] =	ssyncadd.s32 $0xFFFFD800  }
0x31: {  	_ =	swait.ge [sflag:s22], $0x2800  }
0x32: {  	[sflag:s22] =	ssyncset.done $0x0  }
0x33: {  	s29 =	simm.s32 $0x5B00;
	[sflag:s22] =	ssyncadd.s32 $0xFFFFD800  }
0x34: {  	v5 =	vld [tilespmem:s29+$0xFFFFFF90]  }
0x35: {  	v6 =	vld [tilespmem:s29+$0xFFFFFF80]  }
0x36: {  	v7 =	vld [tilespmem:s29+$0xFFFFFFB0]  }
0x37: {  	s0 =	simm.s32 $0xB00;
	v8 =	vld [tilespmem:s29+$0xFFFFFFA0]  }
0x38: {  	v10 =	vld [tilespmem:s0+$0xFFFFFF80]  }
0x39: {  	v11 =	vld [tilespmem:s0+$0xFFFFFFA0]  }
0x3a: {  	s5 =	simm.s32 $0xAB00;
	v9 =	vld [tilespmem:s0+$0xFFFFFFB0]  }
0x3b: {  	v12 =	vld [tilespmem:s0+$0xFFFFFF90];
	[tilespmem:s5+$0xFFFFFFF0] =	vst v7  }
0x3c: {  	[tilespmem:s5+$0xFFFFFFE0] =	vst v8  }
0x3d: {  	[tilespmem:s5+$0xFFFFFF80] =	vst v10  }
0x3e: {  	[tilespmem:s5+$0xFFFFFFA0] =	vst v11  }
0x3f: {  	[tilespmem:s5+$0xFFFFFFB0] =	vst v9  }
0x40: {  	[tilespmem:s5+$0xFFFFFFC0] =	vst v6  }
0x41: {  	[tilespmem:s5+$0xFFFFFF90] =	vst v12  }
0x42: {  	[tilespmem:s5+$0xFFFFFFD0] =	vst v5  }
0x43: {  	s3 =	simm.s32 $0xC00;
	v5 =	vld [tilespmem:s29+$0x30]  }
0x44: {  	s1 =	simm.s32 $0xAB00;
	s4 =	simm.s32 $0x5B00;
	s14 =	simm.s32 $0x0;
	v6 =	vld [tilespmem:s29+$0x20]  }
.LBB2_3:
0x45: {  	s14 =	sadd.s32 $0x2, s14;
	v7 =	vld [tilespmem:s29+$0x10];
	s5 =	sadd.s32 $0x100, s5;
	s4 =	sadd.s32 $0x100, s4  }
0x46: {  	p1 =	slt.u32 s14, $0x4E;
	v8 =	vld [tilespmem:s0+$0x30]  }
0x47: {  	v9 =	vld [tilespmem:s0+$0x20]  }
0x48: {  	v10 =	vld [tilespmem:s0+$0x0]  }
0x49: {  	v11 =	vld [tilespmem:s0+$0x10];
	s0 =	smov.u32 s3  }
0x4a: {  	v12 =	vld [tilespmem:s29+$0x0];
	s29 =	smov.u32 s4  }
0x4b: {  	[tilespmem:s1+$0x30] =	vst v8  }
0x4c: {  	[tilespmem:s1+$0x70] =	vst v5  }
0x4d: {  	[tilespmem:s1+$0x60] =	vst v6  }
0x4e: {  	[tilespmem:s1+$0x10] =	vst v11  }
0x4f: {  	[tilespmem:s1+$0x40] =	vst v12  }
0x50: {  	[tilespmem:s1+$0x50] =	vst v7  }
0x51: {  	[tilespmem:s1+$0x20] =	vst v9  }
0x52: {  	[tilespmem:s1+$0x0] =	vst v10;
	s1 =	smov.u32 s5  }
0x53: {  	v5 =	vld [tilespmem:s4+$0xFFFFFF90]  }
0x54: {  	v6 =	vld [tilespmem:s4+$0xFFFFFF80]  }
0x55: {  	v7 =	vld [tilespmem:s4+$0xFFFFFFB0]  }
0x56: {  	v8 =	vld [tilespmem:s4+$0xFFFFFFA0]  }
0x57: {  	v9 =	vld [tilespmem:s3+$0xFFFFFFB0]  }
0x58: {  	v10 =	vld [tilespmem:s3+$0xFFFFFF80]  }
0x59: {  	v11 =	vld [tilespmem:s3+$0xFFFFFFA0]  }
0x5a: {  	v12 =	vld [tilespmem:s3+$0xFFFFFF90]  }
0x5b: {  	[tilespmem:s5+$0xFFFFFFF0] =	vst v7  }
0x5c: {  	[tilespmem:s5+$0xFFFFFFE0] =	vst v8  }
0x5d: {  	[tilespmem:s5+$0xFFFFFF80] =	vst v10  }
0x5e: {  	[tilespmem:s5+$0xFFFFFFA0] =	vst v11  }
0x5f: {  	[tilespmem:s5+$0xFFFFFFB0] =	vst v9  }
.Ltmp0:
0x60: {  	[tilespmem:s5+$0xFFFFFFC0] =	vst v6;
	(pc) =	sbr.rel @p1 .LBB2_3-.Ltmp0, $4  }
0x61: {  	[tilespmem:s5+$0xFFFFFF90] =	vst v12  }
0x62: {  	[tilespmem:s5+$0xFFFFFFD0] =	vst v5  }
0x63: {  	v5 =	vld [tilespmem:s4+$0x30]  }
0x64: {  	s3 =	sadd.s32 $0x100, s3;
	v6 =	vld [tilespmem:s4+$0x20]  }
0x65: {  	v7 =	vld [tilespmem:s29+$0x10]  }
0x66: {  	v8 =	vld [tilespmem:s0+$0x30]  }
0x67: {  	v9 =	vld [tilespmem:s0+$0x20]  }
0x68: {  	v11 =	vld [tilespmem:s0+$0x10]  }
0x69: {  	v12 =	vld [tilespmem:s29+$0x0]  }
0x6a: {  	v10 =	vld [tilespmem:s0+$0x0];
	[tilespmem:s1+$0x70] =	vst v5  }
0x6b: {  	[tilespmem:s1+$0x60] =	vst v6  }
0x6c: {  	[tilespmem:s1+$0x30] =	vst v8  }
0x6d: {  	[tilespmem:s1+$0x10] =	vst v11  }
0x6e: {  	[tilespmem:s1+$0x40] =	vst v12  }
0x6f: {  	[tilespmem:s1+$0x50] =	vst v7  }
0x70: {  	[tilespmem:s1+$0x20] =	vst v9  }
0x71: {  	[tilespmem:s1+$0x0] =	vst v10  }
0x72: {  	v5 =	vld [tilespmem:$0x700];
	_ =	sdelay $0x4  }
0x73: {  	[tilespmem:v0+s23+$0x0] =	vst.idx.msk $0xffff, v5  }
0x74: {  	v5 =	vld [tilespmem:$0x710];
	_ =	sdelay $0x4  }
0x75: {  	[tilespmem:v1+s23+$0x0] =	vst.idx.msk $0xffff, v5  }
0x76: {  	v5 =	vld [tilespmem:$0x720];
	_ =	sdelay $0x4  }
0x77: {  	[tilespmem:v2+s23+$0x0] =	vst.idx.msk $0xffff, v5  }
0x78: {  	v5 =	vld [tilespmem:$0x730];
	_ =	sdelay $0x4  }
0x79: {  	[tilespmem:v3+s23+$0x0] =	vst.idx.msk $0xffff, v5  }
0x7a: {  	v5 =	vld [tilespmem:$0x740];
	_ =	sdelay $0x1  }
0x7b: {  	s4 =	smul.u32 $0xC800, s28;
	_ =	sdelay $0x1  }
0x7c: {  	s0 =	sshrl.u32 s4, $0x3  }
0x7d: {  	s28 =	sadd.s32 s8, s0;
	[tilespmem:v4+s23+$0x0] =	vst.idx.msk $0xffff, v5  }
0x7e: {  	[hbm4b:s28+s24] =	stream.strided.scatter [tilespmem:s26], [sflag:$0x3], $0x2800, s25, s24, $0x38;
	[tilespmem:$0x14A80] =	vst v63  }
0x7f: {  	s0 =	sadd.s32 s0, s10  }
0x80: {  	[hbm4b:s0+s24] =	stream.strided.scatter [tilespmem:s23], [sflag:$0x3], $0x2800, s25, s24, $0x38;
	[tilespmem:$0x14A80] =	vst v63  }
0x81: {  	s5 =	simm.s32 $0xA0  }
0x82: {  	[tilespmem:s16], [sflag:$0x1] =	stream.indirect.gather [hbm4b:s6+s15], $0x80, s5, s15, $0xb8;
	[tilespmem:$0x14A80] =	vst v63  }
0x83: {  	s14 =	simm.s32 $0x420;
	s0 =	simm.s32 @!p0 $0x3  }
0x84: {  	[tilespmem:s17], [sflag:$0x2] =	stream.indirect.gather [hbm4b:s7+s15], $0x80, s14, s15, $0xb8;
	[tilespmem:$0x14A80] =	vst v63  }
0x85: {  	_ =	swait.ge @!p0 [sflag:s0], $0x2800  }
0x86: {  	[sflag:s0] =	ssyncset.done @!p0 $0x0  }
0x87: {  	[sflag:s0] =	ssyncadd.s32 @!p0 $0xFFFFD800  }
0x88: {  	_ =	swait.ge @!p0 [sflag:s0], $0x2800  }
0x89: {  	[sflag:s0] =	ssyncset.done @!p0 $0x0  }
0x8a: {  	[sflag:s0] =	ssyncadd.s32 @!p0 $0xFFFFD800  }
0x8b: {  	_ =	swait.ge [sflag:s21], $0x2800  }
0x8c: {  	[sflag:s21] =	ssyncset.done $0x0  }
0x8d: {  	[sflag:s21] =	ssyncadd.s32 $0xFFFFD800  }
0x8e: {  	_ =	swait.ge [sflag:s22], $0x2800  }
0x8f: {  	[sflag:s22] =	ssyncset.done $0x0  }
0x90: {  	s29 =	simm.s32 $0x8300;
	[sflag:s22] =	ssyncadd.s32 $0xFFFFD800  }
0x91: {  	v5 =	vld [tilespmem:s29+$0xFFFFFF90]  }
0x92: {  	v6 =	vld [tilespmem:s29+$0xFFFFFF80]  }
0x93: {  	v7 =	vld [tilespmem:s29+$0xFFFFFFB0]  }
0x94: {  	s0 =	simm.s32 $0x3300;
	v8 =	vld [tilespmem:s29+$0xFFFFFFA0]  }
0x95: {  	v61 =	vld [tilespmem:s0+$0xFFFFFF80]  }
0x96: {  	v62 =	vld [tilespmem:s0+$0xFFFFFFA0]  }
0x97: {  	s5 =	simm.s32 $0xD300;
	v60 =	vld [tilespmem:s0+$0xFFFFFFB0]  }
0x98: {  	v63 =	vld [tilespmem:s0+$0xFFFFFF90];
	[tilespmem:s5+$0xFFFFFFF0] =	vst v7  }
0x99: {  	[tilespmem:s5+$0xFFFFFFE0] =	vst v8  }
0x9a: {  	[tilespmem:s5+$0xFFFFFF80] =	vst v61  }
0x9b: {  	[tilespmem:s5+$0xFFFFFFA0] =	vst v62  }
0x9c: {  	[tilespmem:s5+$0xFFFFFFB0] =	vst v60  }
0x9d: {  	[tilespmem:s5+$0xFFFFFFC0] =	vst v6  }
0x9e: {  	[tilespmem:s5+$0xFFFFFF90] =	vst v63  }
0x9f: {  	[tilespmem:s5+$0xFFFFFFD0] =	vst v5  }
0xa0: {  	s3 =	simm.s32 $0x3400;
	v5 =	vld [tilespmem:s29+$0x30]  }
0xa1: {  	s4 =	simm.s32 $0x8300;
	s1 =	simm.s32 $0xD300;
	s14 =	simm.s32 $0x0;
	v6 =	vld [tilespmem:s29+$0x20]  }
.LBB2_5:
0xa2: {  	s14 =	sadd.s32 $0x2, s14;
	v7 =	vld [tilespmem:s29+$0x10];
	s5 =	sadd.s32 $0x100, s5;
	s4 =	sadd.s32 $0x100, s4  }
0xa3: {  	p0 =	slt.u32 s14, $0x4E;
	v8 =	vld [tilespmem:s0+$0x30]  }
0xa4: {  	v9 =	vld [tilespmem:s0+$0x20]  }
0xa5: {  	v10 =	vld [tilespmem:s0+$0x0]  }
0xa6: {  	v11 =	vld [tilespmem:s0+$0x10];
	s0 =	smov.u32 s3  }
0xa7: {  	v12 =	vld [tilespmem:s29+$0x0];
	s29 =	smov.u32 s4  }
0xa8: {  	[tilespmem:s1+$0x30] =	vst v8  }
0xa9: {  	[tilespmem:s1+$0x70] =	vst v5  }
0xaa: {  	[tilespmem:s1+$0x60] =	vst v6  }
0xab: {  	[tilespmem:s1+$0x10] =	vst v11  }
0xac: {  	[tilespmem:s1+$0x40] =	vst v12  }
0xad: {  	[tilespmem:s1+$0x50] =	vst v7  }
0xae: {  	[tilespmem:s1+$0x20] =	vst v9  }
0xaf: {  	[tilespmem:s1+$0x0] =	vst v10;
	s1 =	smov.u32 s5  }
0xb0: {  	v5 =	vld [tilespmem:s4+$0xFFFFFF90]  }
0xb1: {  	v6 =	vld [tilespmem:s4+$0xFFFFFF80]  }
0xb2: {  	v7 =	vld [tilespmem:s4+$0xFFFFFFB0]  }
0xb3: {  	v8 =	vld [tilespmem:s4+$0xFFFFFFA0]  }
0xb4: {  	v9 =	vld [tilespmem:s3+$0xFFFFFFB0]  }
0xb5: {  	v10 =	vld [tilespmem:s3+$0xFFFFFF80]  }
0xb6: {  	v11 =	vld [tilespmem:s3+$0xFFFFFFA0]  }
0xb7: {  	v12 =	vld [tilespmem:s3+$0xFFFFFF90]  }
0xb8: {  	[tilespmem:s5+$0xFFFFFFF0] =	vst v7  }
0xb9: {  	[tilespmem:s5+$0xFFFFFFE0] =	vst v8  }
0xba: {  	[tilespmem:s5+$0xFFFFFF80] =	vst v10  }
0xbb: {  	[tilespmem:s5+$0xFFFFFFA0] =	vst v11  }
0xbc: {  	[tilespmem:s5+$0xFFFFFFB0] =	vst v9  }
.Ltmp1:
0xbd: {  	[tilespmem:s5+$0xFFFFFFC0] =	vst v6;
	(pc) =	sbr.rel @p0 .LBB2_5-.Ltmp1, $4  }
0xbe: {  	[tilespmem:s5+$0xFFFFFF90] =	vst v12  }
0xbf: {  	[tilespmem:s5+$0xFFFFFFD0] =	vst v5  }
0xc0: {  	v5 =	vld [tilespmem:s4+$0x30]  }
0xc1: {  	s3 =	sadd.s32 $0x100, s3;
	v6 =	vld [tilespmem:s4+$0x20]  }
0xc2: {  	v7 =	vld [tilespmem:s29+$0x10]  }
0xc3: {  	v8 =	vld [tilespmem:s0+$0x30]  }
0xc4: {  	v9 =	vld [tilespmem:s0+$0x20]  }
0xc5: {  	v11 =	vld [tilespmem:s0+$0x10]  }
0xc6: {  	v12 =	vld [tilespmem:s29+$0x0]  }
0xc7: {  	v10 =	vld [tilespmem:s0+$0x0];
	[tilespmem:s1+$0x70] =	vst v5  }
0xc8: {  	[tilespmem:s1+$0x60] =	vst v6  }
0xc9: {  	[tilespmem:s1+$0x30] =	vst v8  }
0xca: {  	[tilespmem:s1+$0x10] =	vst v11  }
0xcb: {  	[tilespmem:s1+$0x40] =	vst v12  }
0xcc: {  	[tilespmem:s1+$0x50] =	vst v7  }
0xcd: {  	[tilespmem:s1+$0x20] =	vst v9  }
0xce: {  	[tilespmem:s1+$0x0] =	vst v10  }
0xcf: {  	v5 =	vld [tilespmem:$0x750];
	_ =	sdelay $0x4  }
0xd0: {  	[tilespmem:v0+s30+$0x0] =	vst.idx.msk $0xffff, v5  }
0xd1: {  	v5 =	vld [tilespmem:$0x760];
	_ =	sdelay $0x4  }
0xd2: {  	[tilespmem:v1+s30+$0x0] =	vst.idx.msk $0xffff, v5  }
0xd3: {  	v5 =	vld [tilespmem:$0x770];
	_ =	sdelay $0x4  }
0xd4: {  	[tilespmem:v2+s30+$0x0] =	vst.idx.msk $0xffff, v5  }
0xd5: {  	v5 =	vld [tilespmem:$0x780];
	_ =	sdelay $0x4  }
0xd6: {  	[tilespmem:v3+s30+$0x0] =	vst.idx.msk $0xffff, v5  }
0xd7: {  	v5 =	vld [tilespmem:$0x790];
	_ =	sdelay $0x4  }
0xd8: {  	s3 =	sadd.s32 $0xA00, s28;
	[tilespmem:v4+s30+$0x0] =	vst.idx.msk $0xffff, v5  }
0xd9: {  	[hbm4b:s3+s24] =	stream.strided.scatter [tilespmem:s31], [sflag:$0x3], $0x2800, s25, s24, $0x38;
	[tilespmem:$0x14A80] =	vst v63  }
0xda: {  	s4 =	sadd.s32 $0xA80, s28  }
0xdb: {  	[hbm4b:s4+s24] =	stream.strided.scatter [tilespmem:s30], [sflag:$0x3], $0x2800, s25, s24, $0x38;
	[tilespmem:$0x14A80] =	vst v63  }
0xdc: {  	s5 =	simm.s32 $0xF0  }
0xdd: {  	[tilespmem:s18], [sflag:$0x1] =	stream.indirect.gather [hbm4b:s6+s15], $0x80, s5, s15, $0xb8;
	[tilespmem:$0x14A80] =	vst v63  }
0xde: {  	s14 =	simm.s32 $0x470  }
0xdf: {  	[tilespmem:s20], [sflag:$0x2] =	stream.indirect.gather [hbm4b:s7+s15], $0x80, s14, s15, $0xb8;
	[tilespmem:$0x14A80] =	vst v63  }
0xe0: {  	_ =	swait.ge [sflag:s11], $0x2800  }
0xe1: {  	[sflag:s11] =	ssyncset.done $0x0  }
0xe2: {  	[sflag:s11] =	ssyncadd.s32 $0xFFFFD800  }
0xe3: {  	_ =	swait.ge [sflag:s11], $0x2800  }
0xe4: {  	[sflag:s11] =	ssyncset.done $0x0  }
0xe5: {  	[sflag:s11] =	ssyncadd.s32 $0xFFFFD800  }
0xe6: {  	_ =	swait.ge [sflag:s21], $0x2800  }
0xe7: {  	[sflag:s21] =	ssyncset.done $0x0  }
0xe8: {  	[sflag:s21] =	ssyncadd.s32 $0xFFFFD800  }
0xe9: {  	_ =	swait.ge [sflag:s22], $0x2800  }
0xea: {  	[sflag:s22] =	ssyncset.done $0x0  }
0xeb: {  	s29 =	simm.s32 $0x5B00;
	[sflag:s22] =	ssyncadd.s32 $0xFFFFD800  }
0xec: {  	v5 =	vld [tilespmem:s29+$0xFFFFFF90]  }
0xed: {  	v6 =	vld [tilespmem:s29+$0xFFFFFF80]  }
0xee: {  	v7 =	vld [tilespmem:s29+$0xFFFFFFB0]  }
0xef: {  	s0 =	simm.s32 $0xB00;
	v8 =	vld [tilespmem:s29+$0xFFFFFFA0]  }
0xf0: {  	v61 =	vld [tilespmem:s0+$0xFFFFFF80]  }
0xf1: {  	v62 =	vld [tilespmem:s0+$0xFFFFFFA0]  }
0xf2: {  	s5 =	simm.s32 $0xAB00;
	v60 =	vld [tilespmem:s0+$0xFFFFFFB0]  }
0xf3: {  	v63 =	vld [tilespmem:s0+$0xFFFFFF90];
	[tilespmem:s5+$0xFFFFFFF0] =	vst v7  }
0xf4: {  	[tilespmem:s5+$0xFFFFFFE0] =	vst v8  }
0xf5: {  	[tilespmem:s5+$0xFFFFFF80] =	vst v61  }
0xf6: {  	[tilespmem:s5+$0xFFFFFFA0] =	vst v62  }
0xf7: {  	[tilespmem:s5+$0xFFFFFFB0] =	vst v60  }
0xf8: {  	[tilespmem:s5+$0xFFFFFFC0] =	vst v6  }
0xf9: {  	[tilespmem:s5+$0xFFFFFF90] =	vst v63  }
0xfa: {  	[tilespmem:s5+$0xFFFFFFD0] =	vst v5  }
0xfb: {  	s1 =	simm.s32 $0xAB00;
	v5 =	vld [tilespmem:s29+$0x30]  }
0xfc: {  	s3 =	simm.s32 $0xC00;
	s4 =	simm.s32 $0x5B00;
	s14 =	simm.s32 $0x0;
	v6 =	vld [tilespmem:s29+$0x20]  }
.LBB2_7:
0xfd: {  	s14 =	sadd.s32 $0x2, s14;
	v7 =	vld [tilespmem:s29+$0x10];
	s5 =	sadd.s32 $0x100, s5;
	s4 =	sadd.s32 $0x100, s4  }
0xfe: {  	p0 =	slt.u32 s14, $0x4E;
	v8 =	vld [tilespmem:s0+$0x30]  }
0xff: {  	v9 =	vld [tilespmem:s0+$0x20]  }
0x100: {  	v10 =	vld [tilespmem:s0+$0x0]  }
0x101: {  	v11 =	vld [tilespmem:s0+$0x10];
	s0 =	smov.u32 s3  }
0x102: {  	v12 =	vld [tilespmem:s29+$0x0];
	s29 =	smov.u32 s4  }
0x103: {  	[tilespmem:s1+$0x30] =	vst v8  }
0x104: {  	[tilespmem:s1+$0x70] =	vst v5  }
0x105: {  	[tilespmem:s1+$0x60] =	vst v6  }
0x106: {  	[tilespmem:s1+$0x10] =	vst v11  }
0x107: {  	[tilespmem:s1+$0x40] =	vst v12  }
0x108: {  	[tilespmem:s1+$0x50] =	vst v7  }
0x109: {  	[tilespmem:s1+$0x20] =	vst v9  }
0x10a: {  	[tilespmem:s1+$0x0] =	vst v10;
	s1 =	smov.u32 s5  }
0x10b: {  	v5 =	vld [tilespmem:s4+$0xFFFFFF90]  }
0x10c: {  	v6 =	vld [tilespmem:s4+$0xFFFFFF80]  }
0x10d: {  	v7 =	vld [tilespmem:s4+$0xFFFFFFB0]  }
0x10e: {  	v8 =	vld [tilespmem:s4+$0xFFFFFFA0]  }
0x10f: {  	v9 =	vld [tilespmem:s3+$0xFFFFFFB0]  }
0x110: {  	v10 =	vld [tilespmem:s3+$0xFFFFFF80]  }
0x111: {  	v11 =	vld [tilespmem:s3+$0xFFFFFFA0]  }
0x112: {  	v12 =	vld [tilespmem:s3+$0xFFFFFF90]  }
0x113: {  	[tilespmem:s5+$0xFFFFFFF0] =	vst v7  }
0x114: {  	[tilespmem:s5+$0xFFFFFFE0] =	vst v8  }
0x115: {  	[tilespmem:s5+$0xFFFFFF80] =	vst v10  }
0x116: {  	[tilespmem:s5+$0xFFFFFFA0] =	vst v11  }
0x117: {  	[tilespmem:s5+$0xFFFFFFB0] =	vst v9  }
.Ltmp2:
0x118: {  	[tilespmem:s5+$0xFFFFFFC0] =	vst v6;
	(pc) =	sbr.rel @p0 .LBB2_7-.Ltmp2, $4  }
0x119: {  	[tilespmem:s5+$0xFFFFFF90] =	vst v12  }
0x11a: {  	[tilespmem:s5+$0xFFFFFFD0] =	vst v5  }
0x11b: {  	v5 =	vld [tilespmem:s4+$0x30]  }
0x11c: {  	s3 =	sadd.s32 $0x100, s3;
	v6 =	vld [tilespmem:s4+$0x20]  }
0x11d: {  	v7 =	vld [tilespmem:s29+$0x10]  }
0x11e: {  	v8 =	vld [tilespmem:s0+$0x30]  }
0x11f: {  	v9 =	vld [tilespmem:s0+$0x20]  }
0x120: {  	v11 =	vld [tilespmem:s0+$0x10]  }
0x121: {  	v12 =	vld [tilespmem:s29+$0x0]  }
0x122: {  	v10 =	vld [tilespmem:s0+$0x0];
	[tilespmem:s1+$0x70] =	vst v5  }
0x123: {  	[tilespmem:s1+$0x60] =	vst v6  }
0x124: {  	[tilespmem:s1+$0x30] =	vst v8  }
0x125: {  	[tilespmem:s1+$0x10] =	vst v11  }
0x126: {  	[tilespmem:s1+$0x40] =	vst v12  }
0x127: {  	[tilespmem:s1+$0x50] =	vst v7  }
0x128: {  	[tilespmem:s1+$0x20] =	vst v9  }
0x129: {  	[tilespmem:s1+$0x0] =	vst v10  }
0x12a: {  	v5 =	vld [tilespmem:$0x7A0];
	_ =	sdelay $0x4  }
0x12b: {  	[tilespmem:v0+s23+$0x0] =	vst.idx.msk $0xffff, v5  }
0x12c: {  	v5 =	vld [tilespmem:$0x7B0];
	_ =	sdelay $0x4  }
0x12d: {  	[tilespmem:v1+s23+$0x0] =	vst.idx.msk $0xffff, v5  }
0x12e: {  	v5 =	vld [tilespmem:$0x7C0];
	_ =	sdelay $0x4  }
0x12f: {  	[tilespmem:v2+s23+$0x0] =	vst.idx.msk $0xffff, v5  }
0x130: {  	v5 =	vld [tilespmem:$0x7D0];
	_ =	sdelay $0x4  }
0x131: {  	[tilespmem:v3+s23+$0x0] =	vst.idx.msk $0xffff, v5  }
0x132: {  	v5 =	vld [tilespmem:$0x7E0];
	_ =	sdelay $0x4  }
0x133: {  	s3 =	sadd.s32 $0x1400, s28;
	[tilespmem:v4+s23+$0x0] =	vst.idx.msk $0xffff, v5  }
0x134: {  	[hbm4b:s3+s24] =	stream.strided.scatter [tilespmem:s26], [sflag:$0x3], $0x1400, s25, s24, $0x38;
	[tilespmem:$0x14A80] =	vst v63  }
0x135: {  	s4 =	sadd.s32 $0x1480, s28  }
0x136: {  	[hbm4b:s4+s24] =	stream.strided.scatter [tilespmem:s23], [sflag:$0x3], $0x1400, s25, s24, $0x38;
	[tilespmem:$0x14A80] =	vst v63  }
0x137: {  	s5 =	sadd.s32 $0x1900, s28;
	s14 =	simm.s32 $0xBE80  }
0x138: {  	[hbm4b:s5+s24] =	stream.strided.scatter [tilespmem:s14], [sflag:$0x3], $0x1400, s25, s24, $0x38;
	[tilespmem:$0x14A80] =	vst v63  }
0x139: {  	s3 =	sadd.s32 $0x1980, s28;
	s4 =	simm.s32 $0x10E80  }
0x13a: {  	[hbm4b:s3+s24] =	stream.strided.scatter [tilespmem:s4], [sflag:$0x3], $0x1400, s25, s24, $0x38;
	[tilespmem:$0x14A80] =	vst v63  }
0x13b: {  	s5 =	simm.s32 $0x140  }
0x13c: {  	[tilespmem:s16], [sflag:$0x1] =	stream.indirect.gather [hbm4b:s6+s15], $0x80, s5, s15, $0xb8;
	[tilespmem:$0x14A80] =	vst v63  }
0x13d: {  	s14 =	simm.s32 $0x4C0  }
0x13e: {  	[tilespmem:s17], [sflag:$0x2] =	stream.indirect.gather [hbm4b:s7+s15], $0x80, s14, s15, $0xb8;
	[tilespmem:$0x14A80] =	vst v63  }
0x13f: {  	_ =	swait.ge [sflag:s11], $0x2800  }
0x140: {  	[sflag:s11] =	ssyncset.done $0x0  }
0x141: {  	[sflag:s11] =	ssyncadd.s32 $0xFFFFD800  }
0x142: {  	_ =	swait.ge [sflag:s11], $0x2800  }
0x143: {  	[sflag:s11] =	ssyncset.done $0x0  }
0x144: {  	[sflag:s11] =	ssyncadd.s32 $0xFFFFD800  }
0x145: {  	_ =	swait.ge [sflag:s21], $0x2800  }
0x146: {  	[sflag:s21] =	ssyncset.done $0x0  }
0x147: {  	[sflag:s21] =	ssyncadd.s32 $0xFFFFD800  }
0x148: {  	_ =	swait.ge [sflag:s22], $0x2800  }
0x149: {  	[sflag:s22] =	ssyncset.done $0x0  }
0x14a: {  	s29 =	simm.s32 $0x8300;
	[sflag:s22] =	ssyncadd.s32 $0xFFFFD800  }
0x14b: {  	v5 =	vld [tilespmem:s29+$0xFFFFFF90]  }
0x14c: {  	v6 =	vld [tilespmem:s29+$0xFFFFFF80]  }
0x14d: {  	v7 =	vld [tilespmem:s29+$0xFFFFFFB0]  }
0x14e: {  	s0 =	simm.s32 $0x3300;
	v8 =	vld [tilespmem:s29+$0xFFFFFFA0]  }
0x14f: {  	v61 =	vld [tilespmem:s0+$0xFFFFFF80]  }
0x150: {  	v62 =	vld [tilespmem:s0+$0xFFFFFFA0]  }
0x151: {  	s5 =	simm.s32 $0xD300;
	v60 =	vld [tilespmem:s0+$0xFFFFFFB0]  }
0x152: {  	v63 =	vld [tilespmem:s0+$0xFFFFFF90];
	[tilespmem:s5+$0xFFFFFFF0] =	vst v7  }
0x153: {  	[tilespmem:s5+$0xFFFFFFE0] =	vst v8  }
0x154: {  	[tilespmem:s5+$0xFFFFFF80] =	vst v61  }
0x155: {  	[tilespmem:s5+$0xFFFFFFA0] =	vst v62  }
0x156: {  	[tilespmem:s5+$0xFFFFFFB0] =	vst v60  }
0x157: {  	[tilespmem:s5+$0xFFFFFFC0] =	vst v6  }
0x158: {  	[tilespmem:s5+$0xFFFFFF90] =	vst v63  }
0x159: {  	[tilespmem:s5+$0xFFFFFFD0] =	vst v5  }
0x15a: {  	s1 =	simm.s32 $0xD300;
	v5 =	vld [tilespmem:s29+$0x30]  }
0x15b: {  	s3 =	simm.s32 $0x3400;
	s4 =	simm.s32 $0x8300;
	s14 =	simm.s32 $0x0;
	v6 =	vld [tilespmem:s29+$0x20]  }
.LBB2_9:
0x15c: {  	s14 =	sadd.s32 $0x2, s14;
	v7 =	vld [tilespmem:s29+$0x10];
	s5 =	sadd.s32 $0x100, s5;
	s4 =	sadd.s32 $0x100, s4  }
0x15d: {  	p0 =	slt.u32 s14, $0x4E;
	v8 =	vld [tilespmem:s0+$0x30]  }
0x15e: {  	v9 =	vld [tilespmem:s0+$0x20]  }
0x15f: {  	v10 =	vld [tilespmem:s0+$0x0]  }
0x160: {  	v11 =	vld [tilespmem:s0+$0x10];
	s0 =	smov.u32 s3  }
0x161: {  	v12 =	vld [tilespmem:s29+$0x0];
	s29 =	smov.u32 s4  }
0x162: {  	[tilespmem:s1+$0x30] =	vst v8  }
0x163: {  	[tilespmem:s1+$0x70] =	vst v5  }
0x164: {  	[tilespmem:s1+$0x60] =	vst v6  }
0x165: {  	[tilespmem:s1+$0x10] =	vst v11  }
0x166: {  	[tilespmem:s1+$0x40] =	vst v12  }
0x167: {  	[tilespmem:s1+$0x50] =	vst v7  }
0x168: {  	[tilespmem:s1+$0x20] =	vst v9  }
0x169: {  	[tilespmem:s1+$0x0] =	vst v10;
	s1 =	smov.u32 s5  }
0x16a: {  	v5 =	vld [tilespmem:s4+$0xFFFFFF90]  }
0x16b: {  	v6 =	vld [tilespmem:s4+$0xFFFFFF80]  }
0x16c: {  	v7 =	vld [tilespmem:s4+$0xFFFFFFB0]  }
0x16d: {  	v8 =	vld [tilespmem:s4+$0xFFFFFFA0]  }
0x16e: {  	v9 =	vld [tilespmem:s3+$0xFFFFFFB0]  }
0x16f: {  	v10 =	vld [tilespmem:s3+$0xFFFFFF80]  }
0x170: {  	v11 =	vld [tilespmem:s3+$0xFFFFFFA0]  }
0x171: {  	v12 =	vld [tilespmem:s3+$0xFFFFFF90]  }
0x172: {  	[tilespmem:s5+$0xFFFFFFF0] =	vst v7  }
0x173: {  	[tilespmem:s5+$0xFFFFFFE0] =	vst v8  }
0x174: {  	[tilespmem:s5+$0xFFFFFF80] =	vst v10  }
0x175: {  	[tilespmem:s5+$0xFFFFFFA0] =	vst v11  }
0x176: {  	[tilespmem:s5+$0xFFFFFFB0] =	vst v9  }
.Ltmp3:
0x177: {  	[tilespmem:s5+$0xFFFFFFC0] =	vst v6;
	(pc) =	sbr.rel @p0 .LBB2_9-.Ltmp3, $4  }
0x178: {  	[tilespmem:s5+$0xFFFFFF90] =	vst v12  }
0x179: {  	[tilespmem:s5+$0xFFFFFFD0] =	vst v5  }
0x17a: {  	v5 =	vld [tilespmem:s4+$0x30]  }
0x17b: {  	s3 =	sadd.s32 $0x100, s3;
	v6 =	vld [tilespmem:s4+$0x20]  }
0x17c: {  	v7 =	vld [tilespmem:s29+$0x10]  }
0x17d: {  	v8 =	vld [tilespmem:s0+$0x30]  }
0x17e: {  	v9 =	vld [tilespmem:s0+$0x20]  }
0x17f: {  	v11 =	vld [tilespmem:s0+$0x10]  }
0x180: {  	v12 =	vld [tilespmem:s29+$0x0]  }
0x181: {  	v10 =	vld [tilespmem:s0+$0x0];
	[tilespmem:s1+$0x70] =	vst v5  }
0x182: {  	[tilespmem:s1+$0x60] =	vst v6  }
0x183: {  	[tilespmem:s1+$0x30] =	vst v8  }
0x184: {  	[tilespmem:s1+$0x10] =	vst v11  }
0x185: {  	[tilespmem:s1+$0x40] =	vst v12  }
0x186: {  	[tilespmem:s1+$0x50] =	vst v7  }
0x187: {  	[tilespmem:s1+$0x20] =	vst v9  }
0x188: {  	[tilespmem:s1+$0x0] =	vst v10  }
0x189: {  	v5 =	vld [tilespmem:$0x7F0];
	_ =	sdelay $0x4  }
0x18a: {  	[tilespmem:v0+s30+$0x0] =	vst.idx.msk $0xffff, v5  }
0x18b: {  	v5 =	vld [tilespmem:$0x800];
	_ =	sdelay $0x4  }
0x18c: {  	[tilespmem:v1+s30+$0x0] =	vst.idx.msk $0xffff, v5  }
0x18d: {  	v5 =	vld [tilespmem:$0x810];
	_ =	sdelay $0x4  }
0x18e: {  	[tilespmem:v2+s30+$0x0] =	vst.idx.msk $0xffff, v5  }
0x18f: {  	v5 =	vld [tilespmem:$0x820];
	_ =	sdelay $0x4  }
0x190: {  	[tilespmem:v3+s30+$0x0] =	vst.idx.msk $0xffff, v5  }
0x191: {  	v5 =	vld [tilespmem:$0x830];
	_ =	sdelay $0x4  }
0x192: {  	s3 =	sadd.s32 $0x1E00, s28;
	[tilespmem:v4+s30+$0x0] =	vst.idx.msk $0xffff, v5  }
0x193: {  	[hbm4b:s3+s24] =	stream.strided.scatter [tilespmem:s31], [sflag:$0x3], $0x2800, s25, s24, $0x38;
	[tilespmem:$0x14A80] =	vst v63  }
0x194: {  	s4 =	sadd.s32 $0x1E80, s28  }
0x195: {  	[hbm4b:s4+s24] =	stream.strided.scatter [tilespmem:s30], [sflag:$0x3], $0x2800, s25, s24, $0x38;
	[tilespmem:$0x14A80] =	vst v63  }
0x196: {  	s5 =	simm.s32 $0x190  }
0x197: {  	[tilespmem:s18], [sflag:$0x1] =	stream.indirect.gather [hbm4b:s6+s15], $0x80, s5, s15, $0xb8;
	[tilespmem:$0x14A80] =	vst v63  }
0x198: {  	s14 =	simm.s32 $0x510  }
0x199: {  	[tilespmem:s20], [sflag:$0x2] =	stream.indirect.gather [hbm4b:s7+s15], $0x80, s14, s15, $0xb8;
	[tilespmem:$0x14A80] =	vst v63  }
0x19a: {  	_ =	swait.ge [sflag:s11], $0x1400  }
0x19b: {  	[sflag:s11] =	ssyncset.done $0x0  }
0x19c: {  	[sflag:s11] =	ssyncadd.s32 $0xFFFFEC00  }
0x19d: {  	_ =	swait.ge [sflag:s11], $0x1400  }
0x19e: {  	[sflag:s11] =	ssyncset.done $0x0  }
0x19f: {  	[sflag:s11] =	ssyncadd.s32 $0xFFFFEC00  }
0x1a0: {  	_ =	swait.ge [sflag:s11], $0x1400  }
0x1a1: {  	[sflag:s11] =	ssyncset.done $0x0  }
0x1a2: {  	[sflag:s11] =	ssyncadd.s32 $0xFFFFEC00  }
0x1a3: {  	_ =	swait.ge [sflag:s11], $0x1400  }
0x1a4: {  	[sflag:s11] =	ssyncset.done $0x0  }
0x1a5: {  	[sflag:s11] =	ssyncadd.s32 $0xFFFFEC00  }
0x1a6: {  	_ =	swait.ge [sflag:s21], $0x2800  }
0x1a7: {  	[sflag:s21] =	ssyncset.done $0x0  }
0x1a8: {  	[sflag:s21] =	ssyncadd.s32 $0xFFFFD800  }
0x1a9: {  	_ =	swait.ge [sflag:s22], $0x2800  }
0x1aa: {  	[sflag:s22] =	ssyncset.done $0x0  }
0x1ab: {  	s29 =	simm.s32 $0x5B00;
	[sflag:s22] =	ssyncadd.s32 $0xFFFFD800  }
0x1ac: {  	v5 =	vld [tilespmem:s29+$0xFFFFFF90]  }
0x1ad: {  	v6 =	vld [tilespmem:s29+$0xFFFFFF80]  }
0x1ae: {  	v7 =	vld [tilespmem:s29+$0xFFFFFFB0]  }
0x1af: {  	s0 =	simm.s32 $0xB00;
	v8 =	vld [tilespmem:s29+$0xFFFFFFA0]  }
0x1b0: {  	v61 =	vld [tilespmem:s0+$0xFFFFFF80]  }
0x1b1: {  	v62 =	vld [tilespmem:s0+$0xFFFFFFA0]  }
0x1b2: {  	s5 =	simm.s32 $0xAB00;
	v60 =	vld [tilespmem:s0+$0xFFFFFFB0]  }
0x1b3: {  	v63 =	vld [tilespmem:s0+$0xFFFFFF90];
	[tilespmem:s5+$0xFFFFFFF0] =	vst v7  }
0x1b4: {  	[tilespmem:s5+$0xFFFFFFE0] =	vst v8  }
0x1b5: {  	[tilespmem:s5+$0xFFFFFF80] =	vst v61  }
0x1b6: {  	[tilespmem:s5+$0xFFFFFFA0] =	vst v62  }
0x1b7: {  	[tilespmem:s5+$0xFFFFFFB0] =	vst v60  }
0x1b8: {  	[tilespmem:s5+$0xFFFFFFC0] =	vst v6  }
0x1b9: {  	[tilespmem:s5+$0xFFFFFF90] =	vst v63  }
0x1ba: {  	[tilespmem:s5+$0xFFFFFFD0] =	vst v5  }
0x1bb: {  	s1 =	simm.s32 $0xAB00;
	v5 =	vld [tilespmem:s29+$0x30]  }
0x1bc: {  	s3 =	simm.s32 $0xC00;
	s4 =	simm.s32 $0x5B00;
	s14 =	simm.s32 $0x0;
	v6 =	vld [tilespmem:s29+$0x20]  }
.LBB2_11:
0x1bd: {  	s14 =	sadd.s32 $0x2, s14;
	v7 =	vld [tilespmem:s29+$0x10];
	s5 =	sadd.s32 $0x100, s5;
	s4 =	sadd.s32 $0x100, s4  }
0x1be: {  	p0 =	slt.u32 s14, $0x4E;
	v8 =	vld [tilespmem:s0+$0x30]  }
0x1bf: {  	v9 =	vld [tilespmem:s0+$0x20]  }
0x1c0: {  	v10 =	vld [tilespmem:s0+$0x0]  }
0x1c1: {  	v11 =	vld [tilespmem:s0+$0x10];
	s0 =	smov.u32 s3  }
0x1c2: {  	v12 =	vld [tilespmem:s29+$0x0];
	s29 =	smov.u32 s4  }
0x1c3: {  	[tilespmem:s1+$0x30] =	vst v8  }
0x1c4: {  	[tilespmem:s1+$0x70] =	vst v5  }
0x1c5: {  	[tilespmem:s1+$0x60] =	vst v6  }
0x1c6: {  	[tilespmem:s1+$0x10] =	vst v11  }
0x1c7: {  	[tilespmem:s1+$0x40] =	vst v12  }
0x1c8: {  	[tilespmem:s1+$0x50] =	vst v7  }
0x1c9: {  	[tilespmem:s1+$0x20] =	vst v9  }
0x1ca: {  	[tilespmem:s1+$0x0] =	vst v10;
	s1 =	smov.u32 s5  }
0x1cb: {  	v5 =	vld [tilespmem:s4+$0xFFFFFF90]  }
0x1cc: {  	v6 =	vld [tilespmem:s4+$0xFFFFFF80]  }
0x1cd: {  	v7 =	vld [tilespmem:s4+$0xFFFFFFB0]  }
0x1ce: {  	v8 =	vld [tilespmem:s4+$0xFFFFFFA0]  }
0x1cf: {  	v9 =	vld [tilespmem:s3+$0xFFFFFFB0]  }
0x1d0: {  	v10 =	vld [tilespmem:s3+$0xFFFFFF80]  }
0x1d1: {  	v11 =	vld [tilespmem:s3+$0xFFFFFFA0]  }
0x1d2: {  	v12 =	vld [tilespmem:s3+$0xFFFFFF90]  }
0x1d3: {  	[tilespmem:s5+$0xFFFFFFF0] =	vst v7  }
0x1d4: {  	[tilespmem:s5+$0xFFFFFFE0] =	vst v8  }
0x1d5: {  	[tilespmem:s5+$0xFFFFFF80] =	vst v10  }
0x1d6: {  	[tilespmem:s5+$0xFFFFFFA0] =	vst v11  }
0x1d7: {  	[tilespmem:s5+$0xFFFFFFB0] =	vst v9  }
.Ltmp4:
0x1d8: {  	[tilespmem:s5+$0xFFFFFFC0] =	vst v6;
	(pc) =	sbr.rel @p0 .LBB2_11-.Ltmp4, $4  }
0x1d9: {  	[tilespmem:s5+$0xFFFFFF90] =	vst v12  }
0x1da: {  	[tilespmem:s5+$0xFFFFFFD0] =	vst v5  }
0x1db: {  	v5 =	vld [tilespmem:s4+$0x30]  }
0x1dc: {  	s3 =	sadd.s32 $0x100, s3;
	v6 =	vld [tilespmem:s4+$0x20]  }
0x1dd: {  	v7 =	vld [tilespmem:s29+$0x10]  }
0x1de: {  	v8 =	vld [tilespmem:s0+$0x30]  }
0x1df: {  	v9 =	vld [tilespmem:s0+$0x20]  }
0x1e0: {  	v11 =	vld [tilespmem:s0+$0x10]  }
0x1e1: {  	v12 =	vld [tilespmem:s29+$0x0]  }
0x1e2: {  	v10 =	vld [tilespmem:s0+$0x0];
	[tilespmem:s1+$0x70] =	vst v5  }
0x1e3: {  	[tilespmem:s1+$0x60] =	vst v6  }
0x1e4: {  	[tilespmem:s1+$0x30] =	vst v8  }
0x1e5: {  	[tilespmem:s1+$0x10] =	vst v11  }
0x1e6: {  	[tilespmem:s1+$0x40] =	vst v12  }
0x1e7: {  	[tilespmem:s1+$0x50] =	vst v7  }
0x1e8: {  	[tilespmem:s1+$0x20] =	vst v9  }
0x1e9: {  	[tilespmem:s1+$0x0] =	vst v10  }
0x1ea: {  	v5 =	vld [tilespmem:$0x840];
	_ =	sdelay $0x4  }
0x1eb: {  	[tilespmem:v0+s23+$0x0] =	vst.idx.msk $0xffff, v5  }
0x1ec: {  	v5 =	vld [tilespmem:$0x850];
	_ =	sdelay $0x4  }
0x1ed: {  	[tilespmem:v1+s23+$0x0] =	vst.idx.msk $0xffff, v5  }
0x1ee: {  	v5 =	vld [tilespmem:$0x860];
	_ =	sdelay $0x4  }
0x1ef: {  	[tilespmem:v2+s23+$0x0] =	vst.idx.msk $0xffff, v5  }
0x1f0: {  	v5 =	vld [tilespmem:$0x870];
	_ =	sdelay $0x4  }
0x1f1: {  	[tilespmem:v3+s23+$0x0] =	vst.idx.msk $0xffff, v5  }
0x1f2: {  	v5 =	vld [tilespmem:$0x880];
	_ =	sdelay $0x4  }
0x1f3: {  	s3 =	sadd.s32 $0x2800, s28;
	[tilespmem:v4+s23+$0x0] =	vst.idx.msk $0xffff, v5  }
0x1f4: {  	[hbm4b:s3+s24] =	stream.strided.scatter [tilespmem:s26], [sflag:$0x3], $0x2800, s25, s24, $0x38;
	[tilespmem:$0x14A80] =	vst v63  }
0x1f5: {  	s4 =	sadd.s32 $0x2880, s28  }
0x1f6: {  	[hbm4b:s4+s24] =	stream.strided.scatter [tilespmem:s23], [sflag:$0x3], $0x2800, s25, s24, $0x38;
	[tilespmem:$0x14A80] =	vst v63  }
0x1f7: {  	s5 =	simm.s32 $0x1E0  }
0x1f8: {  	[tilespmem:s16], [sflag:$0x1] =	stream.indirect.gather [hbm4b:s6+s15], $0x80, s5, s15, $0xb8;
	[tilespmem:$0x14A80] =	vst v63  }
0x1f9: {  	s14 =	simm.s32 $0x560  }
0x1fa: {  	[tilespmem:s17], [sflag:$0x2] =	stream.indirect.gather [hbm4b:s7+s15], $0x80, s14, s15, $0xb8;
	[tilespmem:$0x14A80] =	vst v63  }
0x1fb: {  	_ =	swait.ge [sflag:s11], $0x2800  }
0x1fc: {  	[sflag:s11] =	ssyncset.done $0x0  }
0x1fd: {  	[sflag:s11] =	ssyncadd.s32 $0xFFFFD800  }
0x1fe: {  	_ =	swait.ge [sflag:s11], $0x2800  }
0x1ff: {  	[sflag:s11] =	ssyncset.done $0x0  }
0x200: {  	[sflag:s11] =	ssyncadd.s32 $0xFFFFD800  }
0x201: {  	_ =	swait.ge [sflag:s21], $0x2800  }
0x202: {  	[sflag:s21] =	ssyncset.done $0x0  }
0x203: {  	[sflag:s21] =	ssyncadd.s32 $0xFFFFD800  }
0x204: {  	_ =	swait.ge [sflag:s22], $0x2800  }
0x205: {  	[sflag:s22] =	ssyncset.done $0x0  }
0x206: {  	s29 =	simm.s32 $0x8300;
	[sflag:s22] =	ssyncadd.s32 $0xFFFFD800  }
0x207: {  	v5 =	vld [tilespmem:s29+$0xFFFFFF90]  }
0x208: {  	v6 =	vld [tilespmem:s29+$0xFFFFFF80]  }
0x209: {  	v7 =	vld [tilespmem:s29+$0xFFFFFFB0]  }
0x20a: {  	s0 =	simm.s32 $0x3300;
	v8 =	vld [tilespmem:s29+$0xFFFFFFA0]  }
0x20b: {  	v61 =	vld [tilespmem:s0+$0xFFFFFF80]  }
0x20c: {  	v62 =	vld [tilespmem:s0+$0xFFFFFFA0]  }
0x20d: {  	s5 =	simm.s32 $0xD300;
	v60 =	vld [tilespmem:s0+$0xFFFFFFB0]  }
0x20e: {  	v63 =	vld [tilespmem:s0+$0xFFFFFF90];
	[tilespmem:s5+$0xFFFFFFF0] =	vst v7  }
0x20f: {  	[tilespmem:s5+$0xFFFFFFE0] =	vst v8  }
0x210: {  	[tilespmem:s5+$0xFFFFFF80] =	vst v61  }
0x211: {  	[tilespmem:s5+$0xFFFFFFA0] =	vst v62  }
0x212: {  	[tilespmem:s5+$0xFFFFFFB0] =	vst v60  }
0x213: {  	[tilespmem:s5+$0xFFFFFFC0] =	vst v6  }
0x214: {  	[tilespmem:s5+$0xFFFFFF90] =	vst v63  }
0x215: {  	[tilespmem:s5+$0xFFFFFFD0] =	vst v5  }
0x216: {  	s1 =	simm.s32 $0xD300;
	v5 =	vld [tilespmem:s29+$0x30]  }
0x217: {  	s3 =	simm.s32 $0x3400;
	s4 =	simm.s32 $0x8300;
	s14 =	simm.s32 $0x0;
	v6 =	vld [tilespmem:s29+$0x20]  }
.LBB2_13:
0x218: {  	s14 =	sadd.s32 $0x2, s14;
	v7 =	vld [tilespmem:s29+$0x10];
	s5 =	sadd.s32 $0x100, s5;
	s4 =	sadd.s32 $0x100, s4  }
0x219: {  	p0 =	slt.u32 s14, $0x4E;
	v8 =	vld [tilespmem:s0+$0x30]  }
0x21a: {  	v9 =	vld [tilespmem:s0+$0x20]  }
0x21b: {  	v10 =	vld [tilespmem:s0+$0x0]  }
0x21c: {  	v11 =	vld [tilespmem:s0+$0x10];
	s0 =	smov.u32 s3  }
0x21d: {  	v12 =	vld [tilespmem:s29+$0x0];
	s29 =	smov.u32 s4  }
0x21e: {  	[tilespmem:s1+$0x30] =	vst v8  }
0x21f: {  	[tilespmem:s1+$0x70] =	vst v5  }
0x220: {  	[tilespmem:s1+$0x60] =	vst v6  }
0x221: {  	[tilespmem:s1+$0x10] =	vst v11  }
0x222: {  	[tilespmem:s1+$0x40] =	vst v12  }
0x223: {  	[tilespmem:s1+$0x50] =	vst v7  }
0x224: {  	[tilespmem:s1+$0x20] =	vst v9  }
0x225: {  	[tilespmem:s1+$0x0] =	vst v10;
	s1 =	smov.u32 s5  }
0x226: {  	v5 =	vld [tilespmem:s4+$0xFFFFFF90]  }
0x227: {  	v6 =	vld [tilespmem:s4+$0xFFFFFF80]  }
0x228: {  	v7 =	vld [tilespmem:s4+$0xFFFFFFB0]  }
0x229: {  	v8 =	vld [tilespmem:s4+$0xFFFFFFA0]  }
0x22a: {  	v9 =	vld [tilespmem:s3+$0xFFFFFFB0]  }
0x22b: {  	v10 =	vld [tilespmem:s3+$0xFFFFFF80]  }
0x22c: {  	v11 =	vld [tilespmem:s3+$0xFFFFFFA0]  }
0x22d: {  	v12 =	vld [tilespmem:s3+$0xFFFFFF90]  }
0x22e: {  	[tilespmem:s5+$0xFFFFFFF0] =	vst v7  }
0x22f: {  	[tilespmem:s5+$0xFFFFFFE0] =	vst v8  }
0x230: {  	[tilespmem:s5+$0xFFFFFF80] =	vst v10  }
0x231: {  	[tilespmem:s5+$0xFFFFFFA0] =	vst v11  }
0x232: {  	[tilespmem:s5+$0xFFFFFFB0] =	vst v9  }
.Ltmp5:
0x233: {  	[tilespmem:s5+$0xFFFFFFC0] =	vst v6;
	(pc) =	sbr.rel @p0 .LBB2_13-.Ltmp5, $4  }
0x234: {  	[tilespmem:s5+$0xFFFFFF90] =	vst v12  }
0x235: {  	[tilespmem:s5+$0xFFFFFFD0] =	vst v5  }
0x236: {  	v5 =	vld [tilespmem:s4+$0x30]  }
0x237: {  	s3 =	sadd.s32 $0x100, s3;
	v6 =	vld [tilespmem:s4+$0x20]  }
0x238: {  	v7 =	vld [tilespmem:s29+$0x10]  }
0x239: {  	v8 =	vld [tilespmem:s0+$0x30]  }
0x23a: {  	v9 =	vld [tilespmem:s0+$0x20]  }
0x23b: {  	v11 =	vld [tilespmem:s0+$0x10]  }
0x23c: {  	v12 =	vld [tilespmem:s29+$0x0]  }
0x23d: {  	v10 =	vld [tilespmem:s0+$0x0];
	[tilespmem:s1+$0x70] =	vst v5  }
0x23e: {  	[tilespmem:s1+$0x60] =	vst v6  }
0x23f: {  	[tilespmem:s1+$0x30] =	vst v8  }
0x240: {  	[tilespmem:s1+$0x10] =	vst v11  }
0x241: {  	[tilespmem:s1+$0x40] =	vst v12  }
0x242: {  	[tilespmem:s1+$0x50] =	vst v7  }
0x243: {  	[tilespmem:s1+$0x20] =	vst v9  }
0x244: {  	[tilespmem:s1+$0x0] =	vst v10  }
0x245: {  	v5 =	vld [tilespmem:$0x890];
	_ =	sdelay $0x4  }
0x246: {  	[tilespmem:v0+s30+$0x0] =	vst.idx.msk $0xffff, v5  }
0x247: {  	v5 =	vld [tilespmem:$0x8A0];
	_ =	sdelay $0x4  }
0x248: {  	[tilespmem:v1+s30+$0x0] =	vst.idx.msk $0xffff, v5  }
0x249: {  	v5 =	vld [tilespmem:$0x8B0];
	_ =	sdelay $0x4  }
0x24a: {  	[tilespmem:v2+s30+$0x0] =	vst.idx.msk $0xffff, v5  }
0x24b: {  	v5 =	vld [tilespmem:$0x8C0];
	_ =	sdelay $0x4  }
0x24c: {  	[tilespmem:v3+s30+$0x0] =	vst.idx.msk $0xffff, v5  }
0x24d: {  	v5 =	vld [tilespmem:$0x8D0];
	_ =	sdelay $0x4  }
0x24e: {  	s3 =	sadd.s32 $0x3200, s28;
	[tilespmem:v4+s30+$0x0] =	vst.idx.msk $0xffff, v5  }
0x24f: {  	[hbm4b:s3+s24] =	stream.strided.scatter [tilespmem:s31], [sflag:$0x3], $0x2800, s25, s24, $0x38;
	[tilespmem:$0x14A80] =	vst v63  }
0x250: {  	s4 =	sadd.s32 $0x3280, s28  }
0x251: {  	[hbm4b:s4+s24] =	stream.strided.scatter [tilespmem:s30], [sflag:$0x3], $0x2800, s25, s24, $0x38;
	[tilespmem:$0x14A80] =	vst v63  }
0x252: {  	s5 =	simm.s32 $0x230  }
0x253: {  	[tilespmem:s18], [sflag:$0x1] =	stream.indirect.gather [hbm4b:s6+s15], $0x80, s5, s15, $0xb8;
	[tilespmem:$0x14A80] =	vst v63  }
0x254: {  	s14 =	simm.s32 $0x5B0  }
0x255: {  	[tilespmem:s20], [sflag:$0x2] =	stream.indirect.gather [hbm4b:s7+s15], $0x80, s14, s15, $0xb8;
	[tilespmem:$0x14A80] =	vst v63  }
0x256: {  	_ =	swait.ge [sflag:s11], $0x2800  }
0x257: {  	[sflag:s11] =	ssyncset.done $0x0  }
0x258: {  	[sflag:s11] =	ssyncadd.s32 $0xFFFFD800  }
0x259: {  	_ =	swait.ge [sflag:s11], $0x2800  }
0x25a: {  	[sflag:s11] =	ssyncset.done $0x0  }
0x25b: {  	[sflag:s11] =	ssyncadd.s32 $0xFFFFD800  }
0x25c: {  	_ =	swait.ge [sflag:s21], $0x2800  }
0x25d: {  	[sflag:s21] =	ssyncset.done $0x0  }
0x25e: {  	[sflag:s21] =	ssyncadd.s32 $0xFFFFD800  }
0x25f: {  	_ =	swait.ge [sflag:s22], $0x2800  }
0x260: {  	[sflag:s22] =	ssyncset.done $0x0  }
0x261: {  	s29 =	simm.s32 $0x5B00;
	[sflag:s22] =	ssyncadd.s32 $0xFFFFD800  }
0x262: {  	v5 =	vld [tilespmem:s29+$0xFFFFFF90]  }
0x263: {  	v6 =	vld [tilespmem:s29+$0xFFFFFF80]  }
0x264: {  	v7 =	vld [tilespmem:s29+$0xFFFFFFB0]  }
0x265: {  	s0 =	simm.s32 $0xB00;
	v8 =	vld [tilespmem:s29+$0xFFFFFFA0]  }
0x266: {  	v61 =	vld [tilespmem:s0+$0xFFFFFF80]  }
0x267: {  	v62 =	vld [tilespmem:s0+$0xFFFFFFA0]  }
0x268: {  	s5 =	simm.s32 $0xAB00;
	v60 =	vld [tilespmem:s0+$0xFFFFFFB0]  }
0x269: {  	v63 =	vld [tilespmem:s0+$0xFFFFFF90];
	[tilespmem:s5+$0xFFFFFFF0] =	vst v7  }
0x26a: {  	[tilespmem:s5+$0xFFFFFFE0] =	vst v8  }
0x26b: {  	[tilespmem:s5+$0xFFFFFF80] =	vst v61  }
0x26c: {  	[tilespmem:s5+$0xFFFFFFA0] =	vst v62  }
0x26d: {  	[tilespmem:s5+$0xFFFFFFB0] =	vst v60  }
0x26e: {  	[tilespmem:s5+$0xFFFFFFC0] =	vst v6  }
0x26f: {  	[tilespmem:s5+$0xFFFFFF90] =	vst v63  }
0x270: {  	[tilespmem:s5+$0xFFFFFFD0] =	vst v5  }
0x271: {  	s1 =	simm.s32 $0xAB00;
	v5 =	vld [tilespmem:s29+$0x30]  }
0x272: {  	s3 =	simm.s32 $0xC00;
	s4 =	simm.s32 $0x5B00;
	s14 =	simm.s32 $0x0;
	v6 =	vld [tilespmem:s29+$0x20]  }
.LBB2_15:
0x273: {  	s14 =	sadd.s32 $0x2, s14;
	v7 =	vld [tilespmem:s29+$0x10];
	s5 =	sadd.s32 $0x100, s5;
	s4 =	sadd.s32 $0x100, s4  }
0x274: {  	p0 =	slt.u32 s14, $0x4E;
	v8 =	vld [tilespmem:s0+$0x30]  }
0x275: {  	v9 =	vld [tilespmem:s0+$0x20]  }
0x276: {  	v10 =	vld [tilespmem:s0+$0x0]  }
0x277: {  	v11 =	vld [tilespmem:s0+$0x10];
	s0 =	smov.u32 s3  }
0x278: {  	v12 =	vld [tilespmem:s29+$0x0];
	s29 =	smov.u32 s4  }
0x279: {  	[tilespmem:s1+$0x30] =	vst v8  }
0x27a: {  	[tilespmem:s1+$0x70] =	vst v5  }
0x27b: {  	[tilespmem:s1+$0x60] =	vst v6  }
0x27c: {  	[tilespmem:s1+$0x10] =	vst v11  }
0x27d: {  	[tilespmem:s1+$0x40] =	vst v12  }
0x27e: {  	[tilespmem:s1+$0x50] =	vst v7  }
0x27f: {  	[tilespmem:s1+$0x20] =	vst v9  }
0x280: {  	[tilespmem:s1+$0x0] =	vst v10;
	s1 =	smov.u32 s5  }
0x281: {  	v5 =	vld [tilespmem:s4+$0xFFFFFF90]  }
0x282: {  	v6 =	vld [tilespmem:s4+$0xFFFFFF80]  }
0x283: {  	v7 =	vld [tilespmem:s4+$0xFFFFFFB0]  }
0x284: {  	v8 =	vld [tilespmem:s4+$0xFFFFFFA0]  }
0x285: {  	v9 =	vld [tilespmem:s3+$0xFFFFFFB0]  }
0x286: {  	v10 =	vld [tilespmem:s3+$0xFFFFFF80]  }
0x287: {  	v11 =	vld [tilespmem:s3+$0xFFFFFFA0]  }
0x288: {  	v12 =	vld [tilespmem:s3+$0xFFFFFF90]  }
0x289: {  	[tilespmem:s5+$0xFFFFFFF0] =	vst v7  }
0x28a: {  	[tilespmem:s5+$0xFFFFFFE0] =	vst v8  }
0x28b: {  	[tilespmem:s5+$0xFFFFFF80] =	vst v10  }
0x28c: {  	[tilespmem:s5+$0xFFFFFFA0] =	vst v11  }
0x28d: {  	[tilespmem:s5+$0xFFFFFFB0] =	vst v9  }
.Ltmp6:
0x28e: {  	[tilespmem:s5+$0xFFFFFFC0] =	vst v6;
	(pc) =	sbr.rel @p0 .LBB2_15-.Ltmp6, $4  }
0x28f: {  	[tilespmem:s5+$0xFFFFFF90] =	vst v12  }
0x290: {  	[tilespmem:s5+$0xFFFFFFD0] =	vst v5  }
0x291: {  	v5 =	vld [tilespmem:s4+$0x30]  }
0x292: {  	s3 =	sadd.s32 $0x100, s3;
	v6 =	vld [tilespmem:s4+$0x20]  }
0x293: {  	v7 =	vld [tilespmem:s29+$0x10]  }
0x294: {  	v8 =	vld [tilespmem:s0+$0x30]  }
0x295: {  	v9 =	vld [tilespmem:s0+$0x20]  }
0x296: {  	v11 =	vld [tilespmem:s0+$0x10]  }
0x297: {  	v12 =	vld [tilespmem:s29+$0x0]  }
0x298: {  	v10 =	vld [tilespmem:s0+$0x0];
	[tilespmem:s1+$0x70] =	vst v5  }
0x299: {  	[tilespmem:s1+$0x60] =	vst v6  }
0x29a: {  	[tilespmem:s1+$0x30] =	vst v8  }
0x29b: {  	[tilespmem:s1+$0x10] =	vst v11  }
0x29c: {  	[tilespmem:s1+$0x40] =	vst v12  }
0x29d: {  	[tilespmem:s1+$0x50] =	vst v7  }
0x29e: {  	[tilespmem:s1+$0x20] =	vst v9  }
0x29f: {  	[tilespmem:s1+$0x0] =	vst v10  }
0x2a0: {  	v5 =	vld [tilespmem:$0x8E0];
	_ =	sdelay $0x4  }
0x2a1: {  	[tilespmem:v0+s23+$0x0] =	vst.idx.msk $0xffff, v5  }
0x2a2: {  	v5 =	vld [tilespmem:$0x8F0];
	_ =	sdelay $0x4  }
0x2a3: {  	[tilespmem:v1+s23+$0x0] =	vst.idx.msk $0xffff, v5  }
0x2a4: {  	v5 =	vld [tilespmem:$0x900];
	_ =	sdelay $0x4  }
0x2a5: {  	[tilespmem:v2+s23+$0x0] =	vst.idx.msk $0xffff, v5  }
0x2a6: {  	v5 =	vld [tilespmem:$0x910];
	_ =	sdelay $0x4  }
0x2a7: {  	[tilespmem:v3+s23+$0x0] =	vst.idx.msk $0xffff, v5  }
0x2a8: {  	v5 =	vld [tilespmem:$0x920];
	_ =	sdelay $0x4  }
0x2a9: {  	s3 =	sadd.s32 $0x3C00, s28;
	[tilespmem:v4+s23+$0x0] =	vst.idx.msk $0xffff, v5  }
0x2aa: {  	[hbm4b:s3+s24] =	stream.strided.scatter [tilespmem:s26], [sflag:$0x3], $0x2800, s25, s24, $0x38;
	[tilespmem:$0x14A80] =	vst v63  }
0x2ab: {  	s4 =	sadd.s32 $0x3C80, s28  }
0x2ac: {  	[hbm4b:s4+s24] =	stream.strided.scatter [tilespmem:s23], [sflag:$0x3], $0x2800, s25, s24, $0x38;
	[tilespmem:$0x14A80] =	vst v63  }
0x2ad: {  	s5 =	simm.s32 $0x280  }
0x2ae: {  	[tilespmem:s16], [sflag:$0x1] =	stream.indirect.gather [hbm4b:s6+s15], $0x80, s5, s15, $0xb8;
	[tilespmem:$0x14A80] =	vst v63  }
0x2af: {  	s14 =	simm.s32 $0x600  }
0x2b0: {  	[tilespmem:s17], [sflag:$0x2] =	stream.indirect.gather [hbm4b:s7+s15], $0x80, s14, s15, $0xb8;
	[tilespmem:$0x14A80] =	vst v63  }
0x2b1: {  	_ =	swait.ge [sflag:s11], $0x2800  }
0x2b2: {  	[sflag:s11] =	ssyncset.done $0x0  }
0x2b3: {  	[sflag:s11] =	ssyncadd.s32 $0xFFFFD800  }
0x2b4: {  	_ =	swait.ge [sflag:s11], $0x2800  }
0x2b5: {  	[sflag:s11] =	ssyncset.done $0x0  }
0x2b6: {  	[sflag:s11] =	ssyncadd.s32 $0xFFFFD800  }
0x2b7: {  	_ =	swait.ge [sflag:s21], $0x2800  }
0x2b8: {  	[sflag:s21] =	ssyncset.done $0x0  }
0x2b9: {  	[sflag:s21] =	ssyncadd.s32 $0xFFFFD800  }
0x2ba: {  	_ =	swait.ge [sflag:s22], $0x2800  }
0x2bb: {  	[sflag:s22] =	ssyncset.done $0x0  }
0x2bc: {  	s29 =	simm.s32 $0x8300;
	[sflag:s22] =	ssyncadd.s32 $0xFFFFD800  }
0x2bd: {  	v5 =	vld [tilespmem:s29+$0xFFFFFF90]  }
0x2be: {  	v6 =	vld [tilespmem:s29+$0xFFFFFF80]  }
0x2bf: {  	v7 =	vld [tilespmem:s29+$0xFFFFFFB0]  }
0x2c0: {  	s0 =	simm.s32 $0x3300;
	v8 =	vld [tilespmem:s29+$0xFFFFFFA0]  }
0x2c1: {  	v61 =	vld [tilespmem:s0+$0xFFFFFF80]  }
0x2c2: {  	v62 =	vld [tilespmem:s0+$0xFFFFFFA0]  }
0x2c3: {  	s5 =	simm.s32 $0xD300;
	v60 =	vld [tilespmem:s0+$0xFFFFFFB0]  }
0x2c4: {  	v63 =	vld [tilespmem:s0+$0xFFFFFF90];
	[tilespmem:s5+$0xFFFFFFF0] =	vst v7  }
0x2c5: {  	[tilespmem:s5+$0xFFFFFFE0] =	vst v8  }
0x2c6: {  	[tilespmem:s5+$0xFFFFFF80] =	vst v61  }
0x2c7: {  	[tilespmem:s5+$0xFFFFFFA0] =	vst v62  }
0x2c8: {  	[tilespmem:s5+$0xFFFFFFB0] =	vst v60  }
0x2c9: {  	[tilespmem:s5+$0xFFFFFFC0] =	vst v6  }
0x2ca: {  	[tilespmem:s5+$0xFFFFFF90] =	vst v63  }
0x2cb: {  	[tilespmem:s5+$0xFFFFFFD0] =	vst v5  }
0x2cc: {  	s1 =	simm.s32 $0xD300;
	v5 =	vld [tilespmem:s29+$0x30]  }
0x2cd: {  	s3 =	simm.s32 $0x3400;
	s4 =	simm.s32 $0x8300;
	s14 =	simm.s32 $0x0;
	v6 =	vld [tilespmem:s29+$0x20]  }
.LBB2_17:
0x2ce: {  	s14 =	sadd.s32 $0x2, s14;
	v7 =	vld [tilespmem:s29+$0x10];
	s5 =	sadd.s32 $0x100, s5;
	s4 =	sadd.s32 $0x100, s4  }
0x2cf: {  	p0 =	slt.u32 s14, $0x4E;
	v8 =	vld [tilespmem:s0+$0x30]  }
0x2d0: {  	v9 =	vld [tilespmem:s0+$0x20]  }
0x2d1: {  	v10 =	vld [tilespmem:s0+$0x0]  }
0x2d2: {  	v11 =	vld [tilespmem:s0+$0x10];
	s0 =	smov.u32 s3  }
0x2d3: {  	v12 =	vld [tilespmem:s29+$0x0];
	s29 =	smov.u32 s4  }
0x2d4: {  	[tilespmem:s1+$0x30] =	vst v8  }
0x2d5: {  	[tilespmem:s1+$0x70] =	vst v5  }
0x2d6: {  	[tilespmem:s1+$0x60] =	vst v6  }
0x2d7: {  	[tilespmem:s1+$0x10] =	vst v11  }
0x2d8: {  	[tilespmem:s1+$0x40] =	vst v12  }
0x2d9: {  	[tilespmem:s1+$0x50] =	vst v7  }
0x2da: {  	[tilespmem:s1+$0x20] =	vst v9  }
0x2db: {  	[tilespmem:s1+$0x0] =	vst v10;
	s1 =	smov.u32 s5  }
0x2dc: {  	v5 =	vld [tilespmem:s4+$0xFFFFFF90]  }
0x2dd: {  	v6 =	vld [tilespmem:s4+$0xFFFFFF80]  }
0x2de: {  	v7 =	vld [tilespmem:s4+$0xFFFFFFB0]  }
0x2df: {  	v8 =	vld [tilespmem:s4+$0xFFFFFFA0]  }
0x2e0: {  	v9 =	vld [tilespmem:s3+$0xFFFFFFB0]  }
0x2e1: {  	v10 =	vld [tilespmem:s3+$0xFFFFFF80]  }
0x2e2: {  	v11 =	vld [tilespmem:s3+$0xFFFFFFA0]  }
0x2e3: {  	v12 =	vld [tilespmem:s3+$0xFFFFFF90]  }
0x2e4: {  	[tilespmem:s5+$0xFFFFFFF0] =	vst v7  }
0x2e5: {  	[tilespmem:s5+$0xFFFFFFE0] =	vst v8  }
0x2e6: {  	[tilespmem:s5+$0xFFFFFF80] =	vst v10  }
0x2e7: {  	[tilespmem:s5+$0xFFFFFFA0] =	vst v11  }
0x2e8: {  	[tilespmem:s5+$0xFFFFFFB0] =	vst v9  }
.Ltmp7:
0x2e9: {  	[tilespmem:s5+$0xFFFFFFC0] =	vst v6;
	(pc) =	sbr.rel @p0 .LBB2_17-.Ltmp7, $4  }
0x2ea: {  	[tilespmem:s5+$0xFFFFFF90] =	vst v12  }
0x2eb: {  	[tilespmem:s5+$0xFFFFFFD0] =	vst v5  }
0x2ec: {  	v5 =	vld [tilespmem:s4+$0x30]  }
0x2ed: {  	s3 =	sadd.s32 $0x100, s3;
	v6 =	vld [tilespmem:s4+$0x20]  }
0x2ee: {  	v7 =	vld [tilespmem:s29+$0x10]  }
0x2ef: {  	v8 =	vld [tilespmem:s0+$0x30]  }
0x2f0: {  	v9 =	vld [tilespmem:s0+$0x20]  }
0x2f1: {  	v11 =	vld [tilespmem:s0+$0x10]  }
0x2f2: {  	v12 =	vld [tilespmem:s29+$0x0]  }
0x2f3: {  	v10 =	vld [tilespmem:s0+$0x0];
	[tilespmem:s1+$0x70] =	vst v5  }
0x2f4: {  	[tilespmem:s1+$0x60] =	vst v6  }
0x2f5: {  	[tilespmem:s1+$0x30] =	vst v8  }
0x2f6: {  	[tilespmem:s1+$0x10] =	vst v11  }
0x2f7: {  	[tilespmem:s1+$0x40] =	vst v12  }
0x2f8: {  	[tilespmem:s1+$0x50] =	vst v7  }
0x2f9: {  	[tilespmem:s1+$0x20] =	vst v9  }
0x2fa: {  	[tilespmem:s1+$0x0] =	vst v10  }
0x2fb: {  	v5 =	vld [tilespmem:$0x930];
	_ =	sdelay $0x4  }
0x2fc: {  	[tilespmem:v0+s30+$0x0] =	vst.idx.msk $0xffff, v5  }
0x2fd: {  	v5 =	vld [tilespmem:$0x940];
	_ =	sdelay $0x4  }
0x2fe: {  	[tilespmem:v1+s30+$0x0] =	vst.idx.msk $0xffff, v5  }
0x2ff: {  	v5 =	vld [tilespmem:$0x950];
	_ =	sdelay $0x4  }
0x300: {  	[tilespmem:v2+s30+$0x0] =	vst.idx.msk $0xffff, v5  }
0x301: {  	v5 =	vld [tilespmem:$0x960];
	_ =	sdelay $0x4  }
0x302: {  	[tilespmem:v3+s30+$0x0] =	vst.idx.msk $0xffff, v5  }
0x303: {  	v5 =	vld [tilespmem:$0x970];
	_ =	sdelay $0x4  }
0x304: {  	s3 =	sadd.s32 $0x4600, s28;
	[tilespmem:v4+s30+$0x0] =	vst.idx.msk $0xffff, v5  }
0x305: {  	[hbm4b:s3+s24] =	stream.strided.scatter [tilespmem:s31], [sflag:$0x3], $0x1400, s25, s24, $0x38;
	[tilespmem:$0x14A80] =	vst v63  }
0x306: {  	s4 =	sadd.s32 $0x4680, s28  }
0x307: {  	[hbm4b:s4+s24] =	stream.strided.scatter [tilespmem:s30], [sflag:$0x3], $0x1400, s25, s24, $0x38;
	[tilespmem:$0x14A80] =	vst v63  }
0x308: {  	s5 =	sadd.s32 $0x4B00, s28;
	s14 =	simm.s32 $0xE680  }
0x309: {  	[hbm4b:s5+s24] =	stream.strided.scatter [tilespmem:s14], [sflag:$0x3], $0x1400, s25, s24, $0x38;
	[tilespmem:$0x14A80] =	vst v63  }
0x30a: {  	s3 =	sadd.s32 $0x4B80, s28;
	s4 =	simm.s32 $0x13680  }
0x30b: {  	[hbm4b:s3+s24] =	stream.strided.scatter [tilespmem:s4], [sflag:$0x3], $0x1400, s25, s24, $0x38;
	[tilespmem:$0x14A80] =	vst v63  }
0x30c: {  	s5 =	simm.s32 $0x2D0  }
0x30d: {  	[tilespmem:s18], [sflag:$0x1] =	stream.indirect.gather [hbm4b:s6+s15], $0x80, s5, s15, $0xb8;
	[tilespmem:$0x14A80] =	vst v63  }
0x30e: {  	s14 =	simm.s32 $0x650  }
0x30f: {  	[tilespmem:s20], [sflag:$0x2] =	stream.indirect.gather [hbm4b:s7+s15], $0x80, s14, s15, $0xb8;
	[tilespmem:$0x14A80] =	vst v63  }
0x310: {  	_ =	swait.ge [sflag:s11], $0x2800  }
0x311: {  	[sflag:s11] =	ssyncset.done $0x0  }
0x312: {  	[sflag:s11] =	ssyncadd.s32 $0xFFFFD800  }
0x313: {  	_ =	swait.ge [sflag:s11], $0x2800  }
0x314: {  	[sflag:s11] =	ssyncset.done $0x0  }
0x315: {  	[sflag:s11] =	ssyncadd.s32 $0xFFFFD800  }
0x316: {  	_ =	swait.ge [sflag:s21], $0x2800  }
0x317: {  	[sflag:s21] =	ssyncset.done $0x0  }
0x318: {  	[sflag:s21] =	ssyncadd.s32 $0xFFFFD800  }
0x319: {  	_ =	swait.ge [sflag:s22], $0x2800  }
0x31a: {  	[sflag:s22] =	ssyncset.done $0x0  }
0x31b: {  	s29 =	simm.s32 $0x5B00;
	[sflag:s22] =	ssyncadd.s32 $0xFFFFD800  }
0x31c: {  	v5 =	vld [tilespmem:s29+$0xFFFFFF90]  }
0x31d: {  	v6 =	vld [tilespmem:s29+$0xFFFFFF80]  }
0x31e: {  	v7 =	vld [tilespmem:s29+$0xFFFFFFB0]  }
0x31f: {  	s0 =	simm.s32 $0xB00;
	v8 =	vld [tilespmem:s29+$0xFFFFFFA0]  }
0x320: {  	v61 =	vld [tilespmem:s0+$0xFFFFFF80]  }
0x321: {  	v62 =	vld [tilespmem:s0+$0xFFFFFFA0]  }
0x322: {  	s5 =	simm.s32 $0xAB00;
	v60 =	vld [tilespmem:s0+$0xFFFFFFB0]  }
0x323: {  	v63 =	vld [tilespmem:s0+$0xFFFFFF90];
	[tilespmem:s5+$0xFFFFFFF0] =	vst v7  }
0x324: {  	[tilespmem:s5+$0xFFFFFFE0] =	vst v8  }
0x325: {  	[tilespmem:s5+$0xFFFFFF80] =	vst v61  }
0x326: {  	[tilespmem:s5+$0xFFFFFFA0] =	vst v62  }
0x327: {  	[tilespmem:s5+$0xFFFFFFB0] =	vst v60  }
0x328: {  	[tilespmem:s5+$0xFFFFFFC0] =	vst v6  }
0x329: {  	[tilespmem:s5+$0xFFFFFF90] =	vst v63  }
0x32a: {  	[tilespmem:s5+$0xFFFFFFD0] =	vst v5  }
0x32b: {  	s1 =	simm.s32 $0xAB00;
	v5 =	vld [tilespmem:s29+$0x30]  }
0x32c: {  	s3 =	simm.s32 $0xC00;
	s4 =	simm.s32 $0x5B00;
	s14 =	simm.s32 $0x0;
	v6 =	vld [tilespmem:s29+$0x20]  }
.LBB2_19:
0x32d: {  	s14 =	sadd.s32 $0x2, s14;
	v7 =	vld [tilespmem:s29+$0x10];
	s5 =	sadd.s32 $0x100, s5;
	s4 =	sadd.s32 $0x100, s4  }
0x32e: {  	p0 =	slt.u32 s14, $0x4E;
	v8 =	vld [tilespmem:s0+$0x30]  }
0x32f: {  	v9 =	vld [tilespmem:s0+$0x20]  }
0x330: {  	v10 =	vld [tilespmem:s0+$0x0]  }
0x331: {  	v11 =	vld [tilespmem:s0+$0x10];
	s0 =	smov.u32 s3  }
0x332: {  	v12 =	vld [tilespmem:s29+$0x0];
	s29 =	smov.u32 s4  }
0x333: {  	[tilespmem:s1+$0x30] =	vst v8  }
0x334: {  	[tilespmem:s1+$0x70] =	vst v5  }
0x335: {  	[tilespmem:s1+$0x60] =	vst v6  }
0x336: {  	[tilespmem:s1+$0x10] =	vst v11  }
0x337: {  	[tilespmem:s1+$0x40] =	vst v12  }
0x338: {  	[tilespmem:s1+$0x50] =	vst v7  }
0x339: {  	[tilespmem:s1+$0x20] =	vst v9  }
0x33a: {  	[tilespmem:s1+$0x0] =	vst v10;
	s1 =	smov.u32 s5  }
0x33b: {  	v5 =	vld [tilespmem:s4+$0xFFFFFF90]  }
0x33c: {  	v6 =	vld [tilespmem:s4+$0xFFFFFF80]  }
0x33d: {  	v7 =	vld [tilespmem:s4+$0xFFFFFFB0]  }
0x33e: {  	v8 =	vld [tilespmem:s4+$0xFFFFFFA0]  }
0x33f: {  	v9 =	vld [tilespmem:s3+$0xFFFFFFB0]  }
0x340: {  	v10 =	vld [tilespmem:s3+$0xFFFFFF80]  }
0x341: {  	v11 =	vld [tilespmem:s3+$0xFFFFFFA0]  }
0x342: {  	v12 =	vld [tilespmem:s3+$0xFFFFFF90]  }
0x343: {  	[tilespmem:s5+$0xFFFFFFF0] =	vst v7  }
0x344: {  	[tilespmem:s5+$0xFFFFFFE0] =	vst v8  }
0x345: {  	[tilespmem:s5+$0xFFFFFF80] =	vst v10  }
0x346: {  	[tilespmem:s5+$0xFFFFFFA0] =	vst v11  }
0x347: {  	[tilespmem:s5+$0xFFFFFFB0] =	vst v9  }
.Ltmp8:
0x348: {  	[tilespmem:s5+$0xFFFFFFC0] =	vst v6;
	(pc) =	sbr.rel @p0 .LBB2_19-.Ltmp8, $4  }
0x349: {  	[tilespmem:s5+$0xFFFFFF90] =	vst v12  }
0x34a: {  	[tilespmem:s5+$0xFFFFFFD0] =	vst v5  }
0x34b: {  	v5 =	vld [tilespmem:s4+$0x30]  }
0x34c: {  	s3 =	sadd.s32 $0x100, s3;
	v6 =	vld [tilespmem:s4+$0x20]  }
0x34d: {  	v7 =	vld [tilespmem:s29+$0x10]  }
0x34e: {  	v8 =	vld [tilespmem:s0+$0x30]  }
0x34f: {  	v9 =	vld [tilespmem:s0+$0x20]  }
0x350: {  	v11 =	vld [tilespmem:s0+$0x10]  }
0x351: {  	v12 =	vld [tilespmem:s29+$0x0]  }
0x352: {  	v10 =	vld [tilespmem:s0+$0x0];
	[tilespmem:s1+$0x70] =	vst v5  }
0x353: {  	[tilespmem:s1+$0x60] =	vst v6  }
0x354: {  	[tilespmem:s1+$0x30] =	vst v8  }
0x355: {  	[tilespmem:s1+$0x10] =	vst v11  }
0x356: {  	[tilespmem:s1+$0x40] =	vst v12  }
0x357: {  	[tilespmem:s1+$0x50] =	vst v7  }
0x358: {  	[tilespmem:s1+$0x20] =	vst v9  }
0x359: {  	[tilespmem:s1+$0x0] =	vst v10  }
0x35a: {  	v5 =	vld [tilespmem:$0x980];
	_ =	sdelay $0x4  }
0x35b: {  	[tilespmem:v0+s23+$0x0] =	vst.idx.msk $0xffff, v5  }
0x35c: {  	v5 =	vld [tilespmem:$0x990];
	_ =	sdelay $0x4  }
0x35d: {  	[tilespmem:v1+s23+$0x0] =	vst.idx.msk $0xffff, v5  }
0x35e: {  	v5 =	vld [tilespmem:$0x9A0];
	_ =	sdelay $0x4  }
0x35f: {  	[tilespmem:v2+s23+$0x0] =	vst.idx.msk $0xffff, v5  }
0x360: {  	v5 =	vld [tilespmem:$0x9B0];
	_ =	sdelay $0x4  }
0x361: {  	[tilespmem:v3+s23+$0x0] =	vst.idx.msk $0xffff, v5  }
0x362: {  	v5 =	vld [tilespmem:$0x9C0];
	_ =	sdelay $0x4  }
0x363: {  	s5 =	sadd.s32 $0x5000, s28;
	[tilespmem:v4+s23+$0x0] =	vst.idx.msk $0xffff, v5  }
0x364: {  	[hbm4b:s5+s24] =	stream.strided.scatter [tilespmem:s26], [sflag:$0x3], $0x2800, s25, s24, $0x38;
	[tilespmem:$0x14A80] =	vst v63  }
0x365: {  	s14 =	sadd.s32 $0x5080, s28  }
0x366: {  	[hbm4b:s14+s24] =	stream.strided.scatter [tilespmem:s23], [sflag:$0x3], $0x2800, s25, s24, $0x38;
	[tilespmem:$0x14A80] =	vst v63  }
0x367: {  	_ =	swait.ge [sflag:s11], $0x1400  }
0x368: {  	[sflag:s11] =	ssyncset.done $0x0  }
0x369: {  	[sflag:s11] =	ssyncadd.s32 $0xFFFFEC00  }
0x36a: {  	_ =	swait.ge [sflag:s11], $0x1400  }
0x36b: {  	[sflag:s11] =	ssyncset.done $0x0  }
0x36c: {  	[sflag:s11] =	ssyncadd.s32 $0xFFFFEC00  }
0x36d: {  	_ =	swait.ge [sflag:s11], $0x1400  }
0x36e: {  	[sflag:s11] =	ssyncset.done $0x0  }
0x36f: {  	[sflag:s11] =	ssyncadd.s32 $0xFFFFEC00  }
0x370: {  	_ =	swait.ge [sflag:s11], $0x1400  }
0x371: {  	[sflag:s11] =	ssyncset.done $0x0  }
0x372: {  	[sflag:s11] =	ssyncadd.s32 $0xFFFFEC00  }
0x373: {  	_ =	swait.ge [sflag:s21], $0x2800  }
0x374: {  	[sflag:s21] =	ssyncset.done $0x0  }
0x375: {  	[sflag:s21] =	ssyncadd.s32 $0xFFFFD800  }
0x376: {  	_ =	swait.ge [sflag:s22], $0x2800  }
0x377: {  	[sflag:s22] =	ssyncset.done $0x0  }
0x378: {  	s29 =	simm.s32 $0x8300;
	[sflag:s22] =	ssyncadd.s32 $0xFFFFD800  }
0x379: {  	v5 =	vld [tilespmem:s29+$0xFFFFFF90]  }
0x37a: {  	v6 =	vld [tilespmem:s29+$0xFFFFFF80]  }
0x37b: {  	v7 =	vld [tilespmem:s29+$0xFFFFFFB0]  }
0x37c: {  	s0 =	simm.s32 $0x3300;
	v8 =	vld [tilespmem:s29+$0xFFFFFFA0]  }
0x37d: {  	v61 =	vld [tilespmem:s0+$0xFFFFFF80]  }
0x37e: {  	v62 =	vld [tilespmem:s0+$0xFFFFFFA0]  }
0x37f: {  	s5 =	simm.s32 $0xD300;
	v60 =	vld [tilespmem:s0+$0xFFFFFFB0]  }
0x380: {  	v63 =	vld [tilespmem:s0+$0xFFFFFF90];
	[tilespmem:s5+$0xFFFFFFF0] =	vst v7  }
0x381: {  	[tilespmem:s5+$0xFFFFFFE0] =	vst v8  }
0x382: {  	[tilespmem:s5+$0xFFFFFF80] =	vst v61  }
0x383: {  	[tilespmem:s5+$0xFFFFFFA0] =	vst v62  }
0x384: {  	[tilespmem:s5+$0xFFFFFFB0] =	vst v60  }
0x385: {  	[tilespmem:s5+$0xFFFFFFC0] =	vst v6  }
0x386: {  	[tilespmem:s5+$0xFFFFFF90] =	vst v63  }
0x387: {  	[tilespmem:s5+$0xFFFFFFD0] =	vst v5  }
0x388: {  	s3 =	simm.s32 $0x3400;
	v5 =	vld [tilespmem:s29+$0x30]  }
0x389: {  	s4 =	simm.s32 $0x8300;
	s1 =	simm.s32 $0xD300;
	s14 =	simm.s32 $0x0;
	v6 =	vld [tilespmem:s29+$0x20]  }
.LBB2_21:
0x38a: {  	s14 =	sadd.s32 $0x2, s14;
	v7 =	vld [tilespmem:s29+$0x10];
	s5 =	sadd.s32 $0x100, s5;
	s4 =	sadd.s32 $0x100, s4  }
0x38b: {  	p0 =	slt.u32 s14, $0x4E;
	v8 =	vld [tilespmem:s0+$0x30]  }
0x38c: {  	v9 =	vld [tilespmem:s0+$0x20]  }
0x38d: {  	v10 =	vld [tilespmem:s0+$0x0]  }
0x38e: {  	v11 =	vld [tilespmem:s0+$0x10];
	s0 =	smov.u32 s3  }
0x38f: {  	v12 =	vld [tilespmem:s29+$0x0];
	s29 =	smov.u32 s4  }
0x390: {  	[tilespmem:s1+$0x30] =	vst v8  }
0x391: {  	[tilespmem:s1+$0x70] =	vst v5  }
0x392: {  	[tilespmem:s1+$0x60] =	vst v6  }
0x393: {  	[tilespmem:s1+$0x10] =	vst v11  }
0x394: {  	[tilespmem:s1+$0x40] =	vst v12  }
0x395: {  	[tilespmem:s1+$0x50] =	vst v7  }
0x396: {  	[tilespmem:s1+$0x20] =	vst v9  }
0x397: {  	[tilespmem:s1+$0x0] =	vst v10;
	s1 =	smov.u32 s5  }
0x398: {  	v5 =	vld [tilespmem:s4+$0xFFFFFF90]  }
0x399: {  	v6 =	vld [tilespmem:s4+$0xFFFFFF80]  }
0x39a: {  	v7 =	vld [tilespmem:s4+$0xFFFFFFB0]  }
0x39b: {  	v8 =	vld [tilespmem:s4+$0xFFFFFFA0]  }
0x39c: {  	v9 =	vld [tilespmem:s3+$0xFFFFFFB0]  }
0x39d: {  	v10 =	vld [tilespmem:s3+$0xFFFFFF80]  }
0x39e: {  	v11 =	vld [tilespmem:s3+$0xFFFFFFA0]  }
0x39f: {  	v12 =	vld [tilespmem:s3+$0xFFFFFF90]  }
0x3a0: {  	[tilespmem:s5+$0xFFFFFFF0] =	vst v7  }
0x3a1: {  	[tilespmem:s5+$0xFFFFFFE0] =	vst v8  }
0x3a2: {  	[tilespmem:s5+$0xFFFFFF80] =	vst v10  }
0x3a3: {  	[tilespmem:s5+$0xFFFFFFA0] =	vst v11  }
0x3a4: {  	[tilespmem:s5+$0xFFFFFFB0] =	vst v9  }
.Ltmp9:
0x3a5: {  	[tilespmem:s5+$0xFFFFFFC0] =	vst v6;
	(pc) =	sbr.rel @p0 .LBB2_21-.Ltmp9, $4  }
0x3a6: {  	[tilespmem:s5+$0xFFFFFF90] =	vst v12  }
0x3a7: {  	[tilespmem:s5+$0xFFFFFFD0] =	vst v5  }
0x3a8: {  	v5 =	vld [tilespmem:s4+$0x30]  }
0x3a9: {  	s3 =	sadd.s32 $0x100, s3;
	v6 =	vld [tilespmem:s4+$0x20]  }
0x3aa: {  	v7 =	vld [tilespmem:s29+$0x10]  }
0x3ab: {  	v8 =	vld [tilespmem:s0+$0x30]  }
0x3ac: {  	v9 =	vld [tilespmem:s0+$0x20]  }
0x3ad: {  	v11 =	vld [tilespmem:s0+$0x10]  }
0x3ae: {  	v12 =	vld [tilespmem:s29+$0x0]  }
0x3af: {  	v10 =	vld [tilespmem:s0+$0x0];
	[tilespmem:s1+$0x70] =	vst v5  }
0x3b0: {  	[tilespmem:s1+$0x60] =	vst v6  }
0x3b1: {  	[tilespmem:s1+$0x30] =	vst v8  }
0x3b2: {  	[tilespmem:s1+$0x10] =	vst v11  }
0x3b3: {  	[tilespmem:s1+$0x40] =	vst v12  }
0x3b4: {  	[tilespmem:s1+$0x50] =	vst v7  }
0x3b5: {  	[tilespmem:s1+$0x20] =	vst v9  }
0x3b6: {  	[tilespmem:s1+$0x0] =	vst v10  }
0x3b7: {  	v5 =	vld [tilespmem:$0x9D0];
	_ =	sdelay $0x4  }
0x3b8: {  	[tilespmem:v0+s30+$0x0] =	vst.idx.msk $0xffff, v5  }
0x3b9: {  	v5 =	vld [tilespmem:$0x9E0];
	_ =	sdelay $0x4  }
0x3ba: {  	[tilespmem:v1+s30+$0x0] =	vst.idx.msk $0xffff, v5  }
0x3bb: {  	v5 =	vld [tilespmem:$0x9F0];
	_ =	sdelay $0x4  }
0x3bc: {  	[tilespmem:v2+s30+$0x0] =	vst.idx.msk $0xffff, v5  }
0x3bd: {  	v5 =	vld [tilespmem:$0xA00];
	_ =	sdelay $0x4  }
0x3be: {  	[tilespmem:v3+s30+$0x0] =	vst.idx.msk $0xffff, v5  }
0x3bf: {  	v5 =	vld [tilespmem:$0xA10];
	_ =	sdelay $0x1  }
0x3c0: {  	s19 =	sadd.s32 $0x1, s19  }
0x3c1: {  	p0 =	sne.s32 s19, $0x20  }
.Ltmp10:
0x3c2: {  	_ = 	snop;
	(pc) =	sbr.rel @p0 .LBB2_2-.Ltmp10, $4  }
0x3c3: {  	s14 =	sadd.s32 $0x5A00, s28;
	[tilespmem:v4+s30+$0x0] =	vst.idx.msk $0xffff, v5  }
0x3c4: {  	[hbm4b:s14+s24] =	stream.strided.scatter [tilespmem:s31], [sflag:$0x3], $0x2800, s25, s24, $0x38;
	[tilespmem:$0x14A80] =	vst v63  }
0x3c5: {  	s29 =	sadd.s32 $0x5A80, s28  }
0x3c6: {  	[hbm4b:s29+s24] =	stream.strided.scatter [tilespmem:s30], [sflag:$0x3], $0x2800, s25, s24, $0x38;
	[tilespmem:$0x14A80] =	vst v63  }
0x3c7: {  	_ =	swait.ge [sflag:s11], $0x2800  }
0x3c8: {  	[sflag:s11] =	ssyncset.done $0x0  }
0x3c9: {  	[sflag:s11] =	ssyncadd.s32 $0xFFFFD800  }
0x3ca: {  	_ =	swait.ge [sflag:s11], $0x2800  }
0x3cb: {  	[sflag:s11] =	ssyncset.done $0x0  }
0x3cc: {  	[sflag:s11] =	ssyncadd.s32 $0xFFFFD800  }
0x3cd: {  	_ =	swait.ge [sflag:s11], $0x2800  }
0x3ce: {  	[sflag:s11] =	ssyncset.done $0x0  }
0x3cf: {  	[sflag:s11] =	ssyncadd.s32 $0xFFFFD800  }
0x3d0: {  	_ =	swait.ge [sflag:s11], $0x2800  }
0x3d1: {  	s1 =	rddreg [dreg:$0x6]  }
0x3d2: {  	s0 =	rddreg [dreg:$0x5];
	s1 =	sadd.s32 $0x1, s1  }
0x3d3: {  	p0 =	sne.s32 s1, s0  }
.Ltmp11:
0x3d4: {  	_ = 	snop;
	(pc) =	sbr.rel @p0 .LBB2_1-.Ltmp11, $3  }
0x3d5: {  	_ =	sdelay $0x1  }
0x3d6: {  	[sflag:s11] =	ssyncset.done $0x0  }
0x3d7: {  	[sflag:s11] =	ssyncadd.s32 $0xFFFFD800  }
0x3d8: {  	_ =	sfence.sel $0x180000  }
0x3d9: {  	[bflag:$0x0] =	sbarrier.arrive $0xFFFF  }
0x3da: {  	_ =	strace $0x90000047  }
0x3db: {  	s0 =	stileid.u32;
	[bflag:$0x2] =	sbarrier.arrive $0xFFFF  }
0x3dc: {  	p0 =	sne.s32 s0, $0x0;
	s0 =	rddreg [dreg:$0x2]  }
0x3dd: {  	s0 =	sadd.s32 @!p0 $0x100000, s0  }
0x3de: {  	[sflag:s0] =	ssyncadd.tile.s32 @!p0 $0x1;
	_ =	shalt  }
.Lfunc_end2:
_tile_overlayer_lowered:
.L_overlay_start_2:
0x3df: {  	(tag) =	ssettag $0x2  }
0x3e0: {  	s0 =	rddreg [dreg:$0x0];
	s2 =	stileid.u32  }
0x3e1: {  	s1 =	rddreg [dreg:$0x1];
	p0 =	sne.s32 s2, $0x0  }
0x3e2: {  	s3 =	rddreg [dreg:$0x2];
	[bflag:$0x3] =	sbarrier.arrive $0xFFFF;
	s2 =	simm.s32 @!p0 $0x1C04  }
0x3e3: {  	[timem:s3], [sflag:s2] =	dma.local @!p0 [hbm:s0], s1  }
0x3e4: {  	s0 =	simm.s32 @!p0 $0x4  }
0x3e5: {  	_ =	swait.ge @!p0 [sflag:s0], s1  }
0x3e6: {  	s1 =	ssub.s32 @!p0 $0x0, s1;
	[sflag:s0] =	ssyncset.done @!p0 $0x0  }
0x3e7: {  	[sflag:s0] =	ssyncadd.s32 @!p0 s1  }
0x3e8: {  	[bflag:$0x3] =	sbarrier.arrive $0xFFFF  }
0x3e9: {  	_ =	shalt  }

</sc_bundles>
